<compile_context>
chip_gen: v7x
topology: tpu7x:2x2x1
jax: 0.10.2.dev20260603
libtpu: 0.0.44.dev20260713+nightly
codegen_flags: <defaults>
</compile_context>

<pallas_src>
import functools

import jax
import jax.numpy as jnp
from jax import lax
from jax.experimental import pallas as pl
from jax.experimental.pallas import tpu as pltpu
from jax.experimental.pallas import tpu_sc as plsc

N = 10000
E = 320000
DIN = 128
DH = 256
H = 4
G = 64

NC = 2
NS = 16
NW = NC * NS
EP = 327680
EPW = EP // NW
CK = 128
NCH = EPW // CK
CKC = 512
NCHC = EPW // CKC
CKL = 512
NCHL = EPW // CKL
CKA = 32
NCHA = EPW // CKA
NA = N + 8
NPS = 624
TBASE = NS * NPS
ZTAIL = NA - TBASE
RTAIL = N - TBASE

BN = 400
NB = N // BN


def _sc_mesh():
  return plsc.VectorSubcoreMesh(core_axis_name="c", subcore_axis_name="s",
                                num_cores=NC, num_subcores=NS)


def _wid():
  return lax.axis_index("c") * NS + lax.axis_index("s")


def _zero_acc(zeros_hh, acc, s):
  pltpu.sync_copy(zeros_hh, acc.at[pl.ds(s * NPS, NPS)])

  @pl.when(s == 0)
  def _():
    pltpu.sync_copy(zeros_hh.at[pl.ds(0, ZTAIL)], acc.at[pl.ds(TBASE, ZTAIL)])


def _readout(acc, out_h, c, s):
  pltpu.sync_copy(acc.at[pl.ds(s * NPS, NPS)],
                  out_h.at[pl.ds(c * N + s * NPS, NPS)])

  @pl.when(s == 0)
  def _():
    pltpu.sync_copy(acc.at[pl.ds(TBASE, RTAIL)],
                    out_h.at[pl.ds(c * N + TBASE, RTAIL)])


def _sc_count(dst, ones_h, zeros_h):
  def body(dst_h, ones_hh, zeros_hh, out_h, id0, id1, ones_v, smi0, smi1, acc):
    c = lax.axis_index("c")
    s = lax.axis_index("s")
    wid = c * NS + s
    ebase = wid * EPW
    _zero_acc(zeros_hh, acc, s)
    pltpu.sync_copy(ones_hh, ones_v)
    plsc.subcore_barrier()

    def idx_start(i, idb, smi):
      pltpu.async_copy(dst_h.at[pl.ds(ebase + i * CKC, CKC)], idb, smi)

    def idx_wait(i, idb, smi):
      pltpu.make_async_copy(dst_h.at[pl.ds(ebase + i * CKC, CKC)],
                            idb, smi).wait()

    idx_start(0, id0, smi0)
    idx_start(1, id1, smi1)
    npair = NCHC // 2

    def pair(j, carry):
      i0 = 2 * j
      idx_wait(i0, id0, smi0)
      pltpu.sync_copy(ones_v, acc.at[id0], add=True)

      @pl.when(j < npair - 1)
      def _():
        idx_start(i0 + 2, id0, smi0)

      idx_wait(i0 + 1, id1, smi1)
      pltpu.sync_copy(ones_v, acc.at[id1], add=True)

      @pl.when(j < npair - 1)
      def _():
        idx_start(i0 + 3, id1, smi1)

      return carry

    lax.fori_loop(0, npair, pair, 0)
    plsc.subcore_barrier()
    _readout(acc, out_h, c, s)

  return pl.kernel(
      body,
      out_type=jax.ShapeDtypeStruct((NC * N, 16), jnp.float32),
      mesh=_sc_mesh(),
      compiler_params=pltpu.CompilerParams(use_tc_tiling_on_sc=False),
      scratch_types=[
          pltpu.VMEM((CKC,), jnp.int32),
          pltpu.VMEM((CKC,), jnp.int32),
          pltpu.VMEM((CKC, 16), jnp.float32),
          pltpu.SemaphoreType.DMA,
          pltpu.SemaphoreType.DMA,
          pltpu.VMEM_SHARED((NA, 16), jnp.float32),
      ],
  )(dst, ones_h, zeros_h)


def _sc_seg_rows(table, src, dst, zeros_h):
  def body(tab_h, src_h, dst_h, zeros_hh, out_h,
           is0, id0, r0, is1, id1, r1, smi0, smi1, smg0, smg1, acc):
    c = lax.axis_index("c")
    s = lax.axis_index("s")
    wid = c * NS + s
    ebase = wid * EPW
    _zero_acc(zeros_hh, acc, s)
    plsc.subcore_barrier()

    def idx_start(i, isb, idb, smi):
      b = ebase + i * CK
      pltpu.async_copy(src_h.at[pl.ds(b, CK)], isb, smi)
      pltpu.async_copy(dst_h.at[pl.ds(b, CK)], idb, smi)

    def idx_wait(i, isb, idb, smi):
      b = ebase + i * CK
      pltpu.make_async_copy(src_h.at[pl.ds(b, CK)], isb, smi).wait()
      pltpu.make_async_copy(dst_h.at[pl.ds(b, CK)], idb, smi).wait()

    pltpu.sync_copy(src_h.at[pl.ds(ebase, CK)], is0)
    pltpu.sync_copy(dst_h.at[pl.ds(ebase, CK)], id0)
    pltpu.async_copy(tab_h.at[is0], r0, smg0)
    idx_start(1, is1, id1, smi1)

    npair = NCH // 2

    def pair(j, carry):
      i0 = 2 * j
      idx_wait(i0 + 1, is1, id1, smi1)
      pltpu.async_copy(tab_h.at[is1], r1, smg1)
      pltpu.make_async_copy(tab_h.at[is0], r0, smg0).wait()
      pltpu.sync_copy(r0, acc.at[id0], add=True)

      @pl.when(j < npair - 1)
      def _():
        idx_start(i0 + 2, is0, id0, smi0)

      @pl.when(j < npair - 1)
      def _():
        idx_wait(i0 + 2, is0, id0, smi0)
        pltpu.async_copy(tab_h.at[is0], r0, smg0)

      pltpu.make_async_copy(tab_h.at[is1], r1, smg1).wait()
      pltpu.sync_copy(r1, acc.at[id1], add=True)

      @pl.when(j < npair - 1)
      def _():
        idx_start(i0 + 3, is1, id1, smi1)

      return carry

    lax.fori_loop(0, npair, pair, 0)
    plsc.subcore_barrier()
    _readout(acc, out_h, c, s)

  return pl.kernel(
      body,
      out_type=jax.ShapeDtypeStruct((NC * N, DIN), jnp.float32),
      mesh=_sc_mesh(),
      compiler_params=pltpu.CompilerParams(use_tc_tiling_on_sc=False),
      scratch_types=[
          pltpu.VMEM((CK,), jnp.int32),
          pltpu.VMEM((CK,), jnp.int32),
          pltpu.VMEM((CK, DIN), jnp.float32),
          pltpu.VMEM((CK,), jnp.int32),
          pltpu.VMEM((CK,), jnp.int32),
          pltpu.VMEM((CK, DIN), jnp.float32),
          pltpu.SemaphoreType.DMA,
          pltpu.SemaphoreType.DMA,
          pltpu.SemaphoreType.DMA,
          pltpu.SemaphoreType.DMA,
          pltpu.VMEM_SHARED((NA, DIN), jnp.float32),
      ],
  )(table, src, dst, zeros_h)


def _sc_seg_rows_b(table, src, dst, zeros_h):
  def body(tab_h, src_h, dst_h, zeros_hh, out_h,
           is0, id0, r0, is1, id1, r1, smi0, smi1, smg0, smg1, acc):
    c = lax.axis_index("c")
    s = lax.axis_index("s")
    wid = c * NS + s
    ebase = wid * EPW
    _zero_acc(zeros_hh, acc, s)
    plsc.subcore_barrier()

    def idx_start(i, isb, idb, smi):
      b = ebase + i * CK
      pltpu.async_copy(src_h.at[pl.ds(b, CK)], isb, smi)
      pltpu.async_copy(dst_h.at[pl.ds(b, CK)], idb, smi)

    def idx_wait(i, isb, idb, smi):
      b = ebase + i * CK
      pltpu.make_async_copy(src_h.at[pl.ds(b, CK)], isb, smi).wait()
      pltpu.make_async_copy(dst_h.at[pl.ds(b, CK)], idb, smi).wait()

    pltpu.sync_copy(src_h.at[pl.ds(ebase, CK)], is0)
    pltpu.sync_copy(dst_h.at[pl.ds(ebase, CK)], id0)
    pltpu.async_copy(tab_h.at[is0], r0, smg0)
    idx_start(1, is1, id1, smi1)

    npair = NCH // 2

    def pair(j, carry):
      i0 = 2 * j
      idx_wait(i0 + 1, is1, id1, smi1)
      pltpu.async_copy(tab_h.at[is1], r1, smg1)
      pltpu.make_async_copy(tab_h.at[is0], r0, smg0).wait()
      pltpu.sync_copy(r0, acc.at[id0], add=True)

      @pl.when(j < npair - 1)
      def _():
        idx_start(i0 + 2, is0, id0, smi0)

      @pl.when(j < npair - 1)
      def _():
        idx_wait(i0 + 2, is0, id0, smi0)
        pltpu.async_copy(tab_h.at[is0], r0, smg0)

      pltpu.make_async_copy(tab_h.at[is1], r1, smg1).wait()
      pltpu.sync_copy(r1, acc.at[id1], add=True)

      @pl.when(j < npair - 1)
      def _():
        idx_start(i0 + 3, is1, id1, smi1)

      return carry

    lax.fori_loop(0, npair, pair, 0)
    plsc.subcore_barrier()
    _readout(acc, out_h, c, s)

  return pl.kernel(
      body,
      out_type=jax.ShapeDtypeStruct((NC * N, 2 * DIN), jnp.bfloat16),
      mesh=_sc_mesh(),
      compiler_params=pltpu.CompilerParams(use_tc_tiling_on_sc=False),
      scratch_types=[
          pltpu.VMEM((CK,), jnp.int32),
          pltpu.VMEM((CK,), jnp.int32),
          pltpu.VMEM((CK, 2 * DIN), jnp.bfloat16),
          pltpu.VMEM((CK,), jnp.int32),
          pltpu.VMEM((CK,), jnp.int32),
          pltpu.VMEM((CK, 2 * DIN), jnp.bfloat16),
          pltpu.SemaphoreType.DMA,
          pltpu.SemaphoreType.DMA,
          pltpu.SemaphoreType.DMA,
          pltpu.SemaphoreType.DMA,
          pltpu.VMEM_SHARED((NA, 2 * DIN), jnp.bfloat16),
      ],
  )(table, src, dst, zeros_h)


def _sc_gat_logits(als8, ald8, cvec, src, dst, zeros_h):
  def body(als_h, ald_h, c_h, src_h, dst_h, zeros_hh,
           ex_h, out_h, idx_s, idx_d, asv, adv, exb, cv, acc):
    c = lax.axis_index("c")
    s = lax.axis_index("s")
    wid = c * NS + s
    _zero_acc(zeros_hh, acc, s)
    pltpu.sync_copy(c_h, cv)
    plsc.subcore_barrier()

    def chunk(i, carry):
      base = wid * EPW + i * CKL
      pltpu.sync_copy(src_h.at[pl.ds(base, CKL)], idx_s)
      pltpu.sync_copy(dst_h.at[pl.ds(base, CKL)], idx_d)
      pltpu.sync_copy(als_h.at[idx_s], asv)
      pltpu.sync_copy(ald_h.at[idx_d], adv)
      cvv = cv[...]

      def epair(p, carry2):
        j0 = 2 * p
        j1 = 2 * p + 1
        t0 = asv[j0, :] + adv[j0, :]
        t1 = asv[j1, :] + adv[j1, :]
        t0 = jnp.maximum(t0, 0.2 * t0) - cvv
        t1 = jnp.maximum(t1, 0.2 * t1) - cvv
        exb[j0, :] = jnp.exp(t0)
        exb[j1, :] = jnp.exp(t1)
        return carry2

      lax.fori_loop(0, CKL // 2, epair, 0)
      pltpu.sync_copy(exb, ex_h.at[pl.ds(base, CKL)])
      pltpu.sync_copy(exb, acc.at[idx_d], add=True)
      return carry

    lax.fori_loop(0, NCHL, chunk, 0)
    plsc.subcore_barrier()
    _readout(acc, out_h, c, s)

  return pl.kernel(
      body,
      out_type=[
          jax.ShapeDtypeStruct((EP, 16), jnp.float32),
          jax.ShapeDtypeStruct((NC * N, 16), jnp.float32),
      ],
      mesh=_sc_mesh(),
      compiler_params=pltpu.CompilerParams(use_tc_tiling_on_sc=False),
      scratch_types=[
          pltpu.VMEM((CKL,), jnp.int32),
          pltpu.VMEM((CKL,), jnp.int32),
          pltpu.VMEM((CKL, 16), jnp.float32),
          pltpu.VMEM((CKL, 16), jnp.float32),
          pltpu.VMEM((CKL, 16), jnp.float32),
          pltpu.VMEM((16,), jnp.float32),
          pltpu.VMEM_SHARED((NA, 16), jnp.float32),
      ],
  )(als8, ald8, cvec, src, dst, zeros_h)


def _sc_gat_agg(hh8, exw, r8, src, dst, zeros_h):
  def body(hh_h, ex_h, r_h, src_h, dst_h, zeros_hh, out_h,
           is0, id0, r0, e0, v0, is1, id1, r1, e1, v1,
           smi0, smi1, smg0, smg1, y, acc):
    c = lax.axis_index("c")
    s = lax.axis_index("s")
    wid = c * NS + s
    ebase = wid * EPW
    _zero_acc(zeros_hh, acc, s)
    plsc.subcore_barrier()

    def idx_start(i, isb, idb, smi):
      b = ebase + i * CKA
      pltpu.async_copy(src_h.at[pl.ds(b, CKA)], isb, smi)
      pltpu.async_copy(dst_h.at[pl.ds(b, CKA)], idb, smi)

    def idx_wait(i, isb, idb, smi):
      b = ebase + i * CKA
      pltpu.make_async_copy(src_h.at[pl.ds(b, CKA)], isb, smi).wait()
      pltpu.make_async_copy(dst_h.at[pl.ds(b, CKA)], idb, smi).wait()

    def fetch_start(i, isb, idb, rb, eb, vb, smg):
      b = ebase + i * CKA
      pltpu.async_copy(hh_h.at[isb], rb, smg)
      pltpu.async_copy(ex_h.at[pl.ds(b, CKA)], eb, smg)
      pltpu.async_copy(r_h.at[idb], vb, smg)

    def fetch_wait(i, isb, idb, rb, eb, vb, smg):
      b = ebase + i * CKA
      pltpu.make_async_copy(hh_h.at[isb], rb, smg).wait()
      pltpu.make_async_copy(ex_h.at[pl.ds(b, CKA)], eb, smg).wait()
      pltpu.make_async_copy(r_h.at[idb], vb, smg).wait()

    def compute_scatter(rb, eb, vb, idb):
      def epair(p, carry2):
        j0 = 2 * p
        j1 = 2 * p + 1
        aa = eb[j0, :] * vb[j0, :]
        ab = eb[j1, :] * vb[j1, :]

        def splat(av, h):
          return jnp.full((16,), av[h], jnp.float32).astype(jnp.bfloat16)

        w = [splat(aa, h) for h in range(4)] + [splat(ab, h) for h in range(4)]
        for cb in range(16):
          va = (w[0] * rb[j0, pl.ds(cb * 16, 16)]
                + w[1] * rb[j0, pl.ds(256 + cb * 16, 16)]
                + w[2] * rb[j0, pl.ds(512 + cb * 16, 16)]
                + w[3] * rb[j0, pl.ds(768 + cb * 16, 16)])
          vb2 = (w[4] * rb[j1, pl.ds(cb * 16, 16)]
                 + w[5] * rb[j1, pl.ds(256 + cb * 16, 16)]
                 + w[6] * rb[j1, pl.ds(512 + cb * 16, 16)]
                 + w[7] * rb[j1, pl.ds(768 + cb * 16, 16)])
          y[j0, pl.ds(cb * 16, 16)] = va
          y[j1, pl.ds(cb * 16, 16)] = vb2
        return carry2

      lax.fori_loop(0, CKA // 2, epair, 0)
      pltpu.sync_copy(y, acc.at[idb], add=True)

    pltpu.sync_copy(src_h.at[pl.ds(ebase, CKA)], is0)
    pltpu.sync_copy(dst_h.at[pl.ds(ebase, CKA)], id0)
    fetch_start(0, is0, id0, r0, e0, v0, smg0)
    idx_start(1, is1, id1, smi1)

    npair = NCHA // 2

    def pair(j, carry):
      i0 = 2 * j
      idx_wait(i0 + 1, is1, id1, smi1)
      fetch_start(i0 + 1, is1, id1, r1, e1, v1, smg1)
      fetch_wait(i0, is0, id0, r0, e0, v0, smg0)
      compute_scatter(r0, e0, v0, id0)

      @pl.when(j < npair - 1)
      def _():
        idx_start(i0 + 2, is0, id0, smi0)
        idx_wait(i0 + 2, is0, id0, smi0)
        fetch_start(i0 + 2, is0, id0, r0, e0, v0, smg0)

      fetch_wait(i0 + 1, is1, id1, r1, e1, v1, smg1)
      compute_scatter(r1, e1, v1, id1)

      @pl.when(j < npair - 1)
      def _():
        idx_start(i0 + 3, is1, id1, smi1)

      return carry

    lax.fori_loop(0, npair, pair, 0)
    plsc.subcore_barrier()
    _readout(acc, out_h, c, s)

  bufset = [
      pltpu.VMEM((CKA,), jnp.int32),
      pltpu.VMEM((CKA,), jnp.int32),
      pltpu.VMEM((CKA, 8 * DIN), jnp.bfloat16),
      pltpu.VMEM((CKA, 16), jnp.float32),
      pltpu.VMEM((CKA, 16), jnp.float32),
  ]
  return pl.kernel(
      body,
      out_type=jax.ShapeDtypeStruct((NC * N, 2 * DIN), jnp.bfloat16),
      mesh=_sc_mesh(),
      compiler_params=pltpu.CompilerParams(use_tc_tiling_on_sc=False),
      scratch_types=bufset + bufset + [
          pltpu.SemaphoreType.DMA,
          pltpu.SemaphoreType.DMA,
          pltpu.SemaphoreType.DMA,
          pltpu.SemaphoreType.DMA,
          pltpu.VMEM((CKA, 2 * DIN), jnp.bfloat16),
          pltpu.VMEM_SHARED((NA, 2 * DIN), jnp.bfloat16),
      ],
  )(hh8, exw, r8, src, dst, zeros_h)


def _relu(v):
  return jnp.maximum(v, 0.0)


def _k1(degp0, degp1, x):
  def body(d0, d1, xr, xp, dv):
    deg = d0[:, :1] + d1[:, :1] + 1.0
    dinv = lax.rsqrt(deg)
    dvb = jnp.broadcast_to(dinv, (BN, DIN))
    dv[...] = dvb
    xp[...] = xr[...] * dvb

  bs16 = pl.BlockSpec((BN, 16), lambda i: (i, 0))
  bs128 = pl.BlockSpec((BN, DIN), lambda i: (i, 0))
  return pl.pallas_call(
      body,
      grid=(NB,),
      in_specs=[bs16, bs16, bs128],
      out_specs=[bs128, bs128],
      out_shape=[
          jax.ShapeDtypeStruct((N, DIN), jnp.float32),
          jax.ShapeDtypeStruct((N, DIN), jnp.float32),
      ],
  )(degp0, degp1, x)


def _k2(a0, a1, xp, dv, W1, b1):
  def body(a0r, a1r, xpr, dvr, w, b, lo, hi, h1pb):
    pre = dvr[...] * (a0r[...] + a1r[...] + xpr[...])
    h = _relu(jnp.dot(pre, w[...], preferred_element_type=jnp.float32) + b[...])
    h1p = h * dvr[:, :1]
    lo[...] = h1p[:, :DIN]
    hi[...] = h1p[:, DIN:]
    h1pb[...] = h1p.astype(jnp.bfloat16)

  bs128 = pl.BlockSpec((BN, DIN), lambda i: (i, 0))
  return pl.pallas_call(
      body,
      grid=(NB,),
      in_specs=[bs128, bs128, bs128, bs128,
                pl.BlockSpec((DIN, DH), lambda i: (0, 0)),
                pl.BlockSpec((1, DH), lambda i: (0, 0))],
      out_specs=[bs128, bs128, pl.BlockSpec((BN, DH), lambda i: (i, 0))],
      out_shape=[
          jax.ShapeDtypeStruct((N, DIN), jnp.float32),
          jax.ShapeDtypeStruct((N, DIN), jnp.float32),
          jax.ShapeDtypeStruct((N, DH), jnp.bfloat16),
      ],
  )(a0, a1, xp, dv, W1, b1)


def _k3(ag0f, ag1f, lo, hi, dv, W2, b2, W3, As, Ad):
  def body(ag0, ag1, lor, hir, dvr, w2, b2r, w3, asr, adr,
           hh8lo, hh8hi, hhb, als, ald):
    h1p = jnp.concatenate([lor[...], hir[...]], axis=1)
    agg = ag0[...].astype(jnp.float32) + ag1[...].astype(jnp.float32)
    pre = dvr[:, :1] * (agg + h1p)
    h2 = _relu(jnp.dot(pre, w2[...], preferred_element_type=jnp.float32)
               + b2r[...])
    hh = jnp.dot(h2, w3[...], preferred_element_type=jnp.float32)
    als[...] = jnp.dot(hh, asr[...], preferred_element_type=jnp.float32)
    ald[...] = jnp.dot(hh, adr[...], preferred_element_type=jnp.float32)
    hh8lo[...] = jnp.concatenate(
        [hh[:, 0:128], hh[:, 256:384], hh[:, 512:640], hh[:, 768:896]], axis=1)
    hh8hi[...] = jnp.concatenate(
        [hh[:, 128:256], hh[:, 384:512], hh[:, 640:768], hh[:, 896:1024]],
        axis=1)
    hhb[...] = hh.astype(jnp.bfloat16)

  bs128 = pl.BlockSpec((BN, DIN), lambda i: (i, 0))
  bs256b = pl.BlockSpec((BN, 2 * DIN), lambda i: (i, 0))
  bs512 = pl.BlockSpec((BN, 4 * DIN), lambda i: (i, 0))
  bs1024 = pl.BlockSpec((BN, 8 * DIN), lambda i: (i, 0))
  bs16 = pl.BlockSpec((BN, 16), lambda i: (i, 0))
  return pl.pallas_call(
      body,
      grid=(NB,),
      in_specs=[bs256b, bs256b, bs128, bs128, bs128,
                pl.BlockSpec((DH, DH), lambda i: (0, 0)),
                pl.BlockSpec((1, DH), lambda i: (0, 0)),
                pl.BlockSpec((DH, H * DH), lambda i: (0, 0)),
                pl.BlockSpec((H * DH, 16), lambda i: (0, 0)),
                pl.BlockSpec((H * DH, 16), lambda i: (0, 0))],
      out_specs=[bs512, bs512, bs1024, bs16, bs16],
      out_shape=[
          jax.ShapeDtypeStruct((N, 4 * DIN), jnp.float32),
          jax.ShapeDtypeStruct((N, 4 * DIN), jnp.float32),
          jax.ShapeDtypeStruct((N, 8 * DIN), jnp.bfloat16),
          jax.ShapeDtypeStruct((N, 16), jnp.float32),
          jax.ShapeDtypeStruct((N, 16), jnp.float32),
      ],
  )(ag0f, ag1f, lo, hi, dv, W2, b2, W3, As, Ad)


def _k3b(als, ald):
  def body(alsr, aldr, ms, md, cout):
    i = pl.program_id(0)

    @pl.when(i == 0)
    def _():
      ms[...] = jnp.full((1, 16), -1e30, jnp.float32)
      md[...] = jnp.full((1, 16), -1e30, jnp.float32)

    ms[...] = jnp.maximum(ms[...], jnp.max(alsr[...], axis=0, keepdims=True))
    md[...] = jnp.maximum(md[...], jnp.max(aldr[...], axis=0, keepdims=True))

    @pl.when(i == NB - 1)
    def _():
      a = ms[...]
      b = md[...]
      cout[...] = jnp.maximum(a, 0.2 * a) + jnp.maximum(b, 0.2 * b)

  bs16 = pl.BlockSpec((BN, 16), lambda i: (i, 0))
  os = pl.BlockSpec((1, 16), lambda i: (0, 0))
  return pl.pallas_call(
      body,
      grid=(NB,),
      in_specs=[bs16, bs16],
      out_specs=[os, os, os],
      out_shape=[jax.ShapeDtypeStruct((1, 16), jnp.float32)] * 3,
  )(als, ald)


def _k4(s0, s1, als, ald, C):
  def body(s0r, s1r, alsr, aldr, cr, r8, ws8):
    t = alsr[...] + aldr[...]
    t = jnp.maximum(t, 0.2 * t) - cr[...]
    exs = jnp.exp(t)
    stot = s0r[...] + s1r[...] + exs
    lane = lax.broadcasted_iota(jnp.int32, (BN, 16), 1)
    r = jnp.where(lane < H, 1.0 / (stot + 1e-16), 0.0)
    r8[...] = r
    ws8[...] = exs * r

  bs16 = pl.BlockSpec((BN, 16), lambda i: (i, 0))
  return pl.pallas_call(
      body,
      grid=(NB,),
      in_specs=[bs16, bs16, bs16, bs16,
                pl.BlockSpec((1, 16), lambda i: (0, 0))],
      out_specs=[bs16, bs16],
      out_shape=[jax.ShapeDtypeStruct((N, 16), jnp.float32)] * 2,
  )(s0, s1, als, ald, C)


def _k5(ag0, ag1, hlo, hhi, r8, ws8, b3f, batchT):
  def body(a0r, a1r, hlor, hhir, r8r, ws8r, b3r, btr, pool, cnt):
    i = pl.program_id(0)
    agg = a0r[...].astype(jnp.float32) + a1r[...].astype(jnp.float32)
    ws = ws8r[...]
    hlo_v = hlor[...]
    hhi_v = hhir[...]
    self_lo = ws[:, 0:1] * hlo_v[:, 0:128]
    self_hi = ws[:, 0:1] * hhi_v[:, 0:128]
    for h in range(1, H):
      self_lo = self_lo + ws[:, h:h + 1] * hlo_v[:, h * 128:(h + 1) * 128]
      self_hi = self_hi + ws[:, h:h + 1] * hhi_v[:, h * 128:(h + 1) * 128]
    m = 0.25 * (agg + jnp.concatenate([self_lo, self_hi], axis=1))
    h3 = _relu(m + b3r[...])
    mask = (lax.broadcasted_iota(jnp.int32, (BN, G), 1) == btr[...])
    mf = jnp.where(mask, 1.0, 0.0)

    @pl.when(i == 0)
    def _():
      pool[...] = jnp.zeros((G, DH), jnp.float32)
      cnt[...] = jnp.zeros((G, 8), jnp.float32)

    dn = (((0,), (0,)), ((), ()))
    pool[...] += lax.dot_general(mf, h3, dn,
                                 preferred_element_type=jnp.float32)
    cnt[...] += lax.dot_general(mf, jnp.ones((BN, 8), jnp.float32), dn,
                                preferred_element_type=jnp.float32)

  bs256b = pl.BlockSpec((BN, 2 * DIN), lambda i: (i, 0))
  bs512 = pl.BlockSpec((BN, 4 * DIN), lambda i: (i, 0))
  bs16 = pl.BlockSpec((BN, 16), lambda i: (i, 0))
  return pl.pallas_call(
      body,
      grid=(NB,),
      in_specs=[bs256b, bs256b, bs512, bs512, bs16, bs16,
                pl.BlockSpec((1, DH), lambda i: (0, 0)),
                pl.BlockSpec((BN, 1), lambda i: (i, 0))],
      out_specs=[pl.BlockSpec((G, DH), lambda i: (0, 0)),
                 pl.BlockSpec((G, 8), lambda i: (0, 0))],
      out_shape=[
          jax.ShapeDtypeStruct((G, DH), jnp.float32),
          jax.ShapeDtypeStruct((G, 8), jnp.float32),
      ],
  )(ag0, ag1, hlo, hhi, r8, ws8, b3f, batchT)


def _k6(pool, cnt, W4, b4):
  def body(poolr, cntr, w4, b4r, out):
    gr = poolr[...] / jnp.maximum(cntr[:, :1], 1.0)
    out[...] = jnp.dot(gr, w4[...], preferred_element_type=jnp.float32) + b4r[...]

  return pl.pallas_call(
      body,
      in_specs=[pl.BlockSpec((G, DH), lambda: (0, 0)),
                pl.BlockSpec((G, 8), lambda: (0, 0)),
                pl.BlockSpec((DH, 4), lambda: (0, 0)),
                pl.BlockSpec((1, 4), lambda: (0, 0))],
      out_specs=pl.BlockSpec((G, 4), lambda: (0, 0)),
      out_shape=jax.ShapeDtypeStruct((G, 4), jnp.float32),
  )(pool, cnt, W4, b4)


def kernel(x, edge_index, batch, W1, b1, W2, b2, W3, a_src, a_dst, b3,
           We, be, Wm, bm, Wb, bb, Wp, bp):
  npad = EP - E
  src = jnp.concatenate([edge_index[0], jnp.zeros((npad,), jnp.int32)])
  dst = jnp.concatenate([edge_index[1], jnp.full((npad,), N, jnp.int32)])

  zeros16 = jnp.zeros((NPS, 16), jnp.float32)
  zeros128 = jnp.zeros((NPS, DIN), jnp.float32)
  ones_ck = jnp.ones((CKC, 16), jnp.float32)

  As = jnp.zeros((H * DH, 16), jnp.float32)
  Ad = jnp.zeros((H * DH, 16), jnp.float32)
  for h in range(H):
    As = As.at[h * DH:(h + 1) * DH, h].set(a_src[h])
    Ad = Ad.at[h * DH:(h + 1) * DH, h].set(a_dst[h])

  W4 = jnp.concatenate([We, Wm, Wb, Wp], axis=1)
  b4 = jnp.concatenate([be, bm, bb, bp]).reshape(1, 4)

  degp = _sc_count(dst, ones_ck, zeros16)
  xp, dv = _k1(degp[:N], degp[N:], x)
  a1p = _sc_seg_rows(xp, src, dst, zeros128)
  h1plo, h1phi, h1pb = _k2(a1p[:N], a1p[N:], xp, dv, W1, b1.reshape(1, DH))

  zeros256b = jnp.zeros((NPS, 2 * DIN), jnp.bfloat16)
  a2 = _sc_seg_rows_b(h1pb, src, dst, zeros256b)
  hh8lo, hh8hi, hhb, als, ald = _k3(
      a2[:N], a2[N:], h1plo, h1phi, dv, W2, b2.reshape(1, DH), W3, As, Ad)

  _, _, C = _k3b(als, ald)
  pad8 = jnp.zeros((NA - N, 16), jnp.float32)
  ex, sp = _sc_gat_logits(jnp.concatenate([als, pad8]),
                          jnp.concatenate([ald, pad8]),
                          C.reshape(16), src, dst, zeros16)
  r8, ws8 = _k4(sp[:N], sp[N:], als, ald, C)
  r8p = jnp.concatenate([r8, pad8])
  a3 = _sc_gat_agg(hhb, ex, r8p, src, dst, zeros256b)

  pool, cnt = _k5(a3[:N], a3[N:], hh8lo, hh8hi,
                  r8, ws8, b3.reshape(1, DH), batch.reshape(N, 1))
  return _k6(pool, cnt, W4, b4)

# --- scband reference (transcript-rebuilt; emitter-appended) ---
"""Pipeline reference for scband-ballisic-protection-gnn-89575837925845 (READ-ONLY COPY).

The authoritative reference and input builder live on the scoring server;
editing this copy changes nothing except your own understanding.
"""

import jax, jax.numpy as jnp
import numpy as np

N = 10000
E = 320000
DIN = 128
DH = 256
H = 4
G = 64


def setup_inputs(seed: int = 0) -> dict:
    key = jax.random.key(seed)
    ks = jax.random.split(key, 14)
    x = jax.random.normal(ks[0], (N, DIN), dtype=jnp.float32)
    edge_index = jax.random.randint(ks[1], (2, E), 0, N, dtype=jnp.int32)
    batch = jnp.sort(jax.random.randint(ks[2], (N,), 0, G, dtype=jnp.int32))

    def lin(k, fi, fo):
        return (jax.random.normal(k, (fi, fo), dtype=jnp.float32) * (1.0 / np.sqrt(fi)))

    W1 = lin(ks[3], DIN, DH); b1 = jnp.zeros((DH,), jnp.float32)
    W2 = lin(ks[4], DH, DH); b2 = jnp.zeros((DH,), jnp.float32)
    W3 = lin(ks[5], DH, H * DH); b3 = jnp.zeros((DH,), jnp.float32)
    a_src = jax.random.normal(ks[6], (H, DH), dtype=jnp.float32) * 0.1
    a_dst = jax.random.normal(ks[7], (H, DH), dtype=jnp.float32) * 0.1
    We = lin(ks[8], DH, 1); be = jnp.zeros((1,), jnp.float32)
    Wm = lin(ks[9], DH, 1); bm = jnp.zeros((1,), jnp.float32)
    Wb = lin(ks[10], DH, 1); bb = jnp.zeros((1,), jnp.float32)
    Wp = lin(ks[11], DH, 1); bp = jnp.zeros((1,), jnp.float32)
    return {"x": x, "edge_index": edge_index, "batch": batch,
            "W1": W1, "b1": b1, "W2": W2, "b2": b2,
            "W3": W3, "a_src": a_src, "a_dst": a_dst, "b3": b3,
            "We": We, "be": be, "Wm": Wm, "bm": bm,
            "Wb": Wb, "bb": bb, "Wp": Wp, "bp": bp}


def _add_self_loops(edge_index, n):
    loop = jnp.arange(n, dtype=edge_index.dtype)
    src = jnp.concatenate([edge_index[0], loop])
    dst = jnp.concatenate([edge_index[1], loop])
    return src, dst


def _gcn(x, src, dst, W, b, n):
    # GCNConv: add self-loops, symmetric deg^{-1/2} A deg^{-1/2} normalization
    deg = jax.ops.segment_sum(jnp.ones_like(dst, dtype=x.dtype), dst, num_segments=n)
    dinv = jnp.where(deg > 0, 1.0 / jnp.sqrt(deg), 0.0)
    norm = dinv[src] * dinv[dst]
    h = x @ W
    out = jax.ops.segment_sum(h[src] * norm[:, None], dst, num_segments=n)
    return out + b


def _gat(x, src, dst, W, a_s, a_d, b, n):
    # GATConv heads=4, concat=False (mean over heads)
    h = (x @ W).reshape(n, H, DH)
    al_s = jnp.sum(h * a_s, axis=-1)  # [N, H]
    al_d = jnp.sum(h * a_d, axis=-1)
    e = jax.nn.leaky_relu(al_s[src] + al_d[dst], negative_slope=0.2)  # [E', H]
    m = jax.ops.segment_max(e, dst, num_segments=n)
    ex = jnp.exp(e - m[dst])
    s = jax.ops.segment_sum(ex, dst, num_segments=n)
    alpha = ex / (s[dst] + 1e-16)
    out = jax.ops.segment_sum(h[src] * alpha[:, :, None], dst, num_segments=n)
    return jnp.mean(out, axis=1) + b


def reference(x, edge_index, batch, W1, b1, W2, b2, W3, a_src, a_dst, b3,
              We, be, Wm, bm, Wb, bb, Wp, bp):
    src, dst = _add_self_loops(edge_index, N)
    h1 = jax.nn.relu(_gcn(x, src, dst, W1, b1, N))
    h2 = jax.nn.relu(_gcn(h1, src, dst, W2, b2, N))
    h3 = jax.nn.relu(_gat(h2, src, dst, W3, a_src, a_dst, b3, N))
    # global mean pool over batch assignment
    cnt = jax.ops.segment_sum(jnp.ones((N,), dtype=h3.dtype), batch, num_segments=G)
    summ = jax.ops.segment_sum(h3, batch, num_segments=G)
    gr = summ / jnp.maximum(cnt, 1.0)[:, None]
    ea = gr @ We + be
    em = gr @ Wm + bm
    bl = gr @ Wb + bb
    pr = gr @ Wp + bp
    # dict outputs concatenated into a single [G, 4] array
    return jnp.concatenate([ea, em, bl, pr], axis=1)

if __name__ == "__main__":
    import jax
    _d = setup_inputs()
    print(jax.jit(kernel)(*tuple(_d.values())))

</pallas_src>

<mosaic_0001>
#map = affine_map<(d0, d1) -> (0)>
#map1 = affine_map<(d0, d1) -> (0, 0)>
module attributes {stable_mosaic.version = 14 : i64} {
  func.func @body(%arg0: i32, %arg1: i32, %arg2: memref<327680xi32, #tpu.memory_space<hbm>>, %arg3: memref<512x16xf32, #tpu.memory_space<hbm>>, %arg4: memref<624x16xf32, #tpu.memory_space<hbm>>, %arg5: memref<20000x16xf32, #tpu.memory_space<hbm>>, %arg6: memref<512xi32, #tpu.memory_space<vmem>>, %arg7: memref<512xi32, #tpu.memory_space<vmem>>, %arg8: memref<512x16xf32, #tpu.memory_space<vmem>>, %arg9: memref<!tpu.dma_semaphore, #tpu.memory_space<semaphore_mem>>, %arg10: memref<!tpu.dma_semaphore, #tpu.memory_space<semaphore_mem>>, %arg11: memref<10008x16xf32, #tpu.memory_space<vmem_shared>>) attributes {dimension_semantics = [#tpu.dimension_semantics<core_parallel>, #tpu.dimension_semantics<subcore_parallel>], iteration_bounds = array<i64: 2, 16>, scalar_prefetch = 0 : i64, scratch_operands = 6 : i64, tpu.core_type = #tpu.core_type<sc_vector_subcore>, window_params = [{transform_indices = #map}, {transform_indices = #map1}, {transform_indices = #map1}, {transform_indices = #map1}]} {
    %mul3A = arith.constant 16 : i32
    %mul3A_0 = arith.muli %arg0, %mul3A : i32
    %add3A = arith.addi %mul3A_0, %arg1 : i32
    %mul3A_1 = arith.constant 10240 : i32
    %mul3A_2 = arith.muli %add3A, %mul3A_1 : i32
    %mul3A_3 = arith.constant 624 : i32
    %mul3A_4 = arith.muli %arg1, %mul3A_3 : i32
    "tpu.region"() ({
      %run_scoped3A = tpu.sem_alloc : memref<!tpu.dma_semaphore, #tpu.memory_space<semaphore_mem>>
      %dma_start3A_32 = arith.constant 0 : i32
      %dma_start3A_33 = tpu.memref_slice %arg11[%mul3A_4, %dma_start3A_32] : memref<10008x16xf32, #tpu.memory_space<vmem_shared>> -> memref<624x16xf32, #tpu.memory_space<vmem_shared>>
      tpu.enqueue_dma source(%arg4 : memref<624x16xf32, #tpu.memory_space<hbm>>) target(%dma_start3A_33 : memref<624x16xf32, #tpu.memory_space<vmem_shared>>) target_semaphore(%run_scoped3A : memref<!tpu.dma_semaphore, #tpu.memory_space<semaphore_mem>>)
      %dma_wait3A = arith.constant 0 : i32
      %dma_wait3A_34 = tpu.memref_slice %arg11[%mul3A_4, %dma_wait3A] : memref<10008x16xf32, #tpu.memory_space<vmem_shared>> -> memref<624x16xf32, #tpu.memory_space<vmem_shared>>
      tpu.wait_dma2 semaphore(%run_scoped3A : memref<!tpu.dma_semaphore, #tpu.memory_space<semaphore_mem>>) src(%arg4 : memref<624x16xf32, #tpu.memory_space<hbm>>) dst(%dma_wait3A_34 : memref<624x16xf32, #tpu.memory_space<vmem_shared>>)
      tpu.yield
    }) : () -> ()
    %eq3A = arith.constant 0 : i32
    %eq3A_5 = arith.cmpi eq, %arg1, %eq3A : i32
    %convert_element_type3A = arith.extui %eq3A_5 : i1 to i32
    %cond3A = arith.constant 0 : i32
    %cond3A_6 = arith.cmpi ne, %convert_element_type3A, %cond3A : i32
    scf.if %cond3A_6 {
      "tpu.region"() ({
        %run_scoped3A = tpu.sem_alloc : memref<!tpu.dma_semaphore, #tpu.memory_space<semaphore_mem>>
        %dma_start3A_32 = arith.constant 9984 : i32
        %dma_start3A_33 = arith.constant 0 : i32
        %dma_start3A_34 = tpu.memref_slice %arg11[%dma_start3A_32, %dma_start3A_33] : memref<10008x16xf32, #tpu.memory_space<vmem_shared>> -> memref<24x16xf32, #tpu.memory_space<vmem_shared>>
        %dma_start3A_35 = arith.constant 0 : i32
        %dma_start3A_36 = arith.constant 0 : i32
        %dma_start3A_37 = tpu.memref_slice %arg4[%dma_start3A_35, %dma_start3A_36] : memref<624x16xf32, #tpu.memory_space<hbm>> -> memref<24x16xf32, #tpu.memory_space<hbm>>
        tpu.enqueue_dma source(%dma_start3A_37 : memref<24x16xf32, #tpu.memory_space<hbm>>) target(%dma_start3A_34 : memref<24x16xf32, #tpu.memory_space<vmem_shared>>) target_semaphore(%run_scoped3A : memref<!tpu.dma_semaphore, #tpu.memory_space<semaphore_mem>>)
        %dma_wait3A = arith.constant 9984 : i32
        %dma_wait3A_38 = arith.constant 0 : i32
        %dma_wait3A_39 = tpu.memref_slice %arg11[%dma_wait3A, %dma_wait3A_38] : memref<10008x16xf32, #tpu.memory_space<vmem_shared>> -> memref<24x16xf32, #tpu.memory_space<vmem_shared>>
        %dma_wait3A_40 = arith.constant 0 : i32
        %dma_wait3A_41 = arith.constant 0 : i32
        %dma_wait3A_42 = tpu.memref_slice %arg4[%dma_wait3A_40, %dma_wait3A_41] : memref<624x16xf32, #tpu.memory_space<hbm>> -> memref<24x16xf32, #tpu.memory_space<hbm>>
        tpu.wait_dma2 semaphore(%run_scoped3A : memref<!tpu.dma_semaphore, #tpu.memory_space<semaphore_mem>>) src(%dma_wait3A_42 : memref<24x16xf32, #tpu.memory_space<hbm>>) dst(%dma_wait3A_39 : memref<24x16xf32, #tpu.memory_space<vmem_shared>>)
        tpu.yield
      }) : () -> ()
    } else {
    }
    "tpu.region"() ({
      %run_scoped3A = tpu.sem_alloc : memref<!tpu.dma_semaphore, #tpu.memory_space<semaphore_mem>>
      tpu.enqueue_dma source(%arg3 : memref<512x16xf32, #tpu.memory_space<hbm>>) target(%arg8 : memref<512x16xf32, #tpu.memory_space<vmem>>) target_semaphore(%run_scoped3A : memref<!tpu.dma_semaphore, #tpu.memory_space<semaphore_mem>>)
      tpu.wait_dma2 semaphore(%run_scoped3A : memref<!tpu.dma_semaphore, #tpu.memory_space<semaphore_mem>>) src(%arg3 : memref<512x16xf32, #tpu.memory_space<hbm>>) dst(%arg8 : memref<512x16xf32, #tpu.memory_space<vmem>>)
      tpu.yield
    }) : () -> ()
    %barrier3A = arith.constant 0 : index
    tpu.barrier barrier_id(%barrier3A)
    %add3A_7 = arith.constant 0 : i32
    %add3A_8 = arith.addi %mul3A_2, %add3A_7 : i32
    %dma_start3A = tpu.memref_slice %arg2[%add3A_8] : memref<327680xi32, #tpu.memory_space<hbm>> -> memref<512xi32, #tpu.memory_space<hbm>>
    %dma_start3A_9 = tpu.memref_slice %arg2[%add3A_8] : memref<327680xi32, #tpu.memory_space<hbm>> -> memref<512xi32, #tpu.memory_space<hbm>>
    tpu.enqueue_dma source(%dma_start3A_9 : memref<512xi32, #tpu.memory_space<hbm>>) target(%arg6 : memref<512xi32, #tpu.memory_space<vmem>>) target_semaphore(%arg9 : memref<!tpu.dma_semaphore, #tpu.memory_space<semaphore_mem>>)
    %add3A_10 = arith.constant 512 : i32
    %add3A_11 = arith.addi %mul3A_2, %add3A_10 : i32
    %dma_start3A_12 = tpu.memref_slice %arg2[%add3A_11] : memref<327680xi32, #tpu.memory_space<hbm>> -> memref<512xi32, #tpu.memory_space<hbm>>
    %dma_start3A_13 = tpu.memref_slice %arg2[%add3A_11] : memref<327680xi32, #tpu.memory_space<hbm>> -> memref<512xi32, #tpu.memory_space<hbm>>
    tpu.enqueue_dma source(%dma_start3A_13 : memref<512xi32, #tpu.memory_space<hbm>>) target(%arg7 : memref<512xi32, #tpu.memory_space<vmem>>) target_semaphore(%arg10 : memref<!tpu.dma_semaphore, #tpu.memory_space<semaphore_mem>>)
    %scan3A = arith.constant 0 : i32
    %scan3A_14 = arith.constant 0 : i32
    %scan3A_15 = arith.constant 10 : i32
    %scan3A_16 = arith.addi %scan3A_14, %scan3A_15 : i32
    %scan3A_17 = arith.constant 1 : i32
    scf.for %scan3A_32 = %scan3A_14 to %scan3A_16 step %scan3A_17  : i32 {
      %mul3A_33 = arith.constant 2 : i32
      %mul3A_34 = arith.muli %mul3A_33, %scan3A_32 : i32
      %mul3A_35 = arith.constant 512 : i32
      %mul3A_36 = arith.muli %mul3A_34, %mul3A_35 : i32
      %add3A_37 = arith.addi %mul3A_2, %mul3A_36 : i32
      %dma_wait3A = tpu.memref_slice %arg2[%add3A_37] : memref<327680xi32, #tpu.memory_space<hbm>> -> memref<512xi32, #tpu.memory_space<hbm>>
      %dma_wait3A_38 = tpu.memref_slice %arg2[%add3A_37] : memref<327680xi32, #tpu.memory_space<hbm>> -> memref<512xi32, #tpu.memory_space<hbm>>
      tpu.wait_dma2 semaphore(%arg9 : memref<!tpu.dma_semaphore, #tpu.memory_space<semaphore_mem>>) src(%dma_wait3A_38 : memref<512xi32, #tpu.memory_space<hbm>>) dst(%arg6 : memref<512xi32, #tpu.memory_space<vmem>>)
      "tpu.region"() ({
        %run_scoped3A = tpu.sem_alloc : memref<!tpu.dma_semaphore, #tpu.memory_space<semaphore_mem>>
        %dma_start3A_55 = arith.constant 0 : i32
        %dma_start3A_56 = arith.constant 0 : i32
        %dma_start3A_57 = tpu.memref_slice %arg11[%dma_start3A_55, %dma_start3A_56] : memref<10008x16xf32, #tpu.memory_space<vmem_shared>> -> memref<10008x16xf32, #tpu.memory_space<vmem_shared>>
        tpu.enqueue_indirect_dma source(%arg8 : memref<512x16xf32, #tpu.memory_space<vmem>>) target(%dma_start3A_57 : memref<10008x16xf32, #tpu.memory_space<vmem_shared>>) offsets(%arg6 : memref<512xi32, #tpu.memory_space<vmem>>) semaphore(%run_scoped3A : memref<!tpu.dma_semaphore, #tpu.memory_space<semaphore_mem>>) {add = true}
        %dma_wait3A_58 = arith.constant 0 : i32
        %dma_wait3A_59 = arith.constant 0 : i32
        %dma_wait3A_60 = tpu.memref_slice %arg11[%dma_wait3A_58, %dma_wait3A_59] : memref<10008x16xf32, #tpu.memory_space<vmem_shared>> -> memref<10008x16xf32, #tpu.memory_space<vmem_shared>>
        tpu.wait_indirect_dma semaphore(%run_scoped3A : memref<!tpu.dma_semaphore, #tpu.memory_space<semaphore_mem>>) src(%arg8 : memref<512x16xf32, #tpu.memory_space<vmem>>) dst(%dma_wait3A_60 : memref<10008x16xf32, #tpu.memory_space<vmem_shared>>)
        tpu.yield
      }) : () -> ()
      %lt3A = arith.constant 9 : i32
      %lt3A_39 = arith.cmpi slt, %scan3A_32, %lt3A : i32
      %convert_element_type3A_40 = arith.extui %lt3A_39 : i1 to i32
      %cond3A_41 = arith.constant 0 : i32
      %cond3A_42 = arith.cmpi ne, %convert_element_type3A_40, %cond3A_41 : i32
      scf.if %cond3A_42 {
        %add3A_55 = arith.constant 2 : i32
        %add3A_56 = arith.addi %mul3A_34, %add3A_55 : i32
        %mul3A_57 = arith.constant 512 : i32
        %mul3A_58 = arith.muli %add3A_56, %mul3A_57 : i32
        %add3A_59 = arith.addi %mul3A_2, %mul3A_58 : i32
        %dma_start3A_60 = tpu.memref_slice %arg2[%add3A_59] : memref<327680xi32, #tpu.memory_space<hbm>> -> memref<512xi32, #tpu.memory_space<hbm>>
        %dma_start3A_61 = tpu.memref_slice %arg2[%add3A_59] : memref<327680xi32, #tpu.memory_space<hbm>> -> memref<512xi32, #tpu.memory_space<hbm>>
        tpu.enqueue_dma source(%dma_start3A_61 : memref<512xi32, #tpu.memory_space<hbm>>) target(%arg6 : memref<512xi32, #tpu.memory_space<vmem>>) target_semaphore(%arg9 : memref<!tpu.dma_semaphore, #tpu.memory_space<semaphore_mem>>)
      } else {
      }
      %add3A_43 = arith.constant 1 : i32
      %add3A_44 = arith.addi %mul3A_34, %add3A_43 : i32
      %mul3A_45 = arith.constant 512 : i32
      %mul3A_46 = arith.muli %add3A_44, %mul3A_45 : i32
      %add3A_47 = arith.addi %mul3A_2, %mul3A_46 : i32
      %dma_wait3A_48 = tpu.memref_slice %arg2[%add3A_47] : memref<327680xi32, #tpu.memory_space<hbm>> -> memref<512xi32, #tpu.memory_space<hbm>>
      %dma_wait3A_49 = tpu.memref_slice %arg2[%add3A_47] : memref<327680xi32, #tpu.memory_space<hbm>> -> memref<512xi32, #tpu.memory_space<hbm>>
      tpu.wait_dma2 semaphore(%arg10 : memref<!tpu.dma_semaphore, #tpu.memory_space<semaphore_mem>>) src(%dma_wait3A_49 : memref<512xi32, #tpu.memory_space<hbm>>) dst(%arg7 : memref<512xi32, #tpu.memory_space<vmem>>)
      "tpu.region"() ({
        %run_scoped3A = tpu.sem_alloc : memref<!tpu.dma_semaphore, #tpu.memory_space<semaphore_mem>>
        %dma_start3A_55 = arith.constant 0 : i32
        %dma_start3A_56 = arith.constant 0 : i32
        %dma_start3A_57 = tpu.memref_slice %arg11[%dma_start3A_55, %dma_start3A_56] : memref<10008x16xf32, #tpu.memory_space<vmem_shared>> -> memref<10008x16xf32, #tpu.memory_space<vmem_shared>>
        tpu.enqueue_indirect_dma source(%arg8 : memref<512x16xf32, #tpu.memory_space<vmem>>) target(%dma_start3A_57 : memref<10008x16xf32, #tpu.memory_space<vmem_shared>>) offsets(%arg7 : memref<512xi32, #tpu.memory_space<vmem>>) semaphore(%run_scoped3A : memref<!tpu.dma_semaphore, #tpu.memory_space<semaphore_mem>>) {add = true}
        %dma_wait3A_58 = arith.constant 0 : i32
        %dma_wait3A_59 = arith.constant 0 : i32
        %dma_wait3A_60 = tpu.memref_slice %arg11[%dma_wait3A_58, %dma_wait3A_59] : memref<10008x16xf32, #tpu.memory_space<vmem_shared>> -> memref<10008x16xf32, #tpu.memory_space<vmem_shared>>
        tpu.wait_indirect_dma semaphore(%run_scoped3A : memref<!tpu.dma_semaphore, #tpu.memory_space<semaphore_mem>>) src(%arg8 : memref<512x16xf32, #tpu.memory_space<vmem>>) dst(%dma_wait3A_60 : memref<10008x16xf32, #tpu.memory_space<vmem_shared>>)
        tpu.yield
      }) : () -> ()
      %lt3A_50 = arith.constant 9 : i32
      %lt3A_51 = arith.cmpi slt, %scan3A_32, %lt3A_50 : i32
      %convert_element_type3A_52 = arith.extui %lt3A_51 : i1 to i32
      %cond3A_53 = arith.constant 0 : i32
      %cond3A_54 = arith.cmpi ne, %convert_element_type3A_52, %cond3A_53 : i32
      scf.if %cond3A_54 {
        %add3A_55 = arith.constant 3 : i32
        %add3A_56 = arith.addi %mul3A_34, %add3A_55 : i32
        %mul3A_57 = arith.constant 512 : i32
        %mul3A_58 = arith.muli %add3A_56, %mul3A_57 : i32
        %add3A_59 = arith.addi %mul3A_2, %mul3A_58 : i32
        %dma_start3A_60 = tpu.memref_slice %arg2[%add3A_59] : memref<327680xi32, #tpu.memory_space<hbm>> -> memref<512xi32, #tpu.memory_space<hbm>>
        %dma_start3A_61 = tpu.memref_slice %arg2[%add3A_59] : memref<327680xi32, #tpu.memory_space<hbm>> -> memref<512xi32, #tpu.memory_space<hbm>>
        tpu.enqueue_dma source(%dma_start3A_61 : memref<512xi32, #tpu.memory_space<hbm>>) target(%arg7 : memref<512xi32, #tpu.memory_space<vmem>>) target_semaphore(%arg10 : memref<!tpu.dma_semaphore, #tpu.memory_space<semaphore_mem>>)
      } else {
      }
    }
    %scan3A_18 = arith.constant 10 : i32
    %barrier3A_19 = arith.constant 0 : index
    tpu.barrier barrier_id(%barrier3A_19)
    %mul3A_20 = arith.constant 624 : i32
    %mul3A_21 = arith.muli %arg1, %mul3A_20 : i32
    %mul3A_22 = arith.constant 10000 : i32
    %mul3A_23 = arith.muli %arg0, %mul3A_22 : i32
    %mul3A_24 = arith.constant 624 : i32
    %mul3A_25 = arith.muli %arg1, %mul3A_24 : i32
    %add3A_26 = arith.addi %mul3A_23, %mul3A_25 : i32
    "tpu.region"() ({
      %run_scoped3A = tpu.sem_alloc : memref<!tpu.dma_semaphore, #tpu.memory_space<semaphore_mem>>
      %dma_start3A_32 = arith.constant 0 : i32
      %dma_start3A_33 = tpu.memref_slice %arg5[%add3A_26, %dma_start3A_32] : memref<20000x16xf32, #tpu.memory_space<hbm>> -> memref<624x16xf32, #tpu.memory_space<hbm>>
      %dma_start3A_34 = arith.constant 0 : i32
      %dma_start3A_35 = tpu.memref_slice %arg11[%mul3A_21, %dma_start3A_34] : memref<10008x16xf32, #tpu.memory_space<vmem_shared>> -> memref<624x16xf32, #tpu.memory_space<vmem_shared>>
      tpu.enqueue_dma source(%dma_start3A_35 : memref<624x16xf32, #tpu.memory_space<vmem_shared>>) target(%dma_start3A_33 : memref<624x16xf32, #tpu.memory_space<hbm>>) target_semaphore(%run_scoped3A : memref<!tpu.dma_semaphore, #tpu.memory_space<semaphore_mem>>)
      %dma_wait3A = arith.constant 0 : i32
      %dma_wait3A_36 = tpu.memref_slice %arg5[%add3A_26, %dma_wait3A] : memref<20000x16xf32, #tpu.memory_space<hbm>> -> memref<624x16xf32, #tpu.memory_space<hbm>>
      %dma_wait3A_37 = arith.constant 0 : i32
      %dma_wait3A_38 = tpu.memref_slice %arg11[%mul3A_21, %dma_wait3A_37] : memref<10008x16xf32, #tpu.memory_space<vmem_shared>> -> memref<624x16xf32, #tpu.memory_space<vmem_shared>>
      tpu.wait_dma2 semaphore(%run_scoped3A : memref<!tpu.dma_semaphore, #tpu.memory_space<semaphore_mem>>) src(%dma_wait3A_38 : memref<624x16xf32, #tpu.memory_space<vmem_shared>>) dst(%dma_wait3A_36 : memref<624x16xf32, #tpu.memory_space<hbm>>)
      tpu.yield
    }) : () -> ()
    %eq3A_27 = arith.constant 0 : i32
    %eq3A_28 = arith.cmpi eq, %arg1, %eq3A_27 : i32
    %convert_element_type3A_29 = arith.extui %eq3A_28 : i1 to i32
    %cond3A_30 = arith.constant 0 : i32
    %cond3A_31 = arith.cmpi ne, %convert_element_type3A_29, %cond3A_30 : i32
    scf.if %cond3A_31 {
      %mul3A_32 = arith.constant 10000 : i32
      %mul3A_33 = arith.muli %arg0, %mul3A_32 : i32
      %add3A_34 = arith.constant 9984 : i32
      %add3A_35 = arith.addi %mul3A_33, %add3A_34 : i32
      "tpu.region"() ({
        %run_scoped3A = tpu.sem_alloc : memref<!tpu.dma_semaphore, #tpu.memory_space<semaphore_mem>>
        %dma_start3A_36 = arith.constant 0 : i32
        %dma_start3A_37 = tpu.memref_slice %arg5[%add3A_35, %dma_start3A_36] : memref<20000x16xf32, #tpu.memory_space<hbm>> -> memref<16x16xf32, #tpu.memory_space<hbm>>
        %dma_start3A_38 = arith.constant 9984 : i32
        %dma_start3A_39 = arith.constant 0 : i32
        %dma_start3A_40 = tpu.memref_slice %arg11[%dma_start3A_38, %dma_start3A_39] : memref<10008x16xf32, #tpu.memory_space<vmem_shared>> -> memref<16x16xf32, #tpu.memory_space<vmem_shared>>
        tpu.enqueue_dma source(%dma_start3A_40 : memref<16x16xf32, #tpu.memory_space<vmem_shared>>) target(%dma_start3A_37 : memref<16x16xf32, #tpu.memory_space<hbm>>) target_semaphore(%run_scoped3A : memref<!tpu.dma_semaphore, #tpu.memory_space<semaphore_mem>>)
        %dma_wait3A = arith.constant 0 : i32
        %dma_wait3A_41 = tpu.memref_slice %arg5[%add3A_35, %dma_wait3A] : memref<20000x16xf32, #tpu.memory_space<hbm>> -> memref<16x16xf32, #tpu.memory_space<hbm>>
        %dma_wait3A_42 = arith.constant 9984 : i32
        %dma_wait3A_43 = arith.constant 0 : i32
        %dma_wait3A_44 = tpu.memref_slice %arg11[%dma_wait3A_42, %dma_wait3A_43] : memref<10008x16xf32, #tpu.memory_space<vmem_shared>> -> memref<16x16xf32, #tpu.memory_space<vmem_shared>>
        tpu.wait_dma2 semaphore(%run_scoped3A : memref<!tpu.dma_semaphore, #tpu.memory_space<semaphore_mem>>) src(%dma_wait3A_44 : memref<16x16xf32, #tpu.memory_space<vmem_shared>>) dst(%dma_wait3A_41 : memref<16x16xf32, #tpu.memory_space<hbm>>)
        tpu.yield
      }) : () -> ()
    } else {
    }
    return
  }
}

#map = affine_map<(d0, d1) -> (0, 0)>
#map1 = affine_map<(d0, d1) -> (0)>
module attributes {stable_mosaic.version = 14 : i64} {
  func.func @body(%arg0: i32, %arg1: i32, %arg2: memref<10008x16xf32, #tpu.memory_space<hbm>>, %arg3: memref<10008x16xf32, #tpu.memory_space<hbm>>, %arg4: memref<16xf32, #tpu.memory_space<hbm>>, %arg5: memref<327680xi32, #tpu.memory_space<hbm>>, %arg6: memref<327680xi32, #tpu.memory_space<hbm>>, %arg7: memref<624x16xf32, #tpu.memory_space<hbm>>, %arg8: memref<327680x16xf32, #tpu.memory_space<hbm>>, %arg9: memref<20000x16xf32, #tpu.memory_space<hbm>>, %arg10: memref<512xi32, #tpu.memory_space<vmem>>, %arg11: memref<512xi32, #tpu.memory_space<vmem>>, %arg12: memref<512x16xf32, #tpu.memory_space<vmem>>, %arg13: memref<512x16xf32, #tpu.memory_space<vmem>>, %arg14: memref<512x16xf32, #tpu.memory_space<vmem>>, %arg15: memref<16xf32, #tpu.memory_space<vmem>>, %arg16: memref<10008x16xf32, #tpu.memory_space<vmem_shared>>) attributes {dimension_semantics = [#tpu.dimension_semantics<core_parallel>, #tpu.dimension_semantics<subcore_parallel>], iteration_bounds = array<i64: 2, 16>, scalar_prefetch = 0 : i64, scratch_operands = 7 : i64, tpu.core_type = #tpu.core_type<sc_vector_subcore>, window_params = [{transform_indices = #map}, {transform_indices = #map}, {transform_indices = #map1}, {transform_indices = #map1}, {transform_indices = #map1}, {transform_indices = #map}, {transform_indices = #map}, {transform_indices = #map}]} {
    %mul3A = arith.constant 16 : i32
    %mul3A_0 = arith.muli %arg0, %mul3A : i32
    %add3A = arith.addi %mul3A_0, %arg1 : i32
    %mul3A_1 = arith.constant 624 : i32
    %mul3A_2 = arith.muli %arg1, %mul3A_1 : i32
    "tpu.region"() ({
      %run_scoped3A = tpu.sem_alloc : memref<!tpu.dma_semaphore, #tpu.memory_space<semaphore_mem>>
      %dma_start3A = arith.constant 0 : i32
      %dma_start3A_23 = tpu.memref_slice %arg16[%mul3A_2, %dma_start3A] : memref<10008x16xf32, #tpu.memory_space<vmem_shared>> -> memref<624x16xf32, #tpu.memory_space<vmem_shared>>
      tpu.enqueue_dma source(%arg7 : memref<624x16xf32, #tpu.memory_space<hbm>>) target(%dma_start3A_23 : memref<624x16xf32, #tpu.memory_space<vmem_shared>>) target_semaphore(%run_scoped3A : memref<!tpu.dma_semaphore, #tpu.memory_space<semaphore_mem>>)
      %dma_wait3A = arith.constant 0 : i32
      %dma_wait3A_24 = tpu.memref_slice %arg16[%mul3A_2, %dma_wait3A] : memref<10008x16xf32, #tpu.memory_space<vmem_shared>> -> memref<624x16xf32, #tpu.memory_space<vmem_shared>>
      tpu.wait_dma2 semaphore(%run_scoped3A : memref<!tpu.dma_semaphore, #tpu.memory_space<semaphore_mem>>) src(%arg7 : memref<624x16xf32, #tpu.memory_space<hbm>>) dst(%dma_wait3A_24 : memref<624x16xf32, #tpu.memory_space<vmem_shared>>)
      tpu.yield
    }) : () -> ()
    %eq3A = arith.constant 0 : i32
    %eq3A_3 = arith.cmpi eq, %arg1, %eq3A : i32
    %convert_element_type3A = arith.extui %eq3A_3 : i1 to i32
    %cond3A = arith.constant 0 : i32
    %cond3A_4 = arith.cmpi ne, %convert_element_type3A, %cond3A : i32
    scf.if %cond3A_4 {
      "tpu.region"() ({
        %run_scoped3A = tpu.sem_alloc : memref<!tpu.dma_semaphore, #tpu.memory_space<semaphore_mem>>
        %dma_start3A = arith.constant 9984 : i32
        %dma_start3A_23 = arith.constant 0 : i32
        %dma_start3A_24 = tpu.memref_slice %arg16[%dma_start3A, %dma_start3A_23] : memref<10008x16xf32, #tpu.memory_space<vmem_shared>> -> memref<24x16xf32, #tpu.memory_space<vmem_shared>>
        %dma_start3A_25 = arith.constant 0 : i32
        %dma_start3A_26 = arith.constant 0 : i32
        %dma_start3A_27 = tpu.memref_slice %arg7[%dma_start3A_25, %dma_start3A_26] : memref<624x16xf32, #tpu.memory_space<hbm>> -> memref<24x16xf32, #tpu.memory_space<hbm>>
        tpu.enqueue_dma source(%dma_start3A_27 : memref<24x16xf32, #tpu.memory_space<hbm>>) target(%dma_start3A_24 : memref<24x16xf32, #tpu.memory_space<vmem_shared>>) target_semaphore(%run_scoped3A : memref<!tpu.dma_semaphore, #tpu.memory_space<semaphore_mem>>)
        %dma_wait3A = arith.constant 9984 : i32
        %dma_wait3A_28 = arith.constant 0 : i32
        %dma_wait3A_29 = tpu.memref_slice %arg16[%dma_wait3A, %dma_wait3A_28] : memref<10008x16xf32, #tpu.memory_space<vmem_shared>> -> memref<24x16xf32, #tpu.memory_space<vmem_shared>>
        %dma_wait3A_30 = arith.constant 0 : i32
        %dma_wait3A_31 = arith.constant 0 : i32
        %dma_wait3A_32 = tpu.memref_slice %arg7[%dma_wait3A_30, %dma_wait3A_31] : memref<624x16xf32, #tpu.memory_space<hbm>> -> memref<24x16xf32, #tpu.memory_space<hbm>>
        tpu.wait_dma2 semaphore(%run_scoped3A : memref<!tpu.dma_semaphore, #tpu.memory_space<semaphore_mem>>) src(%dma_wait3A_32 : memref<24x16xf32, #tpu.memory_space<hbm>>) dst(%dma_wait3A_29 : memref<24x16xf32, #tpu.memory_space<vmem_shared>>)
        tpu.yield
      }) : () -> ()
    } else {
    }
    "tpu.region"() ({
      %run_scoped3A = tpu.sem_alloc : memref<!tpu.dma_semaphore, #tpu.memory_space<semaphore_mem>>
      tpu.enqueue_dma source(%arg4 : memref<16xf32, #tpu.memory_space<hbm>>) target(%arg15 : memref<16xf32, #tpu.memory_space<vmem>>) target_semaphore(%run_scoped3A : memref<!tpu.dma_semaphore, #tpu.memory_space<semaphore_mem>>)
      tpu.wait_dma2 semaphore(%run_scoped3A : memref<!tpu.dma_semaphore, #tpu.memory_space<semaphore_mem>>) src(%arg4 : memref<16xf32, #tpu.memory_space<hbm>>) dst(%arg15 : memref<16xf32, #tpu.memory_space<vmem>>)
      tpu.yield
    }) : () -> ()
    %barrier3A = arith.constant 0 : index
    tpu.barrier barrier_id(%barrier3A)
    %scan3A = arith.constant 0 : i32
    %scan3A_5 = arith.constant 0 : i32
    %scan3A_6 = arith.constant 20 : i32
    %scan3A_7 = arith.addi %scan3A_5, %scan3A_6 : i32
    %scan3A_8 = arith.constant 1 : i32
    scf.for %scan3A_23 = %scan3A_5 to %scan3A_7 step %scan3A_8  : i32 {
      %mul3A_24 = arith.constant 10240 : i32
      %mul3A_25 = arith.muli %add3A, %mul3A_24 : i32
      %mul3A_26 = arith.constant 512 : i32
      %mul3A_27 = arith.muli %scan3A_23, %mul3A_26 : i32
      %add3A_28 = arith.addi %mul3A_25, %mul3A_27 : i32
      "tpu.region"() ({
        %run_scoped3A = tpu.sem_alloc : memref<!tpu.dma_semaphore, #tpu.memory_space<semaphore_mem>>
        %dma_start3A = tpu.memref_slice %arg5[%add3A_28] : memref<327680xi32, #tpu.memory_space<hbm>> -> memref<512xi32, #tpu.memory_space<hbm>>
        %dma_start3A_37 = tpu.memref_slice %arg5[%add3A_28] : memref<327680xi32, #tpu.memory_space<hbm>> -> memref<512xi32, #tpu.memory_space<hbm>>
        tpu.enqueue_dma source(%dma_start3A_37 : memref<512xi32, #tpu.memory_space<hbm>>) target(%arg10 : memref<512xi32, #tpu.memory_space<vmem>>) target_semaphore(%run_scoped3A : memref<!tpu.dma_semaphore, #tpu.memory_space<semaphore_mem>>)
        %dma_wait3A = tpu.memref_slice %arg5[%add3A_28] : memref<327680xi32, #tpu.memory_space<hbm>> -> memref<512xi32, #tpu.memory_space<hbm>>
        %dma_wait3A_38 = tpu.memref_slice %arg5[%add3A_28] : memref<327680xi32, #tpu.memory_space<hbm>> -> memref<512xi32, #tpu.memory_space<hbm>>
        tpu.wait_dma2 semaphore(%run_scoped3A : memref<!tpu.dma_semaphore, #tpu.memory_space<semaphore_mem>>) src(%dma_wait3A_38 : memref<512xi32, #tpu.memory_space<hbm>>) dst(%arg10 : memref<512xi32, #tpu.memory_space<vmem>>)
        tpu.yield
      }) : () -> ()
      "tpu.region"() ({
        %run_scoped3A = tpu.sem_alloc : memref<!tpu.dma_semaphore, #tpu.memory_space<semaphore_mem>>
        %dma_start3A = tpu.memref_slice %arg6[%add3A_28] : memref<327680xi32, #tpu.memory_space<hbm>> -> memref<512xi32, #tpu.memory_space<hbm>>
        %dma_start3A_37 = tpu.memref_slice %arg6[%add3A_28] : memref<327680xi32, #tpu.memory_space<hbm>> -> memref<512xi32, #tpu.memory_space<hbm>>
        tpu.enqueue_dma source(%dma_start3A_37 : memref<512xi32, #tpu.memory_space<hbm>>) target(%arg11 : memref<512xi32, #tpu.memory_space<vmem>>) target_semaphore(%run_scoped3A : memref<!tpu.dma_semaphore, #tpu.memory_space<semaphore_mem>>)
        %dma_wait3A = tpu.memref_slice %arg6[%add3A_28] : memref<327680xi32, #tpu.memory_space<hbm>> -> memref<512xi32, #tpu.memory_space<hbm>>
        %dma_wait3A_38 = tpu.memref_slice %arg6[%add3A_28] : memref<327680xi32, #tpu.memory_space<hbm>> -> memref<512xi32, #tpu.memory_space<hbm>>
        tpu.wait_dma2 semaphore(%run_scoped3A : memref<!tpu.dma_semaphore, #tpu.memory_space<semaphore_mem>>) src(%dma_wait3A_38 : memref<512xi32, #tpu.memory_space<hbm>>) dst(%arg11 : memref<512xi32, #tpu.memory_space<vmem>>)
        tpu.yield
      }) : () -> ()
      "tpu.region"() ({
        %run_scoped3A = tpu.sem_alloc : memref<!tpu.dma_semaphore, #tpu.memory_space<semaphore_mem>>
        %dma_start3A = arith.constant 0 : i32
        %dma_start3A_37 = arith.constant 0 : i32
        %dma_start3A_38 = tpu.memref_slice %arg2[%dma_start3A, %dma_start3A_37] : memref<10008x16xf32, #tpu.memory_space<hbm>> -> memref<10008x16xf32, #tpu.memory_space<hbm>>
        tpu.enqueue_indirect_dma source(%dma_start3A_38 : memref<10008x16xf32, #tpu.memory_space<hbm>>) target(%arg12 : memref<512x16xf32, #tpu.memory_space<vmem>>) offsets(%arg10 : memref<512xi32, #tpu.memory_space<vmem>>) semaphore(%run_scoped3A : memref<!tpu.dma_semaphore, #tpu.memory_space<semaphore_mem>>)
        %dma_wait3A = arith.constant 0 : i32
        %dma_wait3A_39 = arith.constant 0 : i32
        %dma_wait3A_40 = tpu.memref_slice %arg2[%dma_wait3A, %dma_wait3A_39] : memref<10008x16xf32, #tpu.memory_space<hbm>> -> memref<10008x16xf32, #tpu.memory_space<hbm>>
        tpu.wait_indirect_dma semaphore(%run_scoped3A : memref<!tpu.dma_semaphore, #tpu.memory_space<semaphore_mem>>) src(%dma_wait3A_40 : memref<10008x16xf32, #tpu.memory_space<hbm>>) dst(%arg12 : memref<512x16xf32, #tpu.memory_space<vmem>>)
        tpu.yield
      }) : () -> ()
      "tpu.region"() ({
        %run_scoped3A = tpu.sem_alloc : memref<!tpu.dma_semaphore, #tpu.memory_space<semaphore_mem>>
        %dma_start3A = arith.constant 0 : i32
        %dma_start3A_37 = arith.constant 0 : i32
        %dma_start3A_38 = tpu.memref_slice %arg3[%dma_start3A, %dma_start3A_37] : memref<10008x16xf32, #tpu.memory_space<hbm>> -> memref<10008x16xf32, #tpu.memory_space<hbm>>
        tpu.enqueue_indirect_dma source(%dma_start3A_38 : memref<10008x16xf32, #tpu.memory_space<hbm>>) target(%arg13 : memref<512x16xf32, #tpu.memory_space<vmem>>) offsets(%arg11 : memref<512xi32, #tpu.memory_space<vmem>>) semaphore(%run_scoped3A : memref<!tpu.dma_semaphore, #tpu.memory_space<semaphore_mem>>)
        %dma_wait3A = arith.constant 0 : i32
        %dma_wait3A_39 = arith.constant 0 : i32
        %dma_wait3A_40 = tpu.memref_slice %arg3[%dma_wait3A, %dma_wait3A_39] : memref<10008x16xf32, #tpu.memory_space<hbm>> -> memref<10008x16xf32, #tpu.memory_space<hbm>>
        tpu.wait_indirect_dma semaphore(%run_scoped3A : memref<!tpu.dma_semaphore, #tpu.memory_space<semaphore_mem>>) src(%dma_wait3A_40 : memref<10008x16xf32, #tpu.memory_space<hbm>>) dst(%arg13 : memref<512x16xf32, #tpu.memory_space<vmem>>)
        tpu.yield
      }) : () -> ()
      %get3A = arith.constant 0 : index
      %get3A_29 = tpu.vector_load %arg15[%get3A] {strides = array<i32>} : memref<16xf32, #tpu.memory_space<vmem>>, vector<16xf32>,
      %get3A_30 = vector.shape_cast %get3A_29 : vector<16xf32> to vector<16xf32>
      %scan3A_31 = arith.constant 0 : i32
      %scan3A_32 = arith.constant 0 : i32
      %scan3A_33 = arith.constant 256 : i32
      %scan3A_34 = arith.addi %scan3A_32, %scan3A_33 : i32
      %scan3A_35 = arith.constant 1 : i32
      scf.for %scan3A_37 = %scan3A_32 to %scan3A_34 step %scan3A_35  : i32 {
        %mul3A_38 = arith.constant 2 : i32
        %mul3A_39 = arith.muli %mul3A_38, %scan3A_37 : i32
        %mul3A_40 = arith.constant 2 : i32
        %mul3A_41 = arith.muli %mul3A_40, %scan3A_37 : i32
        %add3A_42 = arith.constant 1 : i32
        %add3A_43 = arith.addi %mul3A_41, %add3A_42 : i32
        %get3A_44 = arith.index_cast %mul3A_39 : i32 to index
        %get3A_45 = arith.constant 0 : index
        %get3A_46 = tpu.vector_load %arg12[%get3A_44, %get3A_45] {strides = array<i32>} : memref<512x16xf32, #tpu.memory_space<vmem>>, vector<1x16xf32>,
        %get3A_47 = vector.shape_cast %get3A_46 : vector<1x16xf32> to vector<16xf32>
        %get3A_48 = arith.index_cast %mul3A_39 : i32 to index
        %get3A_49 = arith.constant 0 : index
        %get3A_50 = tpu.vector_load %arg13[%get3A_48, %get3A_49] {strides = array<i32>} : memref<512x16xf32, #tpu.memory_space<vmem>>, vector<1x16xf32>,
        %get3A_51 = vector.shape_cast %get3A_50 : vector<1x16xf32> to vector<16xf32>
        %add3A_52 = arith.addf %get3A_47, %get3A_51 : vector<16xf32>
        %get3A_53 = arith.index_cast %add3A_43 : i32 to index
        %get3A_54 = arith.constant 0 : index
        %get3A_55 = tpu.vector_load %arg12[%get3A_53, %get3A_54] {strides = array<i32>} : memref<512x16xf32, #tpu.memory_space<vmem>>, vector<1x16xf32>,
        %get3A_56 = vector.shape_cast %get3A_55 : vector<1x16xf32> to vector<16xf32>
        %get3A_57 = arith.index_cast %add3A_43 : i32 to index
        %get3A_58 = arith.constant 0 : index
        %get3A_59 = tpu.vector_load %arg13[%get3A_57, %get3A_58] {strides = array<i32>} : memref<512x16xf32, #tpu.memory_space<vmem>>, vector<1x16xf32>,
        %get3A_60 = vector.shape_cast %get3A_59 : vector<1x16xf32> to vector<16xf32>
        %add3A_61 = arith.addf %get3A_56, %get3A_60 : vector<16xf32>
        %mul3A_62 = arith.constant 2.000000e-01 : f32
        %mul3A_63 = vector.broadcast %mul3A_62 : f32 to vector<16xf32>
        %mul3A_64 = arith.mulf %mul3A_63, %add3A_52 : vector<16xf32>
        %max3A = arith.maximumf %add3A_52, %mul3A_64 : vector<16xf32>
        %sub3A = arith.subf %max3A, %get3A_30 : vector<16xf32>
        %mul3A_65 = arith.constant 2.000000e-01 : f32
        %mul3A_66 = vector.broadcast %mul3A_65 : f32 to vector<16xf32>
        %mul3A_67 = arith.mulf %mul3A_66, %add3A_61 : vector<16xf32>
        %max3A_68 = arith.maximumf %add3A_61, %mul3A_67 : vector<16xf32>
        %sub3A_69 = arith.subf %max3A_68, %get3A_30 : vector<16xf32>
        %exp3A = math.exp %sub3A : vector<16xf32>
        %swap3A = arith.index_cast %mul3A_39 : i32 to index
        %swap3A_70 = arith.constant 0 : index
        %swap3A_71 = tpu.vector_load %arg14[%swap3A, %swap3A_70] {strides = array<i32>} : memref<512x16xf32, #tpu.memory_space<vmem>>, vector<1x16xf32>,
        %swap3A_72 = vector.shape_cast %swap3A_71 : vector<1x16xf32> to vector<16xf32>
        %swap3A_73 = vector.shape_cast %exp3A : vector<16xf32> to vector<1x16xf32>
        tpu.vector_store %arg14[%swap3A, %swap3A_70], %swap3A_73 {strides = array<i32>} : memref<512x16xf32, #tpu.memory_space<vmem>>, vector<1x16xf32>,
        %exp3A_74 = math.exp %sub3A_69 : vector<16xf32>
        %swap3A_75 = arith.index_cast %add3A_43 : i32 to index
        %swap3A_76 = arith.constant 0 : index
        %swap3A_77 = tpu.vector_load %arg14[%swap3A_75, %swap3A_76] {strides = array<i32>} : memref<512x16xf32, #tpu.memory_space<vmem>>, vector<1x16xf32>,
        %swap3A_78 = vector.shape_cast %swap3A_77 : vector<1x16xf32> to vector<16xf32>
        %swap3A_79 = vector.shape_cast %exp3A_74 : vector<16xf32> to vector<1x16xf32>
        tpu.vector_store %arg14[%swap3A_75, %swap3A_76], %swap3A_79 {strides = array<i32>} : memref<512x16xf32, #tpu.memory_space<vmem>>, vector<1x16xf32>,
      }
      %scan3A_36 = arith.constant 256 : i32
      "tpu.region"() ({
        %run_scoped3A = tpu.sem_alloc : memref<!tpu.dma_semaphore, #tpu.memory_space<semaphore_mem>>
        %dma_start3A = arith.constant 0 : i32
        %dma_start3A_37 = tpu.memref_slice %arg8[%add3A_28, %dma_start3A] : memref<327680x16xf32, #tpu.memory_space<hbm>> -> memref<512x16xf32, #tpu.memory_space<hbm>>
        %dma_start3A_38 = arith.constant 0 : i32
        %dma_start3A_39 = tpu.memref_slice %arg8[%add3A_28, %dma_start3A_38] : memref<327680x16xf32, #tpu.memory_space<hbm>> -> memref<512x16xf32, #tpu.memory_space<hbm>>
        tpu.enqueue_dma source(%arg14 : memref<512x16xf32, #tpu.memory_space<vmem>>) target(%dma_start3A_39 : memref<512x16xf32, #tpu.memory_space<hbm>>) target_semaphore(%run_scoped3A : memref<!tpu.dma_semaphore, #tpu.memory_space<semaphore_mem>>)
        %dma_wait3A = arith.constant 0 : i32
        %dma_wait3A_40 = tpu.memref_slice %arg8[%add3A_28, %dma_wait3A] : memref<327680x16xf32, #tpu.memory_space<hbm>> -> memref<512x16xf32, #tpu.memory_space<hbm>>
        %dma_wait3A_41 = arith.constant 0 : i32
        %dma_wait3A_42 = tpu.memref_slice %arg8[%add3A_28, %dma_wait3A_41] : memref<327680x16xf32, #tpu.memory_space<hbm>> -> memref<512x16xf32, #tpu.memory_space<hbm>>
        tpu.wait_dma2 semaphore(%run_scoped3A : memref<!tpu.dma_semaphore, #tpu.memory_space<semaphore_mem>>) src(%arg14 : memref<512x16xf32, #tpu.memory_space<vmem>>) dst(%dma_wait3A_42 : memref<512x16xf32, #tpu.memory_space<hbm>>)
        tpu.yield
      }) : () -> ()
      "tpu.region"() ({
        %run_scoped3A = tpu.sem_alloc : memref<!tpu.dma_semaphore, #tpu.memory_space<semaphore_mem>>
        %dma_start3A = arith.constant 0 : i32
        %dma_start3A_37 = arith.constant 0 : i32
        %dma_start3A_38 = tpu.memref_slice %arg16[%dma_start3A, %dma_start3A_37] : memref<10008x16xf32, #tpu.memory_space<vmem_shared>> -> memref<10008x16xf32, #tpu.memory_space<vmem_shared>>
        tpu.enqueue_indirect_dma source(%arg14 : memref<512x16xf32, #tpu.memory_space<vmem>>) target(%dma_start3A_38 : memref<10008x16xf32, #tpu.memory_space<vmem_shared>>) offsets(%arg11 : memref<512xi32, #tpu.memory_space<vmem>>) semaphore(%run_scoped3A : memref<!tpu.dma_semaphore, #tpu.memory_space<semaphore_mem>>) {add = true}
        %dma_wait3A = arith.constant 0 : i32
        %dma_wait3A_39 = arith.constant 0 : i32
        %dma_wait3A_40 = tpu.memref_slice %arg16[%dma_wait3A, %dma_wait3A_39] : memref<10008x16xf32, #tpu.memory_space<vmem_shared>> -> memref<10008x16xf32, #tpu.memory_space<vmem_shared>>
        tpu.wait_indirect_dma semaphore(%run_scoped3A : memref<!tpu.dma_semaphore, #tpu.memory_space<semaphore_mem>>) src(%arg14 : memref<512x16xf32, #tpu.memory_space<vmem>>) dst(%dma_wait3A_40 : memref<10008x16xf32, #tpu.memory_space<vmem_shared>>)
        tpu.yield
      }) : () -> ()
    }
    %scan3A_9 = arith.constant 20 : i32
    %barrier3A_10 = arith.constant 0 : index
    tpu.barrier barrier_id(%barrier3A_10)
    %mul3A_11 = arith.constant 624 : i32
    %mul3A_12 = arith.muli %arg1, %mul3A_11 : i32
    %mul3A_13 = arith.constant 10000 : i32
    %mul3A_14 = arith.muli %arg0, %mul3A_13 : i32
    %mul3A_15 = arith.constant 624 : i32
    %mul3A_16 = arith.muli %arg1, %mul3A_15 : i32
    %add3A_17 = arith.addi %mul3A_14, %mul3A_16 : i32
    "tpu.region"() ({
      %run_scoped3A = tpu.sem_alloc : memref<!tpu.dma_semaphore, #tpu.memory_space<semaphore_mem>>
      %dma_start3A = arith.constant 0 : i32
      %dma_start3A_23 = tpu.memref_slice %arg9[%add3A_17, %dma_start3A] : memref<20000x16xf32, #tpu.memory_space<hbm>> -> memref<624x16xf32, #tpu.memory_space<hbm>>
      %dma_start3A_24 = arith.constant 0 : i32
      %dma_start3A_25 = tpu.memref_slice %arg16[%mul3A_12, %dma_start3A_24] : memref<10008x16xf32, #tpu.memory_space<vmem_shared>> -> memref<624x16xf32, #tpu.memory_space<vmem_shared>>
      tpu.enqueue_dma source(%dma_start3A_25 : memref<624x16xf32, #tpu.memory_space<vmem_shared>>) target(%dma_start3A_23 : memref<624x16xf32, #tpu.memory_space<hbm>>) target_semaphore(%run_scoped3A : memref<!tpu.dma_semaphore, #tpu.memory_space<semaphore_mem>>)
      %dma_wait3A = arith.constant 0 : i32
      %dma_wait3A_26 = tpu.memref_slice %arg9[%add3A_17, %dma_wait3A] : memref<20000x16xf32, #tpu.memory_space<hbm>> -> memref<624x16xf32, #tpu.memory_space<hbm>>
      %dma_wait3A_27 = arith.constant 0 : i32
      %dma_wait3A_28 = tpu.memref_slice %arg16[%mul3A_12, %dma_wait3A_27] : memref<10008x16xf32, #tpu.memory_space<vmem_shared>> -> memref<624x16xf32, #tpu.memory_space<vmem_shared>>
      tpu.wait_dma2 semaphore(%run_scoped3A : memref<!tpu.dma_semaphore, #tpu.memory_space<semaphore_mem>>) src(%dma_wait3A_28 : memref<624x16xf32, #tpu.memory_space<vmem_shared>>) dst(%dma_wait3A_26 : memref<624x16xf32, #tpu.memory_space<hbm>>)
      tpu.yield
    }) : () -> ()
    %eq3A_18 = arith.constant 0 : i32
    %eq3A_19 = arith.cmpi eq, %arg1, %eq3A_18 : i32
    %convert_element_type3A_20 = arith.extui %eq3A_19 : i1 to i32
    %cond3A_21 = arith.constant 0 : i32
    %cond3A_22 = arith.cmpi ne, %convert_element_type3A_20, %cond3A_21 : i32
    scf.if %cond3A_22 {
      %mul3A_23 = arith.constant 10000 : i32
      %mul3A_24 = arith.muli %arg0, %mul3A_23 : i32
      %add3A_25 = arith.constant 9984 : i32
      %add3A_26 = arith.addi %mul3A_24, %add3A_25 : i32
      "tpu.region"() ({
        %run_scoped3A = tpu.sem_alloc : memref<!tpu.dma_semaphore, #tpu.memory_space<semaphore_mem>>
        %dma_start3A = arith.constant 0 : i32
        %dma_start3A_27 = tpu.memref_slice %arg9[%add3A_26, %dma_start3A] : memref<20000x16xf32, #tpu.memory_space<hbm>> -> memref<16x16xf32, #tpu.memory_space<hbm>>
        %dma_start3A_28 = arith.constant 9984 : i32
        %dma_start3A_29 = arith.constant 0 : i32
        %dma_start3A_30 = tpu.memref_slice %arg16[%dma_start3A_28, %dma_start3A_29] : memref<10008x16xf32, #tpu.memory_space<vmem_shared>> -> memref<16x16xf32, #tpu.memory_space<vmem_shared>>
        tpu.enqueue_dma source(%dma_start3A_30 : memref<16x16xf32, #tpu.memory_space<vmem_shared>>) target(%dma_start3A_27 : memref<16x16xf32, #tpu.memory_space<hbm>>) target_semaphore(%run_scoped3A : memref<!tpu.dma_semaphore, #tpu.memory_space<semaphore_mem>>)
        %dma_wait3A = arith.constant 0 : i32
        %dma_wait3A_31 = tpu.memref_slice %arg9[%add3A_26, %dma_wait3A] : memref<20000x16xf32, #tpu.memory_space<hbm>> -> memref<16x16xf32, #tpu.memory_space<hbm>>
        %dma_wait3A_32 = arith.constant 9984 : i32
        %dma_wait3A_33 = arith.constant 0 : i32
        %dma_wait3A_34 = tpu.memref_slice %arg16[%dma_wait3A_32, %dma_wait3A_33] : memref<10008x16xf32, #tpu.memory_space<vmem_shared>> -> memref<16x16xf32, #tpu.memory_space<vmem_shared>>
        tpu.wait_dma2 semaphore(%run_scoped3A : memref<!tpu.dma_semaphore, #tpu.memory_space<semaphore_mem>>) src(%dma_wait3A_34 : memref<16x16xf32, #tpu.memory_space<vmem_shared>>) dst(%dma_wait3A_31 : memref<16x16xf32, #tpu.memory_space<hbm>>)
        tpu.yield
      }) : () -> ()
    } else {
    }
    return
  }
}

#map = affine_map<(d0, d1) -> (0, 0)>
#map1 = affine_map<(d0, d1) -> (0)>
module attributes {stable_mosaic.version = 14 : i64} {
  func.func @body(%arg0: i32, %arg1: i32, %arg2: memref<10000x256xbf16, #tpu.memory_space<hbm>>, %arg3: memref<327680xi32, #tpu.memory_space<hbm>>, %arg4: memref<327680xi32, #tpu.memory_space<hbm>>, %arg5: memref<624x256xbf16, #tpu.memory_space<hbm>>, %arg6: memref<20000x256xbf16, #tpu.memory_space<hbm>>, %arg7: memref<128xi32, #tpu.memory_space<vmem>>, %arg8: memref<128xi32, #tpu.memory_space<vmem>>, %arg9: memref<128x256xbf16, #tpu.memory_space<vmem>>, %arg10: memref<128xi32, #tpu.memory_space<vmem>>, %arg11: memref<128xi32, #tpu.memory_space<vmem>>, %arg12: memref<128x256xbf16, #tpu.memory_space<vmem>>, %arg13: memref<!tpu.dma_semaphore, #tpu.memory_space<semaphore_mem>>, %arg14: memref<!tpu.dma_semaphore, #tpu.memory_space<semaphore_mem>>, %arg15: memref<!tpu.dma_semaphore, #tpu.memory_space<semaphore_mem>>, %arg16: memref<!tpu.dma_semaphore, #tpu.memory_space<semaphore_mem>>, %arg17: memref<10008x256xbf16, #tpu.memory_space<vmem_shared>>) attributes {dimension_semantics = [#tpu.dimension_semantics<core_parallel>, #tpu.dimension_semantics<subcore_parallel>], iteration_bounds = array<i64: 2, 16>, scalar_prefetch = 0 : i64, scratch_operands = 11 : i64, tpu.core_type = #tpu.core_type<sc_vector_subcore>, window_params = [{transform_indices = #map}, {transform_indices = #map1}, {transform_indices = #map1}, {transform_indices = #map}, {transform_indices = #map}]} {
    %mul3A = arith.constant 16 : i32
    %mul3A_0 = arith.muli %arg0, %mul3A : i32
    %add3A = arith.addi %mul3A_0, %arg1 : i32
    %mul3A_1 = arith.constant 10240 : i32
    %mul3A_2 = arith.muli %add3A, %mul3A_1 : i32
    %mul3A_3 = arith.constant 624 : i32
    %mul3A_4 = arith.muli %arg1, %mul3A_3 : i32
    "tpu.region"() ({
      %run_scoped3A = tpu.sem_alloc : memref<!tpu.dma_semaphore, #tpu.memory_space<semaphore_mem>>
      %dma_start3A_33 = arith.constant 0 : i32
      %dma_start3A_34 = tpu.memref_slice %arg17[%mul3A_4, %dma_start3A_33] : memref<10008x256xbf16, #tpu.memory_space<vmem_shared>> -> memref<624x256xbf16, #tpu.memory_space<vmem_shared>>
      tpu.enqueue_dma source(%arg5 : memref<624x256xbf16, #tpu.memory_space<hbm>>) target(%dma_start3A_34 : memref<624x256xbf16, #tpu.memory_space<vmem_shared>>) target_semaphore(%run_scoped3A : memref<!tpu.dma_semaphore, #tpu.memory_space<semaphore_mem>>)
      %dma_wait3A = arith.constant 0 : i32
      %dma_wait3A_35 = tpu.memref_slice %arg17[%mul3A_4, %dma_wait3A] : memref<10008x256xbf16, #tpu.memory_space<vmem_shared>> -> memref<624x256xbf16, #tpu.memory_space<vmem_shared>>
      tpu.wait_dma2 semaphore(%run_scoped3A : memref<!tpu.dma_semaphore, #tpu.memory_space<semaphore_mem>>) src(%arg5 : memref<624x256xbf16, #tpu.memory_space<hbm>>) dst(%dma_wait3A_35 : memref<624x256xbf16, #tpu.memory_space<vmem_shared>>)
      tpu.yield
    }) : () -> ()
    %eq3A = arith.constant 0 : i32
    %eq3A_5 = arith.cmpi eq, %arg1, %eq3A : i32
    %convert_element_type3A = arith.extui %eq3A_5 : i1 to i32
    %cond3A = arith.constant 0 : i32
    %cond3A_6 = arith.cmpi ne, %convert_element_type3A, %cond3A : i32
    scf.if %cond3A_6 {
      "tpu.region"() ({
        %run_scoped3A = tpu.sem_alloc : memref<!tpu.dma_semaphore, #tpu.memory_space<semaphore_mem>>
        %dma_start3A_33 = arith.constant 9984 : i32
        %dma_start3A_34 = arith.constant 0 : i32
        %dma_start3A_35 = tpu.memref_slice %arg17[%dma_start3A_33, %dma_start3A_34] : memref<10008x256xbf16, #tpu.memory_space<vmem_shared>> -> memref<24x256xbf16, #tpu.memory_space<vmem_shared>>
        %dma_start3A_36 = arith.constant 0 : i32
        %dma_start3A_37 = arith.constant 0 : i32
        %dma_start3A_38 = tpu.memref_slice %arg5[%dma_start3A_36, %dma_start3A_37] : memref<624x256xbf16, #tpu.memory_space<hbm>> -> memref<24x256xbf16, #tpu.memory_space<hbm>>
        tpu.enqueue_dma source(%dma_start3A_38 : memref<24x256xbf16, #tpu.memory_space<hbm>>) target(%dma_start3A_35 : memref<24x256xbf16, #tpu.memory_space<vmem_shared>>) target_semaphore(%run_scoped3A : memref<!tpu.dma_semaphore, #tpu.memory_space<semaphore_mem>>)
        %dma_wait3A = arith.constant 9984 : i32
        %dma_wait3A_39 = arith.constant 0 : i32
        %dma_wait3A_40 = tpu.memref_slice %arg17[%dma_wait3A, %dma_wait3A_39] : memref<10008x256xbf16, #tpu.memory_space<vmem_shared>> -> memref<24x256xbf16, #tpu.memory_space<vmem_shared>>
        %dma_wait3A_41 = arith.constant 0 : i32
        %dma_wait3A_42 = arith.constant 0 : i32
        %dma_wait3A_43 = tpu.memref_slice %arg5[%dma_wait3A_41, %dma_wait3A_42] : memref<624x256xbf16, #tpu.memory_space<hbm>> -> memref<24x256xbf16, #tpu.memory_space<hbm>>
        tpu.wait_dma2 semaphore(%run_scoped3A : memref<!tpu.dma_semaphore, #tpu.memory_space<semaphore_mem>>) src(%dma_wait3A_43 : memref<24x256xbf16, #tpu.memory_space<hbm>>) dst(%dma_wait3A_40 : memref<24x256xbf16, #tpu.memory_space<vmem_shared>>)
        tpu.yield
      }) : () -> ()
    } else {
    }
    %barrier3A = arith.constant 0 : index
    tpu.barrier barrier_id(%barrier3A)
    "tpu.region"() ({
      %run_scoped3A = tpu.sem_alloc : memref<!tpu.dma_semaphore, #tpu.memory_space<semaphore_mem>>
      %dma_start3A_33 = tpu.memref_slice %arg3[%mul3A_2] : memref<327680xi32, #tpu.memory_space<hbm>> -> memref<128xi32, #tpu.memory_space<hbm>>
      %dma_start3A_34 = tpu.memref_slice %arg3[%mul3A_2] : memref<327680xi32, #tpu.memory_space<hbm>> -> memref<128xi32, #tpu.memory_space<hbm>>
      tpu.enqueue_dma source(%dma_start3A_34 : memref<128xi32, #tpu.memory_space<hbm>>) target(%arg7 : memref<128xi32, #tpu.memory_space<vmem>>) target_semaphore(%run_scoped3A : memref<!tpu.dma_semaphore, #tpu.memory_space<semaphore_mem>>)
      %dma_wait3A = tpu.memref_slice %arg3[%mul3A_2] : memref<327680xi32, #tpu.memory_space<hbm>> -> memref<128xi32, #tpu.memory_space<hbm>>
      %dma_wait3A_35 = tpu.memref_slice %arg3[%mul3A_2] : memref<327680xi32, #tpu.memory_space<hbm>> -> memref<128xi32, #tpu.memory_space<hbm>>
      tpu.wait_dma2 semaphore(%run_scoped3A : memref<!tpu.dma_semaphore, #tpu.memory_space<semaphore_mem>>) src(%dma_wait3A_35 : memref<128xi32, #tpu.memory_space<hbm>>) dst(%arg7 : memref<128xi32, #tpu.memory_space<vmem>>)
      tpu.yield
    }) : () -> ()
    "tpu.region"() ({
      %run_scoped3A = tpu.sem_alloc : memref<!tpu.dma_semaphore, #tpu.memory_space<semaphore_mem>>
      %dma_start3A_33 = tpu.memref_slice %arg4[%mul3A_2] : memref<327680xi32, #tpu.memory_space<hbm>> -> memref<128xi32, #tpu.memory_space<hbm>>
      %dma_start3A_34 = tpu.memref_slice %arg4[%mul3A_2] : memref<327680xi32, #tpu.memory_space<hbm>> -> memref<128xi32, #tpu.memory_space<hbm>>
      tpu.enqueue_dma source(%dma_start3A_34 : memref<128xi32, #tpu.memory_space<hbm>>) target(%arg8 : memref<128xi32, #tpu.memory_space<vmem>>) target_semaphore(%run_scoped3A : memref<!tpu.dma_semaphore, #tpu.memory_space<semaphore_mem>>)
      %dma_wait3A = tpu.memref_slice %arg4[%mul3A_2] : memref<327680xi32, #tpu.memory_space<hbm>> -> memref<128xi32, #tpu.memory_space<hbm>>
      %dma_wait3A_35 = tpu.memref_slice %arg4[%mul3A_2] : memref<327680xi32, #tpu.memory_space<hbm>> -> memref<128xi32, #tpu.memory_space<hbm>>
      tpu.wait_dma2 semaphore(%run_scoped3A : memref<!tpu.dma_semaphore, #tpu.memory_space<semaphore_mem>>) src(%dma_wait3A_35 : memref<128xi32, #tpu.memory_space<hbm>>) dst(%arg8 : memref<128xi32, #tpu.memory_space<vmem>>)
      tpu.yield
    }) : () -> ()
    %dma_start3A = arith.constant 0 : i32
    %dma_start3A_7 = arith.constant 0 : i32
    %dma_start3A_8 = tpu.memref_slice %arg2[%dma_start3A, %dma_start3A_7] : memref<10000x256xbf16, #tpu.memory_space<hbm>> -> memref<10000x256xbf16, #tpu.memory_space<hbm>>
    tpu.enqueue_indirect_dma source(%dma_start3A_8 : memref<10000x256xbf16, #tpu.memory_space<hbm>>) target(%arg9 : memref<128x256xbf16, #tpu.memory_space<vmem>>) offsets(%arg7 : memref<128xi32, #tpu.memory_space<vmem>>) semaphore(%arg15 : memref<!tpu.dma_semaphore, #tpu.memory_space<semaphore_mem>>)
    %add3A_9 = arith.constant 128 : i32
    %add3A_10 = arith.addi %mul3A_2, %add3A_9 : i32
    %dma_start3A_11 = tpu.memref_slice %arg3[%add3A_10] : memref<327680xi32, #tpu.memory_space<hbm>> -> memref<128xi32, #tpu.memory_space<hbm>>
    %dma_start3A_12 = tpu.memref_slice %arg3[%add3A_10] : memref<327680xi32, #tpu.memory_space<hbm>> -> memref<128xi32, #tpu.memory_space<hbm>>
    tpu.enqueue_dma source(%dma_start3A_12 : memref<128xi32, #tpu.memory_space<hbm>>) target(%arg10 : memref<128xi32, #tpu.memory_space<vmem>>) target_semaphore(%arg14 : memref<!tpu.dma_semaphore, #tpu.memory_space<semaphore_mem>>)
    %dma_start3A_13 = tpu.memref_slice %arg4[%add3A_10] : memref<327680xi32, #tpu.memory_space<hbm>> -> memref<128xi32, #tpu.memory_space<hbm>>
    %dma_start3A_14 = tpu.memref_slice %arg4[%add3A_10] : memref<327680xi32, #tpu.memory_space<hbm>> -> memref<128xi32, #tpu.memory_space<hbm>>
    tpu.enqueue_dma source(%dma_start3A_14 : memref<128xi32, #tpu.memory_space<hbm>>) target(%arg11 : memref<128xi32, #tpu.memory_space<vmem>>) target_semaphore(%arg14 : memref<!tpu.dma_semaphore, #tpu.memory_space<semaphore_mem>>)
    %scan3A = arith.constant 0 : i32
    %scan3A_15 = arith.constant 0 : i32
    %scan3A_16 = arith.constant 40 : i32
    %scan3A_17 = arith.addi %scan3A_15, %scan3A_16 : i32
    %scan3A_18 = arith.constant 1 : i32
    scf.for %scan3A_33 = %scan3A_15 to %scan3A_17 step %scan3A_18  : i32 {
      %mul3A_34 = arith.constant 2 : i32
      %mul3A_35 = arith.muli %mul3A_34, %scan3A_33 : i32
      %add3A_36 = arith.constant 1 : i32
      %add3A_37 = arith.addi %mul3A_35, %add3A_36 : i32
      %mul3A_38 = arith.constant 128 : i32
      %mul3A_39 = arith.muli %add3A_37, %mul3A_38 : i32
      %add3A_40 = arith.addi %mul3A_2, %mul3A_39 : i32
      %dma_wait3A = tpu.memref_slice %arg3[%add3A_40] : memref<327680xi32, #tpu.memory_space<hbm>> -> memref<128xi32, #tpu.memory_space<hbm>>
      %dma_wait3A_41 = tpu.memref_slice %arg3[%add3A_40] : memref<327680xi32, #tpu.memory_space<hbm>> -> memref<128xi32, #tpu.memory_space<hbm>>
      tpu.wait_dma2 semaphore(%arg14 : memref<!tpu.dma_semaphore, #tpu.memory_space<semaphore_mem>>) src(%dma_wait3A_41 : memref<128xi32, #tpu.memory_space<hbm>>) dst(%arg10 : memref<128xi32, #tpu.memory_space<vmem>>)
      %dma_wait3A_42 = tpu.memref_slice %arg4[%add3A_40] : memref<327680xi32, #tpu.memory_space<hbm>> -> memref<128xi32, #tpu.memory_space<hbm>>
      %dma_wait3A_43 = tpu.memref_slice %arg4[%add3A_40] : memref<327680xi32, #tpu.memory_space<hbm>> -> memref<128xi32, #tpu.memory_space<hbm>>
      tpu.wait_dma2 semaphore(%arg14 : memref<!tpu.dma_semaphore, #tpu.memory_space<semaphore_mem>>) src(%dma_wait3A_43 : memref<128xi32, #tpu.memory_space<hbm>>) dst(%arg11 : memref<128xi32, #tpu.memory_space<vmem>>)
      %dma_start3A_44 = arith.constant 0 : i32
      %dma_start3A_45 = arith.constant 0 : i32
      %dma_start3A_46 = tpu.memref_slice %arg2[%dma_start3A_44, %dma_start3A_45] : memref<10000x256xbf16, #tpu.memory_space<hbm>> -> memref<10000x256xbf16, #tpu.memory_space<hbm>>
      tpu.enqueue_indirect_dma source(%dma_start3A_46 : memref<10000x256xbf16, #tpu.memory_space<hbm>>) target(%arg12 : memref<128x256xbf16, #tpu.memory_space<vmem>>) offsets(%arg10 : memref<128xi32, #tpu.memory_space<vmem>>) semaphore(%arg16 : memref<!tpu.dma_semaphore, #tpu.memory_space<semaphore_mem>>)
      %dma_wait3A_47 = arith.constant 0 : i32
      %dma_wait3A_48 = arith.constant 0 : i32
      %dma_wait3A_49 = tpu.memref_slice %arg2[%dma_wait3A_47, %dma_wait3A_48] : memref<10000x256xbf16, #tpu.memory_space<hbm>> -> memref<10000x256xbf16, #tpu.memory_space<hbm>>
      tpu.wait_indirect_dma semaphore(%arg15 : memref<!tpu.dma_semaphore, #tpu.memory_space<semaphore_mem>>) src(%dma_wait3A_49 : memref<10000x256xbf16, #tpu.memory_space<hbm>>) dst(%arg9 : memref<128x256xbf16, #tpu.memory_space<vmem>>)
      "tpu.region"() ({
        %run_scoped3A = tpu.sem_alloc : memref<!tpu.dma_semaphore, #tpu.memory_space<semaphore_mem>>
        %dma_start3A_67 = arith.constant 0 : i32
        %dma_start3A_68 = arith.constant 0 : i32
        %dma_start3A_69 = tpu.memref_slice %arg17[%dma_start3A_67, %dma_start3A_68] : memref<10008x256xbf16, #tpu.memory_space<vmem_shared>> -> memref<10008x256xbf16, #tpu.memory_space<vmem_shared>>
        tpu.enqueue_indirect_dma source(%arg9 : memref<128x256xbf16, #tpu.memory_space<vmem>>) target(%dma_start3A_69 : memref<10008x256xbf16, #tpu.memory_space<vmem_shared>>) offsets(%arg8 : memref<128xi32, #tpu.memory_space<vmem>>) semaphore(%run_scoped3A : memref<!tpu.dma_semaphore, #tpu.memory_space<semaphore_mem>>) {add = true}
        %dma_wait3A_70 = arith.constant 0 : i32
        %dma_wait3A_71 = arith.constant 0 : i32
        %dma_wait3A_72 = tpu.memref_slice %arg17[%dma_wait3A_70, %dma_wait3A_71] : memref<10008x256xbf16, #tpu.memory_space<vmem_shared>> -> memref<10008x256xbf16, #tpu.memory_space<vmem_shared>>
        tpu.wait_indirect_dma semaphore(%run_scoped3A : memref<!tpu.dma_semaphore, #tpu.memory_space<semaphore_mem>>) src(%arg9 : memref<128x256xbf16, #tpu.memory_space<vmem>>) dst(%dma_wait3A_72 : memref<10008x256xbf16, #tpu.memory_space<vmem_shared>>)
        tpu.yield
      }) : () -> ()
      %lt3A = arith.constant 39 : i32
      %lt3A_50 = arith.cmpi slt, %scan3A_33, %lt3A : i32
      %convert_element_type3A_51 = arith.extui %lt3A_50 : i1 to i32
      %cond3A_52 = arith.constant 0 : i32
      %cond3A_53 = arith.cmpi ne, %convert_element_type3A_51, %cond3A_52 : i32
      scf.if %cond3A_53 {
        %add3A_67 = arith.constant 2 : i32
        %add3A_68 = arith.addi %mul3A_35, %add3A_67 : i32
        %mul3A_69 = arith.constant 128 : i32
        %mul3A_70 = arith.muli %add3A_68, %mul3A_69 : i32
        %add3A_71 = arith.addi %mul3A_2, %mul3A_70 : i32
        %dma_start3A_72 = tpu.memref_slice %arg3[%add3A_71] : memref<327680xi32, #tpu.memory_space<hbm>> -> memref<128xi32, #tpu.memory_space<hbm>>
        %dma_start3A_73 = tpu.memref_slice %arg3[%add3A_71] : memref<327680xi32, #tpu.memory_space<hbm>> -> memref<128xi32, #tpu.memory_space<hbm>>
        tpu.enqueue_dma source(%dma_start3A_73 : memref<128xi32, #tpu.memory_space<hbm>>) target(%arg7 : memref<128xi32, #tpu.memory_space<vmem>>) target_semaphore(%arg13 : memref<!tpu.dma_semaphore, #tpu.memory_space<semaphore_mem>>)
        %dma_start3A_74 = tpu.memref_slice %arg4[%add3A_71] : memref<327680xi32, #tpu.memory_space<hbm>> -> memref<128xi32, #tpu.memory_space<hbm>>
        %dma_start3A_75 = tpu.memref_slice %arg4[%add3A_71] : memref<327680xi32, #tpu.memory_space<hbm>> -> memref<128xi32, #tpu.memory_space<hbm>>
        tpu.enqueue_dma source(%dma_start3A_75 : memref<128xi32, #tpu.memory_space<hbm>>) target(%arg8 : memref<128xi32, #tpu.memory_space<vmem>>) target_semaphore(%arg13 : memref<!tpu.dma_semaphore, #tpu.memory_space<semaphore_mem>>)
      } else {
      }
      %lt3A_54 = arith.constant 39 : i32
      %lt3A_55 = arith.cmpi slt, %scan3A_33, %lt3A_54 : i32
      %convert_element_type3A_56 = arith.extui %lt3A_55 : i1 to i32
      %cond3A_57 = arith.constant 0 : i32
      %cond3A_58 = arith.cmpi ne, %convert_element_type3A_56, %cond3A_57 : i32
      scf.if %cond3A_58 {
        %add3A_67 = arith.constant 2 : i32
        %add3A_68 = arith.addi %mul3A_35, %add3A_67 : i32
        %mul3A_69 = arith.constant 128 : i32
        %mul3A_70 = arith.muli %add3A_68, %mul3A_69 : i32
        %add3A_71 = arith.addi %mul3A_2, %mul3A_70 : i32
        %dma_wait3A_72 = tpu.memref_slice %arg3[%add3A_71] : memref<327680xi32, #tpu.memory_space<hbm>> -> memref<128xi32, #tpu.memory_space<hbm>>
        %dma_wait3A_73 = tpu.memref_slice %arg3[%add3A_71] : memref<327680xi32, #tpu.memory_space<hbm>> -> memref<128xi32, #tpu.memory_space<hbm>>
        tpu.wait_dma2 semaphore(%arg13 : memref<!tpu.dma_semaphore, #tpu.memory_space<semaphore_mem>>) src(%dma_wait3A_73 : memref<128xi32, #tpu.memory_space<hbm>>) dst(%arg7 : memref<128xi32, #tpu.memory_space<vmem>>)
        %dma_wait3A_74 = tpu.memref_slice %arg4[%add3A_71] : memref<327680xi32, #tpu.memory_space<hbm>> -> memref<128xi32, #tpu.memory_space<hbm>>
        %dma_wait3A_75 = tpu.memref_slice %arg4[%add3A_71] : memref<327680xi32, #tpu.memory_space<hbm>> -> memref<128xi32, #tpu.memory_space<hbm>>
        tpu.wait_dma2 semaphore(%arg13 : memref<!tpu.dma_semaphore, #tpu.memory_space<semaphore_mem>>) src(%dma_wait3A_75 : memref<128xi32, #tpu.memory_space<hbm>>) dst(%arg8 : memref<128xi32, #tpu.memory_space<vmem>>)
        %dma_start3A_76 = arith.constant 0 : i32
        %dma_start3A_77 = arith.constant 0 : i32
        %dma_start3A_78 = tpu.memref_slice %arg2[%dma_start3A_76, %dma_start3A_77] : memref<10000x256xbf16, #tpu.memory_space<hbm>> -> memref<10000x256xbf16, #tpu.memory_space<hbm>>
        tpu.enqueue_indirect_dma source(%dma_start3A_78 : memref<10000x256xbf16, #tpu.memory_space<hbm>>) target(%arg9 : memref<128x256xbf16, #tpu.memory_space<vmem>>) offsets(%arg7 : memref<128xi32, #tpu.memory_space<vmem>>) semaphore(%arg15 : memref<!tpu.dma_semaphore, #tpu.memory_space<semaphore_mem>>)
      } else {
      }
      %dma_wait3A_59 = arith.constant 0 : i32
      %dma_wait3A_60 = arith.constant 0 : i32
      %dma_wait3A_61 = tpu.memref_slice %arg2[%dma_wait3A_59, %dma_wait3A_60] : memref<10000x256xbf16, #tpu.memory_space<hbm>> -> memref<10000x256xbf16, #tpu.memory_space<hbm>>
      tpu.wait_indirect_dma semaphore(%arg16 : memref<!tpu.dma_semaphore, #tpu.memory_space<semaphore_mem>>) src(%dma_wait3A_61 : memref<10000x256xbf16, #tpu.memory_space<hbm>>) dst(%arg12 : memref<128x256xbf16, #tpu.memory_space<vmem>>)
      "tpu.region"() ({
        %run_scoped3A = tpu.sem_alloc : memref<!tpu.dma_semaphore, #tpu.memory_space<semaphore_mem>>
        %dma_start3A_67 = arith.constant 0 : i32
        %dma_start3A_68 = arith.constant 0 : i32
        %dma_start3A_69 = tpu.memref_slice %arg17[%dma_start3A_67, %dma_start3A_68] : memref<10008x256xbf16, #tpu.memory_space<vmem_shared>> -> memref<10008x256xbf16, #tpu.memory_space<vmem_shared>>
        tpu.enqueue_indirect_dma source(%arg12 : memref<128x256xbf16, #tpu.memory_space<vmem>>) target(%dma_start3A_69 : memref<10008x256xbf16, #tpu.memory_space<vmem_shared>>) offsets(%arg11 : memref<128xi32, #tpu.memory_space<vmem>>) semaphore(%run_scoped3A : memref<!tpu.dma_semaphore, #tpu.memory_space<semaphore_mem>>) {add = true}
        %dma_wait3A_70 = arith.constant 0 : i32
        %dma_wait3A_71 = arith.constant 0 : i32
        %dma_wait3A_72 = tpu.memref_slice %arg17[%dma_wait3A_70, %dma_wait3A_71] : memref<10008x256xbf16, #tpu.memory_space<vmem_shared>> -> memref<10008x256xbf16, #tpu.memory_space<vmem_shared>>
        tpu.wait_indirect_dma semaphore(%run_scoped3A : memref<!tpu.dma_semaphore, #tpu.memory_space<semaphore_mem>>) src(%arg12 : memref<128x256xbf16, #tpu.memory_space<vmem>>) dst(%dma_wait3A_72 : memref<10008x256xbf16, #tpu.memory_space<vmem_shared>>)
        tpu.yield
      }) : () -> ()
      %lt3A_62 = arith.constant 39 : i32
      %lt3A_63 = arith.cmpi slt, %scan3A_33, %lt3A_62 : i32
      %convert_element_type3A_64 = arith.extui %lt3A_63 : i1 to i32
      %cond3A_65 = arith.constant 0 : i32
      %cond3A_66 = arith.cmpi ne, %convert_element_type3A_64, %cond3A_65 : i32
      scf.if %cond3A_66 {
        %add3A_67 = arith.constant 3 : i32
        %add3A_68 = arith.addi %mul3A_35, %add3A_67 : i32
        %mul3A_69 = arith.constant 128 : i32
        %mul3A_70 = arith.muli %add3A_68, %mul3A_69 : i32
        %add3A_71 = arith.addi %mul3A_2, %mul3A_70 : i32
        %dma_start3A_72 = tpu.memref_slice %arg3[%add3A_71] : memref<327680xi32, #tpu.memory_space<hbm>> -> memref<128xi32, #tpu.memory_space<hbm>>
        %dma_start3A_73 = tpu.memref_slice %arg3[%add3A_71] : memref<327680xi32, #tpu.memory_space<hbm>> -> memref<128xi32, #tpu.memory_space<hbm>>
        tpu.enqueue_dma source(%dma_start3A_73 : memref<128xi32, #tpu.memory_space<hbm>>) target(%arg10 : memref<128xi32, #tpu.memory_space<vmem>>) target_semaphore(%arg14 : memref<!tpu.dma_semaphore, #tpu.memory_space<semaphore_mem>>)
        %dma_start3A_74 = tpu.memref_slice %arg4[%add3A_71] : memref<327680xi32, #tpu.memory_space<hbm>> -> memref<128xi32, #tpu.memory_space<hbm>>
        %dma_start3A_75 = tpu.memref_slice %arg4[%add3A_71] : memref<327680xi32, #tpu.memory_space<hbm>> -> memref<128xi32, #tpu.memory_space<hbm>>
        tpu.enqueue_dma source(%dma_start3A_75 : memref<128xi32, #tpu.memory_space<hbm>>) target(%arg11 : memref<128xi32, #tpu.memory_space<vmem>>) target_semaphore(%arg14 : memref<!tpu.dma_semaphore, #tpu.memory_space<semaphore_mem>>)
      } else {
      }
    }
    %scan3A_19 = arith.constant 40 : i32
    %barrier3A_20 = arith.constant 0 : index
    tpu.barrier barrier_id(%barrier3A_20)
    %mul3A_21 = arith.constant 624 : i32
    %mul3A_22 = arith.muli %arg1, %mul3A_21 : i32
    %mul3A_23 = arith.constant 10000 : i32
    %mul3A_24 = arith.muli %arg0, %mul3A_23 : i32
    %mul3A_25 = arith.constant 624 : i32
    %mul3A_26 = arith.muli %arg1, %mul3A_25 : i32
    %add3A_27 = arith.addi %mul3A_24, %mul3A_26 : i32
    "tpu.region"() ({
      %run_scoped3A = tpu.sem_alloc : memref<!tpu.dma_semaphore, #tpu.memory_space<semaphore_mem>>
      %dma_start3A_33 = arith.constant 0 : i32
      %dma_start3A_34 = tpu.memref_slice %arg6[%add3A_27, %dma_start3A_33] : memref<20000x256xbf16, #tpu.memory_space<hbm>> -> memref<624x256xbf16, #tpu.memory_space<hbm>>
      %dma_start3A_35 = arith.constant 0 : i32
      %dma_start3A_36 = tpu.memref_slice %arg17[%mul3A_22, %dma_start3A_35] : memref<10008x256xbf16, #tpu.memory_space<vmem_shared>> -> memref<624x256xbf16, #tpu.memory_space<vmem_shared>>
      tpu.enqueue_dma source(%dma_start3A_36 : memref<624x256xbf16, #tpu.memory_space<vmem_shared>>) target(%dma_start3A_34 : memref<624x256xbf16, #tpu.memory_space<hbm>>) target_semaphore(%run_scoped3A : memref<!tpu.dma_semaphore, #tpu.memory_space<semaphore_mem>>)
      %dma_wait3A = arith.constant 0 : i32
      %dma_wait3A_37 = tpu.memref_slice %arg6[%add3A_27, %dma_wait3A] : memref<20000x256xbf16, #tpu.memory_space<hbm>> -> memref<624x256xbf16, #tpu.memory_space<hbm>>
      %dma_wait3A_38 = arith.constant 0 : i32
      %dma_wait3A_39 = tpu.memref_slice %arg17[%mul3A_22, %dma_wait3A_38] : memref<10008x256xbf16, #tpu.memory_space<vmem_shared>> -> memref<624x256xbf16, #tpu.memory_space<vmem_shared>>
      tpu.wait_dma2 semaphore(%run_scoped3A : memref<!tpu.dma_semaphore, #tpu.memory_space<semaphore_mem>>) src(%dma_wait3A_39 : memref<624x256xbf16, #tpu.memory_space<vmem_shared>>) dst(%dma_wait3A_37 : memref<624x256xbf16, #tpu.memory_space<hbm>>)
      tpu.yield
    }) : () -> ()
    %eq3A_28 = arith.constant 0 : i32
    %eq3A_29 = arith.cmpi eq, %arg1, %eq3A_28 : i32
    %convert_element_type3A_30 = arith.extui %eq3A_29 : i1 to i32
    %cond3A_31 = arith.constant 0 : i32
    %cond3A_32 = arith.cmpi ne, %convert_element_type3A_30, %cond3A_31 : i32
    scf.if %cond3A_32 {
      %mul3A_33 = arith.constant 10000 : i32
      %mul3A_34 = arith.muli %arg0, %mul3A_33 : i32
      %add3A_35 = arith.constant 9984 : i32
      %add3A_36 = arith.addi %mul3A_34, %add3A_35 : i32
      "tpu.region"() ({
        %run_scoped3A = tpu.sem_alloc : memref<!tpu.dma_semaphore, #tpu.memory_space<semaphore_mem>>
        %dma_start3A_37 = arith.constant 0 : i32
        %dma_start3A_38 = tpu.memref_slice %arg6[%add3A_36, %dma_start3A_37] : memref<20000x256xbf16, #tpu.memory_space<hbm>> -> memref<16x256xbf16, #tpu.memory_space<hbm>>
        %dma_start3A_39 = arith.constant 9984 : i32
        %dma_start3A_40 = arith.constant 0 : i32
        %dma_start3A_41 = tpu.memref_slice %arg17[%dma_start3A_39, %dma_start3A_40] : memref<10008x256xbf16, #tpu.memory_space<vmem_shared>> -> memref<16x256xbf16, #tpu.memory_space<vmem_shared>>
        tpu.enqueue_dma source(%dma_start3A_41 : memref<16x256xbf16, #tpu.memory_space<vmem_shared>>) target(%dma_start3A_38 : memref<16x256xbf16, #tpu.memory_space<hbm>>) target_semaphore(%run_scoped3A : memref<!tpu.dma_semaphore, #tpu.memory_space<semaphore_mem>>)
        %dma_wait3A = arith.constant 0 : i32
        %dma_wait3A_42 = tpu.memref_slice %arg6[%add3A_36, %dma_wait3A] : memref<20000x256xbf16, #tpu.memory_space<hbm>> -> memref<16x256xbf16, #tpu.memory_space<hbm>>
        %dma_wait3A_43 = arith.constant 9984 : i32
        %dma_wait3A_44 = arith.constant 0 : i32
        %dma_wait3A_45 = tpu.memref_slice %arg17[%dma_wait3A_43, %dma_wait3A_44] : memref<10008x256xbf16, #tpu.memory_space<vmem_shared>> -> memref<16x256xbf16, #tpu.memory_space<vmem_shared>>
        tpu.wait_dma2 semaphore(%run_scoped3A : memref<!tpu.dma_semaphore, #tpu.memory_space<semaphore_mem>>) src(%dma_wait3A_45 : memref<16x256xbf16, #tpu.memory_space<vmem_shared>>) dst(%dma_wait3A_42 : memref<16x256xbf16, #tpu.memory_space<hbm>>)
        tpu.yield
      }) : () -> ()
    } else {
    }
    return
  }
}

#map = affine_map<(d0, d1) -> (0, 0)>
#map1 = affine_map<(d0, d1) -> (0)>
module attributes {stable_mosaic.version = 14 : i64} {
  func.func @body(%arg0: i32, %arg1: i32, %arg2: memref<10000x128xf32, #tpu.memory_space<hbm>>, %arg3: memref<327680xi32, #tpu.memory_space<hbm>>, %arg4: memref<327680xi32, #tpu.memory_space<hbm>>, %arg5: memref<624x128xf32, #tpu.memory_space<hbm>>, %arg6: memref<20000x128xf32, #tpu.memory_space<hbm>>, %arg7: memref<128xi32, #tpu.memory_space<vmem>>, %arg8: memref<128xi32, #tpu.memory_space<vmem>>, %arg9: memref<128x128xf32, #tpu.memory_space<vmem>>, %arg10: memref<128xi32, #tpu.memory_space<vmem>>, %arg11: memref<128xi32, #tpu.memory_space<vmem>>, %arg12: memref<128x128xf32, #tpu.memory_space<vmem>>, %arg13: memref<!tpu.dma_semaphore, #tpu.memory_space<semaphore_mem>>, %arg14: memref<!tpu.dma_semaphore, #tpu.memory_space<semaphore_mem>>, %arg15: memref<!tpu.dma_semaphore, #tpu.memory_space<semaphore_mem>>, %arg16: memref<!tpu.dma_semaphore, #tpu.memory_space<semaphore_mem>>, %arg17: memref<10008x128xf32, #tpu.memory_space<vmem_shared>>) attributes {dimension_semantics = [#tpu.dimension_semantics<core_parallel>, #tpu.dimension_semantics<subcore_parallel>], iteration_bounds = array<i64: 2, 16>, scalar_prefetch = 0 : i64, scratch_operands = 11 : i64, tpu.core_type = #tpu.core_type<sc_vector_subcore>, window_params = [{transform_indices = #map}, {transform_indices = #map1}, {transform_indices = #map1}, {transform_indices = #map}, {transform_indices = #map}]} {
    %mul3A = arith.constant 16 : i32
    %mul3A_0 = arith.muli %arg0, %mul3A : i32
    %add3A = arith.addi %mul3A_0, %arg1 : i32
    %mul3A_1 = arith.constant 10240 : i32
    %mul3A_2 = arith.muli %add3A, %mul3A_1 : i32
    %mul3A_3 = arith.constant 624 : i32
    %mul3A_4 = arith.muli %arg1, %mul3A_3 : i32
    "tpu.region"() ({
      %run_scoped3A = tpu.sem_alloc : memref<!tpu.dma_semaphore, #tpu.memory_space<semaphore_mem>>
      %dma_start3A_33 = arith.constant 0 : i32
      %dma_start3A_34 = tpu.memref_slice %arg17[%mul3A_4, %dma_start3A_33] : memref<10008x128xf32, #tpu.memory_space<vmem_shared>> -> memref<624x128xf32, #tpu.memory_space<vmem_shared>>
      tpu.enqueue_dma source(%arg5 : memref<624x128xf32, #tpu.memory_space<hbm>>) target(%dma_start3A_34 : memref<624x128xf32, #tpu.memory_space<vmem_shared>>) target_semaphore(%run_scoped3A : memref<!tpu.dma_semaphore, #tpu.memory_space<semaphore_mem>>)
      %dma_wait3A = arith.constant 0 : i32
      %dma_wait3A_35 = tpu.memref_slice %arg17[%mul3A_4, %dma_wait3A] : memref<10008x128xf32, #tpu.memory_space<vmem_shared>> -> memref<624x128xf32, #tpu.memory_space<vmem_shared>>
      tpu.wait_dma2 semaphore(%run_scoped3A : memref<!tpu.dma_semaphore, #tpu.memory_space<semaphore_mem>>) src(%arg5 : memref<624x128xf32, #tpu.memory_space<hbm>>) dst(%dma_wait3A_35 : memref<624x128xf32, #tpu.memory_space<vmem_shared>>)
      tpu.yield
    }) : () -> ()
    %eq3A = arith.constant 0 : i32
    %eq3A_5 = arith.cmpi eq, %arg1, %eq3A : i32
    %convert_element_type3A = arith.extui %eq3A_5 : i1 to i32
    %cond3A = arith.constant 0 : i32
    %cond3A_6 = arith.cmpi ne, %convert_element_type3A, %cond3A : i32
    scf.if %cond3A_6 {
      "tpu.region"() ({
        %run_scoped3A = tpu.sem_alloc : memref<!tpu.dma_semaphore, #tpu.memory_space<semaphore_mem>>
        %dma_start3A_33 = arith.constant 9984 : i32
        %dma_start3A_34 = arith.constant 0 : i32
        %dma_start3A_35 = tpu.memref_slice %arg17[%dma_start3A_33, %dma_start3A_34] : memref<10008x128xf32, #tpu.memory_space<vmem_shared>> -> memref<24x128xf32, #tpu.memory_space<vmem_shared>>
        %dma_start3A_36 = arith.constant 0 : i32
        %dma_start3A_37 = arith.constant 0 : i32
        %dma_start3A_38 = tpu.memref_slice %arg5[%dma_start3A_36, %dma_start3A_37] : memref<624x128xf32, #tpu.memory_space<hbm>> -> memref<24x128xf32, #tpu.memory_space<hbm>>
        tpu.enqueue_dma source(%dma_start3A_38 : memref<24x128xf32, #tpu.memory_space<hbm>>) target(%dma_start3A_35 : memref<24x128xf32, #tpu.memory_space<vmem_shared>>) target_semaphore(%run_scoped3A : memref<!tpu.dma_semaphore, #tpu.memory_space<semaphore_mem>>)
        %dma_wait3A = arith.constant 9984 : i32
        %dma_wait3A_39 = arith.constant 0 : i32
        %dma_wait3A_40 = tpu.memref_slice %arg17[%dma_wait3A, %dma_wait3A_39] : memref<10008x128xf32, #tpu.memory_space<vmem_shared>> -> memref<24x128xf32, #tpu.memory_space<vmem_shared>>
        %dma_wait3A_41 = arith.constant 0 : i32
        %dma_wait3A_42 = arith.constant 0 : i32
        %dma_wait3A_43 = tpu.memref_slice %arg5[%dma_wait3A_41, %dma_wait3A_42] : memref<624x128xf32, #tpu.memory_space<hbm>> -> memref<24x128xf32, #tpu.memory_space<hbm>>
        tpu.wait_dma2 semaphore(%run_scoped3A : memref<!tpu.dma_semaphore, #tpu.memory_space<semaphore_mem>>) src(%dma_wait3A_43 : memref<24x128xf32, #tpu.memory_space<hbm>>) dst(%dma_wait3A_40 : memref<24x128xf32, #tpu.memory_space<vmem_shared>>)
        tpu.yield
      }) : () -> ()
    } else {
    }
    %barrier3A = arith.constant 0 : index
    tpu.barrier barrier_id(%barrier3A)
    "tpu.region"() ({
      %run_scoped3A = tpu.sem_alloc : memref<!tpu.dma_semaphore, #tpu.memory_space<semaphore_mem>>
      %dma_start3A_33 = tpu.memref_slice %arg3[%mul3A_2] : memref<327680xi32, #tpu.memory_space<hbm>> -> memref<128xi32, #tpu.memory_space<hbm>>
      %dma_start3A_34 = tpu.memref_slice %arg3[%mul3A_2] : memref<327680xi32, #tpu.memory_space<hbm>> -> memref<128xi32, #tpu.memory_space<hbm>>
      tpu.enqueue_dma source(%dma_start3A_34 : memref<128xi32, #tpu.memory_space<hbm>>) target(%arg7 : memref<128xi32, #tpu.memory_space<vmem>>) target_semaphore(%run_scoped3A : memref<!tpu.dma_semaphore, #tpu.memory_space<semaphore_mem>>)
      %dma_wait3A = tpu.memref_slice %arg3[%mul3A_2] : memref<327680xi32, #tpu.memory_space<hbm>> -> memref<128xi32, #tpu.memory_space<hbm>>
      %dma_wait3A_35 = tpu.memref_slice %arg3[%mul3A_2] : memref<327680xi32, #tpu.memory_space<hbm>> -> memref<128xi32, #tpu.memory_space<hbm>>
      tpu.wait_dma2 semaphore(%run_scoped3A : memref<!tpu.dma_semaphore, #tpu.memory_space<semaphore_mem>>) src(%dma_wait3A_35 : memref<128xi32, #tpu.memory_space<hbm>>) dst(%arg7 : memref<128xi32, #tpu.memory_space<vmem>>)
      tpu.yield
    }) : () -> ()
    "tpu.region"() ({
      %run_scoped3A = tpu.sem_alloc : memref<!tpu.dma_semaphore, #tpu.memory_space<semaphore_mem>>
      %dma_start3A_33 = tpu.memref_slice %arg4[%mul3A_2] : memref<327680xi32, #tpu.memory_space<hbm>> -> memref<128xi32, #tpu.memory_space<hbm>>
      %dma_start3A_34 = tpu.memref_slice %arg4[%mul3A_2] : memref<327680xi32, #tpu.memory_space<hbm>> -> memref<128xi32, #tpu.memory_space<hbm>>
      tpu.enqueue_dma source(%dma_start3A_34 : memref<128xi32, #tpu.memory_space<hbm>>) target(%arg8 : memref<128xi32, #tpu.memory_space<vmem>>) target_semaphore(%run_scoped3A : memref<!tpu.dma_semaphore, #tpu.memory_space<semaphore_mem>>)
      %dma_wait3A = tpu.memref_slice %arg4[%mul3A_2] : memref<327680xi32, #tpu.memory_space<hbm>> -> memref<128xi32, #tpu.memory_space<hbm>>
      %dma_wait3A_35 = tpu.memref_slice %arg4[%mul3A_2] : memref<327680xi32, #tpu.memory_space<hbm>> -> memref<128xi32, #tpu.memory_space<hbm>>
      tpu.wait_dma2 semaphore(%run_scoped3A : memref<!tpu.dma_semaphore, #tpu.memory_space<semaphore_mem>>) src(%dma_wait3A_35 : memref<128xi32, #tpu.memory_space<hbm>>) dst(%arg8 : memref<128xi32, #tpu.memory_space<vmem>>)
      tpu.yield
    }) : () -> ()
    %dma_start3A = arith.constant 0 : i32
    %dma_start3A_7 = arith.constant 0 : i32
    %dma_start3A_8 = tpu.memref_slice %arg2[%dma_start3A, %dma_start3A_7] : memref<10000x128xf32, #tpu.memory_space<hbm>> -> memref<10000x128xf32, #tpu.memory_space<hbm>>
    tpu.enqueue_indirect_dma source(%dma_start3A_8 : memref<10000x128xf32, #tpu.memory_space<hbm>>) target(%arg9 : memref<128x128xf32, #tpu.memory_space<vmem>>) offsets(%arg7 : memref<128xi32, #tpu.memory_space<vmem>>) semaphore(%arg15 : memref<!tpu.dma_semaphore, #tpu.memory_space<semaphore_mem>>)
    %add3A_9 = arith.constant 128 : i32
    %add3A_10 = arith.addi %mul3A_2, %add3A_9 : i32
    %dma_start3A_11 = tpu.memref_slice %arg3[%add3A_10] : memref<327680xi32, #tpu.memory_space<hbm>> -> memref<128xi32, #tpu.memory_space<hbm>>
    %dma_start3A_12 = tpu.memref_slice %arg3[%add3A_10] : memref<327680xi32, #tpu.memory_space<hbm>> -> memref<128xi32, #tpu.memory_space<hbm>>
    tpu.enqueue_dma source(%dma_start3A_12 : memref<128xi32, #tpu.memory_space<hbm>>) target(%arg10 : memref<128xi32, #tpu.memory_space<vmem>>) target_semaphore(%arg14 : memref<!tpu.dma_semaphore, #tpu.memory_space<semaphore_mem>>)
    %dma_start3A_13 = tpu.memref_slice %arg4[%add3A_10] : memref<327680xi32, #tpu.memory_space<hbm>> -> memref<128xi32, #tpu.memory_space<hbm>>
    %dma_start3A_14 = tpu.memref_slice %arg4[%add3A_10] : memref<327680xi32, #tpu.memory_space<hbm>> -> memref<128xi32, #tpu.memory_space<hbm>>
    tpu.enqueue_dma source(%dma_start3A_14 : memref<128xi32, #tpu.memory_space<hbm>>) target(%arg11 : memref<128xi32, #tpu.memory_space<vmem>>) target_semaphore(%arg14 : memref<!tpu.dma_semaphore, #tpu.memory_space<semaphore_mem>>)
    %scan3A = arith.constant 0 : i32
    %scan3A_15 = arith.constant 0 : i32
    %scan3A_16 = arith.constant 40 : i32
    %scan3A_17 = arith.addi %scan3A_15, %scan3A_16 : i32
    %scan3A_18 = arith.constant 1 : i32
    scf.for %scan3A_33 = %scan3A_15 to %scan3A_17 step %scan3A_18  : i32 {
      %mul3A_34 = arith.constant 2 : i32
      %mul3A_35 = arith.muli %mul3A_34, %scan3A_33 : i32
      %add3A_36 = arith.constant 1 : i32
      %add3A_37 = arith.addi %mul3A_35, %add3A_36 : i32
      %mul3A_38 = arith.constant 128 : i32
      %mul3A_39 = arith.muli %add3A_37, %mul3A_38 : i32
      %add3A_40 = arith.addi %mul3A_2, %mul3A_39 : i32
      %dma_wait3A = tpu.memref_slice %arg3[%add3A_40] : memref<327680xi32, #tpu.memory_space<hbm>> -> memref<128xi32, #tpu.memory_space<hbm>>
      %dma_wait3A_41 = tpu.memref_slice %arg3[%add3A_40] : memref<327680xi32, #tpu.memory_space<hbm>> -> memref<128xi32, #tpu.memory_space<hbm>>
      tpu.wait_dma2 semaphore(%arg14 : memref<!tpu.dma_semaphore, #tpu.memory_space<semaphore_mem>>) src(%dma_wait3A_41 : memref<128xi32, #tpu.memory_space<hbm>>) dst(%arg10 : memref<128xi32, #tpu.memory_space<vmem>>)
      %dma_wait3A_42 = tpu.memref_slice %arg4[%add3A_40] : memref<327680xi32, #tpu.memory_space<hbm>> -> memref<128xi32, #tpu.memory_space<hbm>>
      %dma_wait3A_43 = tpu.memref_slice %arg4[%add3A_40] : memref<327680xi32, #tpu.memory_space<hbm>> -> memref<128xi32, #tpu.memory_space<hbm>>
      tpu.wait_dma2 semaphore(%arg14 : memref<!tpu.dma_semaphore, #tpu.memory_space<semaphore_mem>>) src(%dma_wait3A_43 : memref<128xi32, #tpu.memory_space<hbm>>) dst(%arg11 : memref<128xi32, #tpu.memory_space<vmem>>)
      %dma_start3A_44 = arith.constant 0 : i32
      %dma_start3A_45 = arith.constant 0 : i32
      %dma_start3A_46 = tpu.memref_slice %arg2[%dma_start3A_44, %dma_start3A_45] : memref<10000x128xf32, #tpu.memory_space<hbm>> -> memref<10000x128xf32, #tpu.memory_space<hbm>>
      tpu.enqueue_indirect_dma source(%dma_start3A_46 : memref<10000x128xf32, #tpu.memory_space<hbm>>) target(%arg12 : memref<128x128xf32, #tpu.memory_space<vmem>>) offsets(%arg10 : memref<128xi32, #tpu.memory_space<vmem>>) semaphore(%arg16 : memref<!tpu.dma_semaphore, #tpu.memory_space<semaphore_mem>>)
      %dma_wait3A_47 = arith.constant 0 : i32
      %dma_wait3A_48 = arith.constant 0 : i32
      %dma_wait3A_49 = tpu.memref_slice %arg2[%dma_wait3A_47, %dma_wait3A_48] : memref<10000x128xf32, #tpu.memory_space<hbm>> -> memref<10000x128xf32, #tpu.memory_space<hbm>>
      tpu.wait_indirect_dma semaphore(%arg15 : memref<!tpu.dma_semaphore, #tpu.memory_space<semaphore_mem>>) src(%dma_wait3A_49 : memref<10000x128xf32, #tpu.memory_space<hbm>>) dst(%arg9 : memref<128x128xf32, #tpu.memory_space<vmem>>)
      "tpu.region"() ({
        %run_scoped3A = tpu.sem_alloc : memref<!tpu.dma_semaphore, #tpu.memory_space<semaphore_mem>>
        %dma_start3A_67 = arith.constant 0 : i32
        %dma_start3A_68 = arith.constant 0 : i32
        %dma_start3A_69 = tpu.memref_slice %arg17[%dma_start3A_67, %dma_start3A_68] : memref<10008x128xf32, #tpu.memory_space<vmem_shared>> -> memref<10008x128xf32, #tpu.memory_space<vmem_shared>>
        tpu.enqueue_indirect_dma source(%arg9 : memref<128x128xf32, #tpu.memory_space<vmem>>) target(%dma_start3A_69 : memref<10008x128xf32, #tpu.memory_space<vmem_shared>>) offsets(%arg8 : memref<128xi32, #tpu.memory_space<vmem>>) semaphore(%run_scoped3A : memref<!tpu.dma_semaphore, #tpu.memory_space<semaphore_mem>>) {add = true}
        %dma_wait3A_70 = arith.constant 0 : i32
        %dma_wait3A_71 = arith.constant 0 : i32
        %dma_wait3A_72 = tpu.memref_slice %arg17[%dma_wait3A_70, %dma_wait3A_71] : memref<10008x128xf32, #tpu.memory_space<vmem_shared>> -> memref<10008x128xf32, #tpu.memory_space<vmem_shared>>
        tpu.wait_indirect_dma semaphore(%run_scoped3A : memref<!tpu.dma_semaphore, #tpu.memory_space<semaphore_mem>>) src(%arg9 : memref<128x128xf32, #tpu.memory_space<vmem>>) dst(%dma_wait3A_72 : memref<10008x128xf32, #tpu.memory_space<vmem_shared>>)
        tpu.yield
      }) : () -> ()
      %lt3A = arith.constant 39 : i32
      %lt3A_50 = arith.cmpi slt, %scan3A_33, %lt3A : i32
      %convert_element_type3A_51 = arith.extui %lt3A_50 : i1 to i32
      %cond3A_52 = arith.constant 0 : i32
      %cond3A_53 = arith.cmpi ne, %convert_element_type3A_51, %cond3A_52 : i32
      scf.if %cond3A_53 {
        %add3A_67 = arith.constant 2 : i32
        %add3A_68 = arith.addi %mul3A_35, %add3A_67 : i32
        %mul3A_69 = arith.constant 128 : i32
        %mul3A_70 = arith.muli %add3A_68, %mul3A_69 : i32
        %add3A_71 = arith.addi %mul3A_2, %mul3A_70 : i32
        %dma_start3A_72 = tpu.memref_slice %arg3[%add3A_71] : memref<327680xi32, #tpu.memory_space<hbm>> -> memref<128xi32, #tpu.memory_space<hbm>>
        %dma_start3A_73 = tpu.memref_slice %arg3[%add3A_71] : memref<327680xi32, #tpu.memory_space<hbm>> -> memref<128xi32, #tpu.memory_space<hbm>>
        tpu.enqueue_dma source(%dma_start3A_73 : memref<128xi32, #tpu.memory_space<hbm>>) target(%arg7 : memref<128xi32, #tpu.memory_space<vmem>>) target_semaphore(%arg13 : memref<!tpu.dma_semaphore, #tpu.memory_space<semaphore_mem>>)
        %dma_start3A_74 = tpu.memref_slice %arg4[%add3A_71] : memref<327680xi32, #tpu.memory_space<hbm>> -> memref<128xi32, #tpu.memory_space<hbm>>
        %dma_start3A_75 = tpu.memref_slice %arg4[%add3A_71] : memref<327680xi32, #tpu.memory_space<hbm>> -> memref<128xi32, #tpu.memory_space<hbm>>
        tpu.enqueue_dma source(%dma_start3A_75 : memref<128xi32, #tpu.memory_space<hbm>>) target(%arg8 : memref<128xi32, #tpu.memory_space<vmem>>) target_semaphore(%arg13 : memref<!tpu.dma_semaphore, #tpu.memory_space<semaphore_mem>>)
      } else {
      }
      %lt3A_54 = arith.constant 39 : i32
      %lt3A_55 = arith.cmpi slt, %scan3A_33, %lt3A_54 : i32
      %convert_element_type3A_56 = arith.extui %lt3A_55 : i1 to i32
      %cond3A_57 = arith.constant 0 : i32
      %cond3A_58 = arith.cmpi ne, %convert_element_type3A_56, %cond3A_57 : i32
      scf.if %cond3A_58 {
        %add3A_67 = arith.constant 2 : i32
        %add3A_68 = arith.addi %mul3A_35, %add3A_67 : i32
        %mul3A_69 = arith.constant 128 : i32
        %mul3A_70 = arith.muli %add3A_68, %mul3A_69 : i32
        %add3A_71 = arith.addi %mul3A_2, %mul3A_70 : i32
        %dma_wait3A_72 = tpu.memref_slice %arg3[%add3A_71] : memref<327680xi32, #tpu.memory_space<hbm>> -> memref<128xi32, #tpu.memory_space<hbm>>
        %dma_wait3A_73 = tpu.memref_slice %arg3[%add3A_71] : memref<327680xi32, #tpu.memory_space<hbm>> -> memref<128xi32, #tpu.memory_space<hbm>>
        tpu.wait_dma2 semaphore(%arg13 : memref<!tpu.dma_semaphore, #tpu.memory_space<semaphore_mem>>) src(%dma_wait3A_73 : memref<128xi32, #tpu.memory_space<hbm>>) dst(%arg7 : memref<128xi32, #tpu.memory_space<vmem>>)
        %dma_wait3A_74 = tpu.memref_slice %arg4[%add3A_71] : memref<327680xi32, #tpu.memory_space<hbm>> -> memref<128xi32, #tpu.memory_space<hbm>>
        %dma_wait3A_75 = tpu.memref_slice %arg4[%add3A_71] : memref<327680xi32, #tpu.memory_space<hbm>> -> memref<128xi32, #tpu.memory_space<hbm>>
        tpu.wait_dma2 semaphore(%arg13 : memref<!tpu.dma_semaphore, #tpu.memory_space<semaphore_mem>>) src(%dma_wait3A_75 : memref<128xi32, #tpu.memory_space<hbm>>) dst(%arg8 : memref<128xi32, #tpu.memory_space<vmem>>)
        %dma_start3A_76 = arith.constant 0 : i32
        %dma_start3A_77 = arith.constant 0 : i32
        %dma_start3A_78 = tpu.memref_slice %arg2[%dma_start3A_76, %dma_start3A_77] : memref<10000x128xf32, #tpu.memory_space<hbm>> -> memref<10000x128xf32, #tpu.memory_space<hbm>>
        tpu.enqueue_indirect_dma source(%dma_start3A_78 : memref<10000x128xf32, #tpu.memory_space<hbm>>) target(%arg9 : memref<128x128xf32, #tpu.memory_space<vmem>>) offsets(%arg7 : memref<128xi32, #tpu.memory_space<vmem>>) semaphore(%arg15 : memref<!tpu.dma_semaphore, #tpu.memory_space<semaphore_mem>>)
      } else {
      }
      %dma_wait3A_59 = arith.constant 0 : i32
      %dma_wait3A_60 = arith.constant 0 : i32
      %dma_wait3A_61 = tpu.memref_slice %arg2[%dma_wait3A_59, %dma_wait3A_60] : memref<10000x128xf32, #tpu.memory_space<hbm>> -> memref<10000x128xf32, #tpu.memory_space<hbm>>
      tpu.wait_indirect_dma semaphore(%arg16 : memref<!tpu.dma_semaphore, #tpu.memory_space<semaphore_mem>>) src(%dma_wait3A_61 : memref<10000x128xf32, #tpu.memory_space<hbm>>) dst(%arg12 : memref<128x128xf32, #tpu.memory_space<vmem>>)
      "tpu.region"() ({
        %run_scoped3A = tpu.sem_alloc : memref<!tpu.dma_semaphore, #tpu.memory_space<semaphore_mem>>
        %dma_start3A_67 = arith.constant 0 : i32
        %dma_start3A_68 = arith.constant 0 : i32
        %dma_start3A_69 = tpu.memref_slice %arg17[%dma_start3A_67, %dma_start3A_68] : memref<10008x128xf32, #tpu.memory_space<vmem_shared>> -> memref<10008x128xf32, #tpu.memory_space<vmem_shared>>
        tpu.enqueue_indirect_dma source(%arg12 : memref<128x128xf32, #tpu.memory_space<vmem>>) target(%dma_start3A_69 : memref<10008x128xf32, #tpu.memory_space<vmem_shared>>) offsets(%arg11 : memref<128xi32, #tpu.memory_space<vmem>>) semaphore(%run_scoped3A : memref<!tpu.dma_semaphore, #tpu.memory_space<semaphore_mem>>) {add = true}
        %dma_wait3A_70 = arith.constant 0 : i32
        %dma_wait3A_71 = arith.constant 0 : i32
        %dma_wait3A_72 = tpu.memref_slice %arg17[%dma_wait3A_70, %dma_wait3A_71] : memref<10008x128xf32, #tpu.memory_space<vmem_shared>> -> memref<10008x128xf32, #tpu.memory_space<vmem_shared>>
        tpu.wait_indirect_dma semaphore(%run_scoped3A : memref<!tpu.dma_semaphore, #tpu.memory_space<semaphore_mem>>) src(%arg12 : memref<128x128xf32, #tpu.memory_space<vmem>>) dst(%dma_wait3A_72 : memref<10008x128xf32, #tpu.memory_space<vmem_shared>>)
        tpu.yield
      }) : () -> ()
      %lt3A_62 = arith.constant 39 : i32
      %lt3A_63 = arith.cmpi slt, %scan3A_33, %lt3A_62 : i32
      %convert_element_type3A_64 = arith.extui %lt3A_63 : i1 to i32
      %cond3A_65 = arith.constant 0 : i32
      %cond3A_66 = arith.cmpi ne, %convert_element_type3A_64, %cond3A_65 : i32
      scf.if %cond3A_66 {
        %add3A_67 = arith.constant 3 : i32
        %add3A_68 = arith.addi %mul3A_35, %add3A_67 : i32
        %mul3A_69 = arith.constant 128 : i32
        %mul3A_70 = arith.muli %add3A_68, %mul3A_69 : i32
        %add3A_71 = arith.addi %mul3A_2, %mul3A_70 : i32
        %dma_start3A_72 = tpu.memref_slice %arg3[%add3A_71] : memref<327680xi32, #tpu.memory_space<hbm>> -> memref<128xi32, #tpu.memory_space<hbm>>
        %dma_start3A_73 = tpu.memref_slice %arg3[%add3A_71] : memref<327680xi32, #tpu.memory_space<hbm>> -> memref<128xi32, #tpu.memory_space<hbm>>
        tpu.enqueue_dma source(%dma_start3A_73 : memref<128xi32, #tpu.memory_space<hbm>>) target(%arg10 : memref<128xi32, #tpu.memory_space<vmem>>) target_semaphore(%arg14 : memref<!tpu.dma_semaphore, #tpu.memory_space<semaphore_mem>>)
        %dma_start3A_74 = tpu.memref_slice %arg4[%add3A_71] : memref<327680xi32, #tpu.memory_space<hbm>> -> memref<128xi32, #tpu.memory_space<hbm>>
        %dma_start3A_75 = tpu.memref_slice %arg4[%add3A_71] : memref<327680xi32, #tpu.memory_space<hbm>> -> memref<128xi32, #tpu.memory_space<hbm>>
        tpu.enqueue_dma source(%dma_start3A_75 : memref<128xi32, #tpu.memory_space<hbm>>) target(%arg11 : memref<128xi32, #tpu.memory_space<vmem>>) target_semaphore(%arg14 : memref<!tpu.dma_semaphore, #tpu.memory_space<semaphore_mem>>)
      } else {
      }
    }
    %scan3A_19 = arith.constant 40 : i32
    %barrier3A_20 = arith.constant 0 : index
    tpu.barrier barrier_id(%barrier3A_20)
    %mul3A_21 = arith.constant 624 : i32
    %mul3A_22 = arith.muli %arg1, %mul3A_21 : i32
    %mul3A_23 = arith.constant 10000 : i32
    %mul3A_24 = arith.muli %arg0, %mul3A_23 : i32
    %mul3A_25 = arith.constant 624 : i32
    %mul3A_26 = arith.muli %arg1, %mul3A_25 : i32
    %add3A_27 = arith.addi %mul3A_24, %mul3A_26 : i32
    "tpu.region"() ({
      %run_scoped3A = tpu.sem_alloc : memref<!tpu.dma_semaphore, #tpu.memory_space<semaphore_mem>>
      %dma_start3A_33 = arith.constant 0 : i32
      %dma_start3A_34 = tpu.memref_slice %arg6[%add3A_27, %dma_start3A_33] : memref<20000x128xf32, #tpu.memory_space<hbm>> -> memref<624x128xf32, #tpu.memory_space<hbm>>
      %dma_start3A_35 = arith.constant 0 : i32
      %dma_start3A_36 = tpu.memref_slice %arg17[%mul3A_22, %dma_start3A_35] : memref<10008x128xf32, #tpu.memory_space<vmem_shared>> -> memref<624x128xf32, #tpu.memory_space<vmem_shared>>
      tpu.enqueue_dma source(%dma_start3A_36 : memref<624x128xf32, #tpu.memory_space<vmem_shared>>) target(%dma_start3A_34 : memref<624x128xf32, #tpu.memory_space<hbm>>) target_semaphore(%run_scoped3A : memref<!tpu.dma_semaphore, #tpu.memory_space<semaphore_mem>>)
      %dma_wait3A = arith.constant 0 : i32
      %dma_wait3A_37 = tpu.memref_slice %arg6[%add3A_27, %dma_wait3A] : memref<20000x128xf32, #tpu.memory_space<hbm>> -> memref<624x128xf32, #tpu.memory_space<hbm>>
      %dma_wait3A_38 = arith.constant 0 : i32
      %dma_wait3A_39 = tpu.memref_slice %arg17[%mul3A_22, %dma_wait3A_38] : memref<10008x128xf32, #tpu.memory_space<vmem_shared>> -> memref<624x128xf32, #tpu.memory_space<vmem_shared>>
      tpu.wait_dma2 semaphore(%run_scoped3A : memref<!tpu.dma_semaphore, #tpu.memory_space<semaphore_mem>>) src(%dma_wait3A_39 : memref<624x128xf32, #tpu.memory_space<vmem_shared>>) dst(%dma_wait3A_37 : memref<624x128xf32, #tpu.memory_space<hbm>>)
      tpu.yield
    }) : () -> ()
    %eq3A_28 = arith.constant 0 : i32
    %eq3A_29 = arith.cmpi eq, %arg1, %eq3A_28 : i32
    %convert_element_type3A_30 = arith.extui %eq3A_29 : i1 to i32
    %cond3A_31 = arith.constant 0 : i32
    %cond3A_32 = arith.cmpi ne, %convert_element_type3A_30, %cond3A_31 : i32
    scf.if %cond3A_32 {
      %mul3A_33 = arith.constant 10000 : i32
      %mul3A_34 = arith.muli %arg0, %mul3A_33 : i32
      %add3A_35 = arith.constant 9984 : i32
      %add3A_36 = arith.addi %mul3A_34, %add3A_35 : i32
      "tpu.region"() ({
        %run_scoped3A = tpu.sem_alloc : memref<!tpu.dma_semaphore, #tpu.memory_space<semaphore_mem>>
        %dma_start3A_37 = arith.constant 0 : i32
        %dma_start3A_38 = tpu.memref_slice %arg6[%add3A_36, %dma_start3A_37] : memref<20000x128xf32, #tpu.memory_space<hbm>> -> memref<16x128xf32, #tpu.memory_space<hbm>>
        %dma_start3A_39 = arith.constant 9984 : i32
        %dma_start3A_40 = arith.constant 0 : i32
        %dma_start3A_41 = tpu.memref_slice %arg17[%dma_start3A_39, %dma_start3A_40] : memref<10008x128xf32, #tpu.memory_space<vmem_shared>> -> memref<16x128xf32, #tpu.memory_space<vmem_shared>>
        tpu.enqueue_dma source(%dma_start3A_41 : memref<16x128xf32, #tpu.memory_space<vmem_shared>>) target(%dma_start3A_38 : memref<16x128xf32, #tpu.memory_space<hbm>>) target_semaphore(%run_scoped3A : memref<!tpu.dma_semaphore, #tpu.memory_space<semaphore_mem>>)
        %dma_wait3A = arith.constant 0 : i32
        %dma_wait3A_42 = tpu.memref_slice %arg6[%add3A_36, %dma_wait3A] : memref<20000x128xf32, #tpu.memory_space<hbm>> -> memref<16x128xf32, #tpu.memory_space<hbm>>
        %dma_wait3A_43 = arith.constant 9984 : i32
        %dma_wait3A_44 = arith.constant 0 : i32
        %dma_wait3A_45 = tpu.memref_slice %arg17[%dma_wait3A_43, %dma_wait3A_44] : memref<10008x128xf32, #tpu.memory_space<vmem_shared>> -> memref<16x128xf32, #tpu.memory_space<vmem_shared>>
        tpu.wait_dma2 semaphore(%run_scoped3A : memref<!tpu.dma_semaphore, #tpu.memory_space<semaphore_mem>>) src(%dma_wait3A_45 : memref<16x128xf32, #tpu.memory_space<vmem_shared>>) dst(%dma_wait3A_42 : memref<16x128xf32, #tpu.memory_space<hbm>>)
        tpu.yield
      }) : () -> ()
    } else {
    }
    return
  }
}

#map = affine_map<(d0, d1) -> (0, 0)>
#map1 = affine_map<(d0, d1) -> (0)>
module attributes {stable_mosaic.version = 14 : i64} {
  func.func @body(%arg0: i32, %arg1: i32, %arg2: memref<10000x1024xbf16, #tpu.memory_space<hbm>>, %arg3: memref<327680x16xf32, #tpu.memory_space<hbm>>, %arg4: memref<10008x16xf32, #tpu.memory_space<hbm>>, %arg5: memref<327680xi32, #tpu.memory_space<hbm>>, %arg6: memref<327680xi32, #tpu.memory_space<hbm>>, %arg7: memref<624x256xbf16, #tpu.memory_space<hbm>>, %arg8: memref<20000x256xbf16, #tpu.memory_space<hbm>>, %arg9: memref<32xi32, #tpu.memory_space<vmem>>, %arg10: memref<32xi32, #tpu.memory_space<vmem>>, %arg11: memref<32x1024xbf16, #tpu.memory_space<vmem>>, %arg12: memref<32x16xf32, #tpu.memory_space<vmem>>, %arg13: memref<32x16xf32, #tpu.memory_space<vmem>>, %arg14: memref<32xi32, #tpu.memory_space<vmem>>, %arg15: memref<32xi32, #tpu.memory_space<vmem>>, %arg16: memref<32x1024xbf16, #tpu.memory_space<vmem>>, %arg17: memref<32x16xf32, #tpu.memory_space<vmem>>, %arg18: memref<32x16xf32, #tpu.memory_space<vmem>>, %arg19: memref<!tpu.dma_semaphore, #tpu.memory_space<semaphore_mem>>, %arg20: memref<!tpu.dma_semaphore, #tpu.memory_space<semaphore_mem>>, %arg21: memref<!tpu.dma_semaphore, #tpu.memory_space<semaphore_mem>>, %arg22: memref<!tpu.dma_semaphore, #tpu.memory_space<semaphore_mem>>, %arg23: memref<32x256xbf16, #tpu.memory_space<vmem>>, %arg24: memref<10008x256xbf16, #tpu.memory_space<vmem_shared>>) attributes {dimension_semantics = [#tpu.dimension_semantics<core_parallel>, #tpu.dimension_semantics<subcore_parallel>], iteration_bounds = array<i64: 2, 16>, scalar_prefetch = 0 : i64, scratch_operands = 16 : i64, tpu.core_type = #tpu.core_type<sc_vector_subcore>, window_params = [{transform_indices = #map}, {transform_indices = #map}, {transform_indices = #map}, {transform_indices = #map1}, {transform_indices = #map1}, {transform_indices = #map}, {transform_indices = #map}]} {
    %mul3A = arith.constant 16 : i32
    %mul3A_0 = arith.muli %arg0, %mul3A : i32
    %add3A = arith.addi %mul3A_0, %arg1 : i32
    %mul3A_1 = arith.constant 10240 : i32
    %mul3A_2 = arith.muli %add3A, %mul3A_1 : i32
    %mul3A_3 = arith.constant 624 : i32
    %mul3A_4 = arith.muli %arg1, %mul3A_3 : i32
    "tpu.region"() ({
      %run_scoped3A = tpu.sem_alloc : memref<!tpu.dma_semaphore, #tpu.memory_space<semaphore_mem>>
      %dma_start3A_42 = arith.constant 0 : i32
      %dma_start3A_43 = tpu.memref_slice %arg24[%mul3A_4, %dma_start3A_42] : memref<10008x256xbf16, #tpu.memory_space<vmem_shared>> -> memref<624x256xbf16, #tpu.memory_space<vmem_shared>>
      tpu.enqueue_dma source(%arg7 : memref<624x256xbf16, #tpu.memory_space<hbm>>) target(%dma_start3A_43 : memref<624x256xbf16, #tpu.memory_space<vmem_shared>>) target_semaphore(%run_scoped3A : memref<!tpu.dma_semaphore, #tpu.memory_space<semaphore_mem>>)
      %dma_wait3A = arith.constant 0 : i32
      %dma_wait3A_44 = tpu.memref_slice %arg24[%mul3A_4, %dma_wait3A] : memref<10008x256xbf16, #tpu.memory_space<vmem_shared>> -> memref<624x256xbf16, #tpu.memory_space<vmem_shared>>
      tpu.wait_dma2 semaphore(%run_scoped3A : memref<!tpu.dma_semaphore, #tpu.memory_space<semaphore_mem>>) src(%arg7 : memref<624x256xbf16, #tpu.memory_space<hbm>>) dst(%dma_wait3A_44 : memref<624x256xbf16, #tpu.memory_space<vmem_shared>>)
      tpu.yield
    }) : () -> ()
    %eq3A = arith.constant 0 : i32
    %eq3A_5 = arith.cmpi eq, %arg1, %eq3A : i32
    %convert_element_type3A = arith.extui %eq3A_5 : i1 to i32
    %cond3A = arith.constant 0 : i32
    %cond3A_6 = arith.cmpi ne, %convert_element_type3A, %cond3A : i32
    scf.if %cond3A_6 {
      "tpu.region"() ({
        %run_scoped3A = tpu.sem_alloc : memref<!tpu.dma_semaphore, #tpu.memory_space<semaphore_mem>>
        %dma_start3A_42 = arith.constant 9984 : i32
        %dma_start3A_43 = arith.constant 0 : i32
        %dma_start3A_44 = tpu.memref_slice %arg24[%dma_start3A_42, %dma_start3A_43] : memref<10008x256xbf16, #tpu.memory_space<vmem_shared>> -> memref<24x256xbf16, #tpu.memory_space<vmem_shared>>
        %dma_start3A_45 = arith.constant 0 : i32
        %dma_start3A_46 = arith.constant 0 : i32
        %dma_start3A_47 = tpu.memref_slice %arg7[%dma_start3A_45, %dma_start3A_46] : memref<624x256xbf16, #tpu.memory_space<hbm>> -> memref<24x256xbf16, #tpu.memory_space<hbm>>
        tpu.enqueue_dma source(%dma_start3A_47 : memref<24x256xbf16, #tpu.memory_space<hbm>>) target(%dma_start3A_44 : memref<24x256xbf16, #tpu.memory_space<vmem_shared>>) target_semaphore(%run_scoped3A : memref<!tpu.dma_semaphore, #tpu.memory_space<semaphore_mem>>)
        %dma_wait3A = arith.constant 9984 : i32
        %dma_wait3A_48 = arith.constant 0 : i32
        %dma_wait3A_49 = tpu.memref_slice %arg24[%dma_wait3A, %dma_wait3A_48] : memref<10008x256xbf16, #tpu.memory_space<vmem_shared>> -> memref<24x256xbf16, #tpu.memory_space<vmem_shared>>
        %dma_wait3A_50 = arith.constant 0 : i32
        %dma_wait3A_51 = arith.constant 0 : i32
        %dma_wait3A_52 = tpu.memref_slice %arg7[%dma_wait3A_50, %dma_wait3A_51] : memref<624x256xbf16, #tpu.memory_space<hbm>> -> memref<24x256xbf16, #tpu.memory_space<hbm>>
        tpu.wait_dma2 semaphore(%run_scoped3A : memref<!tpu.dma_semaphore, #tpu.memory_space<semaphore_mem>>) src(%dma_wait3A_52 : memref<24x256xbf16, #tpu.memory_space<hbm>>) dst(%dma_wait3A_49 : memref<24x256xbf16, #tpu.memory_space<vmem_shared>>)
        tpu.yield
      }) : () -> ()
    } else {
    }
    %barrier3A = arith.constant 0 : index
    tpu.barrier barrier_id(%barrier3A)
    "tpu.region"() ({
      %run_scoped3A = tpu.sem_alloc : memref<!tpu.dma_semaphore, #tpu.memory_space<semaphore_mem>>
      %dma_start3A_42 = tpu.memref_slice %arg5[%mul3A_2] : memref<327680xi32, #tpu.memory_space<hbm>> -> memref<32xi32, #tpu.memory_space<hbm>>
      %dma_start3A_43 = tpu.memref_slice %arg5[%mul3A_2] : memref<327680xi32, #tpu.memory_space<hbm>> -> memref<32xi32, #tpu.memory_space<hbm>>
      tpu.enqueue_dma source(%dma_start3A_43 : memref<32xi32, #tpu.memory_space<hbm>>) target(%arg9 : memref<32xi32, #tpu.memory_space<vmem>>) target_semaphore(%run_scoped3A : memref<!tpu.dma_semaphore, #tpu.memory_space<semaphore_mem>>)
      %dma_wait3A = tpu.memref_slice %arg5[%mul3A_2] : memref<327680xi32, #tpu.memory_space<hbm>> -> memref<32xi32, #tpu.memory_space<hbm>>
      %dma_wait3A_44 = tpu.memref_slice %arg5[%mul3A_2] : memref<327680xi32, #tpu.memory_space<hbm>> -> memref<32xi32, #tpu.memory_space<hbm>>
      tpu.wait_dma2 semaphore(%run_scoped3A : memref<!tpu.dma_semaphore, #tpu.memory_space<semaphore_mem>>) src(%dma_wait3A_44 : memref<32xi32, #tpu.memory_space<hbm>>) dst(%arg9 : memref<32xi32, #tpu.memory_space<vmem>>)
      tpu.yield
    }) : () -> ()
    "tpu.region"() ({
      %run_scoped3A = tpu.sem_alloc : memref<!tpu.dma_semaphore, #tpu.memory_space<semaphore_mem>>
      %dma_start3A_42 = tpu.memref_slice %arg6[%mul3A_2] : memref<327680xi32, #tpu.memory_space<hbm>> -> memref<32xi32, #tpu.memory_space<hbm>>
      %dma_start3A_43 = tpu.memref_slice %arg6[%mul3A_2] : memref<327680xi32, #tpu.memory_space<hbm>> -> memref<32xi32, #tpu.memory_space<hbm>>
      tpu.enqueue_dma source(%dma_start3A_43 : memref<32xi32, #tpu.memory_space<hbm>>) target(%arg10 : memref<32xi32, #tpu.memory_space<vmem>>) target_semaphore(%run_scoped3A : memref<!tpu.dma_semaphore, #tpu.memory_space<semaphore_mem>>)
      %dma_wait3A = tpu.memref_slice %arg6[%mul3A_2] : memref<327680xi32, #tpu.memory_space<hbm>> -> memref<32xi32, #tpu.memory_space<hbm>>
      %dma_wait3A_44 = tpu.memref_slice %arg6[%mul3A_2] : memref<327680xi32, #tpu.memory_space<hbm>> -> memref<32xi32, #tpu.memory_space<hbm>>
      tpu.wait_dma2 semaphore(%run_scoped3A : memref<!tpu.dma_semaphore, #tpu.memory_space<semaphore_mem>>) src(%dma_wait3A_44 : memref<32xi32, #tpu.memory_space<hbm>>) dst(%arg10 : memref<32xi32, #tpu.memory_space<vmem>>)
      tpu.yield
    }) : () -> ()
    %add3A_7 = arith.constant 0 : i32
    %add3A_8 = arith.addi %mul3A_2, %add3A_7 : i32
    %dma_start3A = arith.constant 0 : i32
    %dma_start3A_9 = arith.constant 0 : i32
    %dma_start3A_10 = tpu.memref_slice %arg2[%dma_start3A, %dma_start3A_9] : memref<10000x1024xbf16, #tpu.memory_space<hbm>> -> memref<10000x1024xbf16, #tpu.memory_space<hbm>>
    tpu.enqueue_indirect_dma source(%dma_start3A_10 : memref<10000x1024xbf16, #tpu.memory_space<hbm>>) target(%arg11 : memref<32x1024xbf16, #tpu.memory_space<vmem>>) offsets(%arg9 : memref<32xi32, #tpu.memory_space<vmem>>) semaphore(%arg21 : memref<!tpu.dma_semaphore, #tpu.memory_space<semaphore_mem>>)
    %dma_start3A_11 = arith.constant 0 : i32
    %dma_start3A_12 = tpu.memref_slice %arg3[%add3A_8, %dma_start3A_11] : memref<327680x16xf32, #tpu.memory_space<hbm>> -> memref<32x16xf32, #tpu.memory_space<hbm>>
    %dma_start3A_13 = arith.constant 0 : i32
    %dma_start3A_14 = tpu.memref_slice %arg3[%add3A_8, %dma_start3A_13] : memref<327680x16xf32, #tpu.memory_space<hbm>> -> memref<32x16xf32, #tpu.memory_space<hbm>>
    tpu.enqueue_dma source(%dma_start3A_14 : memref<32x16xf32, #tpu.memory_space<hbm>>) target(%arg12 : memref<32x16xf32, #tpu.memory_space<vmem>>) target_semaphore(%arg21 : memref<!tpu.dma_semaphore, #tpu.memory_space<semaphore_mem>>)
    %dma_start3A_15 = arith.constant 0 : i32
    %dma_start3A_16 = arith.constant 0 : i32
    %dma_start3A_17 = tpu.memref_slice %arg4[%dma_start3A_15, %dma_start3A_16] : memref<10008x16xf32, #tpu.memory_space<hbm>> -> memref<10008x16xf32, #tpu.memory_space<hbm>>
    tpu.enqueue_indirect_dma source(%dma_start3A_17 : memref<10008x16xf32, #tpu.memory_space<hbm>>) target(%arg13 : memref<32x16xf32, #tpu.memory_space<vmem>>) offsets(%arg10 : memref<32xi32, #tpu.memory_space<vmem>>) semaphore(%arg21 : memref<!tpu.dma_semaphore, #tpu.memory_space<semaphore_mem>>)
    %add3A_18 = arith.constant 32 : i32
    %add3A_19 = arith.addi %mul3A_2, %add3A_18 : i32
    %dma_start3A_20 = tpu.memref_slice %arg5[%add3A_19] : memref<327680xi32, #tpu.memory_space<hbm>> -> memref<32xi32, #tpu.memory_space<hbm>>
    %dma_start3A_21 = tpu.memref_slice %arg5[%add3A_19] : memref<327680xi32, #tpu.memory_space<hbm>> -> memref<32xi32, #tpu.memory_space<hbm>>
    tpu.enqueue_dma source(%dma_start3A_21 : memref<32xi32, #tpu.memory_space<hbm>>) target(%arg14 : memref<32xi32, #tpu.memory_space<vmem>>) target_semaphore(%arg20 : memref<!tpu.dma_semaphore, #tpu.memory_space<semaphore_mem>>)
    %dma_start3A_22 = tpu.memref_slice %arg6[%add3A_19] : memref<327680xi32, #tpu.memory_space<hbm>> -> memref<32xi32, #tpu.memory_space<hbm>>
    %dma_start3A_23 = tpu.memref_slice %arg6[%add3A_19] : memref<327680xi32, #tpu.memory_space<hbm>> -> memref<32xi32, #tpu.memory_space<hbm>>
    tpu.enqueue_dma source(%dma_start3A_23 : memref<32xi32, #tpu.memory_space<hbm>>) target(%arg15 : memref<32xi32, #tpu.memory_space<vmem>>) target_semaphore(%arg20 : memref<!tpu.dma_semaphore, #tpu.memory_space<semaphore_mem>>)
    %scan3A = arith.constant 0 : i32
    %scan3A_24 = arith.constant 0 : i32
    %scan3A_25 = arith.constant 160 : i32
    %scan3A_26 = arith.addi %scan3A_24, %scan3A_25 : i32
    %scan3A_27 = arith.constant 1 : i32
    scf.for %scan3A_42 = %scan3A_24 to %scan3A_26 step %scan3A_27  : i32 {
      %mul3A_43 = arith.constant 2 : i32
      %mul3A_44 = arith.muli %mul3A_43, %scan3A_42 : i32
      %add3A_45 = arith.constant 1 : i32
      %add3A_46 = arith.addi %mul3A_44, %add3A_45 : i32
      %mul3A_47 = arith.constant 32 : i32
      %mul3A_48 = arith.muli %add3A_46, %mul3A_47 : i32
      %add3A_49 = arith.addi %mul3A_2, %mul3A_48 : i32
      %dma_wait3A = tpu.memref_slice %arg5[%add3A_49] : memref<327680xi32, #tpu.memory_space<hbm>> -> memref<32xi32, #tpu.memory_space<hbm>>
      %dma_wait3A_50 = tpu.memref_slice %arg5[%add3A_49] : memref<327680xi32, #tpu.memory_space<hbm>> -> memref<32xi32, #tpu.memory_space<hbm>>
      tpu.wait_dma2 semaphore(%arg20 : memref<!tpu.dma_semaphore, #tpu.memory_space<semaphore_mem>>) src(%dma_wait3A_50 : memref<32xi32, #tpu.memory_space<hbm>>) dst(%arg14 : memref<32xi32, #tpu.memory_space<vmem>>)
      %dma_wait3A_51 = tpu.memref_slice %arg6[%add3A_49] : memref<327680xi32, #tpu.memory_space<hbm>> -> memref<32xi32, #tpu.memory_space<hbm>>
      %dma_wait3A_52 = tpu.memref_slice %arg6[%add3A_49] : memref<327680xi32, #tpu.memory_space<hbm>> -> memref<32xi32, #tpu.memory_space<hbm>>
      tpu.wait_dma2 semaphore(%arg20 : memref<!tpu.dma_semaphore, #tpu.memory_space<semaphore_mem>>) src(%dma_wait3A_52 : memref<32xi32, #tpu.memory_space<hbm>>) dst(%arg15 : memref<32xi32, #tpu.memory_space<vmem>>)
      %add3A_53 = arith.constant 1 : i32
      %add3A_54 = arith.addi %mul3A_44, %add3A_53 : i32
      %mul3A_55 = arith.constant 32 : i32
      %mul3A_56 = arith.muli %add3A_54, %mul3A_55 : i32
      %add3A_57 = arith.addi %mul3A_2, %mul3A_56 : i32
      %dma_start3A_58 = arith.constant 0 : i32
      %dma_start3A_59 = arith.constant 0 : i32
      %dma_start3A_60 = tpu.memref_slice %arg2[%dma_start3A_58, %dma_start3A_59] : memref<10000x1024xbf16, #tpu.memory_space<hbm>> -> memref<10000x1024xbf16, #tpu.memory_space<hbm>>
      tpu.enqueue_indirect_dma source(%dma_start3A_60 : memref<10000x1024xbf16, #tpu.memory_space<hbm>>) target(%arg16 : memref<32x1024xbf16, #tpu.memory_space<vmem>>) offsets(%arg14 : memref<32xi32, #tpu.memory_space<vmem>>) semaphore(%arg22 : memref<!tpu.dma_semaphore, #tpu.memory_space<semaphore_mem>>)
      %dma_start3A_61 = arith.constant 0 : i32
      %dma_start3A_62 = tpu.memref_slice %arg3[%add3A_57, %dma_start3A_61] : memref<327680x16xf32, #tpu.memory_space<hbm>> -> memref<32x16xf32, #tpu.memory_space<hbm>>
      %dma_start3A_63 = arith.constant 0 : i32
      %dma_start3A_64 = tpu.memref_slice %arg3[%add3A_57, %dma_start3A_63] : memref<327680x16xf32, #tpu.memory_space<hbm>> -> memref<32x16xf32, #tpu.memory_space<hbm>>
      tpu.enqueue_dma source(%dma_start3A_64 : memref<32x16xf32, #tpu.memory_space<hbm>>) target(%arg17 : memref<32x16xf32, #tpu.memory_space<vmem>>) target_semaphore(%arg22 : memref<!tpu.dma_semaphore, #tpu.memory_space<semaphore_mem>>)
      %dma_start3A_65 = arith.constant 0 : i32
      %dma_start3A_66 = arith.constant 0 : i32
      %dma_start3A_67 = tpu.memref_slice %arg4[%dma_start3A_65, %dma_start3A_66] : memref<10008x16xf32, #tpu.memory_space<hbm>> -> memref<10008x16xf32, #tpu.memory_space<hbm>>
      tpu.enqueue_indirect_dma source(%dma_start3A_67 : memref<10008x16xf32, #tpu.memory_space<hbm>>) target(%arg18 : memref<32x16xf32, #tpu.memory_space<vmem>>) offsets(%arg15 : memref<32xi32, #tpu.memory_space<vmem>>) semaphore(%arg22 : memref<!tpu.dma_semaphore, #tpu.memory_space<semaphore_mem>>)
      %mul3A_68 = arith.constant 32 : i32
      %mul3A_69 = arith.muli %mul3A_44, %mul3A_68 : i32
      %add3A_70 = arith.addi %mul3A_2, %mul3A_69 : i32
      %dma_wait3A_71 = arith.constant 0 : i32
      %dma_wait3A_72 = arith.constant 0 : i32
      %dma_wait3A_73 = tpu.memref_slice %arg2[%dma_wait3A_71, %dma_wait3A_72] : memref<10000x1024xbf16, #tpu.memory_space<hbm>> -> memref<10000x1024xbf16, #tpu.memory_space<hbm>>
      tpu.wait_indirect_dma semaphore(%arg21 : memref<!tpu.dma_semaphore, #tpu.memory_space<semaphore_mem>>) src(%dma_wait3A_73 : memref<10000x1024xbf16, #tpu.memory_space<hbm>>) dst(%arg11 : memref<32x1024xbf16, #tpu.memory_space<vmem>>)
      %dma_wait3A_74 = arith.constant 0 : i32
      %dma_wait3A_75 = tpu.memref_slice %arg3[%add3A_70, %dma_wait3A_74] : memref<327680x16xf32, #tpu.memory_space<hbm>> -> memref<32x16xf32, #tpu.memory_space<hbm>>
      %dma_wait3A_76 = arith.constant 0 : i32
      %dma_wait3A_77 = tpu.memref_slice %arg3[%add3A_70, %dma_wait3A_76] : memref<327680x16xf32, #tpu.memory_space<hbm>> -> memref<32x16xf32, #tpu.memory_space<hbm>>
      tpu.wait_dma2 semaphore(%arg21 : memref<!tpu.dma_semaphore, #tpu.memory_space<semaphore_mem>>) src(%dma_wait3A_77 : memref<32x16xf32, #tpu.memory_space<hbm>>) dst(%arg12 : memref<32x16xf32, #tpu.memory_space<vmem>>)
      %dma_wait3A_78 = arith.constant 0 : i32
      %dma_wait3A_79 = arith.constant 0 : i32
      %dma_wait3A_80 = tpu.memref_slice %arg4[%dma_wait3A_78, %dma_wait3A_79] : memref<10008x16xf32, #tpu.memory_space<hbm>> -> memref<10008x16xf32, #tpu.memory_space<hbm>>
      tpu.wait_indirect_dma semaphore(%arg21 : memref<!tpu.dma_semaphore, #tpu.memory_space<semaphore_mem>>) src(%dma_wait3A_80 : memref<10008x16xf32, #tpu.memory_space<hbm>>) dst(%arg13 : memref<32x16xf32, #tpu.memory_space<vmem>>)
      %scan3A_81 = arith.constant 0 : i32
      %scan3A_82 = arith.constant 0 : i32
      %scan3A_83 = arith.constant 16 : i32
      %scan3A_84 = arith.addi %scan3A_82, %scan3A_83 : i32
      %scan3A_85 = arith.constant 1 : i32
      scf.for %scan3A_117 = %scan3A_82 to %scan3A_84 step %scan3A_85  : i32 {
        %mul3A_118 = arith.constant 2 : i32
        %mul3A_119 = arith.muli %mul3A_118, %scan3A_117 : i32
        %mul3A_120 = arith.constant 2 : i32
        %mul3A_121 = arith.muli %mul3A_120, %scan3A_117 : i32
        %add3A_122 = arith.constant 1 : i32
        %add3A_123 = arith.addi %mul3A_121, %add3A_122 : i32
        %get3A = arith.index_cast %mul3A_119 : i32 to index
        %get3A_124 = arith.constant 0 : index
        %get3A_125 = tpu.vector_load %arg12[%get3A, %get3A_124] {strides = array<i32>} : memref<32x16xf32, #tpu.memory_space<vmem>>, vector<1x16xf32>,
        %get3A_126 = vector.shape_cast %get3A_125 : vector<1x16xf32> to vector<16xf32>
        %get3A_127 = arith.index_cast %mul3A_119 : i32 to index
        %get3A_128 = arith.constant 0 : index
        %get3A_129 = tpu.vector_load %arg13[%get3A_127, %get3A_128] {strides = array<i32>} : memref<32x16xf32, #tpu.memory_space<vmem>>, vector<1x16xf32>,
        %get3A_130 = vector.shape_cast %get3A_129 : vector<1x16xf32> to vector<16xf32>
        %mul3A_131 = arith.mulf %get3A_126, %get3A_130 : vector<16xf32>
        %get3A_132 = arith.index_cast %add3A_123 : i32 to index
        %get3A_133 = arith.constant 0 : index
        %get3A_134 = tpu.vector_load %arg12[%get3A_132, %get3A_133] {strides = array<i32>} : memref<32x16xf32, #tpu.memory_space<vmem>>, vector<1x16xf32>,
        %get3A_135 = vector.shape_cast %get3A_134 : vector<1x16xf32> to vector<16xf32>
        %get3A_136 = arith.index_cast %add3A_123 : i32 to index
        %get3A_137 = arith.constant 0 : index
        %get3A_138 = tpu.vector_load %arg13[%get3A_136, %get3A_137] {strides = array<i32>} : memref<32x16xf32, #tpu.memory_space<vmem>>, vector<1x16xf32>,
        %get3A_139 = vector.shape_cast %get3A_138 : vector<1x16xf32> to vector<16xf32>
        %mul3A_140 = arith.mulf %get3A_135, %get3A_139 : vector<16xf32>
        %slice3A = vector.extract_strided_slice %mul3A_131 {offsets = [0], sizes = [1], strides = [1]} : vector<16xf32> to vector<1xf32>
        %squeeze3A = vector.extract %slice3A[0] : f32 from vector<1xf32>
        %broadcast_in_dim3A = vector.broadcast %squeeze3A : f32 to vector<16xf32>
        %convert_element_type3A_141 = arith.truncf %broadcast_in_dim3A : vector<16xf32> to vector<16xbf16>
        %slice3A_142 = vector.extract_strided_slice %mul3A_131 {offsets = [1], sizes = [1], strides = [1]} : vector<16xf32> to vector<1xf32>
        %squeeze3A_143 = vector.extract %slice3A_142[0] : f32 from vector<1xf32>
        %broadcast_in_dim3A_144 = vector.broadcast %squeeze3A_143 : f32 to vector<16xf32>
        %convert_element_type3A_145 = arith.truncf %broadcast_in_dim3A_144 : vector<16xf32> to vector<16xbf16>
        %slice3A_146 = vector.extract_strided_slice %mul3A_131 {offsets = [2], sizes = [1], strides = [1]} : vector<16xf32> to vector<1xf32>
        %squeeze3A_147 = vector.extract %slice3A_146[0] : f32 from vector<1xf32>
        %broadcast_in_dim3A_148 = vector.broadcast %squeeze3A_147 : f32 to vector<16xf32>
        %convert_element_type3A_149 = arith.truncf %broadcast_in_dim3A_148 : vector<16xf32> to vector<16xbf16>
        %slice3A_150 = vector.extract_strided_slice %mul3A_131 {offsets = [3], sizes = [1], strides = [1]} : vector<16xf32> to vector<1xf32>
        %squeeze3A_151 = vector.extract %slice3A_150[0] : f32 from vector<1xf32>
        %broadcast_in_dim3A_152 = vector.broadcast %squeeze3A_151 : f32 to vector<16xf32>
        %convert_element_type3A_153 = arith.truncf %broadcast_in_dim3A_152 : vector<16xf32> to vector<16xbf16>
        %slice3A_154 = vector.extract_strided_slice %mul3A_140 {offsets = [0], sizes = [1], strides = [1]} : vector<16xf32> to vector<1xf32>
        %squeeze3A_155 = vector.extract %slice3A_154[0] : f32 from vector<1xf32>
        %broadcast_in_dim3A_156 = vector.broadcast %squeeze3A_155 : f32 to vector<16xf32>
        %convert_element_type3A_157 = arith.truncf %broadcast_in_dim3A_156 : vector<16xf32> to vector<16xbf16>
        %slice3A_158 = vector.extract_strided_slice %mul3A_140 {offsets = [1], sizes = [1], strides = [1]} : vector<16xf32> to vector<1xf32>
        %squeeze3A_159 = vector.extract %slice3A_158[0] : f32 from vector<1xf32>
        %broadcast_in_dim3A_160 = vector.broadcast %squeeze3A_159 : f32 to vector<16xf32>
        %convert_element_type3A_161 = arith.truncf %broadcast_in_dim3A_160 : vector<16xf32> to vector<16xbf16>
        %slice3A_162 = vector.extract_strided_slice %mul3A_140 {offsets = [2], sizes = [1], strides = [1]} : vector<16xf32> to vector<1xf32>
        %squeeze3A_163 = vector.extract %slice3A_162[0] : f32 from vector<1xf32>
        %broadcast_in_dim3A_164 = vector.broadcast %squeeze3A_163 : f32 to vector<16xf32>
        %convert_element_type3A_165 = arith.truncf %broadcast_in_dim3A_164 : vector<16xf32> to vector<16xbf16>
        %slice3A_166 = vector.extract_strided_slice %mul3A_140 {offsets = [3], sizes = [1], strides = [1]} : vector<16xf32> to vector<1xf32>
        %squeeze3A_167 = vector.extract %slice3A_166[0] : f32 from vector<1xf32>
        %broadcast_in_dim3A_168 = vector.broadcast %squeeze3A_167 : f32 to vector<16xf32>
        %convert_element_type3A_169 = arith.truncf %broadcast_in_dim3A_168 : vector<16xf32> to vector<16xbf16>
        %get3A_170 = arith.index_cast %mul3A_119 : i32 to index
        %get3A_171 = arith.constant 0 : index
        %get3A_172 = tpu.vector_load %arg11[%get3A_170, %get3A_171] {strides = array<i32>} : memref<32x1024xbf16, #tpu.memory_space<vmem>>, vector<1x16xbf16>,
        %get3A_173 = vector.shape_cast %get3A_172 : vector<1x16xbf16> to vector<16xbf16>
        %mul3A_174 = arith.mulf %convert_element_type3A_141, %get3A_173 : vector<16xbf16>
        %get3A_175 = arith.index_cast %mul3A_119 : i32 to index
        %get3A_176 = arith.constant 256 : index
        %get3A_177 = tpu.vector_load %arg11[%get3A_175, %get3A_176] {strides = array<i32>} : memref<32x1024xbf16, #tpu.memory_space<vmem>>, vector<1x16xbf16>,
        %get3A_178 = vector.shape_cast %get3A_177 : vector<1x16xbf16> to vector<16xbf16>
        %mul3A_179 = arith.mulf %convert_element_type3A_145, %get3A_178 : vector<16xbf16>
        %add3A_180 = arith.addf %mul3A_174, %mul3A_179 : vector<16xbf16>
        %get3A_181 = arith.index_cast %mul3A_119 : i32 to index
        %get3A_182 = arith.constant 512 : index
        %get3A_183 = tpu.vector_load %arg11[%get3A_181, %get3A_182] {strides = array<i32>} : memref<32x1024xbf16, #tpu.memory_space<vmem>>, vector<1x16xbf16>,
        %get3A_184 = vector.shape_cast %get3A_183 : vector<1x16xbf16> to vector<16xbf16>
        %mul3A_185 = arith.mulf %convert_element_type3A_149, %get3A_184 : vector<16xbf16>
        %add3A_186 = arith.addf %add3A_180, %mul3A_185 : vector<16xbf16>
        %get3A_187 = arith.index_cast %mul3A_119 : i32 to index
        %get3A_188 = arith.constant 768 : index
        %get3A_189 = tpu.vector_load %arg11[%get3A_187, %get3A_188] {strides = array<i32>} : memref<32x1024xbf16, #tpu.memory_space<vmem>>, vector<1x16xbf16>,
        %get3A_190 = vector.shape_cast %get3A_189 : vector<1x16xbf16> to vector<16xbf16>
        %mul3A_191 = arith.mulf %convert_element_type3A_153, %get3A_190 : vector<16xbf16>
        %add3A_192 = arith.addf %add3A_186, %mul3A_191 : vector<16xbf16>
        %get3A_193 = arith.index_cast %add3A_123 : i32 to index
        %get3A_194 = arith.constant 0 : index
        %get3A_195 = tpu.vector_load %arg11[%get3A_193, %get3A_194] {strides = array<i32>} : memref<32x1024xbf16, #tpu.memory_space<vmem>>, vector<1x16xbf16>,
        %get3A_196 = vector.shape_cast %get3A_195 : vector<1x16xbf16> to vector<16xbf16>
        %mul3A_197 = arith.mulf %convert_element_type3A_157, %get3A_196 : vector<16xbf16>
        %get3A_198 = arith.index_cast %add3A_123 : i32 to index
        %get3A_199 = arith.constant 256 : index
        %get3A_200 = tpu.vector_load %arg11[%get3A_198, %get3A_199] {strides = array<i32>} : memref<32x1024xbf16, #tpu.memory_space<vmem>>, vector<1x16xbf16>,
        %get3A_201 = vector.shape_cast %get3A_200 : vector<1x16xbf16> to vector<16xbf16>
        %mul3A_202 = arith.mulf %convert_element_type3A_161, %get3A_201 : vector<16xbf16>
        %add3A_203 = arith.addf %mul3A_197, %mul3A_202 : vector<16xbf16>
        %get3A_204 = arith.index_cast %add3A_123 : i32 to index
        %get3A_205 = arith.constant 512 : index
        %get3A_206 = tpu.vector_load %arg11[%get3A_204, %get3A_205] {strides = array<i32>} : memref<32x1024xbf16, #tpu.memory_space<vmem>>, vector<1x16xbf16>,
        %get3A_207 = vector.shape_cast %get3A_206 : vector<1x16xbf16> to vector<16xbf16>
        %mul3A_208 = arith.mulf %convert_element_type3A_165, %get3A_207 : vector<16xbf16>
        %add3A_209 = arith.addf %add3A_203, %mul3A_208 : vector<16xbf16>
        %get3A_210 = arith.index_cast %add3A_123 : i32 to index
        %get3A_211 = arith.constant 768 : index
        %get3A_212 = tpu.vector_load %arg11[%get3A_210, %get3A_211] {strides = array<i32>} : memref<32x1024xbf16, #tpu.memory_space<vmem>>, vector<1x16xbf16>,
        %get3A_213 = vector.shape_cast %get3A_212 : vector<1x16xbf16> to vector<16xbf16>
        %mul3A_214 = arith.mulf %convert_element_type3A_169, %get3A_213 : vector<16xbf16>
        %add3A_215 = arith.addf %add3A_209, %mul3A_214 : vector<16xbf16>
        %swap3A = arith.index_cast %mul3A_119 : i32 to index
        %swap3A_216 = arith.constant 0 : index
        %swap3A_217 = tpu.vector_load %arg23[%swap3A, %swap3A_216] {strides = array<i32>} : memref<32x256xbf16, #tpu.memory_space<vmem>>, vector<1x16xbf16>,
        %swap3A_218 = vector.shape_cast %swap3A_217 : vector<1x16xbf16> to vector<16xbf16>
        %swap3A_219 = vector.shape_cast %add3A_192 : vector<16xbf16> to vector<1x16xbf16>
        tpu.vector_store %arg23[%swap3A, %swap3A_216], %swap3A_219 {strides = array<i32>} : memref<32x256xbf16, #tpu.memory_space<vmem>>, vector<1x16xbf16>,
        %swap3A_220 = arith.index_cast %add3A_123 : i32 to index
        %swap3A_221 = arith.constant 0 : index
        %swap3A_222 = tpu.vector_load %arg23[%swap3A_220, %swap3A_221] {strides = array<i32>} : memref<32x256xbf16, #tpu.memory_space<vmem>>, vector<1x16xbf16>,
        %swap3A_223 = vector.shape_cast %swap3A_222 : vector<1x16xbf16> to vector<16xbf16>
        %swap3A_224 = vector.shape_cast %add3A_215 : vector<16xbf16> to vector<1x16xbf16>
        tpu.vector_store %arg23[%swap3A_220, %swap3A_221], %swap3A_224 {strides = array<i32>} : memref<32x256xbf16, #tpu.memory_space<vmem>>, vector<1x16xbf16>,
        %get3A_225 = arith.index_cast %mul3A_119 : i32 to index
        %get3A_226 = arith.constant 16 : index
        %get3A_227 = tpu.vector_load %arg11[%get3A_225, %get3A_226] {strides = array<i32>} : memref<32x1024xbf16, #tpu.memory_space<vmem>>, vector<1x16xbf16>,
        %get3A_228 = vector.shape_cast %get3A_227 : vector<1x16xbf16> to vector<16xbf16>
        %mul3A_229 = arith.mulf %convert_element_type3A_141, %get3A_228 : vector<16xbf16>
        %get3A_230 = arith.index_cast %mul3A_119 : i32 to index
        %get3A_231 = arith.constant 272 : index
        %get3A_232 = tpu.vector_load %arg11[%get3A_230, %get3A_231] {strides = array<i32>} : memref<32x1024xbf16, #tpu.memory_space<vmem>>, vector<1x16xbf16>,
        %get3A_233 = vector.shape_cast %get3A_232 : vector<1x16xbf16> to vector<16xbf16>
        %mul3A_234 = arith.mulf %convert_element_type3A_145, %get3A_233 : vector<16xbf16>
        %add3A_235 = arith.addf %mul3A_229, %mul3A_234 : vector<16xbf16>
        %get3A_236 = arith.index_cast %mul3A_119 : i32 to index
        %get3A_237 = arith.constant 528 : index
        %get3A_238 = tpu.vector_load %arg11[%get3A_236, %get3A_237] {strides = array<i32>} : memref<32x1024xbf16, #tpu.memory_space<vmem>>, vector<1x16xbf16>,
        %get3A_239 = vector.shape_cast %get3A_238 : vector<1x16xbf16> to vector<16xbf16>
        %mul3A_240 = arith.mulf %convert_element_type3A_149, %get3A_239 : vector<16xbf16>
        %add3A_241 = arith.addf %add3A_235, %mul3A_240 : vector<16xbf16>
        %get3A_242 = arith.index_cast %mul3A_119 : i32 to index
        %get3A_243 = arith.constant 784 : index
        %get3A_244 = tpu.vector_load %arg11[%get3A_242, %get3A_243] {strides = array<i32>} : memref<32x1024xbf16, #tpu.memory_space<vmem>>, vector<1x16xbf16>,
        %get3A_245 = vector.shape_cast %get3A_244 : vector<1x16xbf16> to vector<16xbf16>
        %mul3A_246 = arith.mulf %convert_element_type3A_153, %get3A_245 : vector<16xbf16>
        %add3A_247 = arith.addf %add3A_241, %mul3A_246 : vector<16xbf16>
        %get3A_248 = arith.index_cast %add3A_123 : i32 to index
        %get3A_249 = arith.constant 16 : index
        %get3A_250 = tpu.vector_load %arg11[%get3A_248, %get3A_249] {strides = array<i32>} : memref<32x1024xbf16, #tpu.memory_space<vmem>>, vector<1x16xbf16>,
        %get3A_251 = vector.shape_cast %get3A_250 : vector<1x16xbf16> to vector<16xbf16>
        %mul3A_252 = arith.mulf %convert_element_type3A_157, %get3A_251 : vector<16xbf16>
        %get3A_253 = arith.index_cast %add3A_123 : i32 to index
        %get3A_254 = arith.constant 272 : index
        %get3A_255 = tpu.vector_load %arg11[%get3A_253, %get3A_254] {strides = array<i32>} : memref<32x1024xbf16, #tpu.memory_space<vmem>>, vector<1x16xbf16>,
        %get3A_256 = vector.shape_cast %get3A_255 : vector<1x16xbf16> to vector<16xbf16>
        %mul3A_257 = arith.mulf %convert_element_type3A_161, %get3A_256 : vector<16xbf16>
        %add3A_258 = arith.addf %mul3A_252, %mul3A_257 : vector<16xbf16>
        %get3A_259 = arith.index_cast %add3A_123 : i32 to index
        %get3A_260 = arith.constant 528 : index
        %get3A_261 = tpu.vector_load %arg11[%get3A_259, %get3A_260] {strides = array<i32>} : memref<32x1024xbf16, #tpu.memory_space<vmem>>, vector<1x16xbf16>,
        %get3A_262 = vector.shape_cast %get3A_261 : vector<1x16xbf16> to vector<16xbf16>
        %mul3A_263 = arith.mulf %convert_element_type3A_165, %get3A_262 : vector<16xbf16>
        %add3A_264 = arith.addf %add3A_258, %mul3A_263 : vector<16xbf16>
        %get3A_265 = arith.index_cast %add3A_123 : i32 to index
        %get3A_266 = arith.constant 784 : index
        %get3A_267 = tpu.vector_load %arg11[%get3A_265, %get3A_266] {strides = array<i32>} : memref<32x1024xbf16, #tpu.memory_space<vmem>>, vector<1x16xbf16>,
        %get3A_268 = vector.shape_cast %get3A_267 : vector<1x16xbf16> to vector<16xbf16>
        %mul3A_269 = arith.mulf %convert_element_type3A_169, %get3A_268 : vector<16xbf16>
        %add3A_270 = arith.addf %add3A_264, %mul3A_269 : vector<16xbf16>
        %swap3A_271 = arith.index_cast %mul3A_119 : i32 to index
        %swap3A_272 = arith.constant 16 : index
        %swap3A_273 = tpu.vector_load %arg23[%swap3A_271, %swap3A_272] {strides = array<i32>} : memref<32x256xbf16, #tpu.memory_space<vmem>>, vector<1x16xbf16>,
        %swap3A_274 = vector.shape_cast %swap3A_273 : vector<1x16xbf16> to vector<16xbf16>
        %swap3A_275 = vector.shape_cast %add3A_247 : vector<16xbf16> to vector<1x16xbf16>
        tpu.vector_store %arg23[%swap3A_271, %swap3A_272], %swap3A_275 {strides = array<i32>} : memref<32x256xbf16, #tpu.memory_space<vmem>>, vector<1x16xbf16>,
        %swap3A_276 = arith.index_cast %add3A_123 : i32 to index
        %swap3A_277 = arith.constant 16 : index
        %swap3A_278 = tpu.vector_load %arg23[%swap3A_276, %swap3A_277] {strides = array<i32>} : memref<32x256xbf16, #tpu.memory_space<vmem>>, vector<1x16xbf16>,
        %swap3A_279 = vector.shape_cast %swap3A_278 : vector<1x16xbf16> to vector<16xbf16>
        %swap3A_280 = vector.shape_cast %add3A_270 : vector<16xbf16> to vector<1x16xbf16>
        tpu.vector_store %arg23[%swap3A_276, %swap3A_277], %swap3A_280 {strides = array<i32>} : memref<32x256xbf16, #tpu.memory_space<vmem>>, vector<1x16xbf16>,
        %get3A_281 = arith.index_cast %mul3A_119 : i32 to index
        %get3A_282 = arith.constant 32 : index
        %get3A_283 = tpu.vector_load %arg11[%get3A_281, %get3A_282] {strides = array<i32>} : memref<32x1024xbf16, #tpu.memory_space<vmem>>, vector<1x16xbf16>,
        %get3A_284 = vector.shape_cast %get3A_283 : vector<1x16xbf16> to vector<16xbf16>
        %mul3A_285 = arith.mulf %convert_element_type3A_141, %get3A_284 : vector<16xbf16>
        %get3A_286 = arith.index_cast %mul3A_119 : i32 to index
        %get3A_287 = arith.constant 288 : index
        %get3A_288 = tpu.vector_load %arg11[%get3A_286, %get3A_287] {strides = array<i32>} : memref<32x1024xbf16, #tpu.memory_space<vmem>>, vector<1x16xbf16>,
        %get3A_289 = vector.shape_cast %get3A_288 : vector<1x16xbf16> to vector<16xbf16>
        %mul3A_290 = arith.mulf %convert_element_type3A_145, %get3A_289 : vector<16xbf16>
        %add3A_291 = arith.addf %mul3A_285, %mul3A_290 : vector<16xbf16>
        %get3A_292 = arith.index_cast %mul3A_119 : i32 to index
        %get3A_293 = arith.constant 544 : index
        %get3A_294 = tpu.vector_load %arg11[%get3A_292, %get3A_293] {strides = array<i32>} : memref<32x1024xbf16, #tpu.memory_space<vmem>>, vector<1x16xbf16>,
        %get3A_295 = vector.shape_cast %get3A_294 : vector<1x16xbf16> to vector<16xbf16>
        %mul3A_296 = arith.mulf %convert_element_type3A_149, %get3A_295 : vector<16xbf16>
        %add3A_297 = arith.addf %add3A_291, %mul3A_296 : vector<16xbf16>
        %get3A_298 = arith.index_cast %mul3A_119 : i32 to index
        %get3A_299 = arith.constant 800 : index
        %get3A_300 = tpu.vector_load %arg11[%get3A_298, %get3A_299] {strides = array<i32>} : memref<32x1024xbf16, #tpu.memory_space<vmem>>, vector<1x16xbf16>,
        %get3A_301 = vector.shape_cast %get3A_300 : vector<1x16xbf16> to vector<16xbf16>
        %mul3A_302 = arith.mulf %convert_element_type3A_153, %get3A_301 : vector<16xbf16>
        %add3A_303 = arith.addf %add3A_297, %mul3A_302 : vector<16xbf16>
        %get3A_304 = arith.index_cast %add3A_123 : i32 to index
        %get3A_305 = arith.constant 32 : index
        %get3A_306 = tpu.vector_load %arg11[%get3A_304, %get3A_305] {strides = array<i32>} : memref<32x1024xbf16, #tpu.memory_space<vmem>>, vector<1x16xbf16>,
        %get3A_307 = vector.shape_cast %get3A_306 : vector<1x16xbf16> to vector<16xbf16>
        %mul3A_308 = arith.mulf %convert_element_type3A_157, %get3A_307 : vector<16xbf16>
        %get3A_309 = arith.index_cast %add3A_123 : i32 to index
        %get3A_310 = arith.constant 288 : index
        %get3A_311 = tpu.vector_load %arg11[%get3A_309, %get3A_310] {strides = array<i32>} : memref<32x1024xbf16, #tpu.memory_space<vmem>>, vector<1x16xbf16>,
        %get3A_312 = vector.shape_cast %get3A_311 : vector<1x16xbf16> to vector<16xbf16>
        %mul3A_313 = arith.mulf %convert_element_type3A_161, %get3A_312 : vector<16xbf16>
        %add3A_314 = arith.addf %mul3A_308, %mul3A_313 : vector<16xbf16>
        %get3A_315 = arith.index_cast %add3A_123 : i32 to index
        %get3A_316 = arith.constant 544 : index
        %get3A_317 = tpu.vector_load %arg11[%get3A_315, %get3A_316] {strides = array<i32>} : memref<32x1024xbf16, #tpu.memory_space<vmem>>, vector<1x16xbf16>,
        %get3A_318 = vector.shape_cast %get3A_317 : vector<1x16xbf16> to vector<16xbf16>
        %mul3A_319 = arith.mulf %convert_element_type3A_165, %get3A_318 : vector<16xbf16>
        %add3A_320 = arith.addf %add3A_314, %mul3A_319 : vector<16xbf16>
        %get3A_321 = arith.index_cast %add3A_123 : i32 to index
        %get3A_322 = arith.constant 800 : index
        %get3A_323 = tpu.vector_load %arg11[%get3A_321, %get3A_322] {strides = array<i32>} : memref<32x1024xbf16, #tpu.memory_space<vmem>>, vector<1x16xbf16>,
        %get3A_324 = vector.shape_cast %get3A_323 : vector<1x16xbf16> to vector<16xbf16>
        %mul3A_325 = arith.mulf %convert_element_type3A_169, %get3A_324 : vector<16xbf16>
        %add3A_326 = arith.addf %add3A_320, %mul3A_325 : vector<16xbf16>
        %swap3A_327 = arith.index_cast %mul3A_119 : i32 to index
        %swap3A_328 = arith.constant 32 : index
        %swap3A_329 = tpu.vector_load %arg23[%swap3A_327, %swap3A_328] {strides = array<i32>} : memref<32x256xbf16, #tpu.memory_space<vmem>>, vector<1x16xbf16>,
        %swap3A_330 = vector.shape_cast %swap3A_329 : vector<1x16xbf16> to vector<16xbf16>
        %swap3A_331 = vector.shape_cast %add3A_303 : vector<16xbf16> to vector<1x16xbf16>
        tpu.vector_store %arg23[%swap3A_327, %swap3A_328], %swap3A_331 {strides = array<i32>} : memref<32x256xbf16, #tpu.memory_space<vmem>>, vector<1x16xbf16>,
        %swap3A_332 = arith.index_cast %add3A_123 : i32 to index
        %swap3A_333 = arith.constant 32 : index
        %swap3A_334 = tpu.vector_load %arg23[%swap3A_332, %swap3A_333] {strides = array<i32>} : memref<32x256xbf16, #tpu.memory_space<vmem>>, vector<1x16xbf16>,
        %swap3A_335 = vector.shape_cast %swap3A_334 : vector<1x16xbf16> to vector<16xbf16>
        %swap3A_336 = vector.shape_cast %add3A_326 : vector<16xbf16> to vector<1x16xbf16>
        tpu.vector_store %arg23[%swap3A_332, %swap3A_333], %swap3A_336 {strides = array<i32>} : memref<32x256xbf16, #tpu.memory_space<vmem>>, vector<1x16xbf16>,
        %get3A_337 = arith.index_cast %mul3A_119 : i32 to index
        %get3A_338 = arith.constant 48 : index
        %get3A_339 = tpu.vector_load %arg11[%get3A_337, %get3A_338] {strides = array<i32>} : memref<32x1024xbf16, #tpu.memory_space<vmem>>, vector<1x16xbf16>,
        %get3A_340 = vector.shape_cast %get3A_339 : vector<1x16xbf16> to vector<16xbf16>
        %mul3A_341 = arith.mulf %convert_element_type3A_141, %get3A_340 : vector<16xbf16>
        %get3A_342 = arith.index_cast %mul3A_119 : i32 to index
        %get3A_343 = arith.constant 304 : index
        %get3A_344 = tpu.vector_load %arg11[%get3A_342, %get3A_343] {strides = array<i32>} : memref<32x1024xbf16, #tpu.memory_space<vmem>>, vector<1x16xbf16>,
        %get3A_345 = vector.shape_cast %get3A_344 : vector<1x16xbf16> to vector<16xbf16>
        %mul3A_346 = arith.mulf %convert_element_type3A_145, %get3A_345 : vector<16xbf16>
        %add3A_347 = arith.addf %mul3A_341, %mul3A_346 : vector<16xbf16>
        %get3A_348 = arith.index_cast %mul3A_119 : i32 to index
        %get3A_349 = arith.constant 560 : index
        %get3A_350 = tpu.vector_load %arg11[%get3A_348, %get3A_349] {strides = array<i32>} : memref<32x1024xbf16, #tpu.memory_space<vmem>>, vector<1x16xbf16>,
        %get3A_351 = vector.shape_cast %get3A_350 : vector<1x16xbf16> to vector<16xbf16>
        %mul3A_352 = arith.mulf %convert_element_type3A_149, %get3A_351 : vector<16xbf16>
        %add3A_353 = arith.addf %add3A_347, %mul3A_352 : vector<16xbf16>
        %get3A_354 = arith.index_cast %mul3A_119 : i32 to index
        %get3A_355 = arith.constant 816 : index
        %get3A_356 = tpu.vector_load %arg11[%get3A_354, %get3A_355] {strides = array<i32>} : memref<32x1024xbf16, #tpu.memory_space<vmem>>, vector<1x16xbf16>,
        %get3A_357 = vector.shape_cast %get3A_356 : vector<1x16xbf16> to vector<16xbf16>
        %mul3A_358 = arith.mulf %convert_element_type3A_153, %get3A_357 : vector<16xbf16>
        %add3A_359 = arith.addf %add3A_353, %mul3A_358 : vector<16xbf16>
        %get3A_360 = arith.index_cast %add3A_123 : i32 to index
        %get3A_361 = arith.constant 48 : index
        %get3A_362 = tpu.vector_load %arg11[%get3A_360, %get3A_361] {strides = array<i32>} : memref<32x1024xbf16, #tpu.memory_space<vmem>>, vector<1x16xbf16>,
        %get3A_363 = vector.shape_cast %get3A_362 : vector<1x16xbf16> to vector<16xbf16>
        %mul3A_364 = arith.mulf %convert_element_type3A_157, %get3A_363 : vector<16xbf16>
        %get3A_365 = arith.index_cast %add3A_123 : i32 to index
        %get3A_366 = arith.constant 304 : index
        %get3A_367 = tpu.vector_load %arg11[%get3A_365, %get3A_366] {strides = array<i32>} : memref<32x1024xbf16, #tpu.memory_space<vmem>>, vector<1x16xbf16>,
        %get3A_368 = vector.shape_cast %get3A_367 : vector<1x16xbf16> to vector<16xbf16>
        %mul3A_369 = arith.mulf %convert_element_type3A_161, %get3A_368 : vector<16xbf16>
        %add3A_370 = arith.addf %mul3A_364, %mul3A_369 : vector<16xbf16>
        %get3A_371 = arith.index_cast %add3A_123 : i32 to index
        %get3A_372 = arith.constant 560 : index
        %get3A_373 = tpu.vector_load %arg11[%get3A_371, %get3A_372] {strides = array<i32>} : memref<32x1024xbf16, #tpu.memory_space<vmem>>, vector<1x16xbf16>,
        %get3A_374 = vector.shape_cast %get3A_373 : vector<1x16xbf16> to vector<16xbf16>
        %mul3A_375 = arith.mulf %convert_element_type3A_165, %get3A_374 : vector<16xbf16>
        %add3A_376 = arith.addf %add3A_370, %mul3A_375 : vector<16xbf16>
        %get3A_377 = arith.index_cast %add3A_123 : i32 to index
        %get3A_378 = arith.constant 816 : index
        %get3A_379 = tpu.vector_load %arg11[%get3A_377, %get3A_378] {strides = array<i32>} : memref<32x1024xbf16, #tpu.memory_space<vmem>>, vector<1x16xbf16>,
        %get3A_380 = vector.shape_cast %get3A_379 : vector<1x16xbf16> to vector<16xbf16>
        %mul3A_381 = arith.mulf %convert_element_type3A_169, %get3A_380 : vector<16xbf16>
        %add3A_382 = arith.addf %add3A_376, %mul3A_381 : vector<16xbf16>
        %swap3A_383 = arith.index_cast %mul3A_119 : i32 to index
        %swap3A_384 = arith.constant 48 : index
        %swap3A_385 = tpu.vector_load %arg23[%swap3A_383, %swap3A_384] {strides = array<i32>} : memref<32x256xbf16, #tpu.memory_space<vmem>>, vector<1x16xbf16>,
        %swap3A_386 = vector.shape_cast %swap3A_385 : vector<1x16xbf16> to vector<16xbf16>
        %swap3A_387 = vector.shape_cast %add3A_359 : vector<16xbf16> to vector<1x16xbf16>
        tpu.vector_store %arg23[%swap3A_383, %swap3A_384], %swap3A_387 {strides = array<i32>} : memref<32x256xbf16, #tpu.memory_space<vmem>>, vector<1x16xbf16>,
        %swap3A_388 = arith.index_cast %add3A_123 : i32 to index
        %swap3A_389 = arith.constant 48 : index
        %swap3A_390 = tpu.vector_load %arg23[%swap3A_388, %swap3A_389] {strides = array<i32>} : memref<32x256xbf16, #tpu.memory_space<vmem>>, vector<1x16xbf16>,
        %swap3A_391 = vector.shape_cast %swap3A_390 : vector<1x16xbf16> to vector<16xbf16>
        %swap3A_392 = vector.shape_cast %add3A_382 : vector<16xbf16> to vector<1x16xbf16>
        tpu.vector_store %arg23[%swap3A_388, %swap3A_389], %swap3A_392 {strides = array<i32>} : memref<32x256xbf16, #tpu.memory_space<vmem>>, vector<1x16xbf16>,
        %get3A_393 = arith.index_cast %mul3A_119 : i32 to index
        %get3A_394 = arith.constant 64 : index
        %get3A_395 = tpu.vector_load %arg11[%get3A_393, %get3A_394] {strides = array<i32>} : memref<32x1024xbf16, #tpu.memory_space<vmem>>, vector<1x16xbf16>,
        %get3A_396 = vector.shape_cast %get3A_395 : vector<1x16xbf16> to vector<16xbf16>
        %mul3A_397 = arith.mulf %convert_element_type3A_141, %get3A_396 : vector<16xbf16>
        %get3A_398 = arith.index_cast %mul3A_119 : i32 to index
        %get3A_399 = arith.constant 320 : index
        %get3A_400 = tpu.vector_load %arg11[%get3A_398, %get3A_399] {strides = array<i32>} : memref<32x1024xbf16, #tpu.memory_space<vmem>>, vector<1x16xbf16>,
        %get3A_401 = vector.shape_cast %get3A_400 : vector<1x16xbf16> to vector<16xbf16>
        %mul3A_402 = arith.mulf %convert_element_type3A_145, %get3A_401 : vector<16xbf16>
        %add3A_403 = arith.addf %mul3A_397, %mul3A_402 : vector<16xbf16>
        %get3A_404 = arith.index_cast %mul3A_119 : i32 to index
        %get3A_405 = arith.constant 576 : index
        %get3A_406 = tpu.vector_load %arg11[%get3A_404, %get3A_405] {strides = array<i32>} : memref<32x1024xbf16, #tpu.memory_space<vmem>>, vector<1x16xbf16>,
        %get3A_407 = vector.shape_cast %get3A_406 : vector<1x16xbf16> to vector<16xbf16>
        %mul3A_408 = arith.mulf %convert_element_type3A_149, %get3A_407 : vector<16xbf16>
        %add3A_409 = arith.addf %add3A_403, %mul3A_408 : vector<16xbf16>
        %get3A_410 = arith.index_cast %mul3A_119 : i32 to index
        %get3A_411 = arith.constant 832 : index
        %get3A_412 = tpu.vector_load %arg11[%get3A_410, %get3A_411] {strides = array<i32>} : memref<32x1024xbf16, #tpu.memory_space<vmem>>, vector<1x16xbf16>,
        %get3A_413 = vector.shape_cast %get3A_412 : vector<1x16xbf16> to vector<16xbf16>
        %mul3A_414 = arith.mulf %convert_element_type3A_153, %get3A_413 : vector<16xbf16>
        %add3A_415 = arith.addf %add3A_409, %mul3A_414 : vector<16xbf16>
        %get3A_416 = arith.index_cast %add3A_123 : i32 to index
        %get3A_417 = arith.constant 64 : index
        %get3A_418 = tpu.vector_load %arg11[%get3A_416, %get3A_417] {strides = array<i32>} : memref<32x1024xbf16, #tpu.memory_space<vmem>>, vector<1x16xbf16>,
        %get3A_419 = vector.shape_cast %get3A_418 : vector<1x16xbf16> to vector<16xbf16>
        %mul3A_420 = arith.mulf %convert_element_type3A_157, %get3A_419 : vector<16xbf16>
        %get3A_421 = arith.index_cast %add3A_123 : i32 to index
        %get3A_422 = arith.constant 320 : index
        %get3A_423 = tpu.vector_load %arg11[%get3A_421, %get3A_422] {strides = array<i32>} : memref<32x1024xbf16, #tpu.memory_space<vmem>>, vector<1x16xbf16>,
        %get3A_424 = vector.shape_cast %get3A_423 : vector<1x16xbf16> to vector<16xbf16>
        %mul3A_425 = arith.mulf %convert_element_type3A_161, %get3A_424 : vector<16xbf16>
        %add3A_426 = arith.addf %mul3A_420, %mul3A_425 : vector<16xbf16>
        %get3A_427 = arith.index_cast %add3A_123 : i32 to index
        %get3A_428 = arith.constant 576 : index
        %get3A_429 = tpu.vector_load %arg11[%get3A_427, %get3A_428] {strides = array<i32>} : memref<32x1024xbf16, #tpu.memory_space<vmem>>, vector<1x16xbf16>,
        %get3A_430 = vector.shape_cast %get3A_429 : vector<1x16xbf16> to vector<16xbf16>
        %mul3A_431 = arith.mulf %convert_element_type3A_165, %get3A_430 : vector<16xbf16>
        %add3A_432 = arith.addf %add3A_426, %mul3A_431 : vector<16xbf16>
        %get3A_433 = arith.index_cast %add3A_123 : i32 to index
        %get3A_434 = arith.constant 832 : index
        %get3A_435 = tpu.vector_load %arg11[%get3A_433, %get3A_434] {strides = array<i32>} : memref<32x1024xbf16, #tpu.memory_space<vmem>>, vector<1x16xbf16>,
        %get3A_436 = vector.shape_cast %get3A_435 : vector<1x16xbf16> to vector<16xbf16>
        %mul3A_437 = arith.mulf %convert_element_type3A_169, %get3A_436 : vector<16xbf16>
        %add3A_438 = arith.addf %add3A_432, %mul3A_437 : vector<16xbf16>
        %swap3A_439 = arith.index_cast %mul3A_119 : i32 to index
        %swap3A_440 = arith.constant 64 : index
        %swap3A_441 = tpu.vector_load %arg23[%swap3A_439, %swap3A_440] {strides = array<i32>} : memref<32x256xbf16, #tpu.memory_space<vmem>>, vector<1x16xbf16>,
        %swap3A_442 = vector.shape_cast %swap3A_441 : vector<1x16xbf16> to vector<16xbf16>
        %swap3A_443 = vector.shape_cast %add3A_415 : vector<16xbf16> to vector<1x16xbf16>
        tpu.vector_store %arg23[%swap3A_439, %swap3A_440], %swap3A_443 {strides = array<i32>} : memref<32x256xbf16, #tpu.memory_space<vmem>>, vector<1x16xbf16>,
        %swap3A_444 = arith.index_cast %add3A_123 : i32 to index
        %swap3A_445 = arith.constant 64 : index
        %swap3A_446 = tpu.vector_load %arg23[%swap3A_444, %swap3A_445] {strides = array<i32>} : memref<32x256xbf16, #tpu.memory_space<vmem>>, vector<1x16xbf16>,
        %swap3A_447 = vector.shape_cast %swap3A_446 : vector<1x16xbf16> to vector<16xbf16>
        %swap3A_448 = vector.shape_cast %add3A_438 : vector<16xbf16> to vector<1x16xbf16>
        tpu.vector_store %arg23[%swap3A_444, %swap3A_445], %swap3A_448 {strides = array<i32>} : memref<32x256xbf16, #tpu.memory_space<vmem>>, vector<1x16xbf16>,
        %get3A_449 = arith.index_cast %mul3A_119 : i32 to index
        %get3A_450 = arith.constant 80 : index
        %get3A_451 = tpu.vector_load %arg11[%get3A_449, %get3A_450] {strides = array<i32>} : memref<32x1024xbf16, #tpu.memory_space<vmem>>, vector<1x16xbf16>,
        %get3A_452 = vector.shape_cast %get3A_451 : vector<1x16xbf16> to vector<16xbf16>
        %mul3A_453 = arith.mulf %convert_element_type3A_141, %get3A_452 : vector<16xbf16>
        %get3A_454 = arith.index_cast %mul3A_119 : i32 to index
        %get3A_455 = arith.constant 336 : index
        %get3A_456 = tpu.vector_load %arg11[%get3A_454, %get3A_455] {strides = array<i32>} : memref<32x1024xbf16, #tpu.memory_space<vmem>>, vector<1x16xbf16>,
        %get3A_457 = vector.shape_cast %get3A_456 : vector<1x16xbf16> to vector<16xbf16>
        %mul3A_458 = arith.mulf %convert_element_type3A_145, %get3A_457 : vector<16xbf16>
        %add3A_459 = arith.addf %mul3A_453, %mul3A_458 : vector<16xbf16>
        %get3A_460 = arith.index_cast %mul3A_119 : i32 to index
        %get3A_461 = arith.constant 592 : index
        %get3A_462 = tpu.vector_load %arg11[%get3A_460, %get3A_461] {strides = array<i32>} : memref<32x1024xbf16, #tpu.memory_space<vmem>>, vector<1x16xbf16>,
        %get3A_463 = vector.shape_cast %get3A_462 : vector<1x16xbf16> to vector<16xbf16>
        %mul3A_464 = arith.mulf %convert_element_type3A_149, %get3A_463 : vector<16xbf16>
        %add3A_465 = arith.addf %add3A_459, %mul3A_464 : vector<16xbf16>
        %get3A_466 = arith.index_cast %mul3A_119 : i32 to index
        %get3A_467 = arith.constant 848 : index
        %get3A_468 = tpu.vector_load %arg11[%get3A_466, %get3A_467] {strides = array<i32>} : memref<32x1024xbf16, #tpu.memory_space<vmem>>, vector<1x16xbf16>,
        %get3A_469 = vector.shape_cast %get3A_468 : vector<1x16xbf16> to vector<16xbf16>
        %mul3A_470 = arith.mulf %convert_element_type3A_153, %get3A_469 : vector<16xbf16>
        %add3A_471 = arith.addf %add3A_465, %mul3A_470 : vector<16xbf16>
        %get3A_472 = arith.index_cast %add3A_123 : i32 to index
        %get3A_473 = arith.constant 80 : index
        %get3A_474 = tpu.vector_load %arg11[%get3A_472, %get3A_473] {strides = array<i32>} : memref<32x1024xbf16, #tpu.memory_space<vmem>>, vector<1x16xbf16>,
        %get3A_475 = vector.shape_cast %get3A_474 : vector<1x16xbf16> to vector<16xbf16>
        %mul3A_476 = arith.mulf %convert_element_type3A_157, %get3A_475 : vector<16xbf16>
        %get3A_477 = arith.index_cast %add3A_123 : i32 to index
        %get3A_478 = arith.constant 336 : index
        %get3A_479 = tpu.vector_load %arg11[%get3A_477, %get3A_478] {strides = array<i32>} : memref<32x1024xbf16, #tpu.memory_space<vmem>>, vector<1x16xbf16>,
        %get3A_480 = vector.shape_cast %get3A_479 : vector<1x16xbf16> to vector<16xbf16>
        %mul3A_481 = arith.mulf %convert_element_type3A_161, %get3A_480 : vector<16xbf16>
        %add3A_482 = arith.addf %mul3A_476, %mul3A_481 : vector<16xbf16>
        %get3A_483 = arith.index_cast %add3A_123 : i32 to index
        %get3A_484 = arith.constant 592 : index
        %get3A_485 = tpu.vector_load %arg11[%get3A_483, %get3A_484] {strides = array<i32>} : memref<32x1024xbf16, #tpu.memory_space<vmem>>, vector<1x16xbf16>,
        %get3A_486 = vector.shape_cast %get3A_485 : vector<1x16xbf16> to vector<16xbf16>
        %mul3A_487 = arith.mulf %convert_element_type3A_165, %get3A_486 : vector<16xbf16>
        %add3A_488 = arith.addf %add3A_482, %mul3A_487 : vector<16xbf16>
        %get3A_489 = arith.index_cast %add3A_123 : i32 to index
        %get3A_490 = arith.constant 848 : index
        %get3A_491 = tpu.vector_load %arg11[%get3A_489, %get3A_490] {strides = array<i32>} : memref<32x1024xbf16, #tpu.memory_space<vmem>>, vector<1x16xbf16>,
        %get3A_492 = vector.shape_cast %get3A_491 : vector<1x16xbf16> to vector<16xbf16>
        %mul3A_493 = arith.mulf %convert_element_type3A_169, %get3A_492 : vector<16xbf16>
        %add3A_494 = arith.addf %add3A_488, %mul3A_493 : vector<16xbf16>
        %swap3A_495 = arith.index_cast %mul3A_119 : i32 to index
        %swap3A_496 = arith.constant 80 : index
        %swap3A_497 = tpu.vector_load %arg23[%swap3A_495, %swap3A_496] {strides = array<i32>} : memref<32x256xbf16, #tpu.memory_space<vmem>>, vector<1x16xbf16>,
        %swap3A_498 = vector.shape_cast %swap3A_497 : vector<1x16xbf16> to vector<16xbf16>
        %swap3A_499 = vector.shape_cast %add3A_471 : vector<16xbf16> to vector<1x16xbf16>
        tpu.vector_store %arg23[%swap3A_495, %swap3A_496], %swap3A_499 {strides = array<i32>} : memref<32x256xbf16, #tpu.memory_space<vmem>>, vector<1x16xbf16>,
        %swap3A_500 = arith.index_cast %add3A_123 : i32 to index
        %swap3A_501 = arith.constant 80 : index
        %swap3A_502 = tpu.vector_load %arg23[%swap3A_500, %swap3A_501] {strides = array<i32>} : memref<32x256xbf16, #tpu.memory_space<vmem>>, vector<1x16xbf16>,
        %swap3A_503 = vector.shape_cast %swap3A_502 : vector<1x16xbf16> to vector<16xbf16>
        %swap3A_504 = vector.shape_cast %add3A_494 : vector<16xbf16> to vector<1x16xbf16>
        tpu.vector_store %arg23[%swap3A_500, %swap3A_501], %swap3A_504 {strides = array<i32>} : memref<32x256xbf16, #tpu.memory_space<vmem>>, vector<1x16xbf16>,
        %get3A_505 = arith.index_cast %mul3A_119 : i32 to index
        %get3A_506 = arith.constant 96 : index
        %get3A_507 = tpu.vector_load %arg11[%get3A_505, %get3A_506] {strides = array<i32>} : memref<32x1024xbf16, #tpu.memory_space<vmem>>, vector<1x16xbf16>,
        %get3A_508 = vector.shape_cast %get3A_507 : vector<1x16xbf16> to vector<16xbf16>
        %mul3A_509 = arith.mulf %convert_element_type3A_141, %get3A_508 : vector<16xbf16>
        %get3A_510 = arith.index_cast %mul3A_119 : i32 to index
        %get3A_511 = arith.constant 352 : index
        %get3A_512 = tpu.vector_load %arg11[%get3A_510, %get3A_511] {strides = array<i32>} : memref<32x1024xbf16, #tpu.memory_space<vmem>>, vector<1x16xbf16>,
        %get3A_513 = vector.shape_cast %get3A_512 : vector<1x16xbf16> to vector<16xbf16>
        %mul3A_514 = arith.mulf %convert_element_type3A_145, %get3A_513 : vector<16xbf16>
        %add3A_515 = arith.addf %mul3A_509, %mul3A_514 : vector<16xbf16>
        %get3A_516 = arith.index_cast %mul3A_119 : i32 to index
        %get3A_517 = arith.constant 608 : index
        %get3A_518 = tpu.vector_load %arg11[%get3A_516, %get3A_517] {strides = array<i32>} : memref<32x1024xbf16, #tpu.memory_space<vmem>>, vector<1x16xbf16>,
        %get3A_519 = vector.shape_cast %get3A_518 : vector<1x16xbf16> to vector<16xbf16>
        %mul3A_520 = arith.mulf %convert_element_type3A_149, %get3A_519 : vector<16xbf16>
        %add3A_521 = arith.addf %add3A_515, %mul3A_520 : vector<16xbf16>
        %get3A_522 = arith.index_cast %mul3A_119 : i32 to index
        %get3A_523 = arith.constant 864 : index
        %get3A_524 = tpu.vector_load %arg11[%get3A_522, %get3A_523] {strides = array<i32>} : memref<32x1024xbf16, #tpu.memory_space<vmem>>, vector<1x16xbf16>,
        %get3A_525 = vector.shape_cast %get3A_524 : vector<1x16xbf16> to vector<16xbf16>
        %mul3A_526 = arith.mulf %convert_element_type3A_153, %get3A_525 : vector<16xbf16>
        %add3A_527 = arith.addf %add3A_521, %mul3A_526 : vector<16xbf16>
        %get3A_528 = arith.index_cast %add3A_123 : i32 to index
        %get3A_529 = arith.constant 96 : index
        %get3A_530 = tpu.vector_load %arg11[%get3A_528, %get3A_529] {strides = array<i32>} : memref<32x1024xbf16, #tpu.memory_space<vmem>>, vector<1x16xbf16>,
        %get3A_531 = vector.shape_cast %get3A_530 : vector<1x16xbf16> to vector<16xbf16>
        %mul3A_532 = arith.mulf %convert_element_type3A_157, %get3A_531 : vector<16xbf16>
        %get3A_533 = arith.index_cast %add3A_123 : i32 to index
        %get3A_534 = arith.constant 352 : index
        %get3A_535 = tpu.vector_load %arg11[%get3A_533, %get3A_534] {strides = array<i32>} : memref<32x1024xbf16, #tpu.memory_space<vmem>>, vector<1x16xbf16>,
        %get3A_536 = vector.shape_cast %get3A_535 : vector<1x16xbf16> to vector<16xbf16>
        %mul3A_537 = arith.mulf %convert_element_type3A_161, %get3A_536 : vector<16xbf16>
        %add3A_538 = arith.addf %mul3A_532, %mul3A_537 : vector<16xbf16>
        %get3A_539 = arith.index_cast %add3A_123 : i32 to index
        %get3A_540 = arith.constant 608 : index
        %get3A_541 = tpu.vector_load %arg11[%get3A_539, %get3A_540] {strides = array<i32>} : memref<32x1024xbf16, #tpu.memory_space<vmem>>, vector<1x16xbf16>,
        %get3A_542 = vector.shape_cast %get3A_541 : vector<1x16xbf16> to vector<16xbf16>
        %mul3A_543 = arith.mulf %convert_element_type3A_165, %get3A_542 : vector<16xbf16>
        %add3A_544 = arith.addf %add3A_538, %mul3A_543 : vector<16xbf16>
        %get3A_545 = arith.index_cast %add3A_123 : i32 to index
        %get3A_546 = arith.constant 864 : index
        %get3A_547 = tpu.vector_load %arg11[%get3A_545, %get3A_546] {strides = array<i32>} : memref<32x1024xbf16, #tpu.memory_space<vmem>>, vector<1x16xbf16>,
        %get3A_548 = vector.shape_cast %get3A_547 : vector<1x16xbf16> to vector<16xbf16>
        %mul3A_549 = arith.mulf %convert_element_type3A_169, %get3A_548 : vector<16xbf16>
        %add3A_550 = arith.addf %add3A_544, %mul3A_549 : vector<16xbf16>
        %swap3A_551 = arith.index_cast %mul3A_119 : i32 to index
        %swap3A_552 = arith.constant 96 : index
        %swap3A_553 = tpu.vector_load %arg23[%swap3A_551, %swap3A_552] {strides = array<i32>} : memref<32x256xbf16, #tpu.memory_space<vmem>>, vector<1x16xbf16>,
        %swap3A_554 = vector.shape_cast %swap3A_553 : vector<1x16xbf16> to vector<16xbf16>
        %swap3A_555 = vector.shape_cast %add3A_527 : vector<16xbf16> to vector<1x16xbf16>
        tpu.vector_store %arg23[%swap3A_551, %swap3A_552], %swap3A_555 {strides = array<i32>} : memref<32x256xbf16, #tpu.memory_space<vmem>>, vector<1x16xbf16>,
        %swap3A_556 = arith.index_cast %add3A_123 : i32 to index
        %swap3A_557 = arith.constant 96 : index
        %swap3A_558 = tpu.vector_load %arg23[%swap3A_556, %swap3A_557] {strides = array<i32>} : memref<32x256xbf16, #tpu.memory_space<vmem>>, vector<1x16xbf16>,
        %swap3A_559 = vector.shape_cast %swap3A_558 : vector<1x16xbf16> to vector<16xbf16>
        %swap3A_560 = vector.shape_cast %add3A_550 : vector<16xbf16> to vector<1x16xbf16>
        tpu.vector_store %arg23[%swap3A_556, %swap3A_557], %swap3A_560 {strides = array<i32>} : memref<32x256xbf16, #tpu.memory_space<vmem>>, vector<1x16xbf16>,
        %get3A_561 = arith.index_cast %mul3A_119 : i32 to index
        %get3A_562 = arith.constant 112 : index
        %get3A_563 = tpu.vector_load %arg11[%get3A_561, %get3A_562] {strides = array<i32>} : memref<32x1024xbf16, #tpu.memory_space<vmem>>, vector<1x16xbf16>,
        %get3A_564 = vector.shape_cast %get3A_563 : vector<1x16xbf16> to vector<16xbf16>
        %mul3A_565 = arith.mulf %convert_element_type3A_141, %get3A_564 : vector<16xbf16>
        %get3A_566 = arith.index_cast %mul3A_119 : i32 to index
        %get3A_567 = arith.constant 368 : index
        %get3A_568 = tpu.vector_load %arg11[%get3A_566, %get3A_567] {strides = array<i32>} : memref<32x1024xbf16, #tpu.memory_space<vmem>>, vector<1x16xbf16>,
        %get3A_569 = vector.shape_cast %get3A_568 : vector<1x16xbf16> to vector<16xbf16>
        %mul3A_570 = arith.mulf %convert_element_type3A_145, %get3A_569 : vector<16xbf16>
        %add3A_571 = arith.addf %mul3A_565, %mul3A_570 : vector<16xbf16>
        %get3A_572 = arith.index_cast %mul3A_119 : i32 to index
        %get3A_573 = arith.constant 624 : index
        %get3A_574 = tpu.vector_load %arg11[%get3A_572, %get3A_573] {strides = array<i32>} : memref<32x1024xbf16, #tpu.memory_space<vmem>>, vector<1x16xbf16>,
        %get3A_575 = vector.shape_cast %get3A_574 : vector<1x16xbf16> to vector<16xbf16>
        %mul3A_576 = arith.mulf %convert_element_type3A_149, %get3A_575 : vector<16xbf16>
        %add3A_577 = arith.addf %add3A_571, %mul3A_576 : vector<16xbf16>
        %get3A_578 = arith.index_cast %mul3A_119 : i32 to index
        %get3A_579 = arith.constant 880 : index
        %get3A_580 = tpu.vector_load %arg11[%get3A_578, %get3A_579] {strides = array<i32>} : memref<32x1024xbf16, #tpu.memory_space<vmem>>, vector<1x16xbf16>,
        %get3A_581 = vector.shape_cast %get3A_580 : vector<1x16xbf16> to vector<16xbf16>
        %mul3A_582 = arith.mulf %convert_element_type3A_153, %get3A_581 : vector<16xbf16>
        %add3A_583 = arith.addf %add3A_577, %mul3A_582 : vector<16xbf16>
        %get3A_584 = arith.index_cast %add3A_123 : i32 to index
        %get3A_585 = arith.constant 112 : index
        %get3A_586 = tpu.vector_load %arg11[%get3A_584, %get3A_585] {strides = array<i32>} : memref<32x1024xbf16, #tpu.memory_space<vmem>>, vector<1x16xbf16>,
        %get3A_587 = vector.shape_cast %get3A_586 : vector<1x16xbf16> to vector<16xbf16>
        %mul3A_588 = arith.mulf %convert_element_type3A_157, %get3A_587 : vector<16xbf16>
        %get3A_589 = arith.index_cast %add3A_123 : i32 to index
        %get3A_590 = arith.constant 368 : index
        %get3A_591 = tpu.vector_load %arg11[%get3A_589, %get3A_590] {strides = array<i32>} : memref<32x1024xbf16, #tpu.memory_space<vmem>>, vector<1x16xbf16>,
        %get3A_592 = vector.shape_cast %get3A_591 : vector<1x16xbf16> to vector<16xbf16>
        %mul3A_593 = arith.mulf %convert_element_type3A_161, %get3A_592 : vector<16xbf16>
        %add3A_594 = arith.addf %mul3A_588, %mul3A_593 : vector<16xbf16>
        %get3A_595 = arith.index_cast %add3A_123 : i32 to index
        %get3A_596 = arith.constant 624 : index
        %get3A_597 = tpu.vector_load %arg11[%get3A_595, %get3A_596] {strides = array<i32>} : memref<32x1024xbf16, #tpu.memory_space<vmem>>, vector<1x16xbf16>,
        %get3A_598 = vector.shape_cast %get3A_597 : vector<1x16xbf16> to vector<16xbf16>
        %mul3A_599 = arith.mulf %convert_element_type3A_165, %get3A_598 : vector<16xbf16>
        %add3A_600 = arith.addf %add3A_594, %mul3A_599 : vector<16xbf16>
        %get3A_601 = arith.index_cast %add3A_123 : i32 to index
        %get3A_602 = arith.constant 880 : index
        %get3A_603 = tpu.vector_load %arg11[%get3A_601, %get3A_602] {strides = array<i32>} : memref<32x1024xbf16, #tpu.memory_space<vmem>>, vector<1x16xbf16>,
        %get3A_604 = vector.shape_cast %get3A_603 : vector<1x16xbf16> to vector<16xbf16>
        %mul3A_605 = arith.mulf %convert_element_type3A_169, %get3A_604 : vector<16xbf16>
        %add3A_606 = arith.addf %add3A_600, %mul3A_605 : vector<16xbf16>
        %swap3A_607 = arith.index_cast %mul3A_119 : i32 to index
        %swap3A_608 = arith.constant 112 : index
        %swap3A_609 = tpu.vector_load %arg23[%swap3A_607, %swap3A_608] {strides = array<i32>} : memref<32x256xbf16, #tpu.memory_space<vmem>>, vector<1x16xbf16>,
        %swap3A_610 = vector.shape_cast %swap3A_609 : vector<1x16xbf16> to vector<16xbf16>
        %swap3A_611 = vector.shape_cast %add3A_583 : vector<16xbf16> to vector<1x16xbf16>
        tpu.vector_store %arg23[%swap3A_607, %swap3A_608], %swap3A_611 {strides = array<i32>} : memref<32x256xbf16, #tpu.memory_space<vmem>>, vector<1x16xbf16>,
        %swap3A_612 = arith.index_cast %add3A_123 : i32 to index
        %swap3A_613 = arith.constant 112 : index
        %swap3A_614 = tpu.vector_load %arg23[%swap3A_612, %swap3A_613] {strides = array<i32>} : memref<32x256xbf16, #tpu.memory_space<vmem>>, vector<1x16xbf16>,
        %swap3A_615 = vector.shape_cast %swap3A_614 : vector<1x16xbf16> to vector<16xbf16>
        %swap3A_616 = vector.shape_cast %add3A_606 : vector<16xbf16> to vector<1x16xbf16>
        tpu.vector_store %arg23[%swap3A_612, %swap3A_613], %swap3A_616 {strides = array<i32>} : memref<32x256xbf16, #tpu.memory_space<vmem>>, vector<1x16xbf16>,
        %get3A_617 = arith.index_cast %mul3A_119 : i32 to index
        %get3A_618 = arith.constant 128 : index
        %get3A_619 = tpu.vector_load %arg11[%get3A_617, %get3A_618] {strides = array<i32>} : memref<32x1024xbf16, #tpu.memory_space<vmem>>, vector<1x16xbf16>,
        %get3A_620 = vector.shape_cast %get3A_619 : vector<1x16xbf16> to vector<16xbf16>
        %mul3A_621 = arith.mulf %convert_element_type3A_141, %get3A_620 : vector<16xbf16>
        %get3A_622 = arith.index_cast %mul3A_119 : i32 to index
        %get3A_623 = arith.constant 384 : index
        %get3A_624 = tpu.vector_load %arg11[%get3A_622, %get3A_623] {strides = array<i32>} : memref<32x1024xbf16, #tpu.memory_space<vmem>>, vector<1x16xbf16>,
        %get3A_625 = vector.shape_cast %get3A_624 : vector<1x16xbf16> to vector<16xbf16>
        %mul3A_626 = arith.mulf %convert_element_type3A_145, %get3A_625 : vector<16xbf16>
        %add3A_627 = arith.addf %mul3A_621, %mul3A_626 : vector<16xbf16>
        %get3A_628 = arith.index_cast %mul3A_119 : i32 to index
        %get3A_629 = arith.constant 640 : index
        %get3A_630 = tpu.vector_load %arg11[%get3A_628, %get3A_629] {strides = array<i32>} : memref<32x1024xbf16, #tpu.memory_space<vmem>>, vector<1x16xbf16>,
        %get3A_631 = vector.shape_cast %get3A_630 : vector<1x16xbf16> to vector<16xbf16>
        %mul3A_632 = arith.mulf %convert_element_type3A_149, %get3A_631 : vector<16xbf16>
        %add3A_633 = arith.addf %add3A_627, %mul3A_632 : vector<16xbf16>
        %get3A_634 = arith.index_cast %mul3A_119 : i32 to index
        %get3A_635 = arith.constant 896 : index
        %get3A_636 = tpu.vector_load %arg11[%get3A_634, %get3A_635] {strides = array<i32>} : memref<32x1024xbf16, #tpu.memory_space<vmem>>, vector<1x16xbf16>,
        %get3A_637 = vector.shape_cast %get3A_636 : vector<1x16xbf16> to vector<16xbf16>
        %mul3A_638 = arith.mulf %convert_element_type3A_153, %get3A_637 : vector<16xbf16>
        %add3A_639 = arith.addf %add3A_633, %mul3A_638 : vector<16xbf16>
        %get3A_640 = arith.index_cast %add3A_123 : i32 to index
        %get3A_641 = arith.constant 128 : index
        %get3A_642 = tpu.vector_load %arg11[%get3A_640, %get3A_641] {strides = array<i32>} : memref<32x1024xbf16, #tpu.memory_space<vmem>>, vector<1x16xbf16>,
        %get3A_643 = vector.shape_cast %get3A_642 : vector<1x16xbf16> to vector<16xbf16>
        %mul3A_644 = arith.mulf %convert_element_type3A_157, %get3A_643 : vector<16xbf16>
        %get3A_645 = arith.index_cast %add3A_123 : i32 to index
        %get3A_646 = arith.constant 384 : index
        %get3A_647 = tpu.vector_load %arg11[%get3A_645, %get3A_646] {strides = array<i32>} : memref<32x1024xbf16, #tpu.memory_space<vmem>>, vector<1x16xbf16>,
        %get3A_648 = vector.shape_cast %get3A_647 : vector<1x16xbf16> to vector<16xbf16>
        %mul3A_649 = arith.mulf %convert_element_type3A_161, %get3A_648 : vector<16xbf16>
        %add3A_650 = arith.addf %mul3A_644, %mul3A_649 : vector<16xbf16>
        %get3A_651 = arith.index_cast %add3A_123 : i32 to index
        %get3A_652 = arith.constant 640 : index
        %get3A_653 = tpu.vector_load %arg11[%get3A_651, %get3A_652] {strides = array<i32>} : memref<32x1024xbf16, #tpu.memory_space<vmem>>, vector<1x16xbf16>,
        %get3A_654 = vector.shape_cast %get3A_653 : vector<1x16xbf16> to vector<16xbf16>
        %mul3A_655 = arith.mulf %convert_element_type3A_165, %get3A_654 : vector<16xbf16>
        %add3A_656 = arith.addf %add3A_650, %mul3A_655 : vector<16xbf16>
        %get3A_657 = arith.index_cast %add3A_123 : i32 to index
        %get3A_658 = arith.constant 896 : index
        %get3A_659 = tpu.vector_load %arg11[%get3A_657, %get3A_658] {strides = array<i32>} : memref<32x1024xbf16, #tpu.memory_space<vmem>>, vector<1x16xbf16>,
        %get3A_660 = vector.shape_cast %get3A_659 : vector<1x16xbf16> to vector<16xbf16>
        %mul3A_661 = arith.mulf %convert_element_type3A_169, %get3A_660 : vector<16xbf16>
        %add3A_662 = arith.addf %add3A_656, %mul3A_661 : vector<16xbf16>
        %swap3A_663 = arith.index_cast %mul3A_119 : i32 to index
        %swap3A_664 = arith.constant 128 : index
        %swap3A_665 = tpu.vector_load %arg23[%swap3A_663, %swap3A_664] {strides = array<i32>} : memref<32x256xbf16, #tpu.memory_space<vmem>>, vector<1x16xbf16>,
        %swap3A_666 = vector.shape_cast %swap3A_665 : vector<1x16xbf16> to vector<16xbf16>
        %swap3A_667 = vector.shape_cast %add3A_639 : vector<16xbf16> to vector<1x16xbf16>
        tpu.vector_store %arg23[%swap3A_663, %swap3A_664], %swap3A_667 {strides = array<i32>} : memref<32x256xbf16, #tpu.memory_space<vmem>>, vector<1x16xbf16>,
        %swap3A_668 = arith.index_cast %add3A_123 : i32 to index
        %swap3A_669 = arith.constant 128 : index
        %swap3A_670 = tpu.vector_load %arg23[%swap3A_668, %swap3A_669] {strides = array<i32>} : memref<32x256xbf16, #tpu.memory_space<vmem>>, vector<1x16xbf16>,
        %swap3A_671 = vector.shape_cast %swap3A_670 : vector<1x16xbf16> to vector<16xbf16>
        %swap3A_672 = vector.shape_cast %add3A_662 : vector<16xbf16> to vector<1x16xbf16>
        tpu.vector_store %arg23[%swap3A_668, %swap3A_669], %swap3A_672 {strides = array<i32>} : memref<32x256xbf16, #tpu.memory_space<vmem>>, vector<1x16xbf16>,
        %get3A_673 = arith.index_cast %mul3A_119 : i32 to index
        %get3A_674 = arith.constant 144 : index
        %get3A_675 = tpu.vector_load %arg11[%get3A_673, %get3A_674] {strides = array<i32>} : memref<32x1024xbf16, #tpu.memory_space<vmem>>, vector<1x16xbf16>,
        %get3A_676 = vector.shape_cast %get3A_675 : vector<1x16xbf16> to vector<16xbf16>
        %mul3A_677 = arith.mulf %convert_element_type3A_141, %get3A_676 : vector<16xbf16>
        %get3A_678 = arith.index_cast %mul3A_119 : i32 to index
        %get3A_679 = arith.constant 400 : index
        %get3A_680 = tpu.vector_load %arg11[%get3A_678, %get3A_679] {strides = array<i32>} : memref<32x1024xbf16, #tpu.memory_space<vmem>>, vector<1x16xbf16>,
        %get3A_681 = vector.shape_cast %get3A_680 : vector<1x16xbf16> to vector<16xbf16>
        %mul3A_682 = arith.mulf %convert_element_type3A_145, %get3A_681 : vector<16xbf16>
        %add3A_683 = arith.addf %mul3A_677, %mul3A_682 : vector<16xbf16>
        %get3A_684 = arith.index_cast %mul3A_119 : i32 to index
        %get3A_685 = arith.constant 656 : index
        %get3A_686 = tpu.vector_load %arg11[%get3A_684, %get3A_685] {strides = array<i32>} : memref<32x1024xbf16, #tpu.memory_space<vmem>>, vector<1x16xbf16>,
        %get3A_687 = vector.shape_cast %get3A_686 : vector<1x16xbf16> to vector<16xbf16>
        %mul3A_688 = arith.mulf %convert_element_type3A_149, %get3A_687 : vector<16xbf16>
        %add3A_689 = arith.addf %add3A_683, %mul3A_688 : vector<16xbf16>
        %get3A_690 = arith.index_cast %mul3A_119 : i32 to index
        %get3A_691 = arith.constant 912 : index
        %get3A_692 = tpu.vector_load %arg11[%get3A_690, %get3A_691] {strides = array<i32>} : memref<32x1024xbf16, #tpu.memory_space<vmem>>, vector<1x16xbf16>,
        %get3A_693 = vector.shape_cast %get3A_692 : vector<1x16xbf16> to vector<16xbf16>
        %mul3A_694 = arith.mulf %convert_element_type3A_153, %get3A_693 : vector<16xbf16>
        %add3A_695 = arith.addf %add3A_689, %mul3A_694 : vector<16xbf16>
        %get3A_696 = arith.index_cast %add3A_123 : i32 to index
        %get3A_697 = arith.constant 144 : index
        %get3A_698 = tpu.vector_load %arg11[%get3A_696, %get3A_697] {strides = array<i32>} : memref<32x1024xbf16, #tpu.memory_space<vmem>>, vector<1x16xbf16>,
        %get3A_699 = vector.shape_cast %get3A_698 : vector<1x16xbf16> to vector<16xbf16>
        %mul3A_700 = arith.mulf %convert_element_type3A_157, %get3A_699 : vector<16xbf16>
        %get3A_701 = arith.index_cast %add3A_123 : i32 to index
        %get3A_702 = arith.constant 400 : index
        %get3A_703 = tpu.vector_load %arg11[%get3A_701, %get3A_702] {strides = array<i32>} : memref<32x1024xbf16, #tpu.memory_space<vmem>>, vector<1x16xbf16>,
        %get3A_704 = vector.shape_cast %get3A_703 : vector<1x16xbf16> to vector<16xbf16>
        %mul3A_705 = arith.mulf %convert_element_type3A_161, %get3A_704 : vector<16xbf16>
        %add3A_706 = arith.addf %mul3A_700, %mul3A_705 : vector<16xbf16>
        %get3A_707 = arith.index_cast %add3A_123 : i32 to index
        %get3A_708 = arith.constant 656 : index
        %get3A_709 = tpu.vector_load %arg11[%get3A_707, %get3A_708] {strides = array<i32>} : memref<32x1024xbf16, #tpu.memory_space<vmem>>, vector<1x16xbf16>,
        %get3A_710 = vector.shape_cast %get3A_709 : vector<1x16xbf16> to vector<16xbf16>
        %mul3A_711 = arith.mulf %convert_element_type3A_165, %get3A_710 : vector<16xbf16>
        %add3A_712 = arith.addf %add3A_706, %mul3A_711 : vector<16xbf16>
        %get3A_713 = arith.index_cast %add3A_123 : i32 to index
        %get3A_714 = arith.constant 912 : index
        %get3A_715 = tpu.vector_load %arg11[%get3A_713, %get3A_714] {strides = array<i32>} : memref<32x1024xbf16, #tpu.memory_space<vmem>>, vector<1x16xbf16>,
        %get3A_716 = vector.shape_cast %get3A_715 : vector<1x16xbf16> to vector<16xbf16>
        %mul3A_717 = arith.mulf %convert_element_type3A_169, %get3A_716 : vector<16xbf16>
        %add3A_718 = arith.addf %add3A_712, %mul3A_717 : vector<16xbf16>
        %swap3A_719 = arith.index_cast %mul3A_119 : i32 to index
        %swap3A_720 = arith.constant 144 : index
        %swap3A_721 = tpu.vector_load %arg23[%swap3A_719, %swap3A_720] {strides = array<i32>} : memref<32x256xbf16, #tpu.memory_space<vmem>>, vector<1x16xbf16>,
        %swap3A_722 = vector.shape_cast %swap3A_721 : vector<1x16xbf16> to vector<16xbf16>
        %swap3A_723 = vector.shape_cast %add3A_695 : vector<16xbf16> to vector<1x16xbf16>
        tpu.vector_store %arg23[%swap3A_719, %swap3A_720], %swap3A_723 {strides = array<i32>} : memref<32x256xbf16, #tpu.memory_space<vmem>>, vector<1x16xbf16>,
        %swap3A_724 = arith.index_cast %add3A_123 : i32 to index
        %swap3A_725 = arith.constant 144 : index
        %swap3A_726 = tpu.vector_load %arg23[%swap3A_724, %swap3A_725] {strides = array<i32>} : memref<32x256xbf16, #tpu.memory_space<vmem>>, vector<1x16xbf16>,
        %swap3A_727 = vector.shape_cast %swap3A_726 : vector<1x16xbf16> to vector<16xbf16>
        %swap3A_728 = vector.shape_cast %add3A_718 : vector<16xbf16> to vector<1x16xbf16>
        tpu.vector_store %arg23[%swap3A_724, %swap3A_725], %swap3A_728 {strides = array<i32>} : memref<32x256xbf16, #tpu.memory_space<vmem>>, vector<1x16xbf16>,
        %get3A_729 = arith.index_cast %mul3A_119 : i32 to index
        %get3A_730 = arith.constant 160 : index
        %get3A_731 = tpu.vector_load %arg11[%get3A_729, %get3A_730] {strides = array<i32>} : memref<32x1024xbf16, #tpu.memory_space<vmem>>, vector<1x16xbf16>,
        %get3A_732 = vector.shape_cast %get3A_731 : vector<1x16xbf16> to vector<16xbf16>
        %mul3A_733 = arith.mulf %convert_element_type3A_141, %get3A_732 : vector<16xbf16>
        %get3A_734 = arith.index_cast %mul3A_119 : i32 to index
        %get3A_735 = arith.constant 416 : index
        %get3A_736 = tpu.vector_load %arg11[%get3A_734, %get3A_735] {strides = array<i32>} : memref<32x1024xbf16, #tpu.memory_space<vmem>>, vector<1x16xbf16>,
        %get3A_737 = vector.shape_cast %get3A_736 : vector<1x16xbf16> to vector<16xbf16>
        %mul3A_738 = arith.mulf %convert_element_type3A_145, %get3A_737 : vector<16xbf16>
        %add3A_739 = arith.addf %mul3A_733, %mul3A_738 : vector<16xbf16>
        %get3A_740 = arith.index_cast %mul3A_119 : i32 to index
        %get3A_741 = arith.constant 672 : index
        %get3A_742 = tpu.vector_load %arg11[%get3A_740, %get3A_741] {strides = array<i32>} : memref<32x1024xbf16, #tpu.memory_space<vmem>>, vector<1x16xbf16>,
        %get3A_743 = vector.shape_cast %get3A_742 : vector<1x16xbf16> to vector<16xbf16>
        %mul3A_744 = arith.mulf %convert_element_type3A_149, %get3A_743 : vector<16xbf16>
        %add3A_745 = arith.addf %add3A_739, %mul3A_744 : vector<16xbf16>
        %get3A_746 = arith.index_cast %mul3A_119 : i32 to index
        %get3A_747 = arith.constant 928 : index
        %get3A_748 = tpu.vector_load %arg11[%get3A_746, %get3A_747] {strides = array<i32>} : memref<32x1024xbf16, #tpu.memory_space<vmem>>, vector<1x16xbf16>,
        %get3A_749 = vector.shape_cast %get3A_748 : vector<1x16xbf16> to vector<16xbf16>
        %mul3A_750 = arith.mulf %convert_element_type3A_153, %get3A_749 : vector<16xbf16>
        %add3A_751 = arith.addf %add3A_745, %mul3A_750 : vector<16xbf16>
        %get3A_752 = arith.index_cast %add3A_123 : i32 to index
        %get3A_753 = arith.constant 160 : index
        %get3A_754 = tpu.vector_load %arg11[%get3A_752, %get3A_753] {strides = array<i32>} : memref<32x1024xbf16, #tpu.memory_space<vmem>>, vector<1x16xbf16>,
        %get3A_755 = vector.shape_cast %get3A_754 : vector<1x16xbf16> to vector<16xbf16>
        %mul3A_756 = arith.mulf %convert_element_type3A_157, %get3A_755 : vector<16xbf16>
        %get3A_757 = arith.index_cast %add3A_123 : i32 to index
        %get3A_758 = arith.constant 416 : index
        %get3A_759 = tpu.vector_load %arg11[%get3A_757, %get3A_758] {strides = array<i32>} : memref<32x1024xbf16, #tpu.memory_space<vmem>>, vector<1x16xbf16>,
        %get3A_760 = vector.shape_cast %get3A_759 : vector<1x16xbf16> to vector<16xbf16>
        %mul3A_761 = arith.mulf %convert_element_type3A_161, %get3A_760 : vector<16xbf16>
        %add3A_762 = arith.addf %mul3A_756, %mul3A_761 : vector<16xbf16>
        %get3A_763 = arith.index_cast %add3A_123 : i32 to index
        %get3A_764 = arith.constant 672 : index
        %get3A_765 = tpu.vector_load %arg11[%get3A_763, %get3A_764] {strides = array<i32>} : memref<32x1024xbf16, #tpu.memory_space<vmem>>, vector<1x16xbf16>,
        %get3A_766 = vector.shape_cast %get3A_765 : vector<1x16xbf16> to vector<16xbf16>
        %mul3A_767 = arith.mulf %convert_element_type3A_165, %get3A_766 : vector<16xbf16>
        %add3A_768 = arith.addf %add3A_762, %mul3A_767 : vector<16xbf16>
        %get3A_769 = arith.index_cast %add3A_123 : i32 to index
        %get3A_770 = arith.constant 928 : index
        %get3A_771 = tpu.vector_load %arg11[%get3A_769, %get3A_770] {strides = array<i32>} : memref<32x1024xbf16, #tpu.memory_space<vmem>>, vector<1x16xbf16>,
        %get3A_772 = vector.shape_cast %get3A_771 : vector<1x16xbf16> to vector<16xbf16>
        %mul3A_773 = arith.mulf %convert_element_type3A_169, %get3A_772 : vector<16xbf16>
        %add3A_774 = arith.addf %add3A_768, %mul3A_773 : vector<16xbf16>
        %swap3A_775 = arith.index_cast %mul3A_119 : i32 to index
        %swap3A_776 = arith.constant 160 : index
        %swap3A_777 = tpu.vector_load %arg23[%swap3A_775, %swap3A_776] {strides = array<i32>} : memref<32x256xbf16, #tpu.memory_space<vmem>>, vector<1x16xbf16>,
        %swap3A_778 = vector.shape_cast %swap3A_777 : vector<1x16xbf16> to vector<16xbf16>
        %swap3A_779 = vector.shape_cast %add3A_751 : vector<16xbf16> to vector<1x16xbf16>
        tpu.vector_store %arg23[%swap3A_775, %swap3A_776], %swap3A_779 {strides = array<i32>} : memref<32x256xbf16, #tpu.memory_space<vmem>>, vector<1x16xbf16>,
        %swap3A_780 = arith.index_cast %add3A_123 : i32 to index
        %swap3A_781 = arith.constant 160 : index
        %swap3A_782 = tpu.vector_load %arg23[%swap3A_780, %swap3A_781] {strides = array<i32>} : memref<32x256xbf16, #tpu.memory_space<vmem>>, vector<1x16xbf16>,
        %swap3A_783 = vector.shape_cast %swap3A_782 : vector<1x16xbf16> to vector<16xbf16>
        %swap3A_784 = vector.shape_cast %add3A_774 : vector<16xbf16> to vector<1x16xbf16>
        tpu.vector_store %arg23[%swap3A_780, %swap3A_781], %swap3A_784 {strides = array<i32>} : memref<32x256xbf16, #tpu.memory_space<vmem>>, vector<1x16xbf16>,
        %get3A_785 = arith.index_cast %mul3A_119 : i32 to index
        %get3A_786 = arith.constant 176 : index
        %get3A_787 = tpu.vector_load %arg11[%get3A_785, %get3A_786] {strides = array<i32>} : memref<32x1024xbf16, #tpu.memory_space<vmem>>, vector<1x16xbf16>,
        %get3A_788 = vector.shape_cast %get3A_787 : vector<1x16xbf16> to vector<16xbf16>
        %mul3A_789 = arith.mulf %convert_element_type3A_141, %get3A_788 : vector<16xbf16>
        %get3A_790 = arith.index_cast %mul3A_119 : i32 to index
        %get3A_791 = arith.constant 432 : index
        %get3A_792 = tpu.vector_load %arg11[%get3A_790, %get3A_791] {strides = array<i32>} : memref<32x1024xbf16, #tpu.memory_space<vmem>>, vector<1x16xbf16>,
        %get3A_793 = vector.shape_cast %get3A_792 : vector<1x16xbf16> to vector<16xbf16>
        %mul3A_794 = arith.mulf %convert_element_type3A_145, %get3A_793 : vector<16xbf16>
        %add3A_795 = arith.addf %mul3A_789, %mul3A_794 : vector<16xbf16>
        %get3A_796 = arith.index_cast %mul3A_119 : i32 to index
        %get3A_797 = arith.constant 688 : index
        %get3A_798 = tpu.vector_load %arg11[%get3A_796, %get3A_797] {strides = array<i32>} : memref<32x1024xbf16, #tpu.memory_space<vmem>>, vector<1x16xbf16>,
        %get3A_799 = vector.shape_cast %get3A_798 : vector<1x16xbf16> to vector<16xbf16>
        %mul3A_800 = arith.mulf %convert_element_type3A_149, %get3A_799 : vector<16xbf16>
        %add3A_801 = arith.addf %add3A_795, %mul3A_800 : vector<16xbf16>
        %get3A_802 = arith.index_cast %mul3A_119 : i32 to index
        %get3A_803 = arith.constant 944 : index
        %get3A_804 = tpu.vector_load %arg11[%get3A_802, %get3A_803] {strides = array<i32>} : memref<32x1024xbf16, #tpu.memory_space<vmem>>, vector<1x16xbf16>,
        %get3A_805 = vector.shape_cast %get3A_804 : vector<1x16xbf16> to vector<16xbf16>
        %mul3A_806 = arith.mulf %convert_element_type3A_153, %get3A_805 : vector<16xbf16>
        %add3A_807 = arith.addf %add3A_801, %mul3A_806 : vector<16xbf16>
        %get3A_808 = arith.index_cast %add3A_123 : i32 to index
        %get3A_809 = arith.constant 176 : index
        %get3A_810 = tpu.vector_load %arg11[%get3A_808, %get3A_809] {strides = array<i32>} : memref<32x1024xbf16, #tpu.memory_space<vmem>>, vector<1x16xbf16>,
        %get3A_811 = vector.shape_cast %get3A_810 : vector<1x16xbf16> to vector<16xbf16>
        %mul3A_812 = arith.mulf %convert_element_type3A_157, %get3A_811 : vector<16xbf16>
        %get3A_813 = arith.index_cast %add3A_123 : i32 to index
        %get3A_814 = arith.constant 432 : index
        %get3A_815 = tpu.vector_load %arg11[%get3A_813, %get3A_814] {strides = array<i32>} : memref<32x1024xbf16, #tpu.memory_space<vmem>>, vector<1x16xbf16>,
        %get3A_816 = vector.shape_cast %get3A_815 : vector<1x16xbf16> to vector<16xbf16>
        %mul3A_817 = arith.mulf %convert_element_type3A_161, %get3A_816 : vector<16xbf16>
        %add3A_818 = arith.addf %mul3A_812, %mul3A_817 : vector<16xbf16>
        %get3A_819 = arith.index_cast %add3A_123 : i32 to index
        %get3A_820 = arith.constant 688 : index
        %get3A_821 = tpu.vector_load %arg11[%get3A_819, %get3A_820] {strides = array<i32>} : memref<32x1024xbf16, #tpu.memory_space<vmem>>, vector<1x16xbf16>,
        %get3A_822 = vector.shape_cast %get3A_821 : vector<1x16xbf16> to vector<16xbf16>
        %mul3A_823 = arith.mulf %convert_element_type3A_165, %get3A_822 : vector<16xbf16>
        %add3A_824 = arith.addf %add3A_818, %mul3A_823 : vector<16xbf16>
        %get3A_825 = arith.index_cast %add3A_123 : i32 to index
        %get3A_826 = arith.constant 944 : index
        %get3A_827 = tpu.vector_load %arg11[%get3A_825, %get3A_826] {strides = array<i32>} : memref<32x1024xbf16, #tpu.memory_space<vmem>>, vector<1x16xbf16>,
        %get3A_828 = vector.shape_cast %get3A_827 : vector<1x16xbf16> to vector<16xbf16>
        %mul3A_829 = arith.mulf %convert_element_type3A_169, %get3A_828 : vector<16xbf16>
        %add3A_830 = arith.addf %add3A_824, %mul3A_829 : vector<16xbf16>
        %swap3A_831 = arith.index_cast %mul3A_119 : i32 to index
        %swap3A_832 = arith.constant 176 : index
        %swap3A_833 = tpu.vector_load %arg23[%swap3A_831, %swap3A_832] {strides = array<i32>} : memref<32x256xbf16, #tpu.memory_space<vmem>>, vector<1x16xbf16>,
        %swap3A_834 = vector.shape_cast %swap3A_833 : vector<1x16xbf16> to vector<16xbf16>
        %swap3A_835 = vector.shape_cast %add3A_807 : vector<16xbf16> to vector<1x16xbf16>
        tpu.vector_store %arg23[%swap3A_831, %swap3A_832], %swap3A_835 {strides = array<i32>} : memref<32x256xbf16, #tpu.memory_space<vmem>>, vector<1x16xbf16>,
        %swap3A_836 = arith.index_cast %add3A_123 : i32 to index
        %swap3A_837 = arith.constant 176 : index
        %swap3A_838 = tpu.vector_load %arg23[%swap3A_836, %swap3A_837] {strides = array<i32>} : memref<32x256xbf16, #tpu.memory_space<vmem>>, vector<1x16xbf16>,
        %swap3A_839 = vector.shape_cast %swap3A_838 : vector<1x16xbf16> to vector<16xbf16>
        %swap3A_840 = vector.shape_cast %add3A_830 : vector<16xbf16> to vector<1x16xbf16>
        tpu.vector_store %arg23[%swap3A_836, %swap3A_837], %swap3A_840 {strides = array<i32>} : memref<32x256xbf16, #tpu.memory_space<vmem>>, vector<1x16xbf16>,
        %get3A_841 = arith.index_cast %mul3A_119 : i32 to index
        %get3A_842 = arith.constant 192 : index
        %get3A_843 = tpu.vector_load %arg11[%get3A_841, %get3A_842] {strides = array<i32>} : memref<32x1024xbf16, #tpu.memory_space<vmem>>, vector<1x16xbf16>,
        %get3A_844 = vector.shape_cast %get3A_843 : vector<1x16xbf16> to vector<16xbf16>
        %mul3A_845 = arith.mulf %convert_element_type3A_141, %get3A_844 : vector<16xbf16>
        %get3A_846 = arith.index_cast %mul3A_119 : i32 to index
        %get3A_847 = arith.constant 448 : index
        %get3A_848 = tpu.vector_load %arg11[%get3A_846, %get3A_847] {strides = array<i32>} : memref<32x1024xbf16, #tpu.memory_space<vmem>>, vector<1x16xbf16>,
        %get3A_849 = vector.shape_cast %get3A_848 : vector<1x16xbf16> to vector<16xbf16>
        %mul3A_850 = arith.mulf %convert_element_type3A_145, %get3A_849 : vector<16xbf16>
        %add3A_851 = arith.addf %mul3A_845, %mul3A_850 : vector<16xbf16>
        %get3A_852 = arith.index_cast %mul3A_119 : i32 to index
        %get3A_853 = arith.constant 704 : index
        %get3A_854 = tpu.vector_load %arg11[%get3A_852, %get3A_853] {strides = array<i32>} : memref<32x1024xbf16, #tpu.memory_space<vmem>>, vector<1x16xbf16>,
        %get3A_855 = vector.shape_cast %get3A_854 : vector<1x16xbf16> to vector<16xbf16>
        %mul3A_856 = arith.mulf %convert_element_type3A_149, %get3A_855 : vector<16xbf16>
        %add3A_857 = arith.addf %add3A_851, %mul3A_856 : vector<16xbf16>
        %get3A_858 = arith.index_cast %mul3A_119 : i32 to index
        %get3A_859 = arith.constant 960 : index
        %get3A_860 = tpu.vector_load %arg11[%get3A_858, %get3A_859] {strides = array<i32>} : memref<32x1024xbf16, #tpu.memory_space<vmem>>, vector<1x16xbf16>,
        %get3A_861 = vector.shape_cast %get3A_860 : vector<1x16xbf16> to vector<16xbf16>
        %mul3A_862 = arith.mulf %convert_element_type3A_153, %get3A_861 : vector<16xbf16>
        %add3A_863 = arith.addf %add3A_857, %mul3A_862 : vector<16xbf16>
        %get3A_864 = arith.index_cast %add3A_123 : i32 to index
        %get3A_865 = arith.constant 192 : index
        %get3A_866 = tpu.vector_load %arg11[%get3A_864, %get3A_865] {strides = array<i32>} : memref<32x1024xbf16, #tpu.memory_space<vmem>>, vector<1x16xbf16>,
        %get3A_867 = vector.shape_cast %get3A_866 : vector<1x16xbf16> to vector<16xbf16>
        %mul3A_868 = arith.mulf %convert_element_type3A_157, %get3A_867 : vector<16xbf16>
        %get3A_869 = arith.index_cast %add3A_123 : i32 to index
        %get3A_870 = arith.constant 448 : index
        %get3A_871 = tpu.vector_load %arg11[%get3A_869, %get3A_870] {strides = array<i32>} : memref<32x1024xbf16, #tpu.memory_space<vmem>>, vector<1x16xbf16>,
        %get3A_872 = vector.shape_cast %get3A_871 : vector<1x16xbf16> to vector<16xbf16>
        %mul3A_873 = arith.mulf %convert_element_type3A_161, %get3A_872 : vector<16xbf16>
        %add3A_874 = arith.addf %mul3A_868, %mul3A_873 : vector<16xbf16>
        %get3A_875 = arith.index_cast %add3A_123 : i32 to index
        %get3A_876 = arith.constant 704 : index
        %get3A_877 = tpu.vector_load %arg11[%get3A_875, %get3A_876] {strides = array<i32>} : memref<32x1024xbf16, #tpu.memory_space<vmem>>, vector<1x16xbf16>,
        %get3A_878 = vector.shape_cast %get3A_877 : vector<1x16xbf16> to vector<16xbf16>
        %mul3A_879 = arith.mulf %convert_element_type3A_165, %get3A_878 : vector<16xbf16>
        %add3A_880 = arith.addf %add3A_874, %mul3A_879 : vector<16xbf16>
        %get3A_881 = arith.index_cast %add3A_123 : i32 to index
        %get3A_882 = arith.constant 960 : index
        %get3A_883 = tpu.vector_load %arg11[%get3A_881, %get3A_882] {strides = array<i32>} : memref<32x1024xbf16, #tpu.memory_space<vmem>>, vector<1x16xbf16>,
        %get3A_884 = vector.shape_cast %get3A_883 : vector<1x16xbf16> to vector<16xbf16>
        %mul3A_885 = arith.mulf %convert_element_type3A_169, %get3A_884 : vector<16xbf16>
        %add3A_886 = arith.addf %add3A_880, %mul3A_885 : vector<16xbf16>
        %swap3A_887 = arith.index_cast %mul3A_119 : i32 to index
        %swap3A_888 = arith.constant 192 : index
        %swap3A_889 = tpu.vector_load %arg23[%swap3A_887, %swap3A_888] {strides = array<i32>} : memref<32x256xbf16, #tpu.memory_space<vmem>>, vector<1x16xbf16>,
        %swap3A_890 = vector.shape_cast %swap3A_889 : vector<1x16xbf16> to vector<16xbf16>
        %swap3A_891 = vector.shape_cast %add3A_863 : vector<16xbf16> to vector<1x16xbf16>
        tpu.vector_store %arg23[%swap3A_887, %swap3A_888], %swap3A_891 {strides = array<i32>} : memref<32x256xbf16, #tpu.memory_space<vmem>>, vector<1x16xbf16>,
        %swap3A_892 = arith.index_cast %add3A_123 : i32 to index
        %swap3A_893 = arith.constant 192 : index
        %swap3A_894 = tpu.vector_load %arg23[%swap3A_892, %swap3A_893] {strides = array<i32>} : memref<32x256xbf16, #tpu.memory_space<vmem>>, vector<1x16xbf16>,
        %swap3A_895 = vector.shape_cast %swap3A_894 : vector<1x16xbf16> to vector<16xbf16>
        %swap3A_896 = vector.shape_cast %add3A_886 : vector<16xbf16> to vector<1x16xbf16>
        tpu.vector_store %arg23[%swap3A_892, %swap3A_893], %swap3A_896 {strides = array<i32>} : memref<32x256xbf16, #tpu.memory_space<vmem>>, vector<1x16xbf16>,
        %get3A_897 = arith.index_cast %mul3A_119 : i32 to index
        %get3A_898 = arith.constant 208 : index
        %get3A_899 = tpu.vector_load %arg11[%get3A_897, %get3A_898] {strides = array<i32>} : memref<32x1024xbf16, #tpu.memory_space<vmem>>, vector<1x16xbf16>,
        %get3A_900 = vector.shape_cast %get3A_899 : vector<1x16xbf16> to vector<16xbf16>
        %mul3A_901 = arith.mulf %convert_element_type3A_141, %get3A_900 : vector<16xbf16>
        %get3A_902 = arith.index_cast %mul3A_119 : i32 to index
        %get3A_903 = arith.constant 464 : index
        %get3A_904 = tpu.vector_load %arg11[%get3A_902, %get3A_903] {strides = array<i32>} : memref<32x1024xbf16, #tpu.memory_space<vmem>>, vector<1x16xbf16>,
        %get3A_905 = vector.shape_cast %get3A_904 : vector<1x16xbf16> to vector<16xbf16>
        %mul3A_906 = arith.mulf %convert_element_type3A_145, %get3A_905 : vector<16xbf16>
        %add3A_907 = arith.addf %mul3A_901, %mul3A_906 : vector<16xbf16>
        %get3A_908 = arith.index_cast %mul3A_119 : i32 to index
        %get3A_909 = arith.constant 720 : index
        %get3A_910 = tpu.vector_load %arg11[%get3A_908, %get3A_909] {strides = array<i32>} : memref<32x1024xbf16, #tpu.memory_space<vmem>>, vector<1x16xbf16>,
        %get3A_911 = vector.shape_cast %get3A_910 : vector<1x16xbf16> to vector<16xbf16>
        %mul3A_912 = arith.mulf %convert_element_type3A_149, %get3A_911 : vector<16xbf16>
        %add3A_913 = arith.addf %add3A_907, %mul3A_912 : vector<16xbf16>
        %get3A_914 = arith.index_cast %mul3A_119 : i32 to index
        %get3A_915 = arith.constant 976 : index
        %get3A_916 = tpu.vector_load %arg11[%get3A_914, %get3A_915] {strides = array<i32>} : memref<32x1024xbf16, #tpu.memory_space<vmem>>, vector<1x16xbf16>,
        %get3A_917 = vector.shape_cast %get3A_916 : vector<1x16xbf16> to vector<16xbf16>
        %mul3A_918 = arith.mulf %convert_element_type3A_153, %get3A_917 : vector<16xbf16>
        %add3A_919 = arith.addf %add3A_913, %mul3A_918 : vector<16xbf16>
        %get3A_920 = arith.index_cast %add3A_123 : i32 to index
        %get3A_921 = arith.constant 208 : index
        %get3A_922 = tpu.vector_load %arg11[%get3A_920, %get3A_921] {strides = array<i32>} : memref<32x1024xbf16, #tpu.memory_space<vmem>>, vector<1x16xbf16>,
        %get3A_923 = vector.shape_cast %get3A_922 : vector<1x16xbf16> to vector<16xbf16>
        %mul3A_924 = arith.mulf %convert_element_type3A_157, %get3A_923 : vector<16xbf16>
        %get3A_925 = arith.index_cast %add3A_123 : i32 to index
        %get3A_926 = arith.constant 464 : index
        %get3A_927 = tpu.vector_load %arg11[%get3A_925, %get3A_926] {strides = array<i32>} : memref<32x1024xbf16, #tpu.memory_space<vmem>>, vector<1x16xbf16>,
        %get3A_928 = vector.shape_cast %get3A_927 : vector<1x16xbf16> to vector<16xbf16>
        %mul3A_929 = arith.mulf %convert_element_type3A_161, %get3A_928 : vector<16xbf16>
        %add3A_930 = arith.addf %mul3A_924, %mul3A_929 : vector<16xbf16>
        %get3A_931 = arith.index_cast %add3A_123 : i32 to index
        %get3A_932 = arith.constant 720 : index
        %get3A_933 = tpu.vector_load %arg11[%get3A_931, %get3A_932] {strides = array<i32>} : memref<32x1024xbf16, #tpu.memory_space<vmem>>, vector<1x16xbf16>,
        %get3A_934 = vector.shape_cast %get3A_933 : vector<1x16xbf16> to vector<16xbf16>
        %mul3A_935 = arith.mulf %convert_element_type3A_165, %get3A_934 : vector<16xbf16>
        %add3A_936 = arith.addf %add3A_930, %mul3A_935 : vector<16xbf16>
        %get3A_937 = arith.index_cast %add3A_123 : i32 to index
        %get3A_938 = arith.constant 976 : index
        %get3A_939 = tpu.vector_load %arg11[%get3A_937, %get3A_938] {strides = array<i32>} : memref<32x1024xbf16, #tpu.memory_space<vmem>>, vector<1x16xbf16>,
        %get3A_940 = vector.shape_cast %get3A_939 : vector<1x16xbf16> to vector<16xbf16>
        %mul3A_941 = arith.mulf %convert_element_type3A_169, %get3A_940 : vector<16xbf16>
        %add3A_942 = arith.addf %add3A_936, %mul3A_941 : vector<16xbf16>
        %swap3A_943 = arith.index_cast %mul3A_119 : i32 to index
        %swap3A_944 = arith.constant 208 : index
        %swap3A_945 = tpu.vector_load %arg23[%swap3A_943, %swap3A_944] {strides = array<i32>} : memref<32x256xbf16, #tpu.memory_space<vmem>>, vector<1x16xbf16>,
        %swap3A_946 = vector.shape_cast %swap3A_945 : vector<1x16xbf16> to vector<16xbf16>
        %swap3A_947 = vector.shape_cast %add3A_919 : vector<16xbf16> to vector<1x16xbf16>
        tpu.vector_store %arg23[%swap3A_943, %swap3A_944], %swap3A_947 {strides = array<i32>} : memref<32x256xbf16, #tpu.memory_space<vmem>>, vector<1x16xbf16>,
        %swap3A_948 = arith.index_cast %add3A_123 : i32 to index
        %swap3A_949 = arith.constant 208 : index
        %swap3A_950 = tpu.vector_load %arg23[%swap3A_948, %swap3A_949] {strides = array<i32>} : memref<32x256xbf16, #tpu.memory_space<vmem>>, vector<1x16xbf16>,
        %swap3A_951 = vector.shape_cast %swap3A_950 : vector<1x16xbf16> to vector<16xbf16>
        %swap3A_952 = vector.shape_cast %add3A_942 : vector<16xbf16> to vector<1x16xbf16>
        tpu.vector_store %arg23[%swap3A_948, %swap3A_949], %swap3A_952 {strides = array<i32>} : memref<32x256xbf16, #tpu.memory_space<vmem>>, vector<1x16xbf16>,
        %get3A_953 = arith.index_cast %mul3A_119 : i32 to index
        %get3A_954 = arith.constant 224 : index
        %get3A_955 = tpu.vector_load %arg11[%get3A_953, %get3A_954] {strides = array<i32>} : memref<32x1024xbf16, #tpu.memory_space<vmem>>, vector<1x16xbf16>,
        %get3A_956 = vector.shape_cast %get3A_955 : vector<1x16xbf16> to vector<16xbf16>
        %mul3A_957 = arith.mulf %convert_element_type3A_141, %get3A_956 : vector<16xbf16>
        %get3A_958 = arith.index_cast %mul3A_119 : i32 to index
        %get3A_959 = arith.constant 480 : index
        %get3A_960 = tpu.vector_load %arg11[%get3A_958, %get3A_959] {strides = array<i32>} : memref<32x1024xbf16, #tpu.memory_space<vmem>>, vector<1x16xbf16>,
        %get3A_961 = vector.shape_cast %get3A_960 : vector<1x16xbf16> to vector<16xbf16>
        %mul3A_962 = arith.mulf %convert_element_type3A_145, %get3A_961 : vector<16xbf16>
        %add3A_963 = arith.addf %mul3A_957, %mul3A_962 : vector<16xbf16>
        %get3A_964 = arith.index_cast %mul3A_119 : i32 to index
        %get3A_965 = arith.constant 736 : index
        %get3A_966 = tpu.vector_load %arg11[%get3A_964, %get3A_965] {strides = array<i32>} : memref<32x1024xbf16, #tpu.memory_space<vmem>>, vector<1x16xbf16>,
        %get3A_967 = vector.shape_cast %get3A_966 : vector<1x16xbf16> to vector<16xbf16>
        %mul3A_968 = arith.mulf %convert_element_type3A_149, %get3A_967 : vector<16xbf16>
        %add3A_969 = arith.addf %add3A_963, %mul3A_968 : vector<16xbf16>
        %get3A_970 = arith.index_cast %mul3A_119 : i32 to index
        %get3A_971 = arith.constant 992 : index
        %get3A_972 = tpu.vector_load %arg11[%get3A_970, %get3A_971] {strides = array<i32>} : memref<32x1024xbf16, #tpu.memory_space<vmem>>, vector<1x16xbf16>,
        %get3A_973 = vector.shape_cast %get3A_972 : vector<1x16xbf16> to vector<16xbf16>
        %mul3A_974 = arith.mulf %convert_element_type3A_153, %get3A_973 : vector<16xbf16>
        %add3A_975 = arith.addf %add3A_969, %mul3A_974 : vector<16xbf16>
        %get3A_976 = arith.index_cast %add3A_123 : i32 to index
        %get3A_977 = arith.constant 224 : index
        %get3A_978 = tpu.vector_load %arg11[%get3A_976, %get3A_977] {strides = array<i32>} : memref<32x1024xbf16, #tpu.memory_space<vmem>>, vector<1x16xbf16>,
        %get3A_979 = vector.shape_cast %get3A_978 : vector<1x16xbf16> to vector<16xbf16>
        %mul3A_980 = arith.mulf %convert_element_type3A_157, %get3A_979 : vector<16xbf16>
        %get3A_981 = arith.index_cast %add3A_123 : i32 to index
        %get3A_982 = arith.constant 480 : index
        %get3A_983 = tpu.vector_load %arg11[%get3A_981, %get3A_982] {strides = array<i32>} : memref<32x1024xbf16, #tpu.memory_space<vmem>>, vector<1x16xbf16>,
        %get3A_984 = vector.shape_cast %get3A_983 : vector<1x16xbf16> to vector<16xbf16>
        %mul3A_985 = arith.mulf %convert_element_type3A_161, %get3A_984 : vector<16xbf16>
        %add3A_986 = arith.addf %mul3A_980, %mul3A_985 : vector<16xbf16>
        %get3A_987 = arith.index_cast %add3A_123 : i32 to index
        %get3A_988 = arith.constant 736 : index
        %get3A_989 = tpu.vector_load %arg11[%get3A_987, %get3A_988] {strides = array<i32>} : memref<32x1024xbf16, #tpu.memory_space<vmem>>, vector<1x16xbf16>,
        %get3A_990 = vector.shape_cast %get3A_989 : vector<1x16xbf16> to vector<16xbf16>
        %mul3A_991 = arith.mulf %convert_element_type3A_165, %get3A_990 : vector<16xbf16>
        %add3A_992 = arith.addf %add3A_986, %mul3A_991 : vector<16xbf16>
        %get3A_993 = arith.index_cast %add3A_123 : i32 to index
        %get3A_994 = arith.constant 992 : index
        %get3A_995 = tpu.vector_load %arg11[%get3A_993, %get3A_994] {strides = array<i32>} : memref<32x1024xbf16, #tpu.memory_space<vmem>>, vector<1x16xbf16>,
        %get3A_996 = vector.shape_cast %get3A_995 : vector<1x16xbf16> to vector<16xbf16>
        %mul3A_997 = arith.mulf %convert_element_type3A_169, %get3A_996 : vector<16xbf16>
        %add3A_998 = arith.addf %add3A_992, %mul3A_997 : vector<16xbf16>
        %swap3A_999 = arith.index_cast %mul3A_119 : i32 to index
        %swap3A_1000 = arith.constant 224 : index
        %swap3A_1001 = tpu.vector_load %arg23[%swap3A_999, %swap3A_1000] {strides = array<i32>} : memref<32x256xbf16, #tpu.memory_space<vmem>>, vector<1x16xbf16>,
        %swap3A_1002 = vector.shape_cast %swap3A_1001 : vector<1x16xbf16> to vector<16xbf16>
        %swap3A_1003 = vector.shape_cast %add3A_975 : vector<16xbf16> to vector<1x16xbf16>
        tpu.vector_store %arg23[%swap3A_999, %swap3A_1000], %swap3A_1003 {strides = array<i32>} : memref<32x256xbf16, #tpu.memory_space<vmem>>, vector<1x16xbf16>,
        %swap3A_1004 = arith.index_cast %add3A_123 : i32 to index
        %swap3A_1005 = arith.constant 224 : index
        %swap3A_1006 = tpu.vector_load %arg23[%swap3A_1004, %swap3A_1005] {strides = array<i32>} : memref<32x256xbf16, #tpu.memory_space<vmem>>, vector<1x16xbf16>,
        %swap3A_1007 = vector.shape_cast %swap3A_1006 : vector<1x16xbf16> to vector<16xbf16>
        %swap3A_1008 = vector.shape_cast %add3A_998 : vector<16xbf16> to vector<1x16xbf16>
        tpu.vector_store %arg23[%swap3A_1004, %swap3A_1005], %swap3A_1008 {strides = array<i32>} : memref<32x256xbf16, #tpu.memory_space<vmem>>, vector<1x16xbf16>,
        %get3A_1009 = arith.index_cast %mul3A_119 : i32 to index
        %get3A_1010 = arith.constant 240 : index
        %get3A_1011 = tpu.vector_load %arg11[%get3A_1009, %get3A_1010] {strides = array<i32>} : memref<32x1024xbf16, #tpu.memory_space<vmem>>, vector<1x16xbf16>,
        %get3A_1012 = vector.shape_cast %get3A_1011 : vector<1x16xbf16> to vector<16xbf16>
        %mul3A_1013 = arith.mulf %convert_element_type3A_141, %get3A_1012 : vector<16xbf16>
        %get3A_1014 = arith.index_cast %mul3A_119 : i32 to index
        %get3A_1015 = arith.constant 496 : index
        %get3A_1016 = tpu.vector_load %arg11[%get3A_1014, %get3A_1015] {strides = array<i32>} : memref<32x1024xbf16, #tpu.memory_space<vmem>>, vector<1x16xbf16>,
        %get3A_1017 = vector.shape_cast %get3A_1016 : vector<1x16xbf16> to vector<16xbf16>
        %mul3A_1018 = arith.mulf %convert_element_type3A_145, %get3A_1017 : vector<16xbf16>
        %add3A_1019 = arith.addf %mul3A_1013, %mul3A_1018 : vector<16xbf16>
        %get3A_1020 = arith.index_cast %mul3A_119 : i32 to index
        %get3A_1021 = arith.constant 752 : index
        %get3A_1022 = tpu.vector_load %arg11[%get3A_1020, %get3A_1021] {strides = array<i32>} : memref<32x1024xbf16, #tpu.memory_space<vmem>>, vector<1x16xbf16>,
        %get3A_1023 = vector.shape_cast %get3A_1022 : vector<1x16xbf16> to vector<16xbf16>
        %mul3A_1024 = arith.mulf %convert_element_type3A_149, %get3A_1023 : vector<16xbf16>
        %add3A_1025 = arith.addf %add3A_1019, %mul3A_1024 : vector<16xbf16>
        %get3A_1026 = arith.index_cast %mul3A_119 : i32 to index
        %get3A_1027 = arith.constant 1008 : index
        %get3A_1028 = tpu.vector_load %arg11[%get3A_1026, %get3A_1027] {strides = array<i32>} : memref<32x1024xbf16, #tpu.memory_space<vmem>>, vector<1x16xbf16>,
        %get3A_1029 = vector.shape_cast %get3A_1028 : vector<1x16xbf16> to vector<16xbf16>
        %mul3A_1030 = arith.mulf %convert_element_type3A_153, %get3A_1029 : vector<16xbf16>
        %add3A_1031 = arith.addf %add3A_1025, %mul3A_1030 : vector<16xbf16>
        %get3A_1032 = arith.index_cast %add3A_123 : i32 to index
        %get3A_1033 = arith.constant 240 : index
        %get3A_1034 = tpu.vector_load %arg11[%get3A_1032, %get3A_1033] {strides = array<i32>} : memref<32x1024xbf16, #tpu.memory_space<vmem>>, vector<1x16xbf16>,
        %get3A_1035 = vector.shape_cast %get3A_1034 : vector<1x16xbf16> to vector<16xbf16>
        %mul3A_1036 = arith.mulf %convert_element_type3A_157, %get3A_1035 : vector<16xbf16>
        %get3A_1037 = arith.index_cast %add3A_123 : i32 to index
        %get3A_1038 = arith.constant 496 : index
        %get3A_1039 = tpu.vector_load %arg11[%get3A_1037, %get3A_1038] {strides = array<i32>} : memref<32x1024xbf16, #tpu.memory_space<vmem>>, vector<1x16xbf16>,
        %get3A_1040 = vector.shape_cast %get3A_1039 : vector<1x16xbf16> to vector<16xbf16>
        %mul3A_1041 = arith.mulf %convert_element_type3A_161, %get3A_1040 : vector<16xbf16>
        %add3A_1042 = arith.addf %mul3A_1036, %mul3A_1041 : vector<16xbf16>
        %get3A_1043 = arith.index_cast %add3A_123 : i32 to index
        %get3A_1044 = arith.constant 752 : index
        %get3A_1045 = tpu.vector_load %arg11[%get3A_1043, %get3A_1044] {strides = array<i32>} : memref<32x1024xbf16, #tpu.memory_space<vmem>>, vector<1x16xbf16>,
        %get3A_1046 = vector.shape_cast %get3A_1045 : vector<1x16xbf16> to vector<16xbf16>
        %mul3A_1047 = arith.mulf %convert_element_type3A_165, %get3A_1046 : vector<16xbf16>
        %add3A_1048 = arith.addf %add3A_1042, %mul3A_1047 : vector<16xbf16>
        %get3A_1049 = arith.index_cast %add3A_123 : i32 to index
        %get3A_1050 = arith.constant 1008 : index
        %get3A_1051 = tpu.vector_load %arg11[%get3A_1049, %get3A_1050] {strides = array<i32>} : memref<32x1024xbf16, #tpu.memory_space<vmem>>, vector<1x16xbf16>,
        %get3A_1052 = vector.shape_cast %get3A_1051 : vector<1x16xbf16> to vector<16xbf16>
        %mul3A_1053 = arith.mulf %convert_element_type3A_169, %get3A_1052 : vector<16xbf16>
        %add3A_1054 = arith.addf %add3A_1048, %mul3A_1053 : vector<16xbf16>
        %swap3A_1055 = arith.index_cast %mul3A_119 : i32 to index
        %swap3A_1056 = arith.constant 240 : index
        %swap3A_1057 = tpu.vector_load %arg23[%swap3A_1055, %swap3A_1056] {strides = array<i32>} : memref<32x256xbf16, #tpu.memory_space<vmem>>, vector<1x16xbf16>,
        %swap3A_1058 = vector.shape_cast %swap3A_1057 : vector<1x16xbf16> to vector<16xbf16>
        %swap3A_1059 = vector.shape_cast %add3A_1031 : vector<16xbf16> to vector<1x16xbf16>
        tpu.vector_store %arg23[%swap3A_1055, %swap3A_1056], %swap3A_1059 {strides = array<i32>} : memref<32x256xbf16, #tpu.memory_space<vmem>>, vector<1x16xbf16>,
        %swap3A_1060 = arith.index_cast %add3A_123 : i32 to index
        %swap3A_1061 = arith.constant 240 : index
        %swap3A_1062 = tpu.vector_load %arg23[%swap3A_1060, %swap3A_1061] {strides = array<i32>} : memref<32x256xbf16, #tpu.memory_space<vmem>>, vector<1x16xbf16>,
        %swap3A_1063 = vector.shape_cast %swap3A_1062 : vector<1x16xbf16> to vector<16xbf16>
        %swap3A_1064 = vector.shape_cast %add3A_1054 : vector<16xbf16> to vector<1x16xbf16>
        tpu.vector_store %arg23[%swap3A_1060, %swap3A_1061], %swap3A_1064 {strides = array<i32>} : memref<32x256xbf16, #tpu.memory_space<vmem>>, vector<1x16xbf16>,
      }
      %scan3A_86 = arith.constant 16 : i32
      "tpu.region"() ({
        %run_scoped3A = tpu.sem_alloc : memref<!tpu.dma_semaphore, #tpu.memory_space<semaphore_mem>>
        %dma_start3A_117 = arith.constant 0 : i32
        %dma_start3A_118 = arith.constant 0 : i32
        %dma_start3A_119 = tpu.memref_slice %arg24[%dma_start3A_117, %dma_start3A_118] : memref<10008x256xbf16, #tpu.memory_space<vmem_shared>> -> memref<10008x256xbf16, #tpu.memory_space<vmem_shared>>
        tpu.enqueue_indirect_dma source(%arg23 : memref<32x256xbf16, #tpu.memory_space<vmem>>) target(%dma_start3A_119 : memref<10008x256xbf16, #tpu.memory_space<vmem_shared>>) offsets(%arg10 : memref<32xi32, #tpu.memory_space<vmem>>) semaphore(%run_scoped3A : memref<!tpu.dma_semaphore, #tpu.memory_space<semaphore_mem>>) {add = true}
        %dma_wait3A_120 = arith.constant 0 : i32
        %dma_wait3A_121 = arith.constant 0 : i32
        %dma_wait3A_122 = tpu.memref_slice %arg24[%dma_wait3A_120, %dma_wait3A_121] : memref<10008x256xbf16, #tpu.memory_space<vmem_shared>> -> memref<10008x256xbf16, #tpu.memory_space<vmem_shared>>
        tpu.wait_indirect_dma semaphore(%run_scoped3A : memref<!tpu.dma_semaphore, #tpu.memory_space<semaphore_mem>>) src(%arg23 : memref<32x256xbf16, #tpu.memory_space<vmem>>) dst(%dma_wait3A_122 : memref<10008x256xbf16, #tpu.memory_space<vmem_shared>>)
        tpu.yield
      }) : () -> ()
      %lt3A = arith.constant 159 : i32
      %lt3A_87 = arith.cmpi slt, %scan3A_42, %lt3A : i32
      %convert_element_type3A_88 = arith.extui %lt3A_87 : i1 to i32
      %cond3A_89 = arith.constant 0 : i32
      %cond3A_90 = arith.cmpi ne, %convert_element_type3A_88, %cond3A_89 : i32
      scf.if %cond3A_90 {
        %add3A_117 = arith.constant 2 : i32
        %add3A_118 = arith.addi %mul3A_44, %add3A_117 : i32
        %mul3A_119 = arith.constant 32 : i32
        %mul3A_120 = arith.muli %add3A_118, %mul3A_119 : i32
        %add3A_121 = arith.addi %mul3A_2, %mul3A_120 : i32
        %dma_start3A_122 = tpu.memref_slice %arg5[%add3A_121] : memref<327680xi32, #tpu.memory_space<hbm>> -> memref<32xi32, #tpu.memory_space<hbm>>
        %dma_start3A_123 = tpu.memref_slice %arg5[%add3A_121] : memref<327680xi32, #tpu.memory_space<hbm>> -> memref<32xi32, #tpu.memory_space<hbm>>
        tpu.enqueue_dma source(%dma_start3A_123 : memref<32xi32, #tpu.memory_space<hbm>>) target(%arg9 : memref<32xi32, #tpu.memory_space<vmem>>) target_semaphore(%arg19 : memref<!tpu.dma_semaphore, #tpu.memory_space<semaphore_mem>>)
        %dma_start3A_124 = tpu.memref_slice %arg6[%add3A_121] : memref<327680xi32, #tpu.memory_space<hbm>> -> memref<32xi32, #tpu.memory_space<hbm>>
        %dma_start3A_125 = tpu.memref_slice %arg6[%add3A_121] : memref<327680xi32, #tpu.memory_space<hbm>> -> memref<32xi32, #tpu.memory_space<hbm>>
        tpu.enqueue_dma source(%dma_start3A_125 : memref<32xi32, #tpu.memory_space<hbm>>) target(%arg10 : memref<32xi32, #tpu.memory_space<vmem>>) target_semaphore(%arg19 : memref<!tpu.dma_semaphore, #tpu.memory_space<semaphore_mem>>)
        %add3A_126 = arith.constant 2 : i32
        %add3A_127 = arith.addi %mul3A_44, %add3A_126 : i32
        %mul3A_128 = arith.constant 32 : i32
        %mul3A_129 = arith.muli %add3A_127, %mul3A_128 : i32
        %add3A_130 = arith.addi %mul3A_2, %mul3A_129 : i32
        %dma_wait3A_131 = tpu.memref_slice %arg5[%add3A_130] : memref<327680xi32, #tpu.memory_space<hbm>> -> memref<32xi32, #tpu.memory_space<hbm>>
        %dma_wait3A_132 = tpu.memref_slice %arg5[%add3A_130] : memref<327680xi32, #tpu.memory_space<hbm>> -> memref<32xi32, #tpu.memory_space<hbm>>
        tpu.wait_dma2 semaphore(%arg19 : memref<!tpu.dma_semaphore, #tpu.memory_space<semaphore_mem>>) src(%dma_wait3A_132 : memref<32xi32, #tpu.memory_space<hbm>>) dst(%arg9 : memref<32xi32, #tpu.memory_space<vmem>>)
        %dma_wait3A_133 = tpu.memref_slice %arg6[%add3A_130] : memref<327680xi32, #tpu.memory_space<hbm>> -> memref<32xi32, #tpu.memory_space<hbm>>
        %dma_wait3A_134 = tpu.memref_slice %arg6[%add3A_130] : memref<327680xi32, #tpu.memory_space<hbm>> -> memref<32xi32, #tpu.memory_space<hbm>>
        tpu.wait_dma2 semaphore(%arg19 : memref<!tpu.dma_semaphore, #tpu.memory_space<semaphore_mem>>) src(%dma_wait3A_134 : memref<32xi32, #tpu.memory_space<hbm>>) dst(%arg10 : memref<32xi32, #tpu.memory_space<vmem>>)
        %add3A_135 = arith.constant 2 : i32
        %add3A_136 = arith.addi %mul3A_44, %add3A_135 : i32
        %mul3A_137 = arith.constant 32 : i32
        %mul3A_138 = arith.muli %add3A_136, %mul3A_137 : i32
        %add3A_139 = arith.addi %mul3A_2, %mul3A_138 : i32
        %dma_start3A_140 = arith.constant 0 : i32
        %dma_start3A_141 = arith.constant 0 : i32
        %dma_start3A_142 = tpu.memref_slice %arg2[%dma_start3A_140, %dma_start3A_141] : memref<10000x1024xbf16, #tpu.memory_space<hbm>> -> memref<10000x1024xbf16, #tpu.memory_space<hbm>>
        tpu.enqueue_indirect_dma source(%dma_start3A_142 : memref<10000x1024xbf16, #tpu.memory_space<hbm>>) target(%arg11 : memref<32x1024xbf16, #tpu.memory_space<vmem>>) offsets(%arg9 : memref<32xi32, #tpu.memory_space<vmem>>) semaphore(%arg21 : memref<!tpu.dma_semaphore, #tpu.memory_space<semaphore_mem>>)
        %dma_start3A_143 = arith.constant 0 : i32
        %dma_start3A_144 = tpu.memref_slice %arg3[%add3A_139, %dma_start3A_143] : memref<327680x16xf32, #tpu.memory_space<hbm>> -> memref<32x16xf32, #tpu.memory_space<hbm>>
        %dma_start3A_145 = arith.constant 0 : i32
        %dma_start3A_146 = tpu.memref_slice %arg3[%add3A_139, %dma_start3A_145] : memref<327680x16xf32, #tpu.memory_space<hbm>> -> memref<32x16xf32, #tpu.memory_space<hbm>>
        tpu.enqueue_dma source(%dma_start3A_146 : memref<32x16xf32, #tpu.memory_space<hbm>>) target(%arg12 : memref<32x16xf32, #tpu.memory_space<vmem>>) target_semaphore(%arg21 : memref<!tpu.dma_semaphore, #tpu.memory_space<semaphore_mem>>)
        %dma_start3A_147 = arith.constant 0 : i32
        %dma_start3A_148 = arith.constant 0 : i32
        %dma_start3A_149 = tpu.memref_slice %arg4[%dma_start3A_147, %dma_start3A_148] : memref<10008x16xf32, #tpu.memory_space<hbm>> -> memref<10008x16xf32, #tpu.memory_space<hbm>>
        tpu.enqueue_indirect_dma source(%dma_start3A_149 : memref<10008x16xf32, #tpu.memory_space<hbm>>) target(%arg13 : memref<32x16xf32, #tpu.memory_space<vmem>>) offsets(%arg10 : memref<32xi32, #tpu.memory_space<vmem>>) semaphore(%arg21 : memref<!tpu.dma_semaphore, #tpu.memory_space<semaphore_mem>>)
      } else {
      }
      %add3A_91 = arith.constant 1 : i32
      %add3A_92 = arith.addi %mul3A_44, %add3A_91 : i32
      %mul3A_93 = arith.constant 32 : i32
      %mul3A_94 = arith.muli %add3A_92, %mul3A_93 : i32
      %add3A_95 = arith.addi %mul3A_2, %mul3A_94 : i32
      %dma_wait3A_96 = arith.constant 0 : i32
      %dma_wait3A_97 = arith.constant 0 : i32
      %dma_wait3A_98 = tpu.memref_slice %arg2[%dma_wait3A_96, %dma_wait3A_97] : memref<10000x1024xbf16, #tpu.memory_space<hbm>> -> memref<10000x1024xbf16, #tpu.memory_space<hbm>>
      tpu.wait_indirect_dma semaphore(%arg22 : memref<!tpu.dma_semaphore, #tpu.memory_space<semaphore_mem>>) src(%dma_wait3A_98 : memref<10000x1024xbf16, #tpu.memory_space<hbm>>) dst(%arg16 : memref<32x1024xbf16, #tpu.memory_space<vmem>>)
      %dma_wait3A_99 = arith.constant 0 : i32
      %dma_wait3A_100 = tpu.memref_slice %arg3[%add3A_95, %dma_wait3A_99] : memref<327680x16xf32, #tpu.memory_space<hbm>> -> memref<32x16xf32, #tpu.memory_space<hbm>>
      %dma_wait3A_101 = arith.constant 0 : i32
      %dma_wait3A_102 = tpu.memref_slice %arg3[%add3A_95, %dma_wait3A_101] : memref<327680x16xf32, #tpu.memory_space<hbm>> -> memref<32x16xf32, #tpu.memory_space<hbm>>
      tpu.wait_dma2 semaphore(%arg22 : memref<!tpu.dma_semaphore, #tpu.memory_space<semaphore_mem>>) src(%dma_wait3A_102 : memref<32x16xf32, #tpu.memory_space<hbm>>) dst(%arg17 : memref<32x16xf32, #tpu.memory_space<vmem>>)
      %dma_wait3A_103 = arith.constant 0 : i32
      %dma_wait3A_104 = arith.constant 0 : i32
      %dma_wait3A_105 = tpu.memref_slice %arg4[%dma_wait3A_103, %dma_wait3A_104] : memref<10008x16xf32, #tpu.memory_space<hbm>> -> memref<10008x16xf32, #tpu.memory_space<hbm>>
      tpu.wait_indirect_dma semaphore(%arg22 : memref<!tpu.dma_semaphore, #tpu.memory_space<semaphore_mem>>) src(%dma_wait3A_105 : memref<10008x16xf32, #tpu.memory_space<hbm>>) dst(%arg18 : memref<32x16xf32, #tpu.memory_space<vmem>>)
      %scan3A_106 = arith.constant 0 : i32
      %scan3A_107 = arith.constant 0 : i32
      %scan3A_108 = arith.constant 16 : i32
      %scan3A_109 = arith.addi %scan3A_107, %scan3A_108 : i32
      %scan3A_110 = arith.constant 1 : i32
      scf.for %scan3A_117 = %scan3A_107 to %scan3A_109 step %scan3A_110  : i32 {
        %mul3A_118 = arith.constant 2 : i32
        %mul3A_119 = arith.muli %mul3A_118, %scan3A_117 : i32
        %mul3A_120 = arith.constant 2 : i32
        %mul3A_121 = arith.muli %mul3A_120, %scan3A_117 : i32
        %add3A_122 = arith.constant 1 : i32
        %add3A_123 = arith.addi %mul3A_121, %add3A_122 : i32
        %get3A = arith.index_cast %mul3A_119 : i32 to index
        %get3A_124 = arith.constant 0 : index
        %get3A_125 = tpu.vector_load %arg17[%get3A, %get3A_124] {strides = array<i32>} : memref<32x16xf32, #tpu.memory_space<vmem>>, vector<1x16xf32>,
        %get3A_126 = vector.shape_cast %get3A_125 : vector<1x16xf32> to vector<16xf32>
        %get3A_127 = arith.index_cast %mul3A_119 : i32 to index
        %get3A_128 = arith.constant 0 : index
        %get3A_129 = tpu.vector_load %arg18[%get3A_127, %get3A_128] {strides = array<i32>} : memref<32x16xf32, #tpu.memory_space<vmem>>, vector<1x16xf32>,
        %get3A_130 = vector.shape_cast %get3A_129 : vector<1x16xf32> to vector<16xf32>
        %mul3A_131 = arith.mulf %get3A_126, %get3A_130 : vector<16xf32>
        %get3A_132 = arith.index_cast %add3A_123 : i32 to index
        %get3A_133 = arith.constant 0 : index
        %get3A_134 = tpu.vector_load %arg17[%get3A_132, %get3A_133] {strides = array<i32>} : memref<32x16xf32, #tpu.memory_space<vmem>>, vector<1x16xf32>,
        %get3A_135 = vector.shape_cast %get3A_134 : vector<1x16xf32> to vector<16xf32>
        %get3A_136 = arith.index_cast %add3A_123 : i32 to index
        %get3A_137 = arith.constant 0 : index
        %get3A_138 = tpu.vector_load %arg18[%get3A_136, %get3A_137] {strides = array<i32>} : memref<32x16xf32, #tpu.memory_space<vmem>>, vector<1x16xf32>,
        %get3A_139 = vector.shape_cast %get3A_138 : vector<1x16xf32> to vector<16xf32>
        %mul3A_140 = arith.mulf %get3A_135, %get3A_139 : vector<16xf32>
        %slice3A = vector.extract_strided_slice %mul3A_131 {offsets = [0], sizes = [1], strides = [1]} : vector<16xf32> to vector<1xf32>
        %squeeze3A = vector.extract %slice3A[0] : f32 from vector<1xf32>
        %broadcast_in_dim3A = vector.broadcast %squeeze3A : f32 to vector<16xf32>
        %convert_element_type3A_141 = arith.truncf %broadcast_in_dim3A : vector<16xf32> to vector<16xbf16>
        %slice3A_142 = vector.extract_strided_slice %mul3A_131 {offsets = [1], sizes = [1], strides = [1]} : vector<16xf32> to vector<1xf32>
        %squeeze3A_143 = vector.extract %slice3A_142[0] : f32 from vector<1xf32>
        %broadcast_in_dim3A_144 = vector.broadcast %squeeze3A_143 : f32 to vector<16xf32>
        %convert_element_type3A_145 = arith.truncf %broadcast_in_dim3A_144 : vector<16xf32> to vector<16xbf16>
        %slice3A_146 = vector.extract_strided_slice %mul3A_131 {offsets = [2], sizes = [1], strides = [1]} : vector<16xf32> to vector<1xf32>
        %squeeze3A_147 = vector.extract %slice3A_146[0] : f32 from vector<1xf32>
        %broadcast_in_dim3A_148 = vector.broadcast %squeeze3A_147 : f32 to vector<16xf32>
        %convert_element_type3A_149 = arith.truncf %broadcast_in_dim3A_148 : vector<16xf32> to vector<16xbf16>
        %slice3A_150 = vector.extract_strided_slice %mul3A_131 {offsets = [3], sizes = [1], strides = [1]} : vector<16xf32> to vector<1xf32>
        %squeeze3A_151 = vector.extract %slice3A_150[0] : f32 from vector<1xf32>
        %broadcast_in_dim3A_152 = vector.broadcast %squeeze3A_151 : f32 to vector<16xf32>
        %convert_element_type3A_153 = arith.truncf %broadcast_in_dim3A_152 : vector<16xf32> to vector<16xbf16>
        %slice3A_154 = vector.extract_strided_slice %mul3A_140 {offsets = [0], sizes = [1], strides = [1]} : vector<16xf32> to vector<1xf32>
        %squeeze3A_155 = vector.extract %slice3A_154[0] : f32 from vector<1xf32>
        %broadcast_in_dim3A_156 = vector.broadcast %squeeze3A_155 : f32 to vector<16xf32>
        %convert_element_type3A_157 = arith.truncf %broadcast_in_dim3A_156 : vector<16xf32> to vector<16xbf16>
        %slice3A_158 = vector.extract_strided_slice %mul3A_140 {offsets = [1], sizes = [1], strides = [1]} : vector<16xf32> to vector<1xf32>
        %squeeze3A_159 = vector.extract %slice3A_158[0] : f32 from vector<1xf32>
        %broadcast_in_dim3A_160 = vector.broadcast %squeeze3A_159 : f32 to vector<16xf32>
        %convert_element_type3A_161 = arith.truncf %broadcast_in_dim3A_160 : vector<16xf32> to vector<16xbf16>
        %slice3A_162 = vector.extract_strided_slice %mul3A_140 {offsets = [2], sizes = [1], strides = [1]} : vector<16xf32> to vector<1xf32>
        %squeeze3A_163 = vector.extract %slice3A_162[0] : f32 from vector<1xf32>
        %broadcast_in_dim3A_164 = vector.broadcast %squeeze3A_163 : f32 to vector<16xf32>
        %convert_element_type3A_165 = arith.truncf %broadcast_in_dim3A_164 : vector<16xf32> to vector<16xbf16>
        %slice3A_166 = vector.extract_strided_slice %mul3A_140 {offsets = [3], sizes = [1], strides = [1]} : vector<16xf32> to vector<1xf32>
        %squeeze3A_167 = vector.extract %slice3A_166[0] : f32 from vector<1xf32>
        %broadcast_in_dim3A_168 = vector.broadcast %squeeze3A_167 : f32 to vector<16xf32>
        %convert_element_type3A_169 = arith.truncf %broadcast_in_dim3A_168 : vector<16xf32> to vector<16xbf16>
        %get3A_170 = arith.index_cast %mul3A_119 : i32 to index
        %get3A_171 = arith.constant 0 : index
        %get3A_172 = tpu.vector_load %arg16[%get3A_170, %get3A_171] {strides = array<i32>} : memref<32x1024xbf16, #tpu.memory_space<vmem>>, vector<1x16xbf16>,
        %get3A_173 = vector.shape_cast %get3A_172 : vector<1x16xbf16> to vector<16xbf16>
        %mul3A_174 = arith.mulf %convert_element_type3A_141, %get3A_173 : vector<16xbf16>
        %get3A_175 = arith.index_cast %mul3A_119 : i32 to index
        %get3A_176 = arith.constant 256 : index
        %get3A_177 = tpu.vector_load %arg16[%get3A_175, %get3A_176] {strides = array<i32>} : memref<32x1024xbf16, #tpu.memory_space<vmem>>, vector<1x16xbf16>,
        %get3A_178 = vector.shape_cast %get3A_177 : vector<1x16xbf16> to vector<16xbf16>
        %mul3A_179 = arith.mulf %convert_element_type3A_145, %get3A_178 : vector<16xbf16>
        %add3A_180 = arith.addf %mul3A_174, %mul3A_179 : vector<16xbf16>
        %get3A_181 = arith.index_cast %mul3A_119 : i32 to index
        %get3A_182 = arith.constant 512 : index
        %get3A_183 = tpu.vector_load %arg16[%get3A_181, %get3A_182] {strides = array<i32>} : memref<32x1024xbf16, #tpu.memory_space<vmem>>, vector<1x16xbf16>,
        %get3A_184 = vector.shape_cast %get3A_183 : vector<1x16xbf16> to vector<16xbf16>
        %mul3A_185 = arith.mulf %convert_element_type3A_149, %get3A_184 : vector<16xbf16>
        %add3A_186 = arith.addf %add3A_180, %mul3A_185 : vector<16xbf16>
        %get3A_187 = arith.index_cast %mul3A_119 : i32 to index
        %get3A_188 = arith.constant 768 : index
        %get3A_189 = tpu.vector_load %arg16[%get3A_187, %get3A_188] {strides = array<i32>} : memref<32x1024xbf16, #tpu.memory_space<vmem>>, vector<1x16xbf16>,
        %get3A_190 = vector.shape_cast %get3A_189 : vector<1x16xbf16> to vector<16xbf16>
        %mul3A_191 = arith.mulf %convert_element_type3A_153, %get3A_190 : vector<16xbf16>
        %add3A_192 = arith.addf %add3A_186, %mul3A_191 : vector<16xbf16>
        %get3A_193 = arith.index_cast %add3A_123 : i32 to index
        %get3A_194 = arith.constant 0 : index
        %get3A_195 = tpu.vector_load %arg16[%get3A_193, %get3A_194] {strides = array<i32>} : memref<32x1024xbf16, #tpu.memory_space<vmem>>, vector<1x16xbf16>,
        %get3A_196 = vector.shape_cast %get3A_195 : vector<1x16xbf16> to vector<16xbf16>
        %mul3A_197 = arith.mulf %convert_element_type3A_157, %get3A_196 : vector<16xbf16>
        %get3A_198 = arith.index_cast %add3A_123 : i32 to index
        %get3A_199 = arith.constant 256 : index
        %get3A_200 = tpu.vector_load %arg16[%get3A_198, %get3A_199] {strides = array<i32>} : memref<32x1024xbf16, #tpu.memory_space<vmem>>, vector<1x16xbf16>,
        %get3A_201 = vector.shape_cast %get3A_200 : vector<1x16xbf16> to vector<16xbf16>
        %mul3A_202 = arith.mulf %convert_element_type3A_161, %get3A_201 : vector<16xbf16>
        %add3A_203 = arith.addf %mul3A_197, %mul3A_202 : vector<16xbf16>
        %get3A_204 = arith.index_cast %add3A_123 : i32 to index
        %get3A_205 = arith.constant 512 : index
        %get3A_206 = tpu.vector_load %arg16[%get3A_204, %get3A_205] {strides = array<i32>} : memref<32x1024xbf16, #tpu.memory_space<vmem>>, vector<1x16xbf16>,
        %get3A_207 = vector.shape_cast %get3A_206 : vector<1x16xbf16> to vector<16xbf16>
        %mul3A_208 = arith.mulf %convert_element_type3A_165, %get3A_207 : vector<16xbf16>
        %add3A_209 = arith.addf %add3A_203, %mul3A_208 : vector<16xbf16>
        %get3A_210 = arith.index_cast %add3A_123 : i32 to index
        %get3A_211 = arith.constant 768 : index
        %get3A_212 = tpu.vector_load %arg16[%get3A_210, %get3A_211] {strides = array<i32>} : memref<32x1024xbf16, #tpu.memory_space<vmem>>, vector<1x16xbf16>,
        %get3A_213 = vector.shape_cast %get3A_212 : vector<1x16xbf16> to vector<16xbf16>
        %mul3A_214 = arith.mulf %convert_element_type3A_169, %get3A_213 : vector<16xbf16>
        %add3A_215 = arith.addf %add3A_209, %mul3A_214 : vector<16xbf16>
        %swap3A = arith.index_cast %mul3A_119 : i32 to index
        %swap3A_216 = arith.constant 0 : index
        %swap3A_217 = tpu.vector_load %arg23[%swap3A, %swap3A_216] {strides = array<i32>} : memref<32x256xbf16, #tpu.memory_space<vmem>>, vector<1x16xbf16>,
        %swap3A_218 = vector.shape_cast %swap3A_217 : vector<1x16xbf16> to vector<16xbf16>
        %swap3A_219 = vector.shape_cast %add3A_192 : vector<16xbf16> to vector<1x16xbf16>
        tpu.vector_store %arg23[%swap3A, %swap3A_216], %swap3A_219 {strides = array<i32>} : memref<32x256xbf16, #tpu.memory_space<vmem>>, vector<1x16xbf16>,
        %swap3A_220 = arith.index_cast %add3A_123 : i32 to index
        %swap3A_221 = arith.constant 0 : index
        %swap3A_222 = tpu.vector_load %arg23[%swap3A_220, %swap3A_221] {strides = array<i32>} : memref<32x256xbf16, #tpu.memory_space<vmem>>, vector<1x16xbf16>,
        %swap3A_223 = vector.shape_cast %swap3A_222 : vector<1x16xbf16> to vector<16xbf16>
        %swap3A_224 = vector.shape_cast %add3A_215 : vector<16xbf16> to vector<1x16xbf16>
        tpu.vector_store %arg23[%swap3A_220, %swap3A_221], %swap3A_224 {strides = array<i32>} : memref<32x256xbf16, #tpu.memory_space<vmem>>, vector<1x16xbf16>,
        %get3A_225 = arith.index_cast %mul3A_119 : i32 to index
        %get3A_226 = arith.constant 16 : index
        %get3A_227 = tpu.vector_load %arg16[%get3A_225, %get3A_226] {strides = array<i32>} : memref<32x1024xbf16, #tpu.memory_space<vmem>>, vector<1x16xbf16>,
        %get3A_228 = vector.shape_cast %get3A_227 : vector<1x16xbf16> to vector<16xbf16>
        %mul3A_229 = arith.mulf %convert_element_type3A_141, %get3A_228 : vector<16xbf16>
        %get3A_230 = arith.index_cast %mul3A_119 : i32 to index
        %get3A_231 = arith.constant 272 : index
        %get3A_232 = tpu.vector_load %arg16[%get3A_230, %get3A_231] {strides = array<i32>} : memref<32x1024xbf16, #tpu.memory_space<vmem>>, vector<1x16xbf16>,
        %get3A_233 = vector.shape_cast %get3A_232 : vector<1x16xbf16> to vector<16xbf16>
        %mul3A_234 = arith.mulf %convert_element_type3A_145, %get3A_233 : vector<16xbf16>
        %add3A_235 = arith.addf %mul3A_229, %mul3A_234 : vector<16xbf16>
        %get3A_236 = arith.index_cast %mul3A_119 : i32 to index
        %get3A_237 = arith.constant 528 : index
        %get3A_238 = tpu.vector_load %arg16[%get3A_236, %get3A_237] {strides = array<i32>} : memref<32x1024xbf16, #tpu.memory_space<vmem>>, vector<1x16xbf16>,
        %get3A_239 = vector.shape_cast %get3A_238 : vector<1x16xbf16> to vector<16xbf16>
        %mul3A_240 = arith.mulf %convert_element_type3A_149, %get3A_239 : vector<16xbf16>
        %add3A_241 = arith.addf %add3A_235, %mul3A_240 : vector<16xbf16>
        %get3A_242 = arith.index_cast %mul3A_119 : i32 to index
        %get3A_243 = arith.constant 784 : index
        %get3A_244 = tpu.vector_load %arg16[%get3A_242, %get3A_243] {strides = array<i32>} : memref<32x1024xbf16, #tpu.memory_space<vmem>>, vector<1x16xbf16>,
        %get3A_245 = vector.shape_cast %get3A_244 : vector<1x16xbf16> to vector<16xbf16>
        %mul3A_246 = arith.mulf %convert_element_type3A_153, %get3A_245 : vector<16xbf16>
        %add3A_247 = arith.addf %add3A_241, %mul3A_246 : vector<16xbf16>
        %get3A_248 = arith.index_cast %add3A_123 : i32 to index
        %get3A_249 = arith.constant 16 : index
        %get3A_250 = tpu.vector_load %arg16[%get3A_248, %get3A_249] {strides = array<i32>} : memref<32x1024xbf16, #tpu.memory_space<vmem>>, vector<1x16xbf16>,
        %get3A_251 = vector.shape_cast %get3A_250 : vector<1x16xbf16> to vector<16xbf16>
        %mul3A_252 = arith.mulf %convert_element_type3A_157, %get3A_251 : vector<16xbf16>
        %get3A_253 = arith.index_cast %add3A_123 : i32 to index
        %get3A_254 = arith.constant 272 : index
        %get3A_255 = tpu.vector_load %arg16[%get3A_253, %get3A_254] {strides = array<i32>} : memref<32x1024xbf16, #tpu.memory_space<vmem>>, vector<1x16xbf16>,
        %get3A_256 = vector.shape_cast %get3A_255 : vector<1x16xbf16> to vector<16xbf16>
        %mul3A_257 = arith.mulf %convert_element_type3A_161, %get3A_256 : vector<16xbf16>
        %add3A_258 = arith.addf %mul3A_252, %mul3A_257 : vector<16xbf16>
        %get3A_259 = arith.index_cast %add3A_123 : i32 to index
        %get3A_260 = arith.constant 528 : index
        %get3A_261 = tpu.vector_load %arg16[%get3A_259, %get3A_260] {strides = array<i32>} : memref<32x1024xbf16, #tpu.memory_space<vmem>>, vector<1x16xbf16>,
        %get3A_262 = vector.shape_cast %get3A_261 : vector<1x16xbf16> to vector<16xbf16>
        %mul3A_263 = arith.mulf %convert_element_type3A_165, %get3A_262 : vector<16xbf16>
        %add3A_264 = arith.addf %add3A_258, %mul3A_263 : vector<16xbf16>
        %get3A_265 = arith.index_cast %add3A_123 : i32 to index
        %get3A_266 = arith.constant 784 : index
        %get3A_267 = tpu.vector_load %arg16[%get3A_265, %get3A_266] {strides = array<i32>} : memref<32x1024xbf16, #tpu.memory_space<vmem>>, vector<1x16xbf16>,
        %get3A_268 = vector.shape_cast %get3A_267 : vector<1x16xbf16> to vector<16xbf16>
        %mul3A_269 = arith.mulf %convert_element_type3A_169, %get3A_268 : vector<16xbf16>
        %add3A_270 = arith.addf %add3A_264, %mul3A_269 : vector<16xbf16>
        %swap3A_271 = arith.index_cast %mul3A_119 : i32 to index
        %swap3A_272 = arith.constant 16 : index
        %swap3A_273 = tpu.vector_load %arg23[%swap3A_271, %swap3A_272] {strides = array<i32>} : memref<32x256xbf16, #tpu.memory_space<vmem>>, vector<1x16xbf16>,
        %swap3A_274 = vector.shape_cast %swap3A_273 : vector<1x16xbf16> to vector<16xbf16>
        %swap3A_275 = vector.shape_cast %add3A_247 : vector<16xbf16> to vector<1x16xbf16>
        tpu.vector_store %arg23[%swap3A_271, %swap3A_272], %swap3A_275 {strides = array<i32>} : memref<32x256xbf16, #tpu.memory_space<vmem>>, vector<1x16xbf16>,
        %swap3A_276 = arith.index_cast %add3A_123 : i32 to index
        %swap3A_277 = arith.constant 16 : index
        %swap3A_278 = tpu.vector_load %arg23[%swap3A_276, %swap3A_277] {strides = array<i32>} : memref<32x256xbf16, #tpu.memory_space<vmem>>, vector<1x16xbf16>,
        %swap3A_279 = vector.shape_cast %swap3A_278 : vector<1x16xbf16> to vector<16xbf16>
        %swap3A_280 = vector.shape_cast %add3A_270 : vector<16xbf16> to vector<1x16xbf16>
        tpu.vector_store %arg23[%swap3A_276, %swap3A_277], %swap3A_280 {strides = array<i32>} : memref<32x256xbf16, #tpu.memory_space<vmem>>, vector<1x16xbf16>,
        %get3A_281 = arith.index_cast %mul3A_119 : i32 to index
        %get3A_282 = arith.constant 32 : index
        %get3A_283 = tpu.vector_load %arg16[%get3A_281, %get3A_282] {strides = array<i32>} : memref<32x1024xbf16, #tpu.memory_space<vmem>>, vector<1x16xbf16>,
        %get3A_284 = vector.shape_cast %get3A_283 : vector<1x16xbf16> to vector<16xbf16>
        %mul3A_285 = arith.mulf %convert_element_type3A_141, %get3A_284 : vector<16xbf16>
        %get3A_286 = arith.index_cast %mul3A_119 : i32 to index
        %get3A_287 = arith.constant 288 : index
        %get3A_288 = tpu.vector_load %arg16[%get3A_286, %get3A_287] {strides = array<i32>} : memref<32x1024xbf16, #tpu.memory_space<vmem>>, vector<1x16xbf16>,
        %get3A_289 = vector.shape_cast %get3A_288 : vector<1x16xbf16> to vector<16xbf16>
        %mul3A_290 = arith.mulf %convert_element_type3A_145, %get3A_289 : vector<16xbf16>
        %add3A_291 = arith.addf %mul3A_285, %mul3A_290 : vector<16xbf16>
        %get3A_292 = arith.index_cast %mul3A_119 : i32 to index
        %get3A_293 = arith.constant 544 : index
        %get3A_294 = tpu.vector_load %arg16[%get3A_292, %get3A_293] {strides = array<i32>} : memref<32x1024xbf16, #tpu.memory_space<vmem>>, vector<1x16xbf16>,
        %get3A_295 = vector.shape_cast %get3A_294 : vector<1x16xbf16> to vector<16xbf16>
        %mul3A_296 = arith.mulf %convert_element_type3A_149, %get3A_295 : vector<16xbf16>
        %add3A_297 = arith.addf %add3A_291, %mul3A_296 : vector<16xbf16>
        %get3A_298 = arith.index_cast %mul3A_119 : i32 to index
        %get3A_299 = arith.constant 800 : index
        %get3A_300 = tpu.vector_load %arg16[%get3A_298, %get3A_299] {strides = array<i32>} : memref<32x1024xbf16, #tpu.memory_space<vmem>>, vector<1x16xbf16>,
        %get3A_301 = vector.shape_cast %get3A_300 : vector<1x16xbf16> to vector<16xbf16>
        %mul3A_302 = arith.mulf %convert_element_type3A_153, %get3A_301 : vector<16xbf16>
        %add3A_303 = arith.addf %add3A_297, %mul3A_302 : vector<16xbf16>
        %get3A_304 = arith.index_cast %add3A_123 : i32 to index
        %get3A_305 = arith.constant 32 : index
        %get3A_306 = tpu.vector_load %arg16[%get3A_304, %get3A_305] {strides = array<i32>} : memref<32x1024xbf16, #tpu.memory_space<vmem>>, vector<1x16xbf16>,
        %get3A_307 = vector.shape_cast %get3A_306 : vector<1x16xbf16> to vector<16xbf16>
        %mul3A_308 = arith.mulf %convert_element_type3A_157, %get3A_307 : vector<16xbf16>
        %get3A_309 = arith.index_cast %add3A_123 : i32 to index
        %get3A_310 = arith.constant 288 : index
        %get3A_311 = tpu.vector_load %arg16[%get3A_309, %get3A_310] {strides = array<i32>} : memref<32x1024xbf16, #tpu.memory_space<vmem>>, vector<1x16xbf16>,
        %get3A_312 = vector.shape_cast %get3A_311 : vector<1x16xbf16> to vector<16xbf16>
        %mul3A_313 = arith.mulf %convert_element_type3A_161, %get3A_312 : vector<16xbf16>
        %add3A_314 = arith.addf %mul3A_308, %mul3A_313 : vector<16xbf16>
        %get3A_315 = arith.index_cast %add3A_123 : i32 to index
        %get3A_316 = arith.constant 544 : index
        %get3A_317 = tpu.vector_load %arg16[%get3A_315, %get3A_316] {strides = array<i32>} : memref<32x1024xbf16, #tpu.memory_space<vmem>>, vector<1x16xbf16>,
        %get3A_318 = vector.shape_cast %get3A_317 : vector<1x16xbf16> to vector<16xbf16>
        %mul3A_319 = arith.mulf %convert_element_type3A_165, %get3A_318 : vector<16xbf16>
        %add3A_320 = arith.addf %add3A_314, %mul3A_319 : vector<16xbf16>
        %get3A_321 = arith.index_cast %add3A_123 : i32 to index
        %get3A_322 = arith.constant 800 : index
        %get3A_323 = tpu.vector_load %arg16[%get3A_321, %get3A_322] {strides = array<i32>} : memref<32x1024xbf16, #tpu.memory_space<vmem>>, vector<1x16xbf16>,
        %get3A_324 = vector.shape_cast %get3A_323 : vector<1x16xbf16> to vector<16xbf16>
        %mul3A_325 = arith.mulf %convert_element_type3A_169, %get3A_324 : vector<16xbf16>
        %add3A_326 = arith.addf %add3A_320, %mul3A_325 : vector<16xbf16>
        %swap3A_327 = arith.index_cast %mul3A_119 : i32 to index
        %swap3A_328 = arith.constant 32 : index
        %swap3A_329 = tpu.vector_load %arg23[%swap3A_327, %swap3A_328] {strides = array<i32>} : memref<32x256xbf16, #tpu.memory_space<vmem>>, vector<1x16xbf16>,
        %swap3A_330 = vector.shape_cast %swap3A_329 : vector<1x16xbf16> to vector<16xbf16>
        %swap3A_331 = vector.shape_cast %add3A_303 : vector<16xbf16> to vector<1x16xbf16>
        tpu.vector_store %arg23[%swap3A_327, %swap3A_328], %swap3A_331 {strides = array<i32>} : memref<32x256xbf16, #tpu.memory_space<vmem>>, vector<1x16xbf16>,
        %swap3A_332 = arith.index_cast %add3A_123 : i32 to index
        %swap3A_333 = arith.constant 32 : index
        %swap3A_334 = tpu.vector_load %arg23[%swap3A_332, %swap3A_333] {strides = array<i32>} : memref<32x256xbf16, #tpu.memory_space<vmem>>, vector<1x16xbf16>,
        %swap3A_335 = vector.shape_cast %swap3A_334 : vector<1x16xbf16> to vector<16xbf16>
        %swap3A_336 = vector.shape_cast %add3A_326 : vector<16xbf16> to vector<1x16xbf16>
        tpu.vector_store %arg23[%swap3A_332, %swap3A_333], %swap3A_336 {strides = array<i32>} : memref<32x256xbf16, #tpu.memory_space<vmem>>, vector<1x16xbf16>,
        %get3A_337 = arith.index_cast %mul3A_119 : i32 to index
        %get3A_338 = arith.constant 48 : index
        %get3A_339 = tpu.vector_load %arg16[%get3A_337, %get3A_338] {strides = array<i32>} : memref<32x1024xbf16, #tpu.memory_space<vmem>>, vector<1x16xbf16>,
        %get3A_340 = vector.shape_cast %get3A_339 : vector<1x16xbf16> to vector<16xbf16>
        %mul3A_341 = arith.mulf %convert_element_type3A_141, %get3A_340 : vector<16xbf16>
        %get3A_342 = arith.index_cast %mul3A_119 : i32 to index
        %get3A_343 = arith.constant 304 : index
        %get3A_344 = tpu.vector_load %arg16[%get3A_342, %get3A_343] {strides = array<i32>} : memref<32x1024xbf16, #tpu.memory_space<vmem>>, vector<1x16xbf16>,
        %get3A_345 = vector.shape_cast %get3A_344 : vector<1x16xbf16> to vector<16xbf16>
        %mul3A_346 = arith.mulf %convert_element_type3A_145, %get3A_345 : vector<16xbf16>
        %add3A_347 = arith.addf %mul3A_341, %mul3A_346 : vector<16xbf16>
        %get3A_348 = arith.index_cast %mul3A_119 : i32 to index
        %get3A_349 = arith.constant 560 : index
        %get3A_350 = tpu.vector_load %arg16[%get3A_348, %get3A_349] {strides = array<i32>} : memref<32x1024xbf16, #tpu.memory_space<vmem>>, vector<1x16xbf16>,
        %get3A_351 = vector.shape_cast %get3A_350 : vector<1x16xbf16> to vector<16xbf16>
        %mul3A_352 = arith.mulf %convert_element_type3A_149, %get3A_351 : vector<16xbf16>
        %add3A_353 = arith.addf %add3A_347, %mul3A_352 : vector<16xbf16>
        %get3A_354 = arith.index_cast %mul3A_119 : i32 to index
        %get3A_355 = arith.constant 816 : index
        %get3A_356 = tpu.vector_load %arg16[%get3A_354, %get3A_355] {strides = array<i32>} : memref<32x1024xbf16, #tpu.memory_space<vmem>>, vector<1x16xbf16>,
        %get3A_357 = vector.shape_cast %get3A_356 : vector<1x16xbf16> to vector<16xbf16>
        %mul3A_358 = arith.mulf %convert_element_type3A_153, %get3A_357 : vector<16xbf16>
        %add3A_359 = arith.addf %add3A_353, %mul3A_358 : vector<16xbf16>
        %get3A_360 = arith.index_cast %add3A_123 : i32 to index
        %get3A_361 = arith.constant 48 : index
        %get3A_362 = tpu.vector_load %arg16[%get3A_360, %get3A_361] {strides = array<i32>} : memref<32x1024xbf16, #tpu.memory_space<vmem>>, vector<1x16xbf16>,
        %get3A_363 = vector.shape_cast %get3A_362 : vector<1x16xbf16> to vector<16xbf16>
        %mul3A_364 = arith.mulf %convert_element_type3A_157, %get3A_363 : vector<16xbf16>
        %get3A_365 = arith.index_cast %add3A_123 : i32 to index
        %get3A_366 = arith.constant 304 : index
        %get3A_367 = tpu.vector_load %arg16[%get3A_365, %get3A_366] {strides = array<i32>} : memref<32x1024xbf16, #tpu.memory_space<vmem>>, vector<1x16xbf16>,
        %get3A_368 = vector.shape_cast %get3A_367 : vector<1x16xbf16> to vector<16xbf16>
        %mul3A_369 = arith.mulf %convert_element_type3A_161, %get3A_368 : vector<16xbf16>
        %add3A_370 = arith.addf %mul3A_364, %mul3A_369 : vector<16xbf16>
        %get3A_371 = arith.index_cast %add3A_123 : i32 to index
        %get3A_372 = arith.constant 560 : index
        %get3A_373 = tpu.vector_load %arg16[%get3A_371, %get3A_372] {strides = array<i32>} : memref<32x1024xbf16, #tpu.memory_space<vmem>>, vector<1x16xbf16>,
        %get3A_374 = vector.shape_cast %get3A_373 : vector<1x16xbf16> to vector<16xbf16>
        %mul3A_375 = arith.mulf %convert_element_type3A_165, %get3A_374 : vector<16xbf16>
        %add3A_376 = arith.addf %add3A_370, %mul3A_375 : vector<16xbf16>
        %get3A_377 = arith.index_cast %add3A_123 : i32 to index
        %get3A_378 = arith.constant 816 : index
        %get3A_379 = tpu.vector_load %arg16[%get3A_377, %get3A_378] {strides = array<i32>} : memref<32x1024xbf16, #tpu.memory_space<vmem>>, vector<1x16xbf16>,
        %get3A_380 = vector.shape_cast %get3A_379 : vector<1x16xbf16> to vector<16xbf16>
        %mul3A_381 = arith.mulf %convert_element_type3A_169, %get3A_380 : vector<16xbf16>
        %add3A_382 = arith.addf %add3A_376, %mul3A_381 : vector<16xbf16>
        %swap3A_383 = arith.index_cast %mul3A_119 : i32 to index
        %swap3A_384 = arith.constant 48 : index
        %swap3A_385 = tpu.vector_load %arg23[%swap3A_383, %swap3A_384] {strides = array<i32>} : memref<32x256xbf16, #tpu.memory_space<vmem>>, vector<1x16xbf16>,
        %swap3A_386 = vector.shape_cast %swap3A_385 : vector<1x16xbf16> to vector<16xbf16>
        %swap3A_387 = vector.shape_cast %add3A_359 : vector<16xbf16> to vector<1x16xbf16>
        tpu.vector_store %arg23[%swap3A_383, %swap3A_384], %swap3A_387 {strides = array<i32>} : memref<32x256xbf16, #tpu.memory_space<vmem>>, vector<1x16xbf16>,
        %swap3A_388 = arith.index_cast %add3A_123 : i32 to index
        %swap3A_389 = arith.constant 48 : index
        %swap3A_390 = tpu.vector_load %arg23[%swap3A_388, %swap3A_389] {strides = array<i32>} : memref<32x256xbf16, #tpu.memory_space<vmem>>, vector<1x16xbf16>,
        %swap3A_391 = vector.shape_cast %swap3A_390 : vector<1x16xbf16> to vector<16xbf16>
        %swap3A_392 = vector.shape_cast %add3A_382 : vector<16xbf16> to vector<1x16xbf16>
        tpu.vector_store %arg23[%swap3A_388, %swap3A_389], %swap3A_392 {strides = array<i32>} : memref<32x256xbf16, #tpu.memory_space<vmem>>, vector<1x16xbf16>,
        %get3A_393 = arith.index_cast %mul3A_119 : i32 to index
        %get3A_394 = arith.constant 64 : index
        %get3A_395 = tpu.vector_load %arg16[%get3A_393, %get3A_394] {strides = array<i32>} : memref<32x1024xbf16, #tpu.memory_space<vmem>>, vector<1x16xbf16>,
        %get3A_396 = vector.shape_cast %get3A_395 : vector<1x16xbf16> to vector<16xbf16>
        %mul3A_397 = arith.mulf %convert_element_type3A_141, %get3A_396 : vector<16xbf16>
        %get3A_398 = arith.index_cast %mul3A_119 : i32 to index
        %get3A_399 = arith.constant 320 : index
        %get3A_400 = tpu.vector_load %arg16[%get3A_398, %get3A_399] {strides = array<i32>} : memref<32x1024xbf16, #tpu.memory_space<vmem>>, vector<1x16xbf16>,
        %get3A_401 = vector.shape_cast %get3A_400 : vector<1x16xbf16> to vector<16xbf16>
        %mul3A_402 = arith.mulf %convert_element_type3A_145, %get3A_401 : vector<16xbf16>
        %add3A_403 = arith.addf %mul3A_397, %mul3A_402 : vector<16xbf16>
        %get3A_404 = arith.index_cast %mul3A_119 : i32 to index
        %get3A_405 = arith.constant 576 : index
        %get3A_406 = tpu.vector_load %arg16[%get3A_404, %get3A_405] {strides = array<i32>} : memref<32x1024xbf16, #tpu.memory_space<vmem>>, vector<1x16xbf16>,
        %get3A_407 = vector.shape_cast %get3A_406 : vector<1x16xbf16> to vector<16xbf16>
        %mul3A_408 = arith.mulf %convert_element_type3A_149, %get3A_407 : vector<16xbf16>
        %add3A_409 = arith.addf %add3A_403, %mul3A_408 : vector<16xbf16>
        %get3A_410 = arith.index_cast %mul3A_119 : i32 to index
        %get3A_411 = arith.constant 832 : index
        %get3A_412 = tpu.vector_load %arg16[%get3A_410, %get3A_411] {strides = array<i32>} : memref<32x1024xbf16, #tpu.memory_space<vmem>>, vector<1x16xbf16>,
        %get3A_413 = vector.shape_cast %get3A_412 : vector<1x16xbf16> to vector<16xbf16>
        %mul3A_414 = arith.mulf %convert_element_type3A_153, %get3A_413 : vector<16xbf16>
        %add3A_415 = arith.addf %add3A_409, %mul3A_414 : vector<16xbf16>
        %get3A_416 = arith.index_cast %add3A_123 : i32 to index
        %get3A_417 = arith.constant 64 : index
        %get3A_418 = tpu.vector_load %arg16[%get3A_416, %get3A_417] {strides = array<i32>} : memref<32x1024xbf16, #tpu.memory_space<vmem>>, vector<1x16xbf16>,
        %get3A_419 = vector.shape_cast %get3A_418 : vector<1x16xbf16> to vector<16xbf16>
        %mul3A_420 = arith.mulf %convert_element_type3A_157, %get3A_419 : vector<16xbf16>
        %get3A_421 = arith.index_cast %add3A_123 : i32 to index
        %get3A_422 = arith.constant 320 : index
        %get3A_423 = tpu.vector_load %arg16[%get3A_421, %get3A_422] {strides = array<i32>} : memref<32x1024xbf16, #tpu.memory_space<vmem>>, vector<1x16xbf16>,
        %get3A_424 = vector.shape_cast %get3A_423 : vector<1x16xbf16> to vector<16xbf16>
        %mul3A_425 = arith.mulf %convert_element_type3A_161, %get3A_424 : vector<16xbf16>
        %add3A_426 = arith.addf %mul3A_420, %mul3A_425 : vector<16xbf16>
        %get3A_427 = arith.index_cast %add3A_123 : i32 to index
        %get3A_428 = arith.constant 576 : index
        %get3A_429 = tpu.vector_load %arg16[%get3A_427, %get3A_428] {strides = array<i32>} : memref<32x1024xbf16, #tpu.memory_space<vmem>>, vector<1x16xbf16>,
        %get3A_430 = vector.shape_cast %get3A_429 : vector<1x16xbf16> to vector<16xbf16>
        %mul3A_431 = arith.mulf %convert_element_type3A_165, %get3A_430 : vector<16xbf16>
        %add3A_432 = arith.addf %add3A_426, %mul3A_431 : vector<16xbf16>
        %get3A_433 = arith.index_cast %add3A_123 : i32 to index
        %get3A_434 = arith.constant 832 : index
        %get3A_435 = tpu.vector_load %arg16[%get3A_433, %get3A_434] {strides = array<i32>} : memref<32x1024xbf16, #tpu.memory_space<vmem>>, vector<1x16xbf16>,
        %get3A_436 = vector.shape_cast %get3A_435 : vector<1x16xbf16> to vector<16xbf16>
        %mul3A_437 = arith.mulf %convert_element_type3A_169, %get3A_436 : vector<16xbf16>
        %add3A_438 = arith.addf %add3A_432, %mul3A_437 : vector<16xbf16>
        %swap3A_439 = arith.index_cast %mul3A_119 : i32 to index
        %swap3A_440 = arith.constant 64 : index
        %swap3A_441 = tpu.vector_load %arg23[%swap3A_439, %swap3A_440] {strides = array<i32>} : memref<32x256xbf16, #tpu.memory_space<vmem>>, vector<1x16xbf16>,
        %swap3A_442 = vector.shape_cast %swap3A_441 : vector<1x16xbf16> to vector<16xbf16>
        %swap3A_443 = vector.shape_cast %add3A_415 : vector<16xbf16> to vector<1x16xbf16>
        tpu.vector_store %arg23[%swap3A_439, %swap3A_440], %swap3A_443 {strides = array<i32>} : memref<32x256xbf16, #tpu.memory_space<vmem>>, vector<1x16xbf16>,
        %swap3A_444 = arith.index_cast %add3A_123 : i32 to index
        %swap3A_445 = arith.constant 64 : index
        %swap3A_446 = tpu.vector_load %arg23[%swap3A_444, %swap3A_445] {strides = array<i32>} : memref<32x256xbf16, #tpu.memory_space<vmem>>, vector<1x16xbf16>,
        %swap3A_447 = vector.shape_cast %swap3A_446 : vector<1x16xbf16> to vector<16xbf16>
        %swap3A_448 = vector.shape_cast %add3A_438 : vector<16xbf16> to vector<1x16xbf16>
        tpu.vector_store %arg23[%swap3A_444, %swap3A_445], %swap3A_448 {strides = array<i32>} : memref<32x256xbf16, #tpu.memory_space<vmem>>, vector<1x16xbf16>,
        %get3A_449 = arith.index_cast %mul3A_119 : i32 to index
        %get3A_450 = arith.constant 80 : index
        %get3A_451 = tpu.vector_load %arg16[%get3A_449, %get3A_450] {strides = array<i32>} : memref<32x1024xbf16, #tpu.memory_space<vmem>>, vector<1x16xbf16>,
        %get3A_452 = vector.shape_cast %get3A_451 : vector<1x16xbf16> to vector<16xbf16>
        %mul3A_453 = arith.mulf %convert_element_type3A_141, %get3A_452 : vector<16xbf16>
        %get3A_454 = arith.index_cast %mul3A_119 : i32 to index
        %get3A_455 = arith.constant 336 : index
        %get3A_456 = tpu.vector_load %arg16[%get3A_454, %get3A_455] {strides = array<i32>} : memref<32x1024xbf16, #tpu.memory_space<vmem>>, vector<1x16xbf16>,
        %get3A_457 = vector.shape_cast %get3A_456 : vector<1x16xbf16> to vector<16xbf16>
        %mul3A_458 = arith.mulf %convert_element_type3A_145, %get3A_457 : vector<16xbf16>
        %add3A_459 = arith.addf %mul3A_453, %mul3A_458 : vector<16xbf16>
        %get3A_460 = arith.index_cast %mul3A_119 : i32 to index
        %get3A_461 = arith.constant 592 : index
        %get3A_462 = tpu.vector_load %arg16[%get3A_460, %get3A_461] {strides = array<i32>} : memref<32x1024xbf16, #tpu.memory_space<vmem>>, vector<1x16xbf16>,
        %get3A_463 = vector.shape_cast %get3A_462 : vector<1x16xbf16> to vector<16xbf16>
        %mul3A_464 = arith.mulf %convert_element_type3A_149, %get3A_463 : vector<16xbf16>
        %add3A_465 = arith.addf %add3A_459, %mul3A_464 : vector<16xbf16>
        %get3A_466 = arith.index_cast %mul3A_119 : i32 to index
        %get3A_467 = arith.constant 848 : index
        %get3A_468 = tpu.vector_load %arg16[%get3A_466, %get3A_467] {strides = array<i32>} : memref<32x1024xbf16, #tpu.memory_space<vmem>>, vector<1x16xbf16>,
        %get3A_469 = vector.shape_cast %get3A_468 : vector<1x16xbf16> to vector<16xbf16>
        %mul3A_470 = arith.mulf %convert_element_type3A_153, %get3A_469 : vector<16xbf16>
        %add3A_471 = arith.addf %add3A_465, %mul3A_470 : vector<16xbf16>
        %get3A_472 = arith.index_cast %add3A_123 : i32 to index
        %get3A_473 = arith.constant 80 : index
        %get3A_474 = tpu.vector_load %arg16[%get3A_472, %get3A_473] {strides = array<i32>} : memref<32x1024xbf16, #tpu.memory_space<vmem>>, vector<1x16xbf16>,
        %get3A_475 = vector.shape_cast %get3A_474 : vector<1x16xbf16> to vector<16xbf16>
        %mul3A_476 = arith.mulf %convert_element_type3A_157, %get3A_475 : vector<16xbf16>
        %get3A_477 = arith.index_cast %add3A_123 : i32 to index
        %get3A_478 = arith.constant 336 : index
        %get3A_479 = tpu.vector_load %arg16[%get3A_477, %get3A_478] {strides = array<i32>} : memref<32x1024xbf16, #tpu.memory_space<vmem>>, vector<1x16xbf16>,
        %get3A_480 = vector.shape_cast %get3A_479 : vector<1x16xbf16> to vector<16xbf16>
        %mul3A_481 = arith.mulf %convert_element_type3A_161, %get3A_480 : vector<16xbf16>
        %add3A_482 = arith.addf %mul3A_476, %mul3A_481 : vector<16xbf16>
        %get3A_483 = arith.index_cast %add3A_123 : i32 to index
        %get3A_484 = arith.constant 592 : index
        %get3A_485 = tpu.vector_load %arg16[%get3A_483, %get3A_484] {strides = array<i32>} : memref<32x1024xbf16, #tpu.memory_space<vmem>>, vector<1x16xbf16>,
        %get3A_486 = vector.shape_cast %get3A_485 : vector<1x16xbf16> to vector<16xbf16>
        %mul3A_487 = arith.mulf %convert_element_type3A_165, %get3A_486 : vector<16xbf16>
        %add3A_488 = arith.addf %add3A_482, %mul3A_487 : vector<16xbf16>
        %get3A_489 = arith.index_cast %add3A_123 : i32 to index
        %get3A_490 = arith.constant 848 : index
        %get3A_491 = tpu.vector_load %arg16[%get3A_489, %get3A_490] {strides = array<i32>} : memref<32x1024xbf16, #tpu.memory_space<vmem>>, vector<1x16xbf16>,
        %get3A_492 = vector.shape_cast %get3A_491 : vector<1x16xbf16> to vector<16xbf16>
        %mul3A_493 = arith.mulf %convert_element_type3A_169, %get3A_492 : vector<16xbf16>
        %add3A_494 = arith.addf %add3A_488, %mul3A_493 : vector<16xbf16>
        %swap3A_495 = arith.index_cast %mul3A_119 : i32 to index
        %swap3A_496 = arith.constant 80 : index
        %swap3A_497 = tpu.vector_load %arg23[%swap3A_495, %swap3A_496] {strides = array<i32>} : memref<32x256xbf16, #tpu.memory_space<vmem>>, vector<1x16xbf16>,
        %swap3A_498 = vector.shape_cast %swap3A_497 : vector<1x16xbf16> to vector<16xbf16>
        %swap3A_499 = vector.shape_cast %add3A_471 : vector<16xbf16> to vector<1x16xbf16>
        tpu.vector_store %arg23[%swap3A_495, %swap3A_496], %swap3A_499 {strides = array<i32>} : memref<32x256xbf16, #tpu.memory_space<vmem>>, vector<1x16xbf16>,
        %swap3A_500 = arith.index_cast %add3A_123 : i32 to index
        %swap3A_501 = arith.constant 80 : index
        %swap3A_502 = tpu.vector_load %arg23[%swap3A_500, %swap3A_501] {strides = array<i32>} : memref<32x256xbf16, #tpu.memory_space<vmem>>, vector<1x16xbf16>,
        %swap3A_503 = vector.shape_cast %swap3A_502 : vector<1x16xbf16> to vector<16xbf16>
        %swap3A_504 = vector.shape_cast %add3A_494 : vector<16xbf16> to vector<1x16xbf16>
        tpu.vector_store %arg23[%swap3A_500, %swap3A_501], %swap3A_504 {strides = array<i32>} : memref<32x256xbf16, #tpu.memory_space<vmem>>, vector<1x16xbf16>,
        %get3A_505 = arith.index_cast %mul3A_119 : i32 to index
        %get3A_506 = arith.constant 96 : index
        %get3A_507 = tpu.vector_load %arg16[%get3A_505, %get3A_506] {strides = array<i32>} : memref<32x1024xbf16, #tpu.memory_space<vmem>>, vector<1x16xbf16>,
        %get3A_508 = vector.shape_cast %get3A_507 : vector<1x16xbf16> to vector<16xbf16>
        %mul3A_509 = arith.mulf %convert_element_type3A_141, %get3A_508 : vector<16xbf16>
        %get3A_510 = arith.index_cast %mul3A_119 : i32 to index
        %get3A_511 = arith.constant 352 : index
        %get3A_512 = tpu.vector_load %arg16[%get3A_510, %get3A_511] {strides = array<i32>} : memref<32x1024xbf16, #tpu.memory_space<vmem>>, vector<1x16xbf16>,
        %get3A_513 = vector.shape_cast %get3A_512 : vector<1x16xbf16> to vector<16xbf16>
        %mul3A_514 = arith.mulf %convert_element_type3A_145, %get3A_513 : vector<16xbf16>
        %add3A_515 = arith.addf %mul3A_509, %mul3A_514 : vector<16xbf16>
        %get3A_516 = arith.index_cast %mul3A_119 : i32 to index
        %get3A_517 = arith.constant 608 : index
        %get3A_518 = tpu.vector_load %arg16[%get3A_516, %get3A_517] {strides = array<i32>} : memref<32x1024xbf16, #tpu.memory_space<vmem>>, vector<1x16xbf16>,
        %get3A_519 = vector.shape_cast %get3A_518 : vector<1x16xbf16> to vector<16xbf16>
        %mul3A_520 = arith.mulf %convert_element_type3A_149, %get3A_519 : vector<16xbf16>
        %add3A_521 = arith.addf %add3A_515, %mul3A_520 : vector<16xbf16>
        %get3A_522 = arith.index_cast %mul3A_119 : i32 to index
        %get3A_523 = arith.constant 864 : index
        %get3A_524 = tpu.vector_load %arg16[%get3A_522, %get3A_523] {strides = array<i32>} : memref<32x1024xbf16, #tpu.memory_space<vmem>>, vector<1x16xbf16>,
        %get3A_525 = vector.shape_cast %get3A_524 : vector<1x16xbf16> to vector<16xbf16>
        %mul3A_526 = arith.mulf %convert_element_type3A_153, %get3A_525 : vector<16xbf16>
        %add3A_527 = arith.addf %add3A_521, %mul3A_526 : vector<16xbf16>
        %get3A_528 = arith.index_cast %add3A_123 : i32 to index
        %get3A_529 = arith.constant 96 : index
        %get3A_530 = tpu.vector_load %arg16[%get3A_528, %get3A_529] {strides = array<i32>} : memref<32x1024xbf16, #tpu.memory_space<vmem>>, vector<1x16xbf16>,
        %get3A_531 = vector.shape_cast %get3A_530 : vector<1x16xbf16> to vector<16xbf16>
        %mul3A_532 = arith.mulf %convert_element_type3A_157, %get3A_531 : vector<16xbf16>
        %get3A_533 = arith.index_cast %add3A_123 : i32 to index
        %get3A_534 = arith.constant 352 : index
        %get3A_535 = tpu.vector_load %arg16[%get3A_533, %get3A_534] {strides = array<i32>} : memref<32x1024xbf16, #tpu.memory_space<vmem>>, vector<1x16xbf16>,
        %get3A_536 = vector.shape_cast %get3A_535 : vector<1x16xbf16> to vector<16xbf16>
        %mul3A_537 = arith.mulf %convert_element_type3A_161, %get3A_536 : vector<16xbf16>
        %add3A_538 = arith.addf %mul3A_532, %mul3A_537 : vector<16xbf16>
        %get3A_539 = arith.index_cast %add3A_123 : i32 to index
        %get3A_540 = arith.constant 608 : index
        %get3A_541 = tpu.vector_load %arg16[%get3A_539, %get3A_540] {strides = array<i32>} : memref<32x1024xbf16, #tpu.memory_space<vmem>>, vector<1x16xbf16>,
        %get3A_542 = vector.shape_cast %get3A_541 : vector<1x16xbf16> to vector<16xbf16>
        %mul3A_543 = arith.mulf %convert_element_type3A_165, %get3A_542 : vector<16xbf16>
        %add3A_544 = arith.addf %add3A_538, %mul3A_543 : vector<16xbf16>
        %get3A_545 = arith.index_cast %add3A_123 : i32 to index
        %get3A_546 = arith.constant 864 : index
        %get3A_547 = tpu.vector_load %arg16[%get3A_545, %get3A_546] {strides = array<i32>} : memref<32x1024xbf16, #tpu.memory_space<vmem>>, vector<1x16xbf16>,
        %get3A_548 = vector.shape_cast %get3A_547 : vector<1x16xbf16> to vector<16xbf16>
        %mul3A_549 = arith.mulf %convert_element_type3A_169, %get3A_548 : vector<16xbf16>
        %add3A_550 = arith.addf %add3A_544, %mul3A_549 : vector<16xbf16>
        %swap3A_551 = arith.index_cast %mul3A_119 : i32 to index
        %swap3A_552 = arith.constant 96 : index
        %swap3A_553 = tpu.vector_load %arg23[%swap3A_551, %swap3A_552] {strides = array<i32>} : memref<32x256xbf16, #tpu.memory_space<vmem>>, vector<1x16xbf16>,
        %swap3A_554 = vector.shape_cast %swap3A_553 : vector<1x16xbf16> to vector<16xbf16>
        %swap3A_555 = vector.shape_cast %add3A_527 : vector<16xbf16> to vector<1x16xbf16>
        tpu.vector_store %arg23[%swap3A_551, %swap3A_552], %swap3A_555 {strides = array<i32>} : memref<32x256xbf16, #tpu.memory_space<vmem>>, vector<1x16xbf16>,
        %swap3A_556 = arith.index_cast %add3A_123 : i32 to index
        %swap3A_557 = arith.constant 96 : index
        %swap3A_558 = tpu.vector_load %arg23[%swap3A_556, %swap3A_557] {strides = array<i32>} : memref<32x256xbf16, #tpu.memory_space<vmem>>, vector<1x16xbf16>,
        %swap3A_559 = vector.shape_cast %swap3A_558 : vector<1x16xbf16> to vector<16xbf16>
        %swap3A_560 = vector.shape_cast %add3A_550 : vector<16xbf16> to vector<1x16xbf16>
        tpu.vector_store %arg23[%swap3A_556, %swap3A_557], %swap3A_560 {strides = array<i32>} : memref<32x256xbf16, #tpu.memory_space<vmem>>, vector<1x16xbf16>,
        %get3A_561 = arith.index_cast %mul3A_119 : i32 to index
        %get3A_562 = arith.constant 112 : index
        %get3A_563 = tpu.vector_load %arg16[%get3A_561, %get3A_562] {strides = array<i32>} : memref<32x1024xbf16, #tpu.memory_space<vmem>>, vector<1x16xbf16>,
        %get3A_564 = vector.shape_cast %get3A_563 : vector<1x16xbf16> to vector<16xbf16>
        %mul3A_565 = arith.mulf %convert_element_type3A_141, %get3A_564 : vector<16xbf16>
        %get3A_566 = arith.index_cast %mul3A_119 : i32 to index
        %get3A_567 = arith.constant 368 : index
        %get3A_568 = tpu.vector_load %arg16[%get3A_566, %get3A_567] {strides = array<i32>} : memref<32x1024xbf16, #tpu.memory_space<vmem>>, vector<1x16xbf16>,
        %get3A_569 = vector.shape_cast %get3A_568 : vector<1x16xbf16> to vector<16xbf16>
        %mul3A_570 = arith.mulf %convert_element_type3A_145, %get3A_569 : vector<16xbf16>
        %add3A_571 = arith.addf %mul3A_565, %mul3A_570 : vector<16xbf16>
        %get3A_572 = arith.index_cast %mul3A_119 : i32 to index
        %get3A_573 = arith.constant 624 : index
        %get3A_574 = tpu.vector_load %arg16[%get3A_572, %get3A_573] {strides = array<i32>} : memref<32x1024xbf16, #tpu.memory_space<vmem>>, vector<1x16xbf16>,
        %get3A_575 = vector.shape_cast %get3A_574 : vector<1x16xbf16> to vector<16xbf16>
        %mul3A_576 = arith.mulf %convert_element_type3A_149, %get3A_575 : vector<16xbf16>
        %add3A_577 = arith.addf %add3A_571, %mul3A_576 : vector<16xbf16>
        %get3A_578 = arith.index_cast %mul3A_119 : i32 to index
        %get3A_579 = arith.constant 880 : index
        %get3A_580 = tpu.vector_load %arg16[%get3A_578, %get3A_579] {strides = array<i32>} : memref<32x1024xbf16, #tpu.memory_space<vmem>>, vector<1x16xbf16>,
        %get3A_581 = vector.shape_cast %get3A_580 : vector<1x16xbf16> to vector<16xbf16>
        %mul3A_582 = arith.mulf %convert_element_type3A_153, %get3A_581 : vector<16xbf16>
        %add3A_583 = arith.addf %add3A_577, %mul3A_582 : vector<16xbf16>
        %get3A_584 = arith.index_cast %add3A_123 : i32 to index
        %get3A_585 = arith.constant 112 : index
        %get3A_586 = tpu.vector_load %arg16[%get3A_584, %get3A_585] {strides = array<i32>} : memref<32x1024xbf16, #tpu.memory_space<vmem>>, vector<1x16xbf16>,
        %get3A_587 = vector.shape_cast %get3A_586 : vector<1x16xbf16> to vector<16xbf16>
        %mul3A_588 = arith.mulf %convert_element_type3A_157, %get3A_587 : vector<16xbf16>
        %get3A_589 = arith.index_cast %add3A_123 : i32 to index
        %get3A_590 = arith.constant 368 : index
        %get3A_591 = tpu.vector_load %arg16[%get3A_589, %get3A_590] {strides = array<i32>} : memref<32x1024xbf16, #tpu.memory_space<vmem>>, vector<1x16xbf16>,
        %get3A_592 = vector.shape_cast %get3A_591 : vector<1x16xbf16> to vector<16xbf16>
        %mul3A_593 = arith.mulf %convert_element_type3A_161, %get3A_592 : vector<16xbf16>
        %add3A_594 = arith.addf %mul3A_588, %mul3A_593 : vector<16xbf16>
        %get3A_595 = arith.index_cast %add3A_123 : i32 to index
        %get3A_596 = arith.constant 624 : index
        %get3A_597 = tpu.vector_load %arg16[%get3A_595, %get3A_596] {strides = array<i32>} : memref<32x1024xbf16, #tpu.memory_space<vmem>>, vector<1x16xbf16>,
        %get3A_598 = vector.shape_cast %get3A_597 : vector<1x16xbf16> to vector<16xbf16>
        %mul3A_599 = arith.mulf %convert_element_type3A_165, %get3A_598 : vector<16xbf16>
        %add3A_600 = arith.addf %add3A_594, %mul3A_599 : vector<16xbf16>
        %get3A_601 = arith.index_cast %add3A_123 : i32 to index
        %get3A_602 = arith.constant 880 : index
        %get3A_603 = tpu.vector_load %arg16[%get3A_601, %get3A_602] {strides = array<i32>} : memref<32x1024xbf16, #tpu.memory_space<vmem>>, vector<1x16xbf16>,
        %get3A_604 = vector.shape_cast %get3A_603 : vector<1x16xbf16> to vector<16xbf16>
        %mul3A_605 = arith.mulf %convert_element_type3A_169, %get3A_604 : vector<16xbf16>
        %add3A_606 = arith.addf %add3A_600, %mul3A_605 : vector<16xbf16>
        %swap3A_607 = arith.index_cast %mul3A_119 : i32 to index
        %swap3A_608 = arith.constant 112 : index
        %swap3A_609 = tpu.vector_load %arg23[%swap3A_607, %swap3A_608] {strides = array<i32>} : memref<32x256xbf16, #tpu.memory_space<vmem>>, vector<1x16xbf16>,
        %swap3A_610 = vector.shape_cast %swap3A_609 : vector<1x16xbf16> to vector<16xbf16>
        %swap3A_611 = vector.shape_cast %add3A_583 : vector<16xbf16> to vector<1x16xbf16>
        tpu.vector_store %arg23[%swap3A_607, %swap3A_608], %swap3A_611 {strides = array<i32>} : memref<32x256xbf16, #tpu.memory_space<vmem>>, vector<1x16xbf16>,
        %swap3A_612 = arith.index_cast %add3A_123 : i32 to index
        %swap3A_613 = arith.constant 112 : index
        %swap3A_614 = tpu.vector_load %arg23[%swap3A_612, %swap3A_613] {strides = array<i32>} : memref<32x256xbf16, #tpu.memory_space<vmem>>, vector<1x16xbf16>,
        %swap3A_615 = vector.shape_cast %swap3A_614 : vector<1x16xbf16> to vector<16xbf16>
        %swap3A_616 = vector.shape_cast %add3A_606 : vector<16xbf16> to vector<1x16xbf16>
        tpu.vector_store %arg23[%swap3A_612, %swap3A_613], %swap3A_616 {strides = array<i32>} : memref<32x256xbf16, #tpu.memory_space<vmem>>, vector<1x16xbf16>,
        %get3A_617 = arith.index_cast %mul3A_119 : i32 to index
        %get3A_618 = arith.constant 128 : index
        %get3A_619 = tpu.vector_load %arg16[%get3A_617, %get3A_618] {strides = array<i32>} : memref<32x1024xbf16, #tpu.memory_space<vmem>>, vector<1x16xbf16>,
        %get3A_620 = vector.shape_cast %get3A_619 : vector<1x16xbf16> to vector<16xbf16>
        %mul3A_621 = arith.mulf %convert_element_type3A_141, %get3A_620 : vector<16xbf16>
        %get3A_622 = arith.index_cast %mul3A_119 : i32 to index
        %get3A_623 = arith.constant 384 : index
        %get3A_624 = tpu.vector_load %arg16[%get3A_622, %get3A_623] {strides = array<i32>} : memref<32x1024xbf16, #tpu.memory_space<vmem>>, vector<1x16xbf16>,
        %get3A_625 = vector.shape_cast %get3A_624 : vector<1x16xbf16> to vector<16xbf16>
        %mul3A_626 = arith.mulf %convert_element_type3A_145, %get3A_625 : vector<16xbf16>
        %add3A_627 = arith.addf %mul3A_621, %mul3A_626 : vector<16xbf16>
        %get3A_628 = arith.index_cast %mul3A_119 : i32 to index
        %get3A_629 = arith.constant 640 : index
        %get3A_630 = tpu.vector_load %arg16[%get3A_628, %get3A_629] {strides = array<i32>} : memref<32x1024xbf16, #tpu.memory_space<vmem>>, vector<1x16xbf16>,
        %get3A_631 = vector.shape_cast %get3A_630 : vector<1x16xbf16> to vector<16xbf16>
        %mul3A_632 = arith.mulf %convert_element_type3A_149, %get3A_631 : vector<16xbf16>
        %add3A_633 = arith.addf %add3A_627, %mul3A_632 : vector<16xbf16>
        %get3A_634 = arith.index_cast %mul3A_119 : i32 to index
        %get3A_635 = arith.constant 896 : index
        %get3A_636 = tpu.vector_load %arg16[%get3A_634, %get3A_635] {strides = array<i32>} : memref<32x1024xbf16, #tpu.memory_space<vmem>>, vector<1x16xbf16>,
        %get3A_637 = vector.shape_cast %get3A_636 : vector<1x16xbf16> to vector<16xbf16>
        %mul3A_638 = arith.mulf %convert_element_type3A_153, %get3A_637 : vector<16xbf16>
        %add3A_639 = arith.addf %add3A_633, %mul3A_638 : vector<16xbf16>
        %get3A_640 = arith.index_cast %add3A_123 : i32 to index
        %get3A_641 = arith.constant 128 : index
        %get3A_642 = tpu.vector_load %arg16[%get3A_640, %get3A_641] {strides = array<i32>} : memref<32x1024xbf16, #tpu.memory_space<vmem>>, vector<1x16xbf16>,
        %get3A_643 = vector.shape_cast %get3A_642 : vector<1x16xbf16> to vector<16xbf16>
        %mul3A_644 = arith.mulf %convert_element_type3A_157, %get3A_643 : vector<16xbf16>
        %get3A_645 = arith.index_cast %add3A_123 : i32 to index
        %get3A_646 = arith.constant 384 : index
        %get3A_647 = tpu.vector_load %arg16[%get3A_645, %get3A_646] {strides = array<i32>} : memref<32x1024xbf16, #tpu.memory_space<vmem>>, vector<1x16xbf16>,
        %get3A_648 = vector.shape_cast %get3A_647 : vector<1x16xbf16> to vector<16xbf16>
        %mul3A_649 = arith.mulf %convert_element_type3A_161, %get3A_648 : vector<16xbf16>
        %add3A_650 = arith.addf %mul3A_644, %mul3A_649 : vector<16xbf16>
        %get3A_651 = arith.index_cast %add3A_123 : i32 to index
        %get3A_652 = arith.constant 640 : index
        %get3A_653 = tpu.vector_load %arg16[%get3A_651, %get3A_652] {strides = array<i32>} : memref<32x1024xbf16, #tpu.memory_space<vmem>>, vector<1x16xbf16>,
        %get3A_654 = vector.shape_cast %get3A_653 : vector<1x16xbf16> to vector<16xbf16>
        %mul3A_655 = arith.mulf %convert_element_type3A_165, %get3A_654 : vector<16xbf16>
        %add3A_656 = arith.addf %add3A_650, %mul3A_655 : vector<16xbf16>
        %get3A_657 = arith.index_cast %add3A_123 : i32 to index
        %get3A_658 = arith.constant 896 : index
        %get3A_659 = tpu.vector_load %arg16[%get3A_657, %get3A_658] {strides = array<i32>} : memref<32x1024xbf16, #tpu.memory_space<vmem>>, vector<1x16xbf16>,
        %get3A_660 = vector.shape_cast %get3A_659 : vector<1x16xbf16> to vector<16xbf16>
        %mul3A_661 = arith.mulf %convert_element_type3A_169, %get3A_660 : vector<16xbf16>
        %add3A_662 = arith.addf %add3A_656, %mul3A_661 : vector<16xbf16>
        %swap3A_663 = arith.index_cast %mul3A_119 : i32 to index
        %swap3A_664 = arith.constant 128 : index
        %swap3A_665 = tpu.vector_load %arg23[%swap3A_663, %swap3A_664] {strides = array<i32>} : memref<32x256xbf16, #tpu.memory_space<vmem>>, vector<1x16xbf16>,
        %swap3A_666 = vector.shape_cast %swap3A_665 : vector<1x16xbf16> to vector<16xbf16>
        %swap3A_667 = vector.shape_cast %add3A_639 : vector<16xbf16> to vector<1x16xbf16>
        tpu.vector_store %arg23[%swap3A_663, %swap3A_664], %swap3A_667 {strides = array<i32>} : memref<32x256xbf16, #tpu.memory_space<vmem>>, vector<1x16xbf16>,
        %swap3A_668 = arith.index_cast %add3A_123 : i32 to index
        %swap3A_669 = arith.constant 128 : index
        %swap3A_670 = tpu.vector_load %arg23[%swap3A_668, %swap3A_669] {strides = array<i32>} : memref<32x256xbf16, #tpu.memory_space<vmem>>, vector<1x16xbf16>,
        %swap3A_671 = vector.shape_cast %swap3A_670 : vector<1x16xbf16> to vector<16xbf16>
        %swap3A_672 = vector.shape_cast %add3A_662 : vector<16xbf16> to vector<1x16xbf16>
        tpu.vector_store %arg23[%swap3A_668, %swap3A_669], %swap3A_672 {strides = array<i32>} : memref<32x256xbf16, #tpu.memory_space<vmem>>, vector<1x16xbf16>,
        %get3A_673 = arith.index_cast %mul3A_119 : i32 to index
        %get3A_674 = arith.constant 144 : index
        %get3A_675 = tpu.vector_load %arg16[%get3A_673, %get3A_674] {strides = array<i32>} : memref<32x1024xbf16, #tpu.memory_space<vmem>>, vector<1x16xbf16>,
        %get3A_676 = vector.shape_cast %get3A_675 : vector<1x16xbf16> to vector<16xbf16>
        %mul3A_677 = arith.mulf %convert_element_type3A_141, %get3A_676 : vector<16xbf16>
        %get3A_678 = arith.index_cast %mul3A_119 : i32 to index
        %get3A_679 = arith.constant 400 : index
        %get3A_680 = tpu.vector_load %arg16[%get3A_678, %get3A_679] {strides = array<i32>} : memref<32x1024xbf16, #tpu.memory_space<vmem>>, vector<1x16xbf16>,
        %get3A_681 = vector.shape_cast %get3A_680 : vector<1x16xbf16> to vector<16xbf16>
        %mul3A_682 = arith.mulf %convert_element_type3A_145, %get3A_681 : vector<16xbf16>
        %add3A_683 = arith.addf %mul3A_677, %mul3A_682 : vector<16xbf16>
        %get3A_684 = arith.index_cast %mul3A_119 : i32 to index
        %get3A_685 = arith.constant 656 : index
        %get3A_686 = tpu.vector_load %arg16[%get3A_684, %get3A_685] {strides = array<i32>} : memref<32x1024xbf16, #tpu.memory_space<vmem>>, vector<1x16xbf16>,
        %get3A_687 = vector.shape_cast %get3A_686 : vector<1x16xbf16> to vector<16xbf16>
        %mul3A_688 = arith.mulf %convert_element_type3A_149, %get3A_687 : vector<16xbf16>
        %add3A_689 = arith.addf %add3A_683, %mul3A_688 : vector<16xbf16>
        %get3A_690 = arith.index_cast %mul3A_119 : i32 to index
        %get3A_691 = arith.constant 912 : index
        %get3A_692 = tpu.vector_load %arg16[%get3A_690, %get3A_691] {strides = array<i32>} : memref<32x1024xbf16, #tpu.memory_space<vmem>>, vector<1x16xbf16>,
        %get3A_693 = vector.shape_cast %get3A_692 : vector<1x16xbf16> to vector<16xbf16>
        %mul3A_694 = arith.mulf %convert_element_type3A_153, %get3A_693 : vector<16xbf16>
        %add3A_695 = arith.addf %add3A_689, %mul3A_694 : vector<16xbf16>
        %get3A_696 = arith.index_cast %add3A_123 : i32 to index
        %get3A_697 = arith.constant 144 : index
        %get3A_698 = tpu.vector_load %arg16[%get3A_696, %get3A_697] {strides = array<i32>} : memref<32x1024xbf16, #tpu.memory_space<vmem>>, vector<1x16xbf16>,
        %get3A_699 = vector.shape_cast %get3A_698 : vector<1x16xbf16> to vector<16xbf16>
        %mul3A_700 = arith.mulf %convert_element_type3A_157, %get3A_699 : vector<16xbf16>
        %get3A_701 = arith.index_cast %add3A_123 : i32 to index
        %get3A_702 = arith.constant 400 : index
        %get3A_703 = tpu.vector_load %arg16[%get3A_701, %get3A_702] {strides = array<i32>} : memref<32x1024xbf16, #tpu.memory_space<vmem>>, vector<1x16xbf16>,
        %get3A_704 = vector.shape_cast %get3A_703 : vector<1x16xbf16> to vector<16xbf16>
        %mul3A_705 = arith.mulf %convert_element_type3A_161, %get3A_704 : vector<16xbf16>
        %add3A_706 = arith.addf %mul3A_700, %mul3A_705 : vector<16xbf16>
        %get3A_707 = arith.index_cast %add3A_123 : i32 to index
        %get3A_708 = arith.constant 656 : index
        %get3A_709 = tpu.vector_load %arg16[%get3A_707, %get3A_708] {strides = array<i32>} : memref<32x1024xbf16, #tpu.memory_space<vmem>>, vector<1x16xbf16>,
        %get3A_710 = vector.shape_cast %get3A_709 : vector<1x16xbf16> to vector<16xbf16>
        %mul3A_711 = arith.mulf %convert_element_type3A_165, %get3A_710 : vector<16xbf16>
        %add3A_712 = arith.addf %add3A_706, %mul3A_711 : vector<16xbf16>
        %get3A_713 = arith.index_cast %add3A_123 : i32 to index
        %get3A_714 = arith.constant 912 : index
        %get3A_715 = tpu.vector_load %arg16[%get3A_713, %get3A_714] {strides = array<i32>} : memref<32x1024xbf16, #tpu.memory_space<vmem>>, vector<1x16xbf16>,
        %get3A_716 = vector.shape_cast %get3A_715 : vector<1x16xbf16> to vector<16xbf16>
        %mul3A_717 = arith.mulf %convert_element_type3A_169, %get3A_716 : vector<16xbf16>
        %add3A_718 = arith.addf %add3A_712, %mul3A_717 : vector<16xbf16>
        %swap3A_719 = arith.index_cast %mul3A_119 : i32 to index
        %swap3A_720 = arith.constant 144 : index
        %swap3A_721 = tpu.vector_load %arg23[%swap3A_719, %swap3A_720] {strides = array<i32>} : memref<32x256xbf16, #tpu.memory_space<vmem>>, vector<1x16xbf16>,
        %swap3A_722 = vector.shape_cast %swap3A_721 : vector<1x16xbf16> to vector<16xbf16>
        %swap3A_723 = vector.shape_cast %add3A_695 : vector<16xbf16> to vector<1x16xbf16>
        tpu.vector_store %arg23[%swap3A_719, %swap3A_720], %swap3A_723 {strides = array<i32>} : memref<32x256xbf16, #tpu.memory_space<vmem>>, vector<1x16xbf16>,
        %swap3A_724 = arith.index_cast %add3A_123 : i32 to index
        %swap3A_725 = arith.constant 144 : index
        %swap3A_726 = tpu.vector_load %arg23[%swap3A_724, %swap3A_725] {strides = array<i32>} : memref<32x256xbf16, #tpu.memory_space<vmem>>, vector<1x16xbf16>,
        %swap3A_727 = vector.shape_cast %swap3A_726 : vector<1x16xbf16> to vector<16xbf16>
        %swap3A_728 = vector.shape_cast %add3A_718 : vector<16xbf16> to vector<1x16xbf16>
        tpu.vector_store %arg23[%swap3A_724, %swap3A_725], %swap3A_728 {strides = array<i32>} : memref<32x256xbf16, #tpu.memory_space<vmem>>, vector<1x16xbf16>,
        %get3A_729 = arith.index_cast %mul3A_119 : i32 to index
        %get3A_730 = arith.constant 160 : index
        %get3A_731 = tpu.vector_load %arg16[%get3A_729, %get3A_730] {strides = array<i32>} : memref<32x1024xbf16, #tpu.memory_space<vmem>>, vector<1x16xbf16>,
        %get3A_732 = vector.shape_cast %get3A_731 : vector<1x16xbf16> to vector<16xbf16>
        %mul3A_733 = arith.mulf %convert_element_type3A_141, %get3A_732 : vector<16xbf16>
        %get3A_734 = arith.index_cast %mul3A_119 : i32 to index
        %get3A_735 = arith.constant 416 : index
        %get3A_736 = tpu.vector_load %arg16[%get3A_734, %get3A_735] {strides = array<i32>} : memref<32x1024xbf16, #tpu.memory_space<vmem>>, vector<1x16xbf16>,
        %get3A_737 = vector.shape_cast %get3A_736 : vector<1x16xbf16> to vector<16xbf16>
        %mul3A_738 = arith.mulf %convert_element_type3A_145, %get3A_737 : vector<16xbf16>
        %add3A_739 = arith.addf %mul3A_733, %mul3A_738 : vector<16xbf16>
        %get3A_740 = arith.index_cast %mul3A_119 : i32 to index
        %get3A_741 = arith.constant 672 : index
        %get3A_742 = tpu.vector_load %arg16[%get3A_740, %get3A_741] {strides = array<i32>} : memref<32x1024xbf16, #tpu.memory_space<vmem>>, vector<1x16xbf16>,
        %get3A_743 = vector.shape_cast %get3A_742 : vector<1x16xbf16> to vector<16xbf16>
        %mul3A_744 = arith.mulf %convert_element_type3A_149, %get3A_743 : vector<16xbf16>
        %add3A_745 = arith.addf %add3A_739, %mul3A_744 : vector<16xbf16>
        %get3A_746 = arith.index_cast %mul3A_119 : i32 to index
        %get3A_747 = arith.constant 928 : index
        %get3A_748 = tpu.vector_load %arg16[%get3A_746, %get3A_747] {strides = array<i32>} : memref<32x1024xbf16, #tpu.memory_space<vmem>>, vector<1x16xbf16>,
        %get3A_749 = vector.shape_cast %get3A_748 : vector<1x16xbf16> to vector<16xbf16>
        %mul3A_750 = arith.mulf %convert_element_type3A_153, %get3A_749 : vector<16xbf16>
        %add3A_751 = arith.addf %add3A_745, %mul3A_750 : vector<16xbf16>
        %get3A_752 = arith.index_cast %add3A_123 : i32 to index
        %get3A_753 = arith.constant 160 : index
        %get3A_754 = tpu.vector_load %arg16[%get3A_752, %get3A_753] {strides = array<i32>} : memref<32x1024xbf16, #tpu.memory_space<vmem>>, vector<1x16xbf16>,
        %get3A_755 = vector.shape_cast %get3A_754 : vector<1x16xbf16> to vector<16xbf16>
        %mul3A_756 = arith.mulf %convert_element_type3A_157, %get3A_755 : vector<16xbf16>
        %get3A_757 = arith.index_cast %add3A_123 : i32 to index
        %get3A_758 = arith.constant 416 : index
        %get3A_759 = tpu.vector_load %arg16[%get3A_757, %get3A_758] {strides = array<i32>} : memref<32x1024xbf16, #tpu.memory_space<vmem>>, vector<1x16xbf16>,
        %get3A_760 = vector.shape_cast %get3A_759 : vector<1x16xbf16> to vector<16xbf16>
        %mul3A_761 = arith.mulf %convert_element_type3A_161, %get3A_760 : vector<16xbf16>
        %add3A_762 = arith.addf %mul3A_756, %mul3A_761 : vector<16xbf16>
        %get3A_763 = arith.index_cast %add3A_123 : i32 to index
        %get3A_764 = arith.constant 672 : index
        %get3A_765 = tpu.vector_load %arg16[%get3A_763, %get3A_764] {strides = array<i32>} : memref<32x1024xbf16, #tpu.memory_space<vmem>>, vector<1x16xbf16>,
        %get3A_766 = vector.shape_cast %get3A_765 : vector<1x16xbf16> to vector<16xbf16>
        %mul3A_767 = arith.mulf %convert_element_type3A_165, %get3A_766 : vector<16xbf16>
        %add3A_768 = arith.addf %add3A_762, %mul3A_767 : vector<16xbf16>
        %get3A_769 = arith.index_cast %add3A_123 : i32 to index
        %get3A_770 = arith.constant 928 : index
        %get3A_771 = tpu.vector_load %arg16[%get3A_769, %get3A_770] {strides = array<i32>} : memref<32x1024xbf16, #tpu.memory_space<vmem>>, vector<1x16xbf16>,
        %get3A_772 = vector.shape_cast %get3A_771 : vector<1x16xbf16> to vector<16xbf16>
        %mul3A_773 = arith.mulf %convert_element_type3A_169, %get3A_772 : vector<16xbf16>
        %add3A_774 = arith.addf %add3A_768, %mul3A_773 : vector<16xbf16>
        %swap3A_775 = arith.index_cast %mul3A_119 : i32 to index
        %swap3A_776 = arith.constant 160 : index
        %swap3A_777 = tpu.vector_load %arg23[%swap3A_775, %swap3A_776] {strides = array<i32>} : memref<32x256xbf16, #tpu.memory_space<vmem>>, vector<1x16xbf16>,
        %swap3A_778 = vector.shape_cast %swap3A_777 : vector<1x16xbf16> to vector<16xbf16>
        %swap3A_779 = vector.shape_cast %add3A_751 : vector<16xbf16> to vector<1x16xbf16>
        tpu.vector_store %arg23[%swap3A_775, %swap3A_776], %swap3A_779 {strides = array<i32>} : memref<32x256xbf16, #tpu.memory_space<vmem>>, vector<1x16xbf16>,
        %swap3A_780 = arith.index_cast %add3A_123 : i32 to index
        %swap3A_781 = arith.constant 160 : index
        %swap3A_782 = tpu.vector_load %arg23[%swap3A_780, %swap3A_781] {strides = array<i32>} : memref<32x256xbf16, #tpu.memory_space<vmem>>, vector<1x16xbf16>,
        %swap3A_783 = vector.shape_cast %swap3A_782 : vector<1x16xbf16> to vector<16xbf16>
        %swap3A_784 = vector.shape_cast %add3A_774 : vector<16xbf16> to vector<1x16xbf16>
        tpu.vector_store %arg23[%swap3A_780, %swap3A_781], %swap3A_784 {strides = array<i32>} : memref<32x256xbf16, #tpu.memory_space<vmem>>, vector<1x16xbf16>,
        %get3A_785 = arith.index_cast %mul3A_119 : i32 to index
        %get3A_786 = arith.constant 176 : index
        %get3A_787 = tpu.vector_load %arg16[%get3A_785, %get3A_786] {strides = array<i32>} : memref<32x1024xbf16, #tpu.memory_space<vmem>>, vector<1x16xbf16>,
        %get3A_788 = vector.shape_cast %get3A_787 : vector<1x16xbf16> to vector<16xbf16>
        %mul3A_789 = arith.mulf %convert_element_type3A_141, %get3A_788 : vector<16xbf16>
        %get3A_790 = arith.index_cast %mul3A_119 : i32 to index
        %get3A_791 = arith.constant 432 : index
        %get3A_792 = tpu.vector_load %arg16[%get3A_790, %get3A_791] {strides = array<i32>} : memref<32x1024xbf16, #tpu.memory_space<vmem>>, vector<1x16xbf16>,
        %get3A_793 = vector.shape_cast %get3A_792 : vector<1x16xbf16> to vector<16xbf16>
        %mul3A_794 = arith.mulf %convert_element_type3A_145, %get3A_793 : vector<16xbf16>
        %add3A_795 = arith.addf %mul3A_789, %mul3A_794 : vector<16xbf16>
        %get3A_796 = arith.index_cast %mul3A_119 : i32 to index
        %get3A_797 = arith.constant 688 : index
        %get3A_798 = tpu.vector_load %arg16[%get3A_796, %get3A_797] {strides = array<i32>} : memref<32x1024xbf16, #tpu.memory_space<vmem>>, vector<1x16xbf16>,
        %get3A_799 = vector.shape_cast %get3A_798 : vector<1x16xbf16> to vector<16xbf16>
        %mul3A_800 = arith.mulf %convert_element_type3A_149, %get3A_799 : vector<16xbf16>
        %add3A_801 = arith.addf %add3A_795, %mul3A_800 : vector<16xbf16>
        %get3A_802 = arith.index_cast %mul3A_119 : i32 to index
        %get3A_803 = arith.constant 944 : index
        %get3A_804 = tpu.vector_load %arg16[%get3A_802, %get3A_803] {strides = array<i32>} : memref<32x1024xbf16, #tpu.memory_space<vmem>>, vector<1x16xbf16>,
        %get3A_805 = vector.shape_cast %get3A_804 : vector<1x16xbf16> to vector<16xbf16>
        %mul3A_806 = arith.mulf %convert_element_type3A_153, %get3A_805 : vector<16xbf16>
        %add3A_807 = arith.addf %add3A_801, %mul3A_806 : vector<16xbf16>
        %get3A_808 = arith.index_cast %add3A_123 : i32 to index
        %get3A_809 = arith.constant 176 : index
        %get3A_810 = tpu.vector_load %arg16[%get3A_808, %get3A_809] {strides = array<i32>} : memref<32x1024xbf16, #tpu.memory_space<vmem>>, vector<1x16xbf16>,
        %get3A_811 = vector.shape_cast %get3A_810 : vector<1x16xbf16> to vector<16xbf16>
        %mul3A_812 = arith.mulf %convert_element_type3A_157, %get3A_811 : vector<16xbf16>
        %get3A_813 = arith.index_cast %add3A_123 : i32 to index
        %get3A_814 = arith.constant 432 : index
        %get3A_815 = tpu.vector_load %arg16[%get3A_813, %get3A_814] {strides = array<i32>} : memref<32x1024xbf16, #tpu.memory_space<vmem>>, vector<1x16xbf16>,
        %get3A_816 = vector.shape_cast %get3A_815 : vector<1x16xbf16> to vector<16xbf16>
        %mul3A_817 = arith.mulf %convert_element_type3A_161, %get3A_816 : vector<16xbf16>
        %add3A_818 = arith.addf %mul3A_812, %mul3A_817 : vector<16xbf16>
        %get3A_819 = arith.index_cast %add3A_123 : i32 to index
        %get3A_820 = arith.constant 688 : index
        %get3A_821 = tpu.vector_load %arg16[%get3A_819, %get3A_820] {strides = array<i32>} : memref<32x1024xbf16, #tpu.memory_space<vmem>>, vector<1x16xbf16>,
        %get3A_822 = vector.shape_cast %get3A_821 : vector<1x16xbf16> to vector<16xbf16>
        %mul3A_823 = arith.mulf %convert_element_type3A_165, %get3A_822 : vector<16xbf16>
        %add3A_824 = arith.addf %add3A_818, %mul3A_823 : vector<16xbf16>
        %get3A_825 = arith.index_cast %add3A_123 : i32 to index
        %get3A_826 = arith.constant 944 : index
        %get3A_827 = tpu.vector_load %arg16[%get3A_825, %get3A_826] {strides = array<i32>} : memref<32x1024xbf16, #tpu.memory_space<vmem>>, vector<1x16xbf16>,
        %get3A_828 = vector.shape_cast %get3A_827 : vector<1x16xbf16> to vector<16xbf16>
        %mul3A_829 = arith.mulf %convert_element_type3A_169, %get3A_828 : vector<16xbf16>
        %add3A_830 = arith.addf %add3A_824, %mul3A_829 : vector<16xbf16>
        %swap3A_831 = arith.index_cast %mul3A_119 : i32 to index
        %swap3A_832 = arith.constant 176 : index
        %swap3A_833 = tpu.vector_load %arg23[%swap3A_831, %swap3A_832] {strides = array<i32>} : memref<32x256xbf16, #tpu.memory_space<vmem>>, vector<1x16xbf16>,
        %swap3A_834 = vector.shape_cast %swap3A_833 : vector<1x16xbf16> to vector<16xbf16>
        %swap3A_835 = vector.shape_cast %add3A_807 : vector<16xbf16> to vector<1x16xbf16>
        tpu.vector_store %arg23[%swap3A_831, %swap3A_832], %swap3A_835 {strides = array<i32>} : memref<32x256xbf16, #tpu.memory_space<vmem>>, vector<1x16xbf16>,
        %swap3A_836 = arith.index_cast %add3A_123 : i32 to index
        %swap3A_837 = arith.constant 176 : index
        %swap3A_838 = tpu.vector_load %arg23[%swap3A_836, %swap3A_837] {strides = array<i32>} : memref<32x256xbf16, #tpu.memory_space<vmem>>, vector<1x16xbf16>,
        %swap3A_839 = vector.shape_cast %swap3A_838 : vector<1x16xbf16> to vector<16xbf16>
        %swap3A_840 = vector.shape_cast %add3A_830 : vector<16xbf16> to vector<1x16xbf16>
        tpu.vector_store %arg23[%swap3A_836, %swap3A_837], %swap3A_840 {strides = array<i32>} : memref<32x256xbf16, #tpu.memory_space<vmem>>, vector<1x16xbf16>,
        %get3A_841 = arith.index_cast %mul3A_119 : i32 to index
        %get3A_842 = arith.constant 192 : index
        %get3A_843 = tpu.vector_load %arg16[%get3A_841, %get3A_842] {strides = array<i32>} : memref<32x1024xbf16, #tpu.memory_space<vmem>>, vector<1x16xbf16>,
        %get3A_844 = vector.shape_cast %get3A_843 : vector<1x16xbf16> to vector<16xbf16>
        %mul3A_845 = arith.mulf %convert_element_type3A_141, %get3A_844 : vector<16xbf16>
        %get3A_846 = arith.index_cast %mul3A_119 : i32 to index
        %get3A_847 = arith.constant 448 : index
        %get3A_848 = tpu.vector_load %arg16[%get3A_846, %get3A_847] {strides = array<i32>} : memref<32x1024xbf16, #tpu.memory_space<vmem>>, vector<1x16xbf16>,
        %get3A_849 = vector.shape_cast %get3A_848 : vector<1x16xbf16> to vector<16xbf16>
        %mul3A_850 = arith.mulf %convert_element_type3A_145, %get3A_849 : vector<16xbf16>
        %add3A_851 = arith.addf %mul3A_845, %mul3A_850 : vector<16xbf16>
        %get3A_852 = arith.index_cast %mul3A_119 : i32 to index
        %get3A_853 = arith.constant 704 : index
        %get3A_854 = tpu.vector_load %arg16[%get3A_852, %get3A_853] {strides = array<i32>} : memref<32x1024xbf16, #tpu.memory_space<vmem>>, vector<1x16xbf16>,
        %get3A_855 = vector.shape_cast %get3A_854 : vector<1x16xbf16> to vector<16xbf16>
        %mul3A_856 = arith.mulf %convert_element_type3A_149, %get3A_855 : vector<16xbf16>
        %add3A_857 = arith.addf %add3A_851, %mul3A_856 : vector<16xbf16>
        %get3A_858 = arith.index_cast %mul3A_119 : i32 to index
        %get3A_859 = arith.constant 960 : index
        %get3A_860 = tpu.vector_load %arg16[%get3A_858, %get3A_859] {strides = array<i32>} : memref<32x1024xbf16, #tpu.memory_space<vmem>>, vector<1x16xbf16>,
        %get3A_861 = vector.shape_cast %get3A_860 : vector<1x16xbf16> to vector<16xbf16>
        %mul3A_862 = arith.mulf %convert_element_type3A_153, %get3A_861 : vector<16xbf16>
        %add3A_863 = arith.addf %add3A_857, %mul3A_862 : vector<16xbf16>
        %get3A_864 = arith.index_cast %add3A_123 : i32 to index
        %get3A_865 = arith.constant 192 : index
        %get3A_866 = tpu.vector_load %arg16[%get3A_864, %get3A_865] {strides = array<i32>} : memref<32x1024xbf16, #tpu.memory_space<vmem>>, vector<1x16xbf16>,
        %get3A_867 = vector.shape_cast %get3A_866 : vector<1x16xbf16> to vector<16xbf16>
        %mul3A_868 = arith.mulf %convert_element_type3A_157, %get3A_867 : vector<16xbf16>
        %get3A_869 = arith.index_cast %add3A_123 : i32 to index
        %get3A_870 = arith.constant 448 : index
        %get3A_871 = tpu.vector_load %arg16[%get3A_869, %get3A_870] {strides = array<i32>} : memref<32x1024xbf16, #tpu.memory_space<vmem>>, vector<1x16xbf16>,
        %get3A_872 = vector.shape_cast %get3A_871 : vector<1x16xbf16> to vector<16xbf16>
        %mul3A_873 = arith.mulf %convert_element_type3A_161, %get3A_872 : vector<16xbf16>
        %add3A_874 = arith.addf %mul3A_868, %mul3A_873 : vector<16xbf16>
        %get3A_875 = arith.index_cast %add3A_123 : i32 to index
        %get3A_876 = arith.constant 704 : index
        %get3A_877 = tpu.vector_load %arg16[%get3A_875, %get3A_876] {strides = array<i32>} : memref<32x1024xbf16, #tpu.memory_space<vmem>>, vector<1x16xbf16>,
        %get3A_878 = vector.shape_cast %get3A_877 : vector<1x16xbf16> to vector<16xbf16>
        %mul3A_879 = arith.mulf %convert_element_type3A_165, %get3A_878 : vector<16xbf16>
        %add3A_880 = arith.addf %add3A_874, %mul3A_879 : vector<16xbf16>
        %get3A_881 = arith.index_cast %add3A_123 : i32 to index
        %get3A_882 = arith.constant 960 : index
        %get3A_883 = tpu.vector_load %arg16[%get3A_881, %get3A_882] {strides = array<i32>} : memref<32x1024xbf16, #tpu.memory_space<vmem>>, vector<1x16xbf16>,
        %get3A_884 = vector.shape_cast %get3A_883 : vector<1x16xbf16> to vector<16xbf16>
        %mul3A_885 = arith.mulf %convert_element_type3A_169, %get3A_884 : vector<16xbf16>
        %add3A_886 = arith.addf %add3A_880, %mul3A_885 : vector<16xbf16>
        %swap3A_887 = arith.index_cast %mul3A_119 : i32 to index
        %swap3A_888 = arith.constant 192 : index
        %swap3A_889 = tpu.vector_load %arg23[%swap3A_887, %swap3A_888] {strides = array<i32>} : memref<32x256xbf16, #tpu.memory_space<vmem>>, vector<1x16xbf16>,
        %swap3A_890 = vector.shape_cast %swap3A_889 : vector<1x16xbf16> to vector<16xbf16>
        %swap3A_891 = vector.shape_cast %add3A_863 : vector<16xbf16> to vector<1x16xbf16>
        tpu.vector_store %arg23[%swap3A_887, %swap3A_888], %swap3A_891 {strides = array<i32>} : memref<32x256xbf16, #tpu.memory_space<vmem>>, vector<1x16xbf16>,
        %swap3A_892 = arith.index_cast %add3A_123 : i32 to index
        %swap3A_893 = arith.constant 192 : index
        %swap3A_894 = tpu.vector_load %arg23[%swap3A_892, %swap3A_893] {strides = array<i32>} : memref<32x256xbf16, #tpu.memory_space<vmem>>, vector<1x16xbf16>,
        %swap3A_895 = vector.shape_cast %swap3A_894 : vector<1x16xbf16> to vector<16xbf16>
        %swap3A_896 = vector.shape_cast %add3A_886 : vector<16xbf16> to vector<1x16xbf16>
        tpu.vector_store %arg23[%swap3A_892, %swap3A_893], %swap3A_896 {strides = array<i32>} : memref<32x256xbf16, #tpu.memory_space<vmem>>, vector<1x16xbf16>,
        %get3A_897 = arith.index_cast %mul3A_119 : i32 to index
        %get3A_898 = arith.constant 208 : index
        %get3A_899 = tpu.vector_load %arg16[%get3A_897, %get3A_898] {strides = array<i32>} : memref<32x1024xbf16, #tpu.memory_space<vmem>>, vector<1x16xbf16>,
        %get3A_900 = vector.shape_cast %get3A_899 : vector<1x16xbf16> to vector<16xbf16>
        %mul3A_901 = arith.mulf %convert_element_type3A_141, %get3A_900 : vector<16xbf16>
        %get3A_902 = arith.index_cast %mul3A_119 : i32 to index
        %get3A_903 = arith.constant 464 : index
        %get3A_904 = tpu.vector_load %arg16[%get3A_902, %get3A_903] {strides = array<i32>} : memref<32x1024xbf16, #tpu.memory_space<vmem>>, vector<1x16xbf16>,
        %get3A_905 = vector.shape_cast %get3A_904 : vector<1x16xbf16> to vector<16xbf16>
        %mul3A_906 = arith.mulf %convert_element_type3A_145, %get3A_905 : vector<16xbf16>
        %add3A_907 = arith.addf %mul3A_901, %mul3A_906 : vector<16xbf16>
        %get3A_908 = arith.index_cast %mul3A_119 : i32 to index
        %get3A_909 = arith.constant 720 : index
        %get3A_910 = tpu.vector_load %arg16[%get3A_908, %get3A_909] {strides = array<i32>} : memref<32x1024xbf16, #tpu.memory_space<vmem>>, vector<1x16xbf16>,
        %get3A_911 = vector.shape_cast %get3A_910 : vector<1x16xbf16> to vector<16xbf16>
        %mul3A_912 = arith.mulf %convert_element_type3A_149, %get3A_911 : vector<16xbf16>
        %add3A_913 = arith.addf %add3A_907, %mul3A_912 : vector<16xbf16>
        %get3A_914 = arith.index_cast %mul3A_119 : i32 to index
        %get3A_915 = arith.constant 976 : index
        %get3A_916 = tpu.vector_load %arg16[%get3A_914, %get3A_915] {strides = array<i32>} : memref<32x1024xbf16, #tpu.memory_space<vmem>>, vector<1x16xbf16>,
        %get3A_917 = vector.shape_cast %get3A_916 : vector<1x16xbf16> to vector<16xbf16>
        %mul3A_918 = arith.mulf %convert_element_type3A_153, %get3A_917 : vector<16xbf16>
        %add3A_919 = arith.addf %add3A_913, %mul3A_918 : vector<16xbf16>
        %get3A_920 = arith.index_cast %add3A_123 : i32 to index
        %get3A_921 = arith.constant 208 : index
        %get3A_922 = tpu.vector_load %arg16[%get3A_920, %get3A_921] {strides = array<i32>} : memref<32x1024xbf16, #tpu.memory_space<vmem>>, vector<1x16xbf16>,
        %get3A_923 = vector.shape_cast %get3A_922 : vector<1x16xbf16> to vector<16xbf16>
        %mul3A_924 = arith.mulf %convert_element_type3A_157, %get3A_923 : vector<16xbf16>
        %get3A_925 = arith.index_cast %add3A_123 : i32 to index
        %get3A_926 = arith.constant 464 : index
        %get3A_927 = tpu.vector_load %arg16[%get3A_925, %get3A_926] {strides = array<i32>} : memref<32x1024xbf16, #tpu.memory_space<vmem>>, vector<1x16xbf16>,
        %get3A_928 = vector.shape_cast %get3A_927 : vector<1x16xbf16> to vector<16xbf16>
        %mul3A_929 = arith.mulf %convert_element_type3A_161, %get3A_928 : vector<16xbf16>
        %add3A_930 = arith.addf %mul3A_924, %mul3A_929 : vector<16xbf16>
        %get3A_931 = arith.index_cast %add3A_123 : i32 to index
        %get3A_932 = arith.constant 720 : index
        %get3A_933 = tpu.vector_load %arg16[%get3A_931, %get3A_932] {strides = array<i32>} : memref<32x1024xbf16, #tpu.memory_space<vmem>>, vector<1x16xbf16>,
        %get3A_934 = vector.shape_cast %get3A_933 : vector<1x16xbf16> to vector<16xbf16>
        %mul3A_935 = arith.mulf %convert_element_type3A_165, %get3A_934 : vector<16xbf16>
        %add3A_936 = arith.addf %add3A_930, %mul3A_935 : vector<16xbf16>
        %get3A_937 = arith.index_cast %add3A_123 : i32 to index
        %get3A_938 = arith.constant 976 : index
        %get3A_939 = tpu.vector_load %arg16[%get3A_937, %get3A_938] {strides = array<i32>} : memref<32x1024xbf16, #tpu.memory_space<vmem>>, vector<1x16xbf16>,
        %get3A_940 = vector.shape_cast %get3A_939 : vector<1x16xbf16> to vector<16xbf16>
        %mul3A_941 = arith.mulf %convert_element_type3A_169, %get3A_940 : vector<16xbf16>
        %add3A_942 = arith.addf %add3A_936, %mul3A_941 : vector<16xbf16>
        %swap3A_943 = arith.index_cast %mul3A_119 : i32 to index
        %swap3A_944 = arith.constant 208 : index
        %swap3A_945 = tpu.vector_load %arg23[%swap3A_943, %swap3A_944] {strides = array<i32>} : memref<32x256xbf16, #tpu.memory_space<vmem>>, vector<1x16xbf16>,
        %swap3A_946 = vector.shape_cast %swap3A_945 : vector<1x16xbf16> to vector<16xbf16>
        %swap3A_947 = vector.shape_cast %add3A_919 : vector<16xbf16> to vector<1x16xbf16>
        tpu.vector_store %arg23[%swap3A_943, %swap3A_944], %swap3A_947 {strides = array<i32>} : memref<32x256xbf16, #tpu.memory_space<vmem>>, vector<1x16xbf16>,
        %swap3A_948 = arith.index_cast %add3A_123 : i32 to index
        %swap3A_949 = arith.constant 208 : index
        %swap3A_950 = tpu.vector_load %arg23[%swap3A_948, %swap3A_949] {strides = array<i32>} : memref<32x256xbf16, #tpu.memory_space<vmem>>, vector<1x16xbf16>,
        %swap3A_951 = vector.shape_cast %swap3A_950 : vector<1x16xbf16> to vector<16xbf16>
        %swap3A_952 = vector.shape_cast %add3A_942 : vector<16xbf16> to vector<1x16xbf16>
        tpu.vector_store %arg23[%swap3A_948, %swap3A_949], %swap3A_952 {strides = array<i32>} : memref<32x256xbf16, #tpu.memory_space<vmem>>, vector<1x16xbf16>,
        %get3A_953 = arith.index_cast %mul3A_119 : i32 to index
        %get3A_954 = arith.constant 224 : index
        %get3A_955 = tpu.vector_load %arg16[%get3A_953, %get3A_954] {strides = array<i32>} : memref<32x1024xbf16, #tpu.memory_space<vmem>>, vector<1x16xbf16>,
        %get3A_956 = vector.shape_cast %get3A_955 : vector<1x16xbf16> to vector<16xbf16>
        %mul3A_957 = arith.mulf %convert_element_type3A_141, %get3A_956 : vector<16xbf16>
        %get3A_958 = arith.index_cast %mul3A_119 : i32 to index
        %get3A_959 = arith.constant 480 : index
        %get3A_960 = tpu.vector_load %arg16[%get3A_958, %get3A_959] {strides = array<i32>} : memref<32x1024xbf16, #tpu.memory_space<vmem>>, vector<1x16xbf16>,
        %get3A_961 = vector.shape_cast %get3A_960 : vector<1x16xbf16> to vector<16xbf16>
        %mul3A_962 = arith.mulf %convert_element_type3A_145, %get3A_961 : vector<16xbf16>
        %add3A_963 = arith.addf %mul3A_957, %mul3A_962 : vector<16xbf16>
        %get3A_964 = arith.index_cast %mul3A_119 : i32 to index
        %get3A_965 = arith.constant 736 : index
        %get3A_966 = tpu.vector_load %arg16[%get3A_964, %get3A_965] {strides = array<i32>} : memref<32x1024xbf16, #tpu.memory_space<vmem>>, vector<1x16xbf16>,
        %get3A_967 = vector.shape_cast %get3A_966 : vector<1x16xbf16> to vector<16xbf16>
        %mul3A_968 = arith.mulf %convert_element_type3A_149, %get3A_967 : vector<16xbf16>
        %add3A_969 = arith.addf %add3A_963, %mul3A_968 : vector<16xbf16>
        %get3A_970 = arith.index_cast %mul3A_119 : i32 to index
        %get3A_971 = arith.constant 992 : index
        %get3A_972 = tpu.vector_load %arg16[%get3A_970, %get3A_971] {strides = array<i32>} : memref<32x1024xbf16, #tpu.memory_space<vmem>>, vector<1x16xbf16>,
        %get3A_973 = vector.shape_cast %get3A_972 : vector<1x16xbf16> to vector<16xbf16>
        %mul3A_974 = arith.mulf %convert_element_type3A_153, %get3A_973 : vector<16xbf16>
        %add3A_975 = arith.addf %add3A_969, %mul3A_974 : vector<16xbf16>
        %get3A_976 = arith.index_cast %add3A_123 : i32 to index
        %get3A_977 = arith.constant 224 : index
        %get3A_978 = tpu.vector_load %arg16[%get3A_976, %get3A_977] {strides = array<i32>} : memref<32x1024xbf16, #tpu.memory_space<vmem>>, vector<1x16xbf16>,
        %get3A_979 = vector.shape_cast %get3A_978 : vector<1x16xbf16> to vector<16xbf16>
        %mul3A_980 = arith.mulf %convert_element_type3A_157, %get3A_979 : vector<16xbf16>
        %get3A_981 = arith.index_cast %add3A_123 : i32 to index
        %get3A_982 = arith.constant 480 : index
        %get3A_983 = tpu.vector_load %arg16[%get3A_981, %get3A_982] {strides = array<i32>} : memref<32x1024xbf16, #tpu.memory_space<vmem>>, vector<1x16xbf16>,
        %get3A_984 = vector.shape_cast %get3A_983 : vector<1x16xbf16> to vector<16xbf16>
        %mul3A_985 = arith.mulf %convert_element_type3A_161, %get3A_984 : vector<16xbf16>
        %add3A_986 = arith.addf %mul3A_980, %mul3A_985 : vector<16xbf16>
        %get3A_987 = arith.index_cast %add3A_123 : i32 to index
        %get3A_988 = arith.constant 736 : index
        %get3A_989 = tpu.vector_load %arg16[%get3A_987, %get3A_988] {strides = array<i32>} : memref<32x1024xbf16, #tpu.memory_space<vmem>>, vector<1x16xbf16>,
        %get3A_990 = vector.shape_cast %get3A_989 : vector<1x16xbf16> to vector<16xbf16>
        %mul3A_991 = arith.mulf %convert_element_type3A_165, %get3A_990 : vector<16xbf16>
        %add3A_992 = arith.addf %add3A_986, %mul3A_991 : vector<16xbf16>
        %get3A_993 = arith.index_cast %add3A_123 : i32 to index
        %get3A_994 = arith.constant 992 : index
        %get3A_995 = tpu.vector_load %arg16[%get3A_993, %get3A_994] {strides = array<i32>} : memref<32x1024xbf16, #tpu.memory_space<vmem>>, vector<1x16xbf16>,
        %get3A_996 = vector.shape_cast %get3A_995 : vector<1x16xbf16> to vector<16xbf16>
        %mul3A_997 = arith.mulf %convert_element_type3A_169, %get3A_996 : vector<16xbf16>
        %add3A_998 = arith.addf %add3A_992, %mul3A_997 : vector<16xbf16>
        %swap3A_999 = arith.index_cast %mul3A_119 : i32 to index
        %swap3A_1000 = arith.constant 224 : index
        %swap3A_1001 = tpu.vector_load %arg23[%swap3A_999, %swap3A_1000] {strides = array<i32>} : memref<32x256xbf16, #tpu.memory_space<vmem>>, vector<1x16xbf16>,
        %swap3A_1002 = vector.shape_cast %swap3A_1001 : vector<1x16xbf16> to vector<16xbf16>
        %swap3A_1003 = vector.shape_cast %add3A_975 : vector<16xbf16> to vector<1x16xbf16>
        tpu.vector_store %arg23[%swap3A_999, %swap3A_1000], %swap3A_1003 {strides = array<i32>} : memref<32x256xbf16, #tpu.memory_space<vmem>>, vector<1x16xbf16>,
        %swap3A_1004 = arith.index_cast %add3A_123 : i32 to index
        %swap3A_1005 = arith.constant 224 : index
        %swap3A_1006 = tpu.vector_load %arg23[%swap3A_1004, %swap3A_1005] {strides = array<i32>} : memref<32x256xbf16, #tpu.memory_space<vmem>>, vector<1x16xbf16>,
        %swap3A_1007 = vector.shape_cast %swap3A_1006 : vector<1x16xbf16> to vector<16xbf16>
        %swap3A_1008 = vector.shape_cast %add3A_998 : vector<16xbf16> to vector<1x16xbf16>
        tpu.vector_store %arg23[%swap3A_1004, %swap3A_1005], %swap3A_1008 {strides = array<i32>} : memref<32x256xbf16, #tpu.memory_space<vmem>>, vector<1x16xbf16>,
        %get3A_1009 = arith.index_cast %mul3A_119 : i32 to index
        %get3A_1010 = arith.constant 240 : index
        %get3A_1011 = tpu.vector_load %arg16[%get3A_1009, %get3A_1010] {strides = array<i32>} : memref<32x1024xbf16, #tpu.memory_space<vmem>>, vector<1x16xbf16>,
        %get3A_1012 = vector.shape_cast %get3A_1011 : vector<1x16xbf16> to vector<16xbf16>
        %mul3A_1013 = arith.mulf %convert_element_type3A_141, %get3A_1012 : vector<16xbf16>
        %get3A_1014 = arith.index_cast %mul3A_119 : i32 to index
        %get3A_1015 = arith.constant 496 : index
        %get3A_1016 = tpu.vector_load %arg16[%get3A_1014, %get3A_1015] {strides = array<i32>} : memref<32x1024xbf16, #tpu.memory_space<vmem>>, vector<1x16xbf16>,
        %get3A_1017 = vector.shape_cast %get3A_1016 : vector<1x16xbf16> to vector<16xbf16>
        %mul3A_1018 = arith.mulf %convert_element_type3A_145, %get3A_1017 : vector<16xbf16>
        %add3A_1019 = arith.addf %mul3A_1013, %mul3A_1018 : vector<16xbf16>
        %get3A_1020 = arith.index_cast %mul3A_119 : i32 to index
        %get3A_1021 = arith.constant 752 : index
        %get3A_1022 = tpu.vector_load %arg16[%get3A_1020, %get3A_1021] {strides = array<i32>} : memref<32x1024xbf16, #tpu.memory_space<vmem>>, vector<1x16xbf16>,
        %get3A_1023 = vector.shape_cast %get3A_1022 : vector<1x16xbf16> to vector<16xbf16>
        %mul3A_1024 = arith.mulf %convert_element_type3A_149, %get3A_1023 : vector<16xbf16>
        %add3A_1025 = arith.addf %add3A_1019, %mul3A_1024 : vector<16xbf16>
        %get3A_1026 = arith.index_cast %mul3A_119 : i32 to index
        %get3A_1027 = arith.constant 1008 : index
        %get3A_1028 = tpu.vector_load %arg16[%get3A_1026, %get3A_1027] {strides = array<i32>} : memref<32x1024xbf16, #tpu.memory_space<vmem>>, vector<1x16xbf16>,
        %get3A_1029 = vector.shape_cast %get3A_1028 : vector<1x16xbf16> to vector<16xbf16>
        %mul3A_1030 = arith.mulf %convert_element_type3A_153, %get3A_1029 : vector<16xbf16>
        %add3A_1031 = arith.addf %add3A_1025, %mul3A_1030 : vector<16xbf16>
        %get3A_1032 = arith.index_cast %add3A_123 : i32 to index
        %get3A_1033 = arith.constant 240 : index
        %get3A_1034 = tpu.vector_load %arg16[%get3A_1032, %get3A_1033] {strides = array<i32>} : memref<32x1024xbf16, #tpu.memory_space<vmem>>, vector<1x16xbf16>,
        %get3A_1035 = vector.shape_cast %get3A_1034 : vector<1x16xbf16> to vector<16xbf16>
        %mul3A_1036 = arith.mulf %convert_element_type3A_157, %get3A_1035 : vector<16xbf16>
        %get3A_1037 = arith.index_cast %add3A_123 : i32 to index
        %get3A_1038 = arith.constant 496 : index
        %get3A_1039 = tpu.vector_load %arg16[%get3A_1037, %get3A_1038] {strides = array<i32>} : memref<32x1024xbf16, #tpu.memory_space<vmem>>, vector<1x16xbf16>,
        %get3A_1040 = vector.shape_cast %get3A_1039 : vector<1x16xbf16> to vector<16xbf16>
        %mul3A_1041 = arith.mulf %convert_element_type3A_161, %get3A_1040 : vector<16xbf16>
        %add3A_1042 = arith.addf %mul3A_1036, %mul3A_1041 : vector<16xbf16>
        %get3A_1043 = arith.index_cast %add3A_123 : i32 to index
        %get3A_1044 = arith.constant 752 : index
        %get3A_1045 = tpu.vector_load %arg16[%get3A_1043, %get3A_1044] {strides = array<i32>} : memref<32x1024xbf16, #tpu.memory_space<vmem>>, vector<1x16xbf16>,
        %get3A_1046 = vector.shape_cast %get3A_1045 : vector<1x16xbf16> to vector<16xbf16>
        %mul3A_1047 = arith.mulf %convert_element_type3A_165, %get3A_1046 : vector<16xbf16>
        %add3A_1048 = arith.addf %add3A_1042, %mul3A_1047 : vector<16xbf16>
        %get3A_1049 = arith.index_cast %add3A_123 : i32 to index
        %get3A_1050 = arith.constant 1008 : index
        %get3A_1051 = tpu.vector_load %arg16[%get3A_1049, %get3A_1050] {strides = array<i32>} : memref<32x1024xbf16, #tpu.memory_space<vmem>>, vector<1x16xbf16>,
        %get3A_1052 = vector.shape_cast %get3A_1051 : vector<1x16xbf16> to vector<16xbf16>
        %mul3A_1053 = arith.mulf %convert_element_type3A_169, %get3A_1052 : vector<16xbf16>
        %add3A_1054 = arith.addf %add3A_1048, %mul3A_1053 : vector<16xbf16>
        %swap3A_1055 = arith.index_cast %mul3A_119 : i32 to index
        %swap3A_1056 = arith.constant 240 : index
        %swap3A_1057 = tpu.vector_load %arg23[%swap3A_1055, %swap3A_1056] {strides = array<i32>} : memref<32x256xbf16, #tpu.memory_space<vmem>>, vector<1x16xbf16>,
        %swap3A_1058 = vector.shape_cast %swap3A_1057 : vector<1x16xbf16> to vector<16xbf16>
        %swap3A_1059 = vector.shape_cast %add3A_1031 : vector<16xbf16> to vector<1x16xbf16>
        tpu.vector_store %arg23[%swap3A_1055, %swap3A_1056], %swap3A_1059 {strides = array<i32>} : memref<32x256xbf16, #tpu.memory_space<vmem>>, vector<1x16xbf16>,
        %swap3A_1060 = arith.index_cast %add3A_123 : i32 to index
        %swap3A_1061 = arith.constant 240 : index
        %swap3A_1062 = tpu.vector_load %arg23[%swap3A_1060, %swap3A_1061] {strides = array<i32>} : memref<32x256xbf16, #tpu.memory_space<vmem>>, vector<1x16xbf16>,
        %swap3A_1063 = vector.shape_cast %swap3A_1062 : vector<1x16xbf16> to vector<16xbf16>
        %swap3A_1064 = vector.shape_cast %add3A_1054 : vector<16xbf16> to vector<1x16xbf16>
        tpu.vector_store %arg23[%swap3A_1060, %swap3A_1061], %swap3A_1064 {strides = array<i32>} : memref<32x256xbf16, #tpu.memory_space<vmem>>, vector<1x16xbf16>,
      }
      %scan3A_111 = arith.constant 16 : i32
      "tpu.region"() ({
        %run_scoped3A = tpu.sem_alloc : memref<!tpu.dma_semaphore, #tpu.memory_space<semaphore_mem>>
        %dma_start3A_117 = arith.constant 0 : i32
        %dma_start3A_118 = arith.constant 0 : i32
        %dma_start3A_119 = tpu.memref_slice %arg24[%dma_start3A_117, %dma_start3A_118] : memref<10008x256xbf16, #tpu.memory_space<vmem_shared>> -> memref<10008x256xbf16, #tpu.memory_space<vmem_shared>>
        tpu.enqueue_indirect_dma source(%arg23 : memref<32x256xbf16, #tpu.memory_space<vmem>>) target(%dma_start3A_119 : memref<10008x256xbf16, #tpu.memory_space<vmem_shared>>) offsets(%arg15 : memref<32xi32, #tpu.memory_space<vmem>>) semaphore(%run_scoped3A : memref<!tpu.dma_semaphore, #tpu.memory_space<semaphore_mem>>) {add = true}
        %dma_wait3A_120 = arith.constant 0 : i32
        %dma_wait3A_121 = arith.constant 0 : i32
        %dma_wait3A_122 = tpu.memref_slice %arg24[%dma_wait3A_120, %dma_wait3A_121] : memref<10008x256xbf16, #tpu.memory_space<vmem_shared>> -> memref<10008x256xbf16, #tpu.memory_space<vmem_shared>>
        tpu.wait_indirect_dma semaphore(%run_scoped3A : memref<!tpu.dma_semaphore, #tpu.memory_space<semaphore_mem>>) src(%arg23 : memref<32x256xbf16, #tpu.memory_space<vmem>>) dst(%dma_wait3A_122 : memref<10008x256xbf16, #tpu.memory_space<vmem_shared>>)
        tpu.yield
      }) : () -> ()
      %lt3A_112 = arith.constant 159 : i32
      %lt3A_113 = arith.cmpi slt, %scan3A_42, %lt3A_112 : i32
      %convert_element_type3A_114 = arith.extui %lt3A_113 : i1 to i32
      %cond3A_115 = arith.constant 0 : i32
      %cond3A_116 = arith.cmpi ne, %convert_element_type3A_114, %cond3A_115 : i32
      scf.if %cond3A_116 {
        %add3A_117 = arith.constant 3 : i32
        %add3A_118 = arith.addi %mul3A_44, %add3A_117 : i32
        %mul3A_119 = arith.constant 32 : i32
        %mul3A_120 = arith.muli %add3A_118, %mul3A_119 : i32
        %add3A_121 = arith.addi %mul3A_2, %mul3A_120 : i32
        %dma_start3A_122 = tpu.memref_slice %arg5[%add3A_121] : memref<327680xi32, #tpu.memory_space<hbm>> -> memref<32xi32, #tpu.memory_space<hbm>>
        %dma_start3A_123 = tpu.memref_slice %arg5[%add3A_121] : memref<327680xi32, #tpu.memory_space<hbm>> -> memref<32xi32, #tpu.memory_space<hbm>>
        tpu.enqueue_dma source(%dma_start3A_123 : memref<32xi32, #tpu.memory_space<hbm>>) target(%arg14 : memref<32xi32, #tpu.memory_space<vmem>>) target_semaphore(%arg20 : memref<!tpu.dma_semaphore, #tpu.memory_space<semaphore_mem>>)
        %dma_start3A_124 = tpu.memref_slice %arg6[%add3A_121] : memref<327680xi32, #tpu.memory_space<hbm>> -> memref<32xi32, #tpu.memory_space<hbm>>
        %dma_start3A_125 = tpu.memref_slice %arg6[%add3A_121] : memref<327680xi32, #tpu.memory_space<hbm>> -> memref<32xi32, #tpu.memory_space<hbm>>
        tpu.enqueue_dma source(%dma_start3A_125 : memref<32xi32, #tpu.memory_space<hbm>>) target(%arg15 : memref<32xi32, #tpu.memory_space<vmem>>) target_semaphore(%arg20 : memref<!tpu.dma_semaphore, #tpu.memory_space<semaphore_mem>>)
      } else {
      }
    }
    %scan3A_28 = arith.constant 160 : i32
    %barrier3A_29 = arith.constant 0 : index
    tpu.barrier barrier_id(%barrier3A_29)
    %mul3A_30 = arith.constant 624 : i32
    %mul3A_31 = arith.muli %arg1, %mul3A_30 : i32
    %mul3A_32 = arith.constant 10000 : i32
    %mul3A_33 = arith.muli %arg0, %mul3A_32 : i32
    %mul3A_34 = arith.constant 624 : i32
    %mul3A_35 = arith.muli %arg1, %mul3A_34 : i32
    %add3A_36 = arith.addi %mul3A_33, %mul3A_35 : i32
    "tpu.region"() ({
      %run_scoped3A = tpu.sem_alloc : memref<!tpu.dma_semaphore, #tpu.memory_space<semaphore_mem>>
      %dma_start3A_42 = arith.constant 0 : i32
      %dma_start3A_43 = tpu.memref_slice %arg8[%add3A_36, %dma_start3A_42] : memref<20000x256xbf16, #tpu.memory_space<hbm>> -> memref<624x256xbf16, #tpu.memory_space<hbm>>
      %dma_start3A_44 = arith.constant 0 : i32
      %dma_start3A_45 = tpu.memref_slice %arg24[%mul3A_31, %dma_start3A_44] : memref<10008x256xbf16, #tpu.memory_space<vmem_shared>> -> memref<624x256xbf16, #tpu.memory_space<vmem_shared>>
      tpu.enqueue_dma source(%dma_start3A_45 : memref<624x256xbf16, #tpu.memory_space<vmem_shared>>) target(%dma_start3A_43 : memref<624x256xbf16, #tpu.memory_space<hbm>>) target_semaphore(%run_scoped3A : memref<!tpu.dma_semaphore, #tpu.memory_space<semaphore_mem>>)
      %dma_wait3A = arith.constant 0 : i32
      %dma_wait3A_46 = tpu.memref_slice %arg8[%add3A_36, %dma_wait3A] : memref<20000x256xbf16, #tpu.memory_space<hbm>> -> memref<624x256xbf16, #tpu.memory_space<hbm>>
      %dma_wait3A_47 = arith.constant 0 : i32
      %dma_wait3A_48 = tpu.memref_slice %arg24[%mul3A_31, %dma_wait3A_47] : memref<10008x256xbf16, #tpu.memory_space<vmem_shared>> -> memref<624x256xbf16, #tpu.memory_space<vmem_shared>>
      tpu.wait_dma2 semaphore(%run_scoped3A : memref<!tpu.dma_semaphore, #tpu.memory_space<semaphore_mem>>) src(%dma_wait3A_48 : memref<624x256xbf16, #tpu.memory_space<vmem_shared>>) dst(%dma_wait3A_46 : memref<624x256xbf16, #tpu.memory_space<hbm>>)
      tpu.yield
    }) : () -> ()
    %eq3A_37 = arith.constant 0 : i32
    %eq3A_38 = arith.cmpi eq, %arg1, %eq3A_37 : i32
    %convert_element_type3A_39 = arith.extui %eq3A_38 : i1 to i32
    %cond3A_40 = arith.constant 0 : i32
    %cond3A_41 = arith.cmpi ne, %convert_element_type3A_39, %cond3A_40 : i32
    scf.if %cond3A_41 {
      %mul3A_42 = arith.constant 10000 : i32
      %mul3A_43 = arith.muli %arg0, %mul3A_42 : i32
      %add3A_44 = arith.constant 9984 : i32
      %add3A_45 = arith.addi %mul3A_43, %add3A_44 : i32
      "tpu.region"() ({
        %run_scoped3A = tpu.sem_alloc : memref<!tpu.dma_semaphore, #tpu.memory_space<semaphore_mem>>
        %dma_start3A_46 = arith.constant 0 : i32
        %dma_start3A_47 = tpu.memref_slice %arg8[%add3A_45, %dma_start3A_46] : memref<20000x256xbf16, #tpu.memory_space<hbm>> -> memref<16x256xbf16, #tpu.memory_space<hbm>>
        %dma_start3A_48 = arith.constant 9984 : i32
        %dma_start3A_49 = arith.constant 0 : i32
        %dma_start3A_50 = tpu.memref_slice %arg24[%dma_start3A_48, %dma_start3A_49] : memref<10008x256xbf16, #tpu.memory_space<vmem_shared>> -> memref<16x256xbf16, #tpu.memory_space<vmem_shared>>
        tpu.enqueue_dma source(%dma_start3A_50 : memref<16x256xbf16, #tpu.memory_space<vmem_shared>>) target(%dma_start3A_47 : memref<16x256xbf16, #tpu.memory_space<hbm>>) target_semaphore(%run_scoped3A : memref<!tpu.dma_semaphore, #tpu.memory_space<semaphore_mem>>)
        %dma_wait3A = arith.constant 0 : i32
        %dma_wait3A_51 = tpu.memref_slice %arg8[%add3A_45, %dma_wait3A] : memref<20000x256xbf16, #tpu.memory_space<hbm>> -> memref<16x256xbf16, #tpu.memory_space<hbm>>
        %dma_wait3A_52 = arith.constant 9984 : i32
        %dma_wait3A_53 = arith.constant 0 : i32
        %dma_wait3A_54 = tpu.memref_slice %arg24[%dma_wait3A_52, %dma_wait3A_53] : memref<10008x256xbf16, #tpu.memory_space<vmem_shared>> -> memref<16x256xbf16, #tpu.memory_space<vmem_shared>>
        tpu.wait_dma2 semaphore(%run_scoped3A : memref<!tpu.dma_semaphore, #tpu.memory_space<semaphore_mem>>) src(%dma_wait3A_54 : memref<16x256xbf16, #tpu.memory_space<vmem_shared>>) dst(%dma_wait3A_51 : memref<16x256xbf16, #tpu.memory_space<hbm>>)
        tpu.yield
      }) : () -> ()
    } else {
    }
    return
  }
}

module attributes {stable_mosaic.version = 14 : i64} {
  func.func @body(%arg0: i32, %arg1: memref<400x16xf32, #tpu.memory_space<vmem>>, %arg2: memref<400x16xf32, #tpu.memory_space<vmem>>, %arg3: memref<400x128xf32, #tpu.memory_space<vmem>>, %arg4: memref<400x128xf32, #tpu.memory_space<vmem>>, %arg5: memref<400x128xf32, #tpu.memory_space<vmem>>) attributes {dimension_semantics = [#tpu.dimension_semantics<arbitrary>], iteration_bounds = array<i64: 25>, scalar_prefetch = 0 : i64, scratch_operands = 0 : i64, tpu.core_type = #tpu.core_type<tc>, window_params = [{transform_indices = @transform_0, window_bounds = array<i64: 400, 16>}, {transform_indices = @transform_1, window_bounds = array<i64: 400, 16>}, {transform_indices = @transform_2, window_bounds = array<i64: 400, 128>}, {transform_indices = @transform_3, window_bounds = array<i64: 400, 128>}, {transform_indices = @transform_4, window_bounds = array<i64: 400, 128>}]} {
    %get3A = arith.constant 0 : index
    %get3A_0 = arith.constant 0 : index
    %get3A_1 = vector.load %arg1[%get3A, %get3A_0] : memref<400x16xf32, #tpu.memory_space<vmem>>, vector<400x1xf32>
    %get3A_2 = arith.constant 0 : index
    %get3A_3 = arith.constant 0 : index
    %get3A_4 = vector.load %arg2[%get3A_2, %get3A_3] : memref<400x16xf32, #tpu.memory_space<vmem>>, vector<400x1xf32>
    %add3A = arith.addf %get3A_1, %get3A_4 : vector<400x1xf32>
    %add3A_5 = arith.constant 1.000000e+00 : f32
    %add3A_6 = vector.broadcast %add3A_5 : f32 to vector<400x1xf32>
    %add3A_7 = arith.addf %add3A, %add3A_6 : vector<400x1xf32>
    %rsqrt3A = math.rsqrt %add3A_7 : vector<400x1xf32>
    %broadcast_in_dim3A = vector.shape_cast %rsqrt3A : vector<400x1xf32> to vector<400x1xf32>
    %broadcast_in_dim3A_8 = vector.broadcast %broadcast_in_dim3A : vector<400x1xf32> to vector<400x128xf32>
    %swap3A = arith.constant 0 : index
    %swap3A_9 = arith.constant 0 : index
    %swap3A_10 = vector.load %arg5[%swap3A, %swap3A_9] : memref<400x128xf32, #tpu.memory_space<vmem>>, vector<400x128xf32>
    tpu.vector_store %arg5[%swap3A, %swap3A_9], %broadcast_in_dim3A_8 {strides = array<i32>} : memref<400x128xf32, #tpu.memory_space<vmem>>, vector<400x128xf32>,
    %get3A_11 = arith.constant 0 : index
    %get3A_12 = arith.constant 0 : index
    %get3A_13 = vector.load %arg3[%get3A_11, %get3A_12] : memref<400x128xf32, #tpu.memory_space<vmem>>, vector<400x128xf32>
    %mul3A = arith.mulf %get3A_13, %broadcast_in_dim3A_8 : vector<400x128xf32>
    %swap3A_14 = arith.constant 0 : index
    %swap3A_15 = arith.constant 0 : index
    %swap3A_16 = vector.load %arg4[%swap3A_14, %swap3A_15] : memref<400x128xf32, #tpu.memory_space<vmem>>, vector<400x128xf32>
    tpu.vector_store %arg4[%swap3A_14, %swap3A_15], %mul3A {strides = array<i32>} : memref<400x128xf32, #tpu.memory_space<vmem>>, vector<400x128xf32>,
    return
  }
  func.func @transform_0(%arg0: i32) -> (i32, i32) {
    %c0_i32 = arith.constant 0 : i32
    %c0_i32_0 = arith.constant 0 : i32
    return %arg0, %c0_i32 : i32, i32
  }
  func.func @transform_1(%arg0: i32) -> (i32, i32) {
    %c0_i32 = arith.constant 0 : i32
    %c0_i32_0 = arith.constant 0 : i32
    return %arg0, %c0_i32 : i32, i32
  }
  func.func @transform_2(%arg0: i32) -> (i32, i32) {
    %c0_i32 = arith.constant 0 : i32
    %c0_i32_0 = arith.constant 0 : i32
    return %arg0, %c0_i32 : i32, i32
  }
  func.func @transform_3(%arg0: i32) -> (i32, i32) {
    %c0_i32 = arith.constant 0 : i32
    %c0_i32_0 = arith.constant 0 : i32
    return %arg0, %c0_i32 : i32, i32
  }
  func.func @transform_4(%arg0: i32) -> (i32, i32) {
    %c0_i32 = arith.constant 0 : i32
    %c0_i32_0 = arith.constant 0 : i32
    return %arg0, %c0_i32 : i32, i32
  }
}

module attributes {stable_mosaic.version = 14 : i64} {
  func.func @body(%arg0: i32, %arg1: memref<400x128xf32, #tpu.memory_space<vmem>>, %arg2: memref<400x128xf32, #tpu.memory_space<vmem>>, %arg3: memref<400x128xf32, #tpu.memory_space<vmem>>, %arg4: memref<400x128xf32, #tpu.memory_space<vmem>>, %arg5: memref<128x256xf32, #tpu.memory_space<vmem>>, %arg6: memref<1x256xf32, #tpu.memory_space<vmem>>, %arg7: memref<400x128xf32, #tpu.memory_space<vmem>>, %arg8: memref<400x128xf32, #tpu.memory_space<vmem>>, %arg9: memref<400x256xbf16, #tpu.memory_space<vmem>>) attributes {dimension_semantics = [#tpu.dimension_semantics<arbitrary>], iteration_bounds = array<i64: 25>, scalar_prefetch = 0 : i64, scratch_operands = 0 : i64, tpu.core_type = #tpu.core_type<tc>, window_params = [{transform_indices = @transform_0, window_bounds = array<i64: 400, 128>}, {transform_indices = @transform_1, window_bounds = array<i64: 400, 128>}, {transform_indices = @transform_2, window_bounds = array<i64: 400, 128>}, {transform_indices = @transform_3, window_bounds = array<i64: 400, 128>}, {pipeline_mode = #tpu.pipeline_mode<synchronous>, transform_indices = @transform_4, window_bounds = array<i64: 128, 256>}, {pipeline_mode = #tpu.pipeline_mode<synchronous>, transform_indices = @transform_5, window_bounds = array<i64: 1, 256>}, {transform_indices = @transform_6, window_bounds = array<i64: 400, 128>}, {transform_indices = @transform_7, window_bounds = array<i64: 400, 128>}, {transform_indices = @transform_8, window_bounds = array<i64: 400, 256>}]} {
    %get3A = arith.constant 0 : index
    %get3A_0 = arith.constant 0 : index
    %get3A_1 = vector.load %arg4[%get3A, %get3A_0] : memref<400x128xf32, #tpu.memory_space<vmem>>, vector<400x128xf32>
    %get3A_2 = arith.constant 0 : index
    %get3A_3 = arith.constant 0 : index
    %get3A_4 = vector.load %arg1[%get3A_2, %get3A_3] : memref<400x128xf32, #tpu.memory_space<vmem>>, vector<400x128xf32>
    %get3A_5 = arith.constant 0 : index
    %get3A_6 = arith.constant 0 : index
    %get3A_7 = vector.load %arg2[%get3A_5, %get3A_6] : memref<400x128xf32, #tpu.memory_space<vmem>>, vector<400x128xf32>
    %add3A = arith.addf %get3A_4, %get3A_7 : vector<400x128xf32>
    %get3A_8 = arith.constant 0 : index
    %get3A_9 = arith.constant 0 : index
    %get3A_10 = vector.load %arg3[%get3A_8, %get3A_9] : memref<400x128xf32, #tpu.memory_space<vmem>>, vector<400x128xf32>
    %add3A_11 = arith.addf %add3A, %get3A_10 : vector<400x128xf32>
    %mul3A = arith.mulf %get3A_1, %add3A_11 : vector<400x128xf32>
    %get3A_12 = arith.constant 0 : index
    %get3A_13 = arith.constant 0 : index
    %get3A_14 = vector.load %arg5[%get3A_12, %get3A_13] : memref<128x256xf32, #tpu.memory_space<vmem>>, vector<128x256xf32>
    %dot_general3A = arith.constant dense<0.000000e+00> : vector<400x256xf32>
    %dot_general3A_15 = tpu.matmul %mul3A, %get3A_14, %dot_general3A {dimension_numbers = #tpu.dot_dimension_numbers<[1], [0], [0], [1], [0, 0, 1, 1], [], []>, transpose_lhs_hint = false} : vector<400x128xf32>, vector<128x256xf32>, vector<400x256xf32> -> vector<400x256xf32>
    %get3A_16 = arith.constant 0 : index
    %get3A_17 = arith.constant 0 : index
    %get3A_18 = vector.load %arg6[%get3A_16, %get3A_17] : memref<1x256xf32, #tpu.memory_space<vmem>>, vector<1x256xf32>
    %add3A_19 = vector.broadcast %get3A_18 : vector<1x256xf32> to vector<400x256xf32>
    %add3A_20 = arith.addf %dot_general3A_15, %add3A_19 : vector<400x256xf32>
    %max3A = arith.constant 0.000000e+00 : f32
    %max3A_21 = vector.broadcast %max3A : f32 to vector<400x256xf32>
    %max3A_22 = arith.maximumf %add3A_20, %max3A_21 : vector<400x256xf32>
    %get3A_23 = arith.constant 0 : index
    %get3A_24 = arith.constant 0 : index
    %get3A_25 = vector.load %arg4[%get3A_23, %get3A_24] : memref<400x128xf32, #tpu.memory_space<vmem>>, vector<400x1xf32>
    %mul3A_26 = vector.broadcast %get3A_25 : vector<400x1xf32> to vector<400x256xf32>
    %mul3A_27 = arith.mulf %max3A_22, %mul3A_26 : vector<400x256xf32>
    %slice3A = vector.extract_strided_slice %mul3A_27 {offsets = [0, 0], sizes = [400, 128], strides = [1, 1]} : vector<400x256xf32> to vector<400x128xf32>
    %swap3A = arith.constant 0 : index
    %swap3A_28 = arith.constant 0 : index
    %swap3A_29 = vector.load %arg7[%swap3A, %swap3A_28] : memref<400x128xf32, #tpu.memory_space<vmem>>, vector<400x128xf32>
    tpu.vector_store %arg7[%swap3A, %swap3A_28], %slice3A {strides = array<i32>} : memref<400x128xf32, #tpu.memory_space<vmem>>, vector<400x128xf32>,
    %slice3A_30 = vector.extract_strided_slice %mul3A_27 {offsets = [0, 128], sizes = [400, 128], strides = [1, 1]} : vector<400x256xf32> to vector<400x128xf32>
    %swap3A_31 = arith.constant 0 : index
    %swap3A_32 = arith.constant 0 : index
    %swap3A_33 = vector.load %arg8[%swap3A_31, %swap3A_32] : memref<400x128xf32, #tpu.memory_space<vmem>>, vector<400x128xf32>
    tpu.vector_store %arg8[%swap3A_31, %swap3A_32], %slice3A_30 {strides = array<i32>} : memref<400x128xf32, #tpu.memory_space<vmem>>, vector<400x128xf32>,
    %convert_element_type3A = arith.truncf %mul3A_27 : vector<400x256xf32> to vector<400x256xbf16>
    %swap3A_34 = arith.constant 0 : index
    %swap3A_35 = arith.constant 0 : index
    %swap3A_36 = vector.load %arg9[%swap3A_34, %swap3A_35] : memref<400x256xbf16, #tpu.memory_space<vmem>>, vector<400x256xbf16>
    tpu.vector_store %arg9[%swap3A_34, %swap3A_35], %convert_element_type3A {strides = array<i32>} : memref<400x256xbf16, #tpu.memory_space<vmem>>, vector<400x256xbf16>,
    return
  }
  func.func @transform_0(%arg0: i32) -> (i32, i32) {
    %c0_i32 = arith.constant 0 : i32
    %c0_i32_0 = arith.constant 0 : i32
    return %arg0, %c0_i32 : i32, i32
  }
  func.func @transform_1(%arg0: i32) -> (i32, i32) {
    %c0_i32 = arith.constant 0 : i32
    %c0_i32_0 = arith.constant 0 : i32
    return %arg0, %c0_i32 : i32, i32
  }
  func.func @transform_2(%arg0: i32) -> (i32, i32) {
    %c0_i32 = arith.constant 0 : i32
    %c0_i32_0 = arith.constant 0 : i32
    return %arg0, %c0_i32 : i32, i32
  }
  func.func @transform_3(%arg0: i32) -> (i32, i32) {
    %c0_i32 = arith.constant 0 : i32
    %c0_i32_0 = arith.constant 0 : i32
    return %arg0, %c0_i32 : i32, i32
  }
  func.func @transform_4(%arg0: i32) -> (i32, i32) {
    %c0_i32 = arith.constant 0 : i32
    %c0_i32_0 = arith.constant 0 : i32
    %c0_i32_1 = arith.constant 0 : i32
    return %c0_i32, %c0_i32_0 : i32, i32
  }
  func.func @transform_5(%arg0: i32) -> (i32, i32) {
    %c0_i32 = arith.constant 0 : i32
    %c0_i32_0 = arith.constant 0 : i32
    %c0_i32_1 = arith.constant 0 : i32
    return %c0_i32, %c0_i32_0 : i32, i32
  }
  func.func @transform_6(%arg0: i32) -> (i32, i32) {
    %c0_i32 = arith.constant 0 : i32
    %c0_i32_0 = arith.constant 0 : i32
    return %arg0, %c0_i32 : i32, i32
  }
  func.func @transform_7(%arg0: i32) -> (i32, i32) {
    %c0_i32 = arith.constant 0 : i32
    %c0_i32_0 = arith.constant 0 : i32
    return %arg0, %c0_i32 : i32, i32
  }
  func.func @transform_8(%arg0: i32) -> (i32, i32) {
    %c0_i32 = arith.constant 0 : i32
    %c0_i32_0 = arith.constant 0 : i32
    return %arg0, %c0_i32 : i32, i32
  }
}

module attributes {stable_mosaic.version = 14 : i64} {
  func.func @body(%arg0: i32, %arg1: memref<400x256xbf16, #tpu.memory_space<vmem>>, %arg2: memref<400x256xbf16, #tpu.memory_space<vmem>>, %arg3: memref<400x128xf32, #tpu.memory_space<vmem>>, %arg4: memref<400x128xf32, #tpu.memory_space<vmem>>, %arg5: memref<400x128xf32, #tpu.memory_space<vmem>>, %arg6: memref<256x256xf32, #tpu.memory_space<vmem>>, %arg7: memref<1x256xf32, #tpu.memory_space<vmem>>, %arg8: memref<256x1024xf32, #tpu.memory_space<vmem>>, %arg9: memref<1024x16xf32, #tpu.memory_space<vmem>>, %arg10: memref<1024x16xf32, #tpu.memory_space<vmem>>, %arg11: memref<400x512xf32, #tpu.memory_space<vmem>>, %arg12: memref<400x512xf32, #tpu.memory_space<vmem>>, %arg13: memref<400x1024xbf16, #tpu.memory_space<vmem>>, %arg14: memref<400x16xf32, #tpu.memory_space<vmem>>, %arg15: memref<400x16xf32, #tpu.memory_space<vmem>>) attributes {dimension_semantics = [#tpu.dimension_semantics<arbitrary>], iteration_bounds = array<i64: 25>, scalar_prefetch = 0 : i64, scratch_operands = 0 : i64, tpu.core_type = #tpu.core_type<tc>, window_params = [{transform_indices = @transform_0, window_bounds = array<i64: 400, 256>}, {transform_indices = @transform_1, window_bounds = array<i64: 400, 256>}, {transform_indices = @transform_2, window_bounds = array<i64: 400, 128>}, {transform_indices = @transform_3, window_bounds = array<i64: 400, 128>}, {transform_indices = @transform_4, window_bounds = array<i64: 400, 128>}, {pipeline_mode = #tpu.pipeline_mode<synchronous>, transform_indices = @transform_5, window_bounds = array<i64: 256, 256>}, {pipeline_mode = #tpu.pipeline_mode<synchronous>, transform_indices = @transform_6, window_bounds = array<i64: 1, 256>}, {pipeline_mode = #tpu.pipeline_mode<synchronous>, transform_indices = @transform_7, window_bounds = array<i64: 256, 1024>}, {pipeline_mode = #tpu.pipeline_mode<synchronous>, transform_indices = @transform_8, window_bounds = array<i64: 1024, 16>}, {pipeline_mode = #tpu.pipeline_mode<synchronous>, transform_indices = @transform_9, window_bounds = array<i64: 1024, 16>}, {transform_indices = @transform_10, window_bounds = array<i64: 400, 512>}, {transform_indices = @transform_11, window_bounds = array<i64: 400, 512>}, {transform_indices = @transform_12, window_bounds = array<i64: 400, 1024>}, {transform_indices = @transform_13, window_bounds = array<i64: 400, 16>}, {transform_indices = @transform_14, window_bounds = array<i64: 400, 16>}]} {
    %get3A = arith.constant 0 : index
    %get3A_0 = arith.constant 0 : index
    %get3A_1 = vector.load %arg3[%get3A, %get3A_0] : memref<400x128xf32, #tpu.memory_space<vmem>>, vector<400x128xf32>
    %get3A_2 = arith.constant 0 : index
    %get3A_3 = arith.constant 0 : index
    %get3A_4 = vector.load %arg4[%get3A_2, %get3A_3] : memref<400x128xf32, #tpu.memory_space<vmem>>, vector<400x128xf32>
    %concatenate3A = tpu.concatenate %get3A_1, %get3A_4 in 1 : vector<400x128xf32>, vector<400x128xf32> -> vector<400x256xf32>
    %get3A_5 = arith.constant 0 : index
    %get3A_6 = arith.constant 0 : index
    %get3A_7 = vector.load %arg1[%get3A_5, %get3A_6] : memref<400x256xbf16, #tpu.memory_space<vmem>>, vector<400x256xbf16>
    %convert_element_type3A = arith.extf %get3A_7 : vector<400x256xbf16> to vector<400x256xf32>
    %get3A_8 = arith.constant 0 : index
    %get3A_9 = arith.constant 0 : index
    %get3A_10 = vector.load %arg2[%get3A_8, %get3A_9] : memref<400x256xbf16, #tpu.memory_space<vmem>>, vector<400x256xbf16>
    %convert_element_type3A_11 = arith.extf %get3A_10 : vector<400x256xbf16> to vector<400x256xf32>
    %add3A = arith.addf %convert_element_type3A, %convert_element_type3A_11 : vector<400x256xf32>
    %get3A_12 = arith.constant 0 : index
    %get3A_13 = arith.constant 0 : index
    %get3A_14 = vector.load %arg5[%get3A_12, %get3A_13] : memref<400x128xf32, #tpu.memory_space<vmem>>, vector<400x1xf32>
    %add3A_15 = arith.addf %add3A, %concatenate3A : vector<400x256xf32>
    %mul3A = vector.broadcast %get3A_14 : vector<400x1xf32> to vector<400x256xf32>
    %mul3A_16 = arith.mulf %mul3A, %add3A_15 : vector<400x256xf32>
    %get3A_17 = arith.constant 0 : index
    %get3A_18 = arith.constant 0 : index
    %get3A_19 = vector.load %arg6[%get3A_17, %get3A_18] : memref<256x256xf32, #tpu.memory_space<vmem>>, vector<256x256xf32>
    %dot_general3A = arith.constant dense<0.000000e+00> : vector<400x256xf32>
    %dot_general3A_20 = tpu.matmul %mul3A_16, %get3A_19, %dot_general3A {dimension_numbers = #tpu.dot_dimension_numbers<[1], [0], [0], [1], [0, 0, 1, 1], [], []>, transpose_lhs_hint = false} : vector<400x256xf32>, vector<256x256xf32>, vector<400x256xf32> -> vector<400x256xf32>
    %get3A_21 = arith.constant 0 : index
    %get3A_22 = arith.constant 0 : index
    %get3A_23 = vector.load %arg7[%get3A_21, %get3A_22] : memref<1x256xf32, #tpu.memory_space<vmem>>, vector<1x256xf32>
    %add3A_24 = vector.broadcast %get3A_23 : vector<1x256xf32> to vector<400x256xf32>
    %add3A_25 = arith.addf %dot_general3A_20, %add3A_24 : vector<400x256xf32>
    %max3A = arith.constant 0.000000e+00 : f32
    %max3A_26 = vector.broadcast %max3A : f32 to vector<400x256xf32>
    %max3A_27 = arith.maximumf %add3A_25, %max3A_26 : vector<400x256xf32>
    %get3A_28 = arith.constant 0 : index
    %get3A_29 = arith.constant 0 : index
    %get3A_30 = vector.load %arg8[%get3A_28, %get3A_29] : memref<256x1024xf32, #tpu.memory_space<vmem>>, vector<256x1024xf32>
    %dot_general3A_31 = arith.constant dense<0.000000e+00> : vector<400x1024xf32>
    %dot_general3A_32 = tpu.matmul %max3A_27, %get3A_30, %dot_general3A_31 {dimension_numbers = #tpu.dot_dimension_numbers<[1], [0], [0], [1], [0, 0, 1, 1], [], []>, transpose_lhs_hint = false} : vector<400x256xf32>, vector<256x1024xf32>, vector<400x1024xf32> -> vector<400x1024xf32>
    %get3A_33 = arith.constant 0 : index
    %get3A_34 = arith.constant 0 : index
    %get3A_35 = vector.load %arg9[%get3A_33, %get3A_34] : memref<1024x16xf32, #tpu.memory_space<vmem>>, vector<1024x16xf32>
    %dot_general3A_36 = arith.constant dense<0.000000e+00> : vector<400x16xf32>
    %dot_general3A_37 = tpu.matmul %dot_general3A_32, %get3A_35, %dot_general3A_36 {dimension_numbers = #tpu.dot_dimension_numbers<[1], [0], [0], [1], [0, 0, 1, 1], [], []>, transpose_lhs_hint = false} : vector<400x1024xf32>, vector<1024x16xf32>, vector<400x16xf32> -> vector<400x16xf32>
    %swap3A = arith.constant 0 : index
    %swap3A_38 = arith.constant 0 : index
    %swap3A_39 = vector.load %arg14[%swap3A, %swap3A_38] : memref<400x16xf32, #tpu.memory_space<vmem>>, vector<400x16xf32>
    tpu.vector_store %arg14[%swap3A, %swap3A_38], %dot_general3A_37 {strides = array<i32>} : memref<400x16xf32, #tpu.memory_space<vmem>>, vector<400x16xf32>,
    %get3A_40 = arith.constant 0 : index
    %get3A_41 = arith.constant 0 : index
    %get3A_42 = vector.load %arg10[%get3A_40, %get3A_41] : memref<1024x16xf32, #tpu.memory_space<vmem>>, vector<1024x16xf32>
    %dot_general3A_43 = arith.constant dense<0.000000e+00> : vector<400x16xf32>
    %dot_general3A_44 = tpu.matmul %dot_general3A_32, %get3A_42, %dot_general3A_43 {dimension_numbers = #tpu.dot_dimension_numbers<[1], [0], [0], [1], [0, 0, 1, 1], [], []>, transpose_lhs_hint = false} : vector<400x1024xf32>, vector<1024x16xf32>, vector<400x16xf32> -> vector<400x16xf32>
    %swap3A_45 = arith.constant 0 : index
    %swap3A_46 = arith.constant 0 : index
    %swap3A_47 = vector.load %arg15[%swap3A_45, %swap3A_46] : memref<400x16xf32, #tpu.memory_space<vmem>>, vector<400x16xf32>
    tpu.vector_store %arg15[%swap3A_45, %swap3A_46], %dot_general3A_44 {strides = array<i32>} : memref<400x16xf32, #tpu.memory_space<vmem>>, vector<400x16xf32>,
    %slice3A = vector.extract_strided_slice %dot_general3A_32 {offsets = [0, 0], sizes = [400, 128], strides = [1, 1]} : vector<400x1024xf32> to vector<400x128xf32>
    %slice3A_48 = vector.extract_strided_slice %dot_general3A_32 {offsets = [0, 256], sizes = [400, 128], strides = [1, 1]} : vector<400x1024xf32> to vector<400x128xf32>
    %slice3A_49 = vector.extract_strided_slice %dot_general3A_32 {offsets = [0, 512], sizes = [400, 128], strides = [1, 1]} : vector<400x1024xf32> to vector<400x128xf32>
    %slice3A_50 = vector.extract_strided_slice %dot_general3A_32 {offsets = [0, 768], sizes = [400, 128], strides = [1, 1]} : vector<400x1024xf32> to vector<400x128xf32>
    %concatenate3A_51 = tpu.concatenate %slice3A, %slice3A_48, %slice3A_49, %slice3A_50 in 1 : vector<400x128xf32>, vector<400x128xf32>, vector<400x128xf32>, vector<400x128xf32> -> vector<400x512xf32>
    %swap3A_52 = arith.constant 0 : index
    %swap3A_53 = arith.constant 0 : index
    %swap3A_54 = vector.load %arg11[%swap3A_52, %swap3A_53] : memref<400x512xf32, #tpu.memory_space<vmem>>, vector<400x512xf32>
    tpu.vector_store %arg11[%swap3A_52, %swap3A_53], %concatenate3A_51 {strides = array<i32>} : memref<400x512xf32, #tpu.memory_space<vmem>>, vector<400x512xf32>,
    %slice3A_55 = vector.extract_strided_slice %dot_general3A_32 {offsets = [0, 128], sizes = [400, 128], strides = [1, 1]} : vector<400x1024xf32> to vector<400x128xf32>
    %slice3A_56 = vector.extract_strided_slice %dot_general3A_32 {offsets = [0, 384], sizes = [400, 128], strides = [1, 1]} : vector<400x1024xf32> to vector<400x128xf32>
    %slice3A_57 = vector.extract_strided_slice %dot_general3A_32 {offsets = [0, 640], sizes = [400, 128], strides = [1, 1]} : vector<400x1024xf32> to vector<400x128xf32>
    %slice3A_58 = vector.extract_strided_slice %dot_general3A_32 {offsets = [0, 896], sizes = [400, 128], strides = [1, 1]} : vector<400x1024xf32> to vector<400x128xf32>
    %concatenate3A_59 = tpu.concatenate %slice3A_55, %slice3A_56, %slice3A_57, %slice3A_58 in 1 : vector<400x128xf32>, vector<400x128xf32>, vector<400x128xf32>, vector<400x128xf32> -> vector<400x512xf32>
    %swap3A_60 = arith.constant 0 : index
    %swap3A_61 = arith.constant 0 : index
    %swap3A_62 = vector.load %arg12[%swap3A_60, %swap3A_61] : memref<400x512xf32, #tpu.memory_space<vmem>>, vector<400x512xf32>
    tpu.vector_store %arg12[%swap3A_60, %swap3A_61], %concatenate3A_59 {strides = array<i32>} : memref<400x512xf32, #tpu.memory_space<vmem>>, vector<400x512xf32>,
    %convert_element_type3A_63 = arith.truncf %dot_general3A_32 : vector<400x1024xf32> to vector<400x1024xbf16>
    %swap3A_64 = arith.constant 0 : index
    %swap3A_65 = arith.constant 0 : index
    %swap3A_66 = vector.load %arg13[%swap3A_64, %swap3A_65] : memref<400x1024xbf16, #tpu.memory_space<vmem>>, vector<400x1024xbf16>
    tpu.vector_store %arg13[%swap3A_64, %swap3A_65], %convert_element_type3A_63 {strides = array<i32>} : memref<400x1024xbf16, #tpu.memory_space<vmem>>, vector<400x1024xbf16>,
    return
  }
  func.func @transform_0(%arg0: i32) -> (i32, i32) {
    %c0_i32 = arith.constant 0 : i32
    %c0_i32_0 = arith.constant 0 : i32
    return %arg0, %c0_i32 : i32, i32
  }
  func.func @transform_1(%arg0: i32) -> (i32, i32) {
    %c0_i32 = arith.constant 0 : i32
    %c0_i32_0 = arith.constant 0 : i32
    return %arg0, %c0_i32 : i32, i32
  }
  func.func @transform_2(%arg0: i32) -> (i32, i32) {
    %c0_i32 = arith.constant 0 : i32
    %c0_i32_0 = arith.constant 0 : i32
    return %arg0, %c0_i32 : i32, i32
  }
  func.func @transform_3(%arg0: i32) -> (i32, i32) {
    %c0_i32 = arith.constant 0 : i32
    %c0_i32_0 = arith.constant 0 : i32
    return %arg0, %c0_i32 : i32, i32
  }
  func.func @transform_4(%arg0: i32) -> (i32, i32) {
    %c0_i32 = arith.constant 0 : i32
    %c0_i32_0 = arith.constant 0 : i32
    return %arg0, %c0_i32 : i32, i32
  }
  func.func @transform_5(%arg0: i32) -> (i32, i32) {
    %c0_i32 = arith.constant 0 : i32
    %c0_i32_0 = arith.constant 0 : i32
    %c0_i32_1 = arith.constant 0 : i32
    return %c0_i32, %c0_i32_0 : i32, i32
  }
  func.func @transform_6(%arg0: i32) -> (i32, i32) {
    %c0_i32 = arith.constant 0 : i32
    %c0_i32_0 = arith.constant 0 : i32
    %c0_i32_1 = arith.constant 0 : i32
    return %c0_i32, %c0_i32_0 : i32, i32
  }
  func.func @transform_7(%arg0: i32) -> (i32, i32) {
    %c0_i32 = arith.constant 0 : i32
    %c0_i32_0 = arith.constant 0 : i32
    %c0_i32_1 = arith.constant 0 : i32
    return %c0_i32, %c0_i32_0 : i32, i32
  }
  func.func @transform_8(%arg0: i32) -> (i32, i32) {
    %c0_i32 = arith.constant 0 : i32
    %c0_i32_0 = arith.constant 0 : i32
    %c0_i32_1 = arith.constant 0 : i32
    return %c0_i32, %c0_i32_0 : i32, i32
  }
  func.func @transform_9(%arg0: i32) -> (i32, i32) {
    %c0_i32 = arith.constant 0 : i32
    %c0_i32_0 = arith.constant 0 : i32
    %c0_i32_1 = arith.constant 0 : i32
    return %c0_i32, %c0_i32_0 : i32, i32
  }
  func.func @transform_10(%arg0: i32) -> (i32, i32) {
    %c0_i32 = arith.constant 0 : i32
    %c0_i32_0 = arith.constant 0 : i32
    return %arg0, %c0_i32 : i32, i32
  }
  func.func @transform_11(%arg0: i32) -> (i32, i32) {
    %c0_i32 = arith.constant 0 : i32
    %c0_i32_0 = arith.constant 0 : i32
    return %arg0, %c0_i32 : i32, i32
  }
  func.func @transform_12(%arg0: i32) -> (i32, i32) {
    %c0_i32 = arith.constant 0 : i32
    %c0_i32_0 = arith.constant 0 : i32
    return %arg0, %c0_i32 : i32, i32
  }
  func.func @transform_13(%arg0: i32) -> (i32, i32) {
    %c0_i32 = arith.constant 0 : i32
    %c0_i32_0 = arith.constant 0 : i32
    return %arg0, %c0_i32 : i32, i32
  }
  func.func @transform_14(%arg0: i32) -> (i32, i32) {
    %c0_i32 = arith.constant 0 : i32
    %c0_i32_0 = arith.constant 0 : i32
    return %arg0, %c0_i32 : i32, i32
  }
}

module attributes {stable_mosaic.version = 14 : i64} {
  func.func @body(%arg0: i32, %arg1: memref<400x16xf32, #tpu.memory_space<vmem>>, %arg2: memref<400x16xf32, #tpu.memory_space<vmem>>, %arg3: memref<1x16xf32, #tpu.memory_space<vmem>>, %arg4: memref<1x16xf32, #tpu.memory_space<vmem>>, %arg5: memref<1x16xf32, #tpu.memory_space<vmem>>) attributes {dimension_semantics = [#tpu.dimension_semantics<arbitrary>], iteration_bounds = array<i64: 25>, scalar_prefetch = 0 : i64, scratch_operands = 0 : i64, tpu.core_type = #tpu.core_type<tc>, window_params = [{transform_indices = @transform_0, window_bounds = array<i64: 400, 16>}, {transform_indices = @transform_1, window_bounds = array<i64: 400, 16>}, {pipeline_mode = #tpu.pipeline_mode<synchronous>, transform_indices = @transform_2, window_bounds = array<i64: 1, 16>}, {pipeline_mode = #tpu.pipeline_mode<synchronous>, transform_indices = @transform_3, window_bounds = array<i64: 1, 16>}, {pipeline_mode = #tpu.pipeline_mode<synchronous>, transform_indices = @transform_4, window_bounds = array<i64: 1, 16>}]} {
    %eq3A = arith.constant 0 : i32
    %eq3A_0 = arith.cmpi eq, %arg0, %eq3A : i32
    %convert_element_type3A = arith.extui %eq3A_0 : i1 to i32
    %cond3A = arith.constant 0 : i32
    %cond3A_1 = arith.cmpi ne, %convert_element_type3A, %cond3A : i32
    scf.if %cond3A_1 {
      %broadcast_in_dim3A_28 = arith.constant -1.000000e+30 : f32
      %broadcast_in_dim3A_29 = vector.broadcast %broadcast_in_dim3A_28 : f32 to vector<1x16xf32>
      %swap3A_30 = arith.constant 0 : index
      %swap3A_31 = arith.constant 0 : index
      %swap3A_32 = vector.load %arg3[%swap3A_30, %swap3A_31] : memref<1x16xf32, #tpu.memory_space<vmem>>, vector<1x16xf32>
      tpu.vector_store %arg3[%swap3A_30, %swap3A_31], %broadcast_in_dim3A_29 {strides = array<i32>} : memref<1x16xf32, #tpu.memory_space<vmem>>, vector<1x16xf32>,
      %broadcast_in_dim3A_33 = arith.constant -1.000000e+30 : f32
      %broadcast_in_dim3A_34 = vector.broadcast %broadcast_in_dim3A_33 : f32 to vector<1x16xf32>
      %swap3A_35 = arith.constant 0 : index
      %swap3A_36 = arith.constant 0 : index
      %swap3A_37 = vector.load %arg4[%swap3A_35, %swap3A_36] : memref<1x16xf32, #tpu.memory_space<vmem>>, vector<1x16xf32>
      tpu.vector_store %arg4[%swap3A_35, %swap3A_36], %broadcast_in_dim3A_34 {strides = array<i32>} : memref<1x16xf32, #tpu.memory_space<vmem>>, vector<1x16xf32>,
    } else {
    }
    %get3A = arith.constant 0 : index
    %get3A_2 = arith.constant 0 : index
    %get3A_3 = vector.load %arg3[%get3A, %get3A_2] : memref<1x16xf32, #tpu.memory_space<vmem>>, vector<1x16xf32>
    %get3A_4 = arith.constant 0 : index
    %get3A_5 = arith.constant 0 : index
    %get3A_6 = vector.load %arg1[%get3A_4, %get3A_5] : memref<400x16xf32, #tpu.memory_space<vmem>>, vector<400x16xf32>
    %reduce_max3A = arith.constant dense<0xFF800000> : vector<16xf32>
    %reduce_max3A_7 = vector.multi_reduction <maximumf>, %get3A_6, %reduce_max3A [0] : vector<400x16xf32> to vector<16xf32>
    %broadcast_in_dim3A = vector.shape_cast %reduce_max3A_7 : vector<16xf32> to vector<1x16xf32>
    %max3A = arith.maximumf %get3A_3, %broadcast_in_dim3A : vector<1x16xf32>
    %swap3A = arith.constant 0 : index
    %swap3A_8 = arith.constant 0 : index
    %swap3A_9 = vector.load %arg3[%swap3A, %swap3A_8] : memref<1x16xf32, #tpu.memory_space<vmem>>, vector<1x16xf32>
    tpu.vector_store %arg3[%swap3A, %swap3A_8], %max3A {strides = array<i32>} : memref<1x16xf32, #tpu.memory_space<vmem>>, vector<1x16xf32>,
    %get3A_10 = arith.constant 0 : index
    %get3A_11 = arith.constant 0 : index
    %get3A_12 = vector.load %arg4[%get3A_10, %get3A_11] : memref<1x16xf32, #tpu.memory_space<vmem>>, vector<1x16xf32>
    %get3A_13 = arith.constant 0 : index
    %get3A_14 = arith.constant 0 : index
    %get3A_15 = vector.load %arg2[%get3A_13, %get3A_14] : memref<400x16xf32, #tpu.memory_space<vmem>>, vector<400x16xf32>
    %reduce_max3A_16 = arith.constant dense<0xFF800000> : vector<16xf32>
    %reduce_max3A_17 = vector.multi_reduction <maximumf>, %get3A_15, %reduce_max3A_16 [0] : vector<400x16xf32> to vector<16xf32>
    %broadcast_in_dim3A_18 = vector.shape_cast %reduce_max3A_17 : vector<16xf32> to vector<1x16xf32>
    %max3A_19 = arith.maximumf %get3A_12, %broadcast_in_dim3A_18 : vector<1x16xf32>
    %swap3A_20 = arith.constant 0 : index
    %swap3A_21 = arith.constant 0 : index
    %swap3A_22 = vector.load %arg4[%swap3A_20, %swap3A_21] : memref<1x16xf32, #tpu.memory_space<vmem>>, vector<1x16xf32>
    tpu.vector_store %arg4[%swap3A_20, %swap3A_21], %max3A_19 {strides = array<i32>} : memref<1x16xf32, #tpu.memory_space<vmem>>, vector<1x16xf32>,
    %eq3A_23 = arith.constant 24 : i32
    %eq3A_24 = arith.cmpi eq, %arg0, %eq3A_23 : i32
    %convert_element_type3A_25 = arith.extui %eq3A_24 : i1 to i32
    %cond3A_26 = arith.constant 0 : i32
    %cond3A_27 = arith.cmpi ne, %convert_element_type3A_25, %cond3A_26 : i32
    scf.if %cond3A_27 {
      %get3A_28 = arith.constant 0 : index
      %get3A_29 = arith.constant 0 : index
      %get3A_30 = vector.load %arg3[%get3A_28, %get3A_29] : memref<1x16xf32, #tpu.memory_space<vmem>>, vector<1x16xf32>
      %get3A_31 = arith.constant 0 : index
      %get3A_32 = arith.constant 0 : index
      %get3A_33 = vector.load %arg4[%get3A_31, %get3A_32] : memref<1x16xf32, #tpu.memory_space<vmem>>, vector<1x16xf32>
      %mul3A = arith.constant 2.000000e-01 : f32
      %mul3A_34 = vector.broadcast %mul3A : f32 to vector<1x16xf32>
      %mul3A_35 = arith.mulf %mul3A_34, %get3A_30 : vector<1x16xf32>
      %max3A_36 = arith.maximumf %get3A_30, %mul3A_35 : vector<1x16xf32>
      %mul3A_37 = arith.constant 2.000000e-01 : f32
      %mul3A_38 = vector.broadcast %mul3A_37 : f32 to vector<1x16xf32>
      %mul3A_39 = arith.mulf %mul3A_38, %get3A_33 : vector<1x16xf32>
      %max3A_40 = arith.maximumf %get3A_33, %mul3A_39 : vector<1x16xf32>
      %add3A = arith.addf %max3A_36, %max3A_40 : vector<1x16xf32>
      %swap3A_41 = arith.constant 0 : index
      %swap3A_42 = arith.constant 0 : index
      %swap3A_43 = vector.load %arg5[%swap3A_41, %swap3A_42] : memref<1x16xf32, #tpu.memory_space<vmem>>, vector<1x16xf32>
      tpu.vector_store %arg5[%swap3A_41, %swap3A_42], %add3A {strides = array<i32>} : memref<1x16xf32, #tpu.memory_space<vmem>>, vector<1x16xf32>,
    } else {
    }
    return
  }
  func.func @transform_0(%arg0: i32) -> (i32, i32) {
    %c0_i32 = arith.constant 0 : i32
    %c0_i32_0 = arith.constant 0 : i32
    return %arg0, %c0_i32 : i32, i32
  }
  func.func @transform_1(%arg0: i32) -> (i32, i32) {
    %c0_i32 = arith.constant 0 : i32
    %c0_i32_0 = arith.constant 0 : i32
    return %arg0, %c0_i32 : i32, i32
  }
  func.func @transform_2(%arg0: i32) -> (i32, i32) {
    %c0_i32 = arith.constant 0 : i32
    %c0_i32_0 = arith.constant 0 : i32
    %c0_i32_1 = arith.constant 0 : i32
    return %c0_i32, %c0_i32_0 : i32, i32
  }
  func.func @transform_3(%arg0: i32) -> (i32, i32) {
    %c0_i32 = arith.constant 0 : i32
    %c0_i32_0 = arith.constant 0 : i32
    %c0_i32_1 = arith.constant 0 : i32
    return %c0_i32, %c0_i32_0 : i32, i32
  }
  func.func @transform_4(%arg0: i32) -> (i32, i32) {
    %c0_i32 = arith.constant 0 : i32
    %c0_i32_0 = arith.constant 0 : i32
    %c0_i32_1 = arith.constant 0 : i32
    return %c0_i32, %c0_i32_0 : i32, i32
  }
}

module attributes {stable_mosaic.version = 14 : i64} {
  func.func @body(%arg0: i32, %arg1: memref<400x16xf32, #tpu.memory_space<vmem>>, %arg2: memref<400x16xf32, #tpu.memory_space<vmem>>, %arg3: memref<400x16xf32, #tpu.memory_space<vmem>>, %arg4: memref<400x16xf32, #tpu.memory_space<vmem>>, %arg5: memref<1x16xf32, #tpu.memory_space<vmem>>, %arg6: memref<400x16xf32, #tpu.memory_space<vmem>>, %arg7: memref<400x16xf32, #tpu.memory_space<vmem>>) attributes {dimension_semantics = [#tpu.dimension_semantics<arbitrary>], iteration_bounds = array<i64: 25>, scalar_prefetch = 0 : i64, scratch_operands = 0 : i64, tpu.core_type = #tpu.core_type<tc>, window_params = [{transform_indices = @transform_0, window_bounds = array<i64: 400, 16>}, {transform_indices = @transform_1, window_bounds = array<i64: 400, 16>}, {transform_indices = @transform_2, window_bounds = array<i64: 400, 16>}, {transform_indices = @transform_3, window_bounds = array<i64: 400, 16>}, {pipeline_mode = #tpu.pipeline_mode<synchronous>, transform_indices = @transform_4, window_bounds = array<i64: 1, 16>}, {transform_indices = @transform_5, window_bounds = array<i64: 400, 16>}, {transform_indices = @transform_6, window_bounds = array<i64: 400, 16>}]} {
    %get3A = arith.constant 0 : index
    %get3A_0 = arith.constant 0 : index
    %get3A_1 = vector.load %arg3[%get3A, %get3A_0] : memref<400x16xf32, #tpu.memory_space<vmem>>, vector<400x16xf32>
    %get3A_2 = arith.constant 0 : index
    %get3A_3 = arith.constant 0 : index
    %get3A_4 = vector.load %arg4[%get3A_2, %get3A_3] : memref<400x16xf32, #tpu.memory_space<vmem>>, vector<400x16xf32>
    %add3A = arith.addf %get3A_1, %get3A_4 : vector<400x16xf32>
    %mul3A = arith.constant 2.000000e-01 : f32
    %mul3A_5 = vector.broadcast %mul3A : f32 to vector<400x16xf32>
    %mul3A_6 = arith.mulf %mul3A_5, %add3A : vector<400x16xf32>
    %max3A = arith.maximumf %add3A, %mul3A_6 : vector<400x16xf32>
    %get3A_7 = arith.constant 0 : index
    %get3A_8 = arith.constant 0 : index
    %get3A_9 = vector.load %arg5[%get3A_7, %get3A_8] : memref<1x16xf32, #tpu.memory_space<vmem>>, vector<1x16xf32>
    %sub3A = vector.broadcast %get3A_9 : vector<1x16xf32> to vector<400x16xf32>
    %sub3A_10 = arith.subf %max3A, %sub3A : vector<400x16xf32>
    %exp3A = math.exp %sub3A_10 : vector<400x16xf32>
    %get3A_11 = arith.constant 0 : index
    %get3A_12 = arith.constant 0 : index
    %get3A_13 = vector.load %arg1[%get3A_11, %get3A_12] : memref<400x16xf32, #tpu.memory_space<vmem>>, vector<400x16xf32>
    %get3A_14 = arith.constant 0 : index
    %get3A_15 = arith.constant 0 : index
    %get3A_16 = vector.load %arg2[%get3A_14, %get3A_15] : memref<400x16xf32, #tpu.memory_space<vmem>>, vector<400x16xf32>
    %add3A_17 = arith.addf %get3A_13, %get3A_16 : vector<400x16xf32>
    %add3A_18 = arith.addf %add3A_17, %exp3A : vector<400x16xf32>
    %iota3A = tpu.iota {dimensions = array<i32: 1>} : vector<400x16xi32>
    %lt3A = arith.constant 4 : i32
    %lt3A_19 = vector.broadcast %lt3A : i32 to vector<400x16xi32>
    %lt3A_20 = arith.cmpi slt, %iota3A, %lt3A_19 : vector<400x16xi32>
    %add3A_21 = arith.constant 1.000000e-16 : f32
    %add3A_22 = vector.broadcast %add3A_21 : f32 to vector<400x16xf32>
    %add3A_23 = arith.addf %add3A_18, %add3A_22 : vector<400x16xf32>
    %div3A = arith.constant 1.000000e+00 : f32
    %div3A_24 = vector.broadcast %div3A : f32 to vector<400x16xf32>
    %div3A_25 = arith.divf %div3A_24, %add3A_23 : vector<400x16xf32>
    %jit3A = arith.constant 0.000000e+00 : f32
    %broadcast_in_dim3A = vector.broadcast %jit3A : f32 to vector<400x16xf32>
    %select_n3A = arith.select %lt3A_20, %div3A_25, %broadcast_in_dim3A : vector<400x16xi1>, vector<400x16xf32>
    %swap3A = arith.constant 0 : index
    %swap3A_26 = arith.constant 0 : index
    %swap3A_27 = vector.load %arg6[%swap3A, %swap3A_26] : memref<400x16xf32, #tpu.memory_space<vmem>>, vector<400x16xf32>
    tpu.vector_store %arg6[%swap3A, %swap3A_26], %select_n3A {strides = array<i32>} : memref<400x16xf32, #tpu.memory_space<vmem>>, vector<400x16xf32>,
    %mul3A_28 = arith.mulf %exp3A, %select_n3A : vector<400x16xf32>
    %swap3A_29 = arith.constant 0 : index
    %swap3A_30 = arith.constant 0 : index
    %swap3A_31 = vector.load %arg7[%swap3A_29, %swap3A_30] : memref<400x16xf32, #tpu.memory_space<vmem>>, vector<400x16xf32>
    tpu.vector_store %arg7[%swap3A_29, %swap3A_30], %mul3A_28 {strides = array<i32>} : memref<400x16xf32, #tpu.memory_space<vmem>>, vector<400x16xf32>,
    return
  }
  func.func @transform_0(%arg0: i32) -> (i32, i32) {
    %c0_i32 = arith.constant 0 : i32
    %c0_i32_0 = arith.constant 0 : i32
    return %arg0, %c0_i32 : i32, i32
  }
  func.func @transform_1(%arg0: i32) -> (i32, i32) {
    %c0_i32 = arith.constant 0 : i32
    %c0_i32_0 = arith.constant 0 : i32
    return %arg0, %c0_i32 : i32, i32
  }
  func.func @transform_2(%arg0: i32) -> (i32, i32) {
    %c0_i32 = arith.constant 0 : i32
    %c0_i32_0 = arith.constant 0 : i32
    return %arg0, %c0_i32 : i32, i32
  }
  func.func @transform_3(%arg0: i32) -> (i32, i32) {
    %c0_i32 = arith.constant 0 : i32
    %c0_i32_0 = arith.constant 0 : i32
    return %arg0, %c0_i32 : i32, i32
  }
  func.func @transform_4(%arg0: i32) -> (i32, i32) {
    %c0_i32 = arith.constant 0 : i32
    %c0_i32_0 = arith.constant 0 : i32
    %c0_i32_1 = arith.constant 0 : i32
    return %c0_i32, %c0_i32_0 : i32, i32
  }
  func.func @transform_5(%arg0: i32) -> (i32, i32) {
    %c0_i32 = arith.constant 0 : i32
    %c0_i32_0 = arith.constant 0 : i32
    return %arg0, %c0_i32 : i32, i32
  }
  func.func @transform_6(%arg0: i32) -> (i32, i32) {
    %c0_i32 = arith.constant 0 : i32
    %c0_i32_0 = arith.constant 0 : i32
    return %arg0, %c0_i32 : i32, i32
  }
}

module attributes {stable_mosaic.version = 14 : i64} {
  func.func @body(%arg0: i32, %arg1: memref<400x256xbf16, #tpu.memory_space<vmem>>, %arg2: memref<400x256xbf16, #tpu.memory_space<vmem>>, %arg3: memref<400x512xf32, #tpu.memory_space<vmem>>, %arg4: memref<400x512xf32, #tpu.memory_space<vmem>>, %arg5: memref<400x16xf32, #tpu.memory_space<vmem>>, %arg6: memref<400x16xf32, #tpu.memory_space<vmem>>, %arg7: memref<1x256xf32, #tpu.memory_space<vmem>>, %arg8: memref<400x1xi32, #tpu.memory_space<vmem>>, %arg9: memref<64x256xf32, #tpu.memory_space<vmem>>, %arg10: memref<64x8xf32, #tpu.memory_space<vmem>>) attributes {dimension_semantics = [#tpu.dimension_semantics<arbitrary>], iteration_bounds = array<i64: 25>, scalar_prefetch = 0 : i64, scratch_operands = 0 : i64, tpu.core_type = #tpu.core_type<tc>, window_params = [{transform_indices = @transform_0, window_bounds = array<i64: 400, 256>}, {transform_indices = @transform_1, window_bounds = array<i64: 400, 256>}, {transform_indices = @transform_2, window_bounds = array<i64: 400, 512>}, {transform_indices = @transform_3, window_bounds = array<i64: 400, 512>}, {transform_indices = @transform_4, window_bounds = array<i64: 400, 16>}, {transform_indices = @transform_5, window_bounds = array<i64: 400, 16>}, {pipeline_mode = #tpu.pipeline_mode<synchronous>, transform_indices = @transform_6, window_bounds = array<i64: 1, 256>}, {transform_indices = @transform_7, window_bounds = array<i64: 400, 1>}, {pipeline_mode = #tpu.pipeline_mode<synchronous>, transform_indices = @transform_8, window_bounds = array<i64: 64, 256>}, {pipeline_mode = #tpu.pipeline_mode<synchronous>, transform_indices = @transform_9, window_bounds = array<i64: 64, 8>}]} {
    %get3A = arith.constant 0 : index
    %get3A_0 = arith.constant 0 : index
    %get3A_1 = vector.load %arg1[%get3A, %get3A_0] : memref<400x256xbf16, #tpu.memory_space<vmem>>, vector<400x256xbf16>
    %convert_element_type3A = arith.extf %get3A_1 : vector<400x256xbf16> to vector<400x256xf32>
    %get3A_2 = arith.constant 0 : index
    %get3A_3 = arith.constant 0 : index
    %get3A_4 = vector.load %arg2[%get3A_2, %get3A_3] : memref<400x256xbf16, #tpu.memory_space<vmem>>, vector<400x256xbf16>
    %convert_element_type3A_5 = arith.extf %get3A_4 : vector<400x256xbf16> to vector<400x256xf32>
    %add3A = arith.addf %convert_element_type3A, %convert_element_type3A_5 : vector<400x256xf32>
    %get3A_6 = arith.constant 0 : index
    %get3A_7 = arith.constant 0 : index
    %get3A_8 = vector.load %arg6[%get3A_6, %get3A_7] : memref<400x16xf32, #tpu.memory_space<vmem>>, vector<400x16xf32>
    %get3A_9 = arith.constant 0 : index
    %get3A_10 = arith.constant 0 : index
    %get3A_11 = vector.load %arg3[%get3A_9, %get3A_10] : memref<400x512xf32, #tpu.memory_space<vmem>>, vector<400x512xf32>
    %get3A_12 = arith.constant 0 : index
    %get3A_13 = arith.constant 0 : index
    %get3A_14 = vector.load %arg4[%get3A_12, %get3A_13] : memref<400x512xf32, #tpu.memory_space<vmem>>, vector<400x512xf32>
    %slice3A = vector.extract_strided_slice %get3A_8 {offsets = [0, 0], sizes = [400, 1], strides = [1, 1]} : vector<400x16xf32> to vector<400x1xf32>
    %slice3A_15 = vector.extract_strided_slice %get3A_11 {offsets = [0, 0], sizes = [400, 128], strides = [1, 1]} : vector<400x512xf32> to vector<400x128xf32>
    %mul3A = vector.broadcast %slice3A : vector<400x1xf32> to vector<400x128xf32>
    %mul3A_16 = arith.mulf %mul3A, %slice3A_15 : vector<400x128xf32>
    %slice3A_17 = vector.extract_strided_slice %get3A_8 {offsets = [0, 0], sizes = [400, 1], strides = [1, 1]} : vector<400x16xf32> to vector<400x1xf32>
    %slice3A_18 = vector.extract_strided_slice %get3A_14 {offsets = [0, 0], sizes = [400, 128], strides = [1, 1]} : vector<400x512xf32> to vector<400x128xf32>
    %mul3A_19 = vector.broadcast %slice3A_17 : vector<400x1xf32> to vector<400x128xf32>
    %mul3A_20 = arith.mulf %mul3A_19, %slice3A_18 : vector<400x128xf32>
    %slice3A_21 = vector.extract_strided_slice %get3A_8 {offsets = [0, 1], sizes = [400, 1], strides = [1, 1]} : vector<400x16xf32> to vector<400x1xf32>
    %slice3A_22 = vector.extract_strided_slice %get3A_11 {offsets = [0, 128], sizes = [400, 128], strides = [1, 1]} : vector<400x512xf32> to vector<400x128xf32>
    %mul3A_23 = vector.broadcast %slice3A_21 : vector<400x1xf32> to vector<400x128xf32>
    %mul3A_24 = arith.mulf %mul3A_23, %slice3A_22 : vector<400x128xf32>
    %add3A_25 = arith.addf %mul3A_16, %mul3A_24 : vector<400x128xf32>
    %slice3A_26 = vector.extract_strided_slice %get3A_8 {offsets = [0, 1], sizes = [400, 1], strides = [1, 1]} : vector<400x16xf32> to vector<400x1xf32>
    %slice3A_27 = vector.extract_strided_slice %get3A_14 {offsets = [0, 128], sizes = [400, 128], strides = [1, 1]} : vector<400x512xf32> to vector<400x128xf32>
    %mul3A_28 = vector.broadcast %slice3A_26 : vector<400x1xf32> to vector<400x128xf32>
    %mul3A_29 = arith.mulf %mul3A_28, %slice3A_27 : vector<400x128xf32>
    %add3A_30 = arith.addf %mul3A_20, %mul3A_29 : vector<400x128xf32>
    %slice3A_31 = vector.extract_strided_slice %get3A_8 {offsets = [0, 2], sizes = [400, 1], strides = [1, 1]} : vector<400x16xf32> to vector<400x1xf32>
    %slice3A_32 = vector.extract_strided_slice %get3A_11 {offsets = [0, 256], sizes = [400, 128], strides = [1, 1]} : vector<400x512xf32> to vector<400x128xf32>
    %mul3A_33 = vector.broadcast %slice3A_31 : vector<400x1xf32> to vector<400x128xf32>
    %mul3A_34 = arith.mulf %mul3A_33, %slice3A_32 : vector<400x128xf32>
    %add3A_35 = arith.addf %add3A_25, %mul3A_34 : vector<400x128xf32>
    %slice3A_36 = vector.extract_strided_slice %get3A_8 {offsets = [0, 2], sizes = [400, 1], strides = [1, 1]} : vector<400x16xf32> to vector<400x1xf32>
    %slice3A_37 = vector.extract_strided_slice %get3A_14 {offsets = [0, 256], sizes = [400, 128], strides = [1, 1]} : vector<400x512xf32> to vector<400x128xf32>
    %mul3A_38 = vector.broadcast %slice3A_36 : vector<400x1xf32> to vector<400x128xf32>
    %mul3A_39 = arith.mulf %mul3A_38, %slice3A_37 : vector<400x128xf32>
    %add3A_40 = arith.addf %add3A_30, %mul3A_39 : vector<400x128xf32>
    %slice3A_41 = vector.extract_strided_slice %get3A_8 {offsets = [0, 3], sizes = [400, 1], strides = [1, 1]} : vector<400x16xf32> to vector<400x1xf32>
    %slice3A_42 = vector.extract_strided_slice %get3A_11 {offsets = [0, 384], sizes = [400, 128], strides = [1, 1]} : vector<400x512xf32> to vector<400x128xf32>
    %mul3A_43 = vector.broadcast %slice3A_41 : vector<400x1xf32> to vector<400x128xf32>
    %mul3A_44 = arith.mulf %mul3A_43, %slice3A_42 : vector<400x128xf32>
    %add3A_45 = arith.addf %add3A_35, %mul3A_44 : vector<400x128xf32>
    %slice3A_46 = vector.extract_strided_slice %get3A_8 {offsets = [0, 3], sizes = [400, 1], strides = [1, 1]} : vector<400x16xf32> to vector<400x1xf32>
    %slice3A_47 = vector.extract_strided_slice %get3A_14 {offsets = [0, 384], sizes = [400, 128], strides = [1, 1]} : vector<400x512xf32> to vector<400x128xf32>
    %mul3A_48 = vector.broadcast %slice3A_46 : vector<400x1xf32> to vector<400x128xf32>
    %mul3A_49 = arith.mulf %mul3A_48, %slice3A_47 : vector<400x128xf32>
    %add3A_50 = arith.addf %add3A_40, %mul3A_49 : vector<400x128xf32>
    %concatenate3A = tpu.concatenate %add3A_45, %add3A_50 in 1 : vector<400x128xf32>, vector<400x128xf32> -> vector<400x256xf32>
    %add3A_51 = arith.addf %add3A, %concatenate3A : vector<400x256xf32>
    %mul3A_52 = arith.constant 2.500000e-01 : f32
    %mul3A_53 = vector.broadcast %mul3A_52 : f32 to vector<400x256xf32>
    %mul3A_54 = arith.mulf %mul3A_53, %add3A_51 : vector<400x256xf32>
    %get3A_55 = arith.constant 0 : index
    %get3A_56 = arith.constant 0 : index
    %get3A_57 = vector.load %arg7[%get3A_55, %get3A_56] : memref<1x256xf32, #tpu.memory_space<vmem>>, vector<1x256xf32>
    %add3A_58 = vector.broadcast %get3A_57 : vector<1x256xf32> to vector<400x256xf32>
    %add3A_59 = arith.addf %mul3A_54, %add3A_58 : vector<400x256xf32>
    %max3A = arith.constant 0.000000e+00 : f32
    %max3A_60 = vector.broadcast %max3A : f32 to vector<400x256xf32>
    %max3A_61 = arith.maximumf %add3A_59, %max3A_60 : vector<400x256xf32>
    %iota3A = tpu.iota {dimensions = array<i32: 1>} : vector<400x64xi32>
    %get3A_62 = arith.constant 0 : index
    %get3A_63 = arith.constant 0 : index
    %get3A_64 = vector.load %arg8[%get3A_62, %get3A_63] : memref<400x1xi32, #tpu.memory_space<vmem>>, vector<400x1xi32>
    %eq3A = vector.broadcast %get3A_64 : vector<400x1xi32> to vector<400x64xi32>
    %eq3A_65 = arith.cmpi eq, %iota3A, %eq3A : vector<400x64xi32>
    %jit3A = arith.constant 1.000000e+00 : f32
    %jit3A_66 = arith.constant 0.000000e+00 : f32
    %broadcast_in_dim3A = vector.broadcast %jit3A : f32 to vector<400x64xf32>
    %broadcast_in_dim3A_67 = vector.broadcast %jit3A_66 : f32 to vector<400x64xf32>
    %select_n3A = arith.select %eq3A_65, %broadcast_in_dim3A, %broadcast_in_dim3A_67 : vector<400x64xi1>, vector<400x64xf32>
    %eq3A_68 = arith.constant 0 : i32
    %eq3A_69 = arith.cmpi eq, %arg0, %eq3A_68 : i32
    %convert_element_type3A_70 = arith.extui %eq3A_69 : i1 to i32
    %cond3A = arith.constant 0 : i32
    %cond3A_71 = arith.cmpi ne, %convert_element_type3A_70, %cond3A : i32
    scf.if %cond3A_71 {
      %broadcast_in_dim3A_90 = arith.constant 0.000000e+00 : f32
      %broadcast_in_dim3A_91 = vector.broadcast %broadcast_in_dim3A_90 : f32 to vector<64x256xf32>
      %swap3A_92 = arith.constant 0 : index
      %swap3A_93 = arith.constant 0 : index
      %swap3A_94 = vector.load %arg9[%swap3A_92, %swap3A_93] : memref<64x256xf32, #tpu.memory_space<vmem>>, vector<64x256xf32>
      tpu.vector_store %arg9[%swap3A_92, %swap3A_93], %broadcast_in_dim3A_91 {strides = array<i32>} : memref<64x256xf32, #tpu.memory_space<vmem>>, vector<64x256xf32>,
      %broadcast_in_dim3A_95 = arith.constant 0.000000e+00 : f32
      %broadcast_in_dim3A_96 = vector.broadcast %broadcast_in_dim3A_95 : f32 to vector<64x8xf32>
      %swap3A_97 = arith.constant 0 : index
      %swap3A_98 = arith.constant 0 : index
      %swap3A_99 = vector.load %arg10[%swap3A_97, %swap3A_98] : memref<64x8xf32, #tpu.memory_space<vmem>>, vector<64x8xf32>
      tpu.vector_store %arg10[%swap3A_97, %swap3A_98], %broadcast_in_dim3A_96 {strides = array<i32>} : memref<64x8xf32, #tpu.memory_space<vmem>>, vector<64x8xf32>,
    } else {
    }
    %get3A_72 = arith.constant 0 : index
    %get3A_73 = arith.constant 0 : index
    %get3A_74 = vector.load %arg9[%get3A_72, %get3A_73] : memref<64x256xf32, #tpu.memory_space<vmem>>, vector<64x256xf32>
    %dot_general3A = arith.constant dense<0.000000e+00> : vector<64x256xf32>
    %dot_general3A_75 = tpu.matmul %select_n3A, %max3A_61, %dot_general3A {dimension_numbers = #tpu.dot_dimension_numbers<[0], [0], [1], [1], [0, 1, 1, 1], [], []>, transpose_lhs_hint = false} : vector<400x64xf32>, vector<400x256xf32>, vector<64x256xf32> -> vector<64x256xf32>
    %add3A_76 = arith.addf %get3A_74, %dot_general3A_75 : vector<64x256xf32>
    %swap3A = arith.constant 0 : index
    %swap3A_77 = arith.constant 0 : index
    %swap3A_78 = vector.load %arg9[%swap3A, %swap3A_77] : memref<64x256xf32, #tpu.memory_space<vmem>>, vector<64x256xf32>
    tpu.vector_store %arg9[%swap3A, %swap3A_77], %add3A_76 {strides = array<i32>} : memref<64x256xf32, #tpu.memory_space<vmem>>, vector<64x256xf32>,
    %get3A_79 = arith.constant 0 : index
    %get3A_80 = arith.constant 0 : index
    %get3A_81 = vector.load %arg10[%get3A_79, %get3A_80] : memref<64x8xf32, #tpu.memory_space<vmem>>, vector<64x8xf32>
    %broadcast_in_dim3A_82 = arith.constant 1.000000e+00 : f32
    %broadcast_in_dim3A_83 = vector.broadcast %broadcast_in_dim3A_82 : f32 to vector<400x8xf32>
    %dot_general3A_84 = arith.constant dense<0.000000e+00> : vector<64x8xf32>
    %dot_general3A_85 = tpu.matmul %select_n3A, %broadcast_in_dim3A_83, %dot_general3A_84 {dimension_numbers = #tpu.dot_dimension_numbers<[0], [0], [1], [1], [0, 1, 1, 1], [], []>, transpose_lhs_hint = false} : vector<400x64xf32>, vector<400x8xf32>, vector<64x8xf32> -> vector<64x8xf32>
    %add3A_86 = arith.addf %get3A_81, %dot_general3A_85 : vector<64x8xf32>
    %swap3A_87 = arith.constant 0 : index
    %swap3A_88 = arith.constant 0 : index
    %swap3A_89 = vector.load %arg10[%swap3A_87, %swap3A_88] : memref<64x8xf32, #tpu.memory_space<vmem>>, vector<64x8xf32>
    tpu.vector_store %arg10[%swap3A_87, %swap3A_88], %add3A_86 {strides = array<i32>} : memref<64x8xf32, #tpu.memory_space<vmem>>, vector<64x8xf32>,
    return
  }
  func.func @transform_0(%arg0: i32) -> (i32, i32) {
    %c0_i32 = arith.constant 0 : i32
    %c0_i32_0 = arith.constant 0 : i32
    return %arg0, %c0_i32 : i32, i32
  }
  func.func @transform_1(%arg0: i32) -> (i32, i32) {
    %c0_i32 = arith.constant 0 : i32
    %c0_i32_0 = arith.constant 0 : i32
    return %arg0, %c0_i32 : i32, i32
  }
  func.func @transform_2(%arg0: i32) -> (i32, i32) {
    %c0_i32 = arith.constant 0 : i32
    %c0_i32_0 = arith.constant 0 : i32
    return %arg0, %c0_i32 : i32, i32
  }
  func.func @transform_3(%arg0: i32) -> (i32, i32) {
    %c0_i32 = arith.constant 0 : i32
    %c0_i32_0 = arith.constant 0 : i32
    return %arg0, %c0_i32 : i32, i32
  }
  func.func @transform_4(%arg0: i32) -> (i32, i32) {
    %c0_i32 = arith.constant 0 : i32
    %c0_i32_0 = arith.constant 0 : i32
    return %arg0, %c0_i32 : i32, i32
  }
  func.func @transform_5(%arg0: i32) -> (i32, i32) {
    %c0_i32 = arith.constant 0 : i32
    %c0_i32_0 = arith.constant 0 : i32
    return %arg0, %c0_i32 : i32, i32
  }
  func.func @transform_6(%arg0: i32) -> (i32, i32) {
    %c0_i32 = arith.constant 0 : i32
    %c0_i32_0 = arith.constant 0 : i32
    %c0_i32_1 = arith.constant 0 : i32
    return %c0_i32, %c0_i32_0 : i32, i32
  }
  func.func @transform_7(%arg0: i32) -> (i32, i32) {
    %c0_i32 = arith.constant 0 : i32
    %c0_i32_0 = arith.constant 0 : i32
    return %arg0, %c0_i32 : i32, i32
  }
  func.func @transform_8(%arg0: i32) -> (i32, i32) {
    %c0_i32 = arith.constant 0 : i32
    %c0_i32_0 = arith.constant 0 : i32
    %c0_i32_1 = arith.constant 0 : i32
    return %c0_i32, %c0_i32_0 : i32, i32
  }
  func.func @transform_9(%arg0: i32) -> (i32, i32) {
    %c0_i32 = arith.constant 0 : i32
    %c0_i32_0 = arith.constant 0 : i32
    %c0_i32_1 = arith.constant 0 : i32
    return %c0_i32, %c0_i32_0 : i32, i32
  }
}

module attributes {stable_mosaic.version = 14 : i64} {
  func.func @body(%arg0: memref<64x256xf32, #tpu.memory_space<vmem>>, %arg1: memref<64x8xf32, #tpu.memory_space<vmem>>, %arg2: memref<256x4xf32, #tpu.memory_space<vmem>>, %arg3: memref<1x4xf32, #tpu.memory_space<vmem>>, %arg4: memref<64x4xf32, #tpu.memory_space<vmem>>) attributes {dimension_semantics = [], scalar_prefetch = 0 : i64, scratch_operands = 0 : i64, tpu.core_type = #tpu.core_type<tc>} {
    %get3A = arith.constant 0 : index
    %get3A_0 = arith.constant 0 : index
    %get3A_1 = vector.load %arg0[%get3A, %get3A_0] : memref<64x256xf32, #tpu.memory_space<vmem>>, vector<64x256xf32>
    %get3A_2 = arith.constant 0 : index
    %get3A_3 = arith.constant 0 : index
    %get3A_4 = vector.load %arg1[%get3A_2, %get3A_3] : memref<64x8xf32, #tpu.memory_space<vmem>>, vector<64x1xf32>
    %max3A = arith.constant 1.000000e+00 : f32
    %max3A_5 = vector.broadcast %max3A : f32 to vector<64x1xf32>
    %max3A_6 = arith.maximumf %get3A_4, %max3A_5 : vector<64x1xf32>
    %div3A = vector.broadcast %max3A_6 : vector<64x1xf32> to vector<64x256xf32>
    %div3A_7 = arith.divf %get3A_1, %div3A : vector<64x256xf32>
    %get3A_8 = arith.constant 0 : index
    %get3A_9 = arith.constant 0 : index
    %get3A_10 = vector.load %arg2[%get3A_8, %get3A_9] : memref<256x4xf32, #tpu.memory_space<vmem>>, vector<256x4xf32>
    %dot_general3A = arith.constant dense<0.000000e+00> : vector<64x4xf32>
    %dot_general3A_11 = tpu.matmul %div3A_7, %get3A_10, %dot_general3A {dimension_numbers = #tpu.dot_dimension_numbers<[1], [0], [0], [1], [0, 0, 1, 1], [], []>, transpose_lhs_hint = false} : vector<64x256xf32>, vector<256x4xf32>, vector<64x4xf32> -> vector<64x4xf32>
    %get3A_12 = arith.constant 0 : index
    %get3A_13 = arith.constant 0 : index
    %get3A_14 = vector.load %arg3[%get3A_12, %get3A_13] : memref<1x4xf32, #tpu.memory_space<vmem>>, vector<1x4xf32>
    %add3A = vector.broadcast %get3A_14 : vector<1x4xf32> to vector<64x4xf32>
    %add3A_15 = arith.addf %dot_general3A_11, %add3A : vector<64x4xf32>
    %swap3A = arith.constant 0 : index
    %swap3A_16 = arith.constant 0 : index
    %swap3A_17 = vector.load %arg4[%swap3A, %swap3A_16] : memref<64x4xf32, #tpu.memory_space<vmem>>, vector<64x4xf32>
    tpu.vector_store %arg4[%swap3A, %swap3A_16], %add3A_15 {strides = array<i32>} : memref<64x4xf32, #tpu.memory_space<vmem>>, vector<64x4xf32>,
    return
  }
}

</mosaic_0001>

<sc_bundles>
// kernel: kernel.14.cloned.1.call-start
scs
__scs_entry_jumppad:
0x0: {  	(pc) =	sbr.rel $0x88, $3  }
0x1: {  	(tag) =	ssettag $0x0;
	lr =	simm.s32 $0x1  }
0x2: {  	[smem:$0x3F8E] =	sst lr;
	_ =	strace $0xD0000000  }
0x3: {  	_ = 	snop  }
0x4: {  	_ = 	snop  }
0x5: {  	_ = 	snop  }
0x6: {  	_ = 	snop  }
0x7: {  	_ = 	snop  }
__scs_overlays_trampoline_lowered:
0x8: {  	[smem:$0x3F9D] =	sst s0  }
0x9: {  	[smem:$0x3F9E] =	sst s1  }
0xa: {  	[smem:$0x3F9F] =	sst s2  }
0xb: {  	[smem:$0x3FA0] =	sst s3  }
0xc: {  	[smem:$0x3FA1] =	sst s4  }
0xd: {  	[smem:$0x3FA2] =	sst s5  }
0xe: {  	[smem:$0x3FA3] =	sst s6  }
0xf: {  	[smem:$0x3FA4] =	sst s7  }
0x10: {  	[smem:$0x3FA5] =	sst s8  }
0x11: {  	[smem:$0x3FA6] =	sst s9;
	s0 =	simm.s32 @!p0 $0x0  }
0x12: {  	s1 =	sld [smem:$0x3F8C];
	s0 =	simm.s32 @p0 $0x1  }
0x13: {  	[smem:$0x3FA7] =	sst s0;
	s0 =	simm.s32 @!p1 $0x0  }
0x14: {  	s2 =	sld [smem:$0x3F8B];
	s0 =	simm.s32 @p1 $0x1  }
0x15: {  	[smem:$0x3FA8] =	sst s0;
	s0 =	simm.s32 @!p2 $0x0  }
0x16: {  	s3 =	sld [smem:$0x3FDB];
	s0 =	simm.s32 @p2 $0x1  }
0x17: {  	s4 =	simm.s32 $0x1BF5;
	[smem:$0x3FAA] =	sst s0  }
0x18: {  	s0 =	sld [smem:$0x3F8D];
	_ =	swait.ge [sflag:s4], $0x0  }
0x19: {  	s7 =	sld [smem:$0x3F8E]  }
0x1a: {  	s8 =	sadd.s32 $0xFFFFE003, lr  }
0x1b: {  	s9 =	sadd.s32 $0xFFFFFEF7, lr;
	s5 =	simm.s32 $0xFFFFFFFF;
	p2 =	slt.u32 s8, $0xFFFFF086  }
0x1c: {  	p1 =	slt.u32 s9, $0xF7A;
	s5 =	simm.s32 @!p2 $0x0  }
0x1d: {  	s5 =	simm.s32 @p1 $0x1;
	p0 =	seq.s32 s7, s2  }
0x1e: {  	s7 =	smul.u32 @!p0 $0xF7A, s2;
	p2 =	seq.s32 @!p0 s5, $0x0  }
0x1f: {  	s9 =	smul.u32 $0xF7A, s1;
	s8 =	simm.s32 @!p0 $0x1BF5;
	p2 =	por !p2, p0  }
0x20: {  	[sflag:s8] =	ssyncset.s32 @!p0 $0xFFFFF086;
	s6 =	sadd.s32 @!p0 s3, s7;
	s7 =	simm.s32 @!p0 $0x108  }
0x21: {  	s3 =	sadd.s32 s3, s9;
	s6 =	sadd.s32 @!p0 $0x88, s6;
	s7 =	simm.s32 @p2 $0x1082  }
0x22: {  	[simem:s7], [sflag:s8] =	dma.local @!p0 [hbm:s6], $0xF7A  }
0x23: {  	s9 =	sor.u32 $0xD0000000, s2;
	s6 =	simm.s32 $0x108;
	_ =	swait.ge @!p0 [sflag:s8], $0x0  }
0x24: {  	s3 =	sadd.s32 $0x88, s3;
	s6 =	simm.s32 @!p1 $0x1082;
	[sflag:s4] =	ssyncset.s32 $0xFFFFF086  }
0x25: {  	[simem:s6], [sflag:s4] =	dma.local [hbm:s3], $0xF7A  }
0x26: {  	[smem:$0x3F8E] =	sst s1;
	(tag) =	ssettag s2;
	_ =	strace s9  }
0x27: {  	s1 =	sld [smem:$0x3F9E]  }
0x28: {  	s2 =	sld [smem:$0x3F9F]  }
0x29: {  	s4 =	sld [smem:$0x3FA1]  }
0x2a: {  	p0 =	seq.s32 s5, $0x0;
	s5 =	sld [smem:$0x3FA2]  }
0x2b: {  	s6 =	sld [smem:$0x3FA3]  }
0x2c: {  	s7 =	sld [smem:$0x3FA4]  }
0x2d: {  	s3 =	simm.s32 $0x108;
	s8 =	sld [smem:$0x3FA5]  }
0x2e: {  	s3 =	simm.s32 @!p0 $0x1082;
	s9 =	sld [smem:$0x3FA6]  }
0x2f: {  	lr =	sadd.s32 s0, s3;
	s0 =	sld [smem:$0x3F9D]  }
0x30: {  	s3 =	sld [smem:$0x3FA0]  }
0x31: {  	[smem:$0x3FA9] =	sst s10  }
0x32: {  	s10 =	sld [smem:$0x3FA7];
	_ =	sdelay $0x3  }
0x33: {  	p0 =	seq.s32 s10, $0x1;
	s10 =	sld [smem:$0x3FA9];
	_ =	sdelay $0x3  }
0x34: {  	[smem:$0x3FA9] =	sst s10  }
0x35: {  	s10 =	sld [smem:$0x3FA8];
	_ =	sdelay $0x3  }
0x36: {  	p1 =	seq.s32 s10, $0x1;
	s10 =	sld [smem:$0x3FA9];
	_ =	sdelay $0x3  }
0x37: {  	[smem:$0x3FA9] =	sst s10  }
0x38: {  	s10 =	sld [smem:$0x3FAA]  }
0x39: {  	_ = 	snop;
	(pc) =	sbr.ind lr, $3  }
0x3a: {  	_ = 	snop  }
0x3b: {  	_ = 	snop  }
0x3c: {  	p2 =	seq.s32 s10, $0x1;
	s10 =	sld [smem:$0x3FA9]  }
0x3d: {  	_ =	shalt  }
0x3e: {  	_ =	shalt  }
0x3f: {  	_ =	shalt  }
0x40: {  	_ =	shalt  }
0x41: {  	_ =	shalt  }
0x42: {  	_ =	shalt  }
0x43: {  	_ =	shalt  }
0x44: {  	_ =	shalt  }
0x45: {  	_ =	shalt  }
0x46: {  	_ =	shalt  }
0x47: {  	_ =	shalt  }
0x48: {  	_ =	shalt  }
0x49: {  	_ =	shalt  }
0x4a: {  	_ =	shalt  }
0x4b: {  	_ =	shalt  }
0x4c: {  	_ =	shalt  }
0x4d: {  	_ =	shalt  }
0x4e: {  	_ =	shalt  }
0x4f: {  	_ =	shalt  }
0x50: {  	_ =	shalt  }
0x51: {  	_ =	shalt  }
0x52: {  	_ =	shalt  }
0x53: {  	_ =	shalt  }
0x54: {  	_ =	shalt  }
0x55: {  	_ =	shalt  }
0x56: {  	_ =	shalt  }
0x57: {  	_ =	shalt  }
0x58: {  	_ =	shalt  }
0x59: {  	_ =	shalt  }
0x5a: {  	_ =	shalt  }
0x5b: {  	_ =	shalt  }
0x5c: {  	_ =	shalt  }
0x5d: {  	_ =	shalt  }
0x5e: {  	_ =	shalt  }
0x5f: {  	_ =	shalt  }
0x60: {  	_ =	shalt  }
0x61: {  	_ =	shalt  }
0x62: {  	_ =	shalt  }
0x63: {  	_ =	shalt  }
0x64: {  	_ =	shalt  }
0x65: {  	_ =	shalt  }
0x66: {  	_ =	shalt  }
0x67: {  	_ =	shalt  }
0x68: {  	_ =	shalt  }
0x69: {  	_ =	shalt  }
0x6a: {  	_ =	shalt  }
0x6b: {  	_ =	shalt  }
0x6c: {  	_ =	shalt  }
0x6d: {  	_ =	shalt  }
0x6e: {  	_ =	shalt  }
0x6f: {  	_ =	shalt  }
0x70: {  	_ =	shalt  }
0x71: {  	_ =	shalt  }
0x72: {  	_ =	shalt  }
0x73: {  	_ =	shalt  }
0x74: {  	_ =	shalt  }
0x75: {  	_ =	shalt  }
0x76: {  	_ =	shalt  }
0x77: {  	_ =	shalt  }
0x78: {  	_ =	shalt  }
0x79: {  	_ =	shalt  }
0x7a: {  	_ =	shalt  }
0x7b: {  	_ =	shalt  }
0x7c: {  	_ =	shalt  }
0x7d: {  	_ =	shalt  }
0x7e: {  	_ =	shalt  }
0x7f: {  	_ =	shalt  }
0x80: {  	_ =	shalt  }
0x81: {  	_ =	shalt  }
0x82: {  	_ =	shalt  }
0x83: {  	_ =	shalt  }
0x84: {  	_ =	shalt  }
0x85: {  	_ =	shalt  }
0x86: {  	_ =	shalt  }
0x87: {  	_ =	shalt  }
.Lfunc_end0:
.L_simem_size_0:
called_computation_lowered:
.L_overlay_start_0:
0x88: {  	s2 =	sld [smem:$0x3FD9]  }
0x89: {  	s3 =	sld [smem:$0x3FFE];
	_ =	sdelay $0x1  }
0x8a: {  	s1 =	srdreg.scid  }
0x8b: {  	s0 =	sand.u32 $0x1, s1  }
0x8c: {  	s16 =	sshll.u32 s0, $0xA;
	s2 =	sadd.s32 s3, s2  }
0x8d: {  	s2 =	sadd.s32 s2, s16  }
0x8e: {  	[smem:$0x3FB5] =	sst s2  }
0x8f: {  	_ = 	snop  }
0x90: {  	(tm) =	ssettm $0x1  }
0x91: {  	s17 =	sld [smem:$0x3FFB];
	_ =	sdelay $0x3  }
0x92: {  	_ =	strace s17  }
0x93: {  	s2 =	sld [smem:$0x3FFC];
	_ =	sdelay $0x3  }
0x94: {  	_ =	strace s2  }
0x95: {  	s2 =	sld [smem:$0x3FFD];
	_ =	sdelay $0x3  }
0x96: {  	_ =	strace s2  }
0x97: {  	_ =	strace $0x8FFFFFFF  }
0x98: {  	s18 =	sld [smem:$0x3FDB];
	_ =	sdelay $0x1  }
0x99: {  	s19 =	simm.s32 $_scs_section_size  }
0x9a: {  	s4 =	simm.s32 $_size__tile_overlayer_lowered;
	s5 =	simm.s32 $_tile_overlayer_lowered  }
0x9b: {  	s22 =	simm.s32 $0x1BFF;
	s21 =	sshll.u32 s5, $0x1;
	s2 =	sadd.s32 s19, s18  }
0x9c: {  	s6 =	simm.s32 $0x0;
	s20 =	sshll.u32 s4, $0x1;
	s4 =	sadd.s32 s21, s2  }
0x9d: {  	[timem:s6], [sflag:s22] =	dma.local [hbm:s4], s20  }
0x9e: {  	_ =	swait.ge [sflag:s22], s20  }
0x9f: {  	s3 =	ssub.s32 $0x0, s20;
	[sflag:s22] =	ssyncset.done $0x0  }
0xa0: {  	[sflag:s22] =	ssyncadd.s32 s3;
	_ =	sdelay $0x1  }
0xa1: {  	s23 =	simm.s32 $0x1B8B  }
0xa2: {  	_ =	swait.ge [sflag:s23], $0x1  }
0xa3: {  	[sflag:s23] =	ssyncset.done $0x0  }
0xa4: {  	s25 =	simm.s32 $0x1B8E;
	s24 =	sld [smem:$0x3FFE];
	[sflag:s23] =	ssyncadd.s32 $0xFFFFFFFF  }
0xa5: {  	s26 =	simm.s32 $execute0_lowered;
	[smem:$0x3FD2] =	sst s25  }
0xa6: {  	s4 =	sshll.u32 s26, $0x1;
	_ =	strace $0x80000046;
	[dreg:$0x1] =	wrdreg $0xFFFFFFFF  }
0xa7: {  	s28 =	simm.s32 $_size_execute0_lowered;
	s2 =	sadd.s32 s2, s4;
	[dreg:$0x0] =	wrdreg $0x0  }
0xa8: {  	s4 =	sshll.u32 s28, $0x1;
	[dreg:$0x2] =	wrdreg s2  }
0xa9: {  	[dreg:$0x3] =	wrdreg s4  }
0xaa: {  	[dreg:$0x4] =	wrdreg $0xC0  }
0xab: {  	_ =	task [dreg:s6], $0x5FFFF  }
0xac: {  	[dreg:$0x1] =	wrdreg $0xFFFFFFFF  }
0xad: {  	[dreg:$0x0] =	wrdreg $0x60  }
0xae: {  	[dreg:$0x2] =	wrdreg s24  }
0xaf: {  	[dreg:$0x3] =	wrdreg $0x24000  }
0xb0: {  	[dreg:$0x4] =	wrdreg $0x9  }
0xb1: {  	_ =	task.clear_ibuf [dreg:s6], $0x5FFFF;
	_ =	strace $0x90000046  }
0xb2: {  	s29 =	simm.s32 $0x9;
	_ =	strace $0x80000048  }
0xb3: {  	_ =	swait.ge [sflag:s29], $0x1  }
0xb4: {  	[sflag:s29] =	ssyncadd.s32 $0xFFFFFFFF  }
0xb5: {  	_ =	strace $0x90000048  }
0xb6: {  	_ =	sfence  }
0xb7: {  	s30 =	sld [smem:$0x0];
	_ =	sdelay $0x2  }
0xb8: {  	s31 =	sshll.u32 s1, $0xD;
	s1 =	sshrl.u32 s1, $0x2  }
0xb9: {  	s3 =	sand.u32 $0x4000, s31;
	s1 =	sadd.s32 s1, s30  }
0xba: {  	s0 =	sor.u32 s3, s0;
	s1 =	sshll.u32 s1, $0x11  }
0xbb: {  	s0 =	sor.u32 s1, s0  }
0xbc: {  	s0 =	sadd.s32 $0x8F2B, s0  }
0xbd: {  	[sflag:s0] =	ssyncadd.remote.s32 $0x1  }
0xbe: {  	_ =	sfence.sel $0xFFFF  }
0xbf: {  	[dreg:$0x0] =	wrdreg $0xFFFFFFFF;
	(pc) =	sbr.abs _section_cstart, $3  }
0xc0: {  	[dreg:$0x1] =	wrdreg $0xFFFFFFFF  }
0xc1: {  	_ =	task.clear_ibuf [dreg:s6], $0x2FFFF;
	_ =	strace $0x9FFFFFFF  }
0xc2: {  	(tm) =	ssettm $0x7FFFFFFF  }
0xc3: {  	_ =	shalt  }
tec
execute0_lowered:
.L_overlay_start_1:
0x0: {  	(tag) =	ssettag $0x1  }
0x1: {  	s5 =	rddreg [dreg:$0x0]  }
0x2: {  	s1 =	rddreg [dreg:$0x1]  }
0x3: {  	s2 =	srdreg.scid;
	s0 =	rddreg [dreg:$0x2]  }
0x4: {  	s13 =	stileid.u32;
	s20 =	simm.s32 $0x0;
	s6 =	sand.u32 $0x1, s2  }
0x5: {  	s2 =	simm.s32 $0x0;
	s12 =	sadd.s32 $0x5400, s5;
	s8 =	smul.u32 $0x9C00, s13  }
0x6: {  	s4 =	sadd.s32 $0xF800, s5;
	s9 =	sadd.s32 $0xFE00, s5;
	s10 =	smul.u32 $0x4E0, s13  }
0x7: {  	s25 =	sshll.u32 s13, $0x6;
	s18 =	smul.u32 $0x2800, s13;
	s19 =	sadd.s32 $0x27000, s1  }
0x8: {  	p0 =	sne.s32 s13, $0x0;
	s3 =	sshll.u32 s6, $0x4;
	s14 =	smul.u32 $0x4E20, s6  }
0x9: {  	[smem:$0x7FF] =	sst s2;
	s24 =	ssub.s32 $0x2, s6;
	s16 =	smul.u32 $0x27100, s6  }
0xa: {  	s17 =	smul.u32 $0x28000, s6;
	s3 =	sor.u32 s13, s3;
	_ =	strace $0x80000047  }
0xb: {  	s11 =	sshrl.u32 s24, $0x1;
	s8 =	sshrl.u32 s8, $0x2;
	s7 =	smul.u32 $0x2800, s3  }
0xc: {  	s3 =	sadd.s32 $0xF400, s5;
	s11 =	ssub.s32 s24, s11;
	s15 =	sadd.s32 s8, s1  }
0xd: {  	s5 =	sor.u32 $0x1C03, s25;
	s26 =	sadd.s32 s10, s14;
	s28 =	sshrl.u32 s16, $0x3  }
0xe: {  	s29 =	sadd.s32 s18, s17;
	s16 =	simm.s32 $0x400;
	s17 =	simm.s32 $0x200  }
0xf: {  	s18 =	simm.s32 $0x1;
	s8 =	sadd.s32 s9, s26;
	s9 =	sadd.s32 s9, s28  }
0x10: {  	s30 =	sor.u32 $0x600, s29;
	s14 =	sor.u32 $0x400, s29;
	s10 =	smax.u32 s11, $0x1  }
0x11: {  	s13 =	sshrl.u32 s15, $0x3;
	s15 =	sshrl.u32 @!p0 s19, $0x3;
	s19 =	simm.s32 $0x2  }
0x12: {  	s7 =	sshrl.u32 s7, $0x3;
	s9 =	sadd.s32 $0x4E00, s9;
	s31 =	sshrl.u32 s30, $0x3  }
0x13: {  	s14 =	sshrl.u32 s14, $0x3;
	s6 =	sadd.s32 s12, s7;
	s11 =	sadd.s32 s31, s12  }
0x14: {  	s12 =	sadd.s32 s14, s12;
	s14 =	simm.s32 $0x3;
	s7 =	sadd.s32 $0x40, s6  }
.LBB2_1:
0x15: {  	[spmem:s13], [sflag:s5] =	dma.local [hbm:s4], $0x4E0  }
0x16: {  	_ =	swait.ge [sflag:s14], $0x4E0  }
0x17: {  	[sflag:s14] =	ssyncset.done $0x0  }
0x18: {  	s21 =	simm.s32 @!p0 $0x3;
	[sflag:s14] =	ssyncadd.s32 $0xFFFFFB20  }
0x19: {  	[spmem:s15], [sflag:s5] =	dma.local @!p0 [hbm:s4], $0x30  }
0x1a: {  	_ =	swait.ge @!p0 [sflag:s21], $0x30  }
0x1b: {  	[sflag:s21] =	ssyncset.done @!p0 $0x0  }
0x1c: {  	[sflag:s21] =	ssyncadd.s32 @!p0 $0xFFFFFFD0  }
0x1d: {  	[tilespmem:s16], [sflag:$0x3] =	stream.linear.gather [hbm4b:s3+s2], $0x2000, $0x38;
	[tilespmem:$0x4B18] =	vst v63  }
0x1e: {  	_ =	swait.ge [sflag:s14], $0x2000  }
0x1f: {  	[sflag:s14] =	ssyncset.done $0x0  }
0x20: {  	[sflag:s14] =	ssyncadd.s32 $0xFFFFE000  }
0x21: {  	[bflag:$0x0] =	sbarrier.arrive $0xFFFF  }
0x22: {  	[tilespmem:s2], [sflag:$0x1] =	stream.linear.gather [hbm4b:s6+s2], $0x200, $0x38;
	[tilespmem:$0x4B18] =	vst v63  }
0x23: {  	_ = 	snop  }
0x24: {  	[tilespmem:s17], [sflag:$0x2] =	stream.linear.gather [hbm4b:s7+s2], $0x200, $0x38;
	[tilespmem:$0x4B18] =	vst v63  }
0x25: {  	_ =	swait.ge [sflag:s18], $0x200  }
0x26: {  	[sflag:s18] =	ssyncset.done $0x0  }
0x27: {  	[sflag:s18] =	ssyncadd.s32 $0xFFFFFE00  }
0x28: {  	[spmem:s1] =	stream.indirect.scatter.add.f32 [tilespmem:s16], [sflag:$0x3], $0x10, s2, s17, $0xb8;
	[tilespmem:$0x4B18] =	vst v63  }
0x29: {  	_ =	swait.ge [sflag:s14], $0x2000  }
0x2a: {  	[sflag:s14] =	ssyncset.done $0x0  }
0x2b: {  	s31 =	sadd.s32 $0x0, s12;
	[sflag:s14] =	ssyncadd.s32 $0xFFFFE000  }
0x2c: {  	[tilespmem:s2], [sflag:$0x1] =	stream.linear.gather [hbm4b:s31+s2], $0x200, $0x38;
	[tilespmem:$0x4B18] =	vst v63  }
0x2d: {  	_ =	swait.ge [sflag:s19], $0x200  }
0x2e: {  	[sflag:s19] =	ssyncset.done $0x0  }
0x2f: {  	[sflag:s19] =	ssyncadd.s32 $0xFFFFFE00  }
0x30: {  	[spmem:s1] =	stream.indirect.scatter.add.f32 [tilespmem:s16], [sflag:$0x3], $0x10, s17, s17, $0xb8;
	[tilespmem:$0x4B18] =	vst v63  }
0x31: {  	_ =	swait.ge [sflag:s14], $0x2000  }
0x32: {  	[sflag:s14] =	ssyncset.done $0x0  }
0x33: {  	s22 =	sadd.s32 $0x0, s11;
	s21 =	simm.s32 $0x80;
	[sflag:s14] =	ssyncadd.s32 $0xFFFFE000  }
.LBB2_2:
0x34: {  	[tilespmem:s17], [sflag:$0x2] =	stream.linear.gather [hbm4b:s22+s2], $0x200, $0x38;
	[tilespmem:$0x4B18] =	vst v63  }
0x35: {  	s22 =	smov.u32 s21  }
0x36: {  	p1 =	sne.s32 s21, $0x400;
	s21 =	sadd.s32 $0x80, s21;
	_ =	swait.ge [sflag:s18], $0x200  }
0x37: {  	[sflag:s18] =	ssyncset.done $0x0  }
0x38: {  	[sflag:s18] =	ssyncadd.s32 $0xFFFFFE00  }
0x39: {  	[spmem:s1] =	stream.indirect.scatter.add.f32 [tilespmem:s16], [sflag:$0x3], $0x10, s2, s17, $0xb8;
	[tilespmem:$0x4B18] =	vst v63  }
0x3a: {  	_ =	swait.ge [sflag:s14], $0x2000  }
0x3b: {  	[sflag:s14] =	ssyncset.done $0x0  }
0x3c: {  	s23 =	sadd.s32 s22, s12;
	[sflag:s14] =	ssyncadd.s32 $0xFFFFE000  }
0x3d: {  	[tilespmem:s2], [sflag:$0x1] =	stream.linear.gather [hbm4b:s23+s2], $0x200, $0x38;
	[tilespmem:$0x4B18] =	vst v63  }
0x3e: {  	_ =	swait.ge [sflag:s19], $0x200  }
0x3f: {  	[sflag:s19] =	ssyncset.done $0x0  }
.Ltmp0:
0x40: {  	[sflag:s19] =	ssyncadd.s32 $0xFFFFFE00;
	(pc) =	sbr.rel @p1 .LBB2_2-.Ltmp0, $4  }
0x41: {  	[spmem:s1] =	stream.indirect.scatter.add.f32 [tilespmem:s16], [sflag:$0x3], $0x10, s17, s17, $0xb8;
	[tilespmem:$0x4B18] =	vst v63  }
0x42: {  	_ =	swait.ge [sflag:s14], $0x2000  }
0x43: {  	[sflag:s14] =	ssyncset.done $0x0  }
0x44: {  	s22 =	sadd.s32 s22, s11;
	[sflag:s14] =	ssyncadd.s32 $0xFFFFE000  }
0x45: {  	[tilespmem:s17], [sflag:$0x2] =	stream.linear.gather [hbm4b:s22+s2], $0x200, $0x38;
	[tilespmem:$0x4B18] =	vst v63  }
0x46: {  	_ =	swait.ge [sflag:s18], $0x200  }
0x47: {  	[sflag:s18] =	ssyncset.done $0x0  }
0x48: {  	[sflag:s18] =	ssyncadd.s32 $0xFFFFFE00  }
0x49: {  	[spmem:s1] =	stream.indirect.scatter.add.f32 [tilespmem:s16], [sflag:$0x3], $0x10, s2, s17, $0xb8;
	[tilespmem:$0x4B18] =	vst v63  }
0x4a: {  	_ =	swait.ge [sflag:s14], $0x2000  }
0x4b: {  	[sflag:s14] =	ssyncset.done $0x0  }
0x4c: {  	[sflag:s14] =	ssyncadd.s32 $0xFFFFE000  }
0x4d: {  	_ =	swait.ge [sflag:s19], $0x200  }
0x4e: {  	[sflag:s19] =	ssyncset.done $0x0  }
0x4f: {  	[sflag:s19] =	ssyncadd.s32 $0xFFFFFE00  }
0x50: {  	[spmem:s1] =	stream.indirect.scatter.add.f32 [tilespmem:s16], [sflag:$0x3], $0x10, s17, s17, $0xb8;
	[tilespmem:$0x4B18] =	vst v63  }
0x51: {  	_ =	swait.ge [sflag:s14], $0x2000  }
0x52: {  	[sflag:s14] =	ssyncset.done $0x0  }
0x53: {  	[sflag:s14] =	ssyncadd.s32 $0xFFFFE000  }
0x54: {  	[bflag:$0x0] =	sbarrier.arrive $0xFFFF  }
0x55: {  	[hbm:s8], [sflag:s5] =	dma.local [spmem:s13], $0x4E0  }
0x56: {  	s20 =	sadd.s32 $0x1, s20;
	_ =	swait.ge [sflag:s14], $0x4E0  }
0x57: {  	p1 =	sne.s32 s20, s10;
	[sflag:s14] =	ssyncset.done $0x0  }
.Ltmp1:
0x58: {  	s21 =	simm.s32 @!p0 $0x3;
	[sflag:s14] =	ssyncadd.s32 $0xFFFFFB20;
	(pc) =	sbr.rel @p1 .LBB2_1-.Ltmp1, $4  }
0x59: {  	[hbm:s9], [sflag:s5] =	dma.local @!p0 [spmem:s15], $0x20  }
0x5a: {  	_ =	swait.ge @!p0 [sflag:s21], $0x20  }
0x5b: {  	[sflag:s21] =	ssyncset.done @!p0 $0x0  }
0x5c: {  	[sflag:s21] =	ssyncadd.s32 @!p0 $0xFFFFFFE0  }
0x5d: {  	_ =	sfence.sel $0x180000  }
0x5e: {  	[bflag:$0x0] =	sbarrier.arrive $0xFFFF  }
0x5f: {  	_ =	strace $0x90000047  }
0x60: {  	s0 =	sadd.s32 @!p0 $0x100000, s0;
	[bflag:$0x2] =	sbarrier.arrive $0xFFFF  }
0x61: {  	[sflag:s0] =	ssyncadd.tile.s32 @!p0 $0x1;
	_ =	shalt  }
.Lfunc_end2:
_tile_overlayer_lowered:
.L_overlay_start_2:
0x62: {  	(tag) =	ssettag $0x2  }
0x63: {  	s0 =	rddreg [dreg:$0x0];
	s2 =	stileid.u32  }
0x64: {  	s1 =	rddreg [dreg:$0x1];
	p0 =	sne.s32 s2, $0x0  }
0x65: {  	s3 =	rddreg [dreg:$0x2];
	[bflag:$0x3] =	sbarrier.arrive $0xFFFF;
	s2 =	simm.s32 @!p0 $0x1C03  }
0x66: {  	[timem:s3], [sflag:s2] =	dma.local @!p0 [hbm:s0], s1  }
0x67: {  	s0 =	simm.s32 @!p0 $0x3  }
0x68: {  	_ =	swait.ge @!p0 [sflag:s0], s1  }
0x69: {  	s1 =	ssub.s32 @!p0 $0x0, s1;
	[sflag:s0] =	ssyncset.done @!p0 $0x0  }
0x6a: {  	[sflag:s0] =	ssyncadd.s32 @!p0 s1  }
0x6b: {  	[bflag:$0x3] =	sbarrier.arrive $0xFFFF  }
0x6c: {  	_ =	shalt  }

// kernel: kernel.17.cloned.1.call-start
scs
__scs_entry_jumppad:
0x0: {  	(pc) =	sbr.rel $0x88, $3  }
0x1: {  	(tag) =	ssettag $0x0;
	lr =	simm.s32 $0x1  }
0x2: {  	[smem:$0x3F8E] =	sst lr;
	_ =	strace $0xD0000000  }
0x3: {  	_ = 	snop  }
0x4: {  	_ = 	snop  }
0x5: {  	_ = 	snop  }
0x6: {  	_ = 	snop  }
0x7: {  	_ = 	snop  }
__scs_overlays_trampoline_lowered:
0x8: {  	[smem:$0x3F9D] =	sst s0  }
0x9: {  	[smem:$0x3F9E] =	sst s1  }
0xa: {  	[smem:$0x3F9F] =	sst s2  }
0xb: {  	[smem:$0x3FA0] =	sst s3  }
0xc: {  	[smem:$0x3FA1] =	sst s4  }
0xd: {  	[smem:$0x3FA2] =	sst s5  }
0xe: {  	[smem:$0x3FA3] =	sst s6  }
0xf: {  	[smem:$0x3FA4] =	sst s7  }
0x10: {  	[smem:$0x3FA5] =	sst s8  }
0x11: {  	[smem:$0x3FA6] =	sst s9;
	s0 =	simm.s32 @!p0 $0x0  }
0x12: {  	s1 =	sld [smem:$0x3F8C];
	s0 =	simm.s32 @p0 $0x1  }
0x13: {  	[smem:$0x3FA7] =	sst s0;
	s0 =	simm.s32 @!p1 $0x0  }
0x14: {  	s2 =	sld [smem:$0x3F8B];
	s0 =	simm.s32 @p1 $0x1  }
0x15: {  	[smem:$0x3FA8] =	sst s0;
	s0 =	simm.s32 @!p2 $0x0  }
0x16: {  	s3 =	sld [smem:$0x3FDB];
	s0 =	simm.s32 @p2 $0x1  }
0x17: {  	s4 =	simm.s32 $0x1BF5;
	[smem:$0x3FAA] =	sst s0  }
0x18: {  	s0 =	sld [smem:$0x3F8D];
	_ =	swait.ge [sflag:s4], $0x0  }
0x19: {  	s7 =	sld [smem:$0x3F8E]  }
0x1a: {  	s8 =	sadd.s32 $0xFFFFE003, lr  }
0x1b: {  	s9 =	sadd.s32 $0xFFFFFEF7, lr;
	s5 =	simm.s32 $0xFFFFFFFF;
	p2 =	slt.u32 s8, $0xFFFFF086  }
0x1c: {  	p1 =	slt.u32 s9, $0xF7A;
	s5 =	simm.s32 @!p2 $0x0  }
0x1d: {  	s5 =	simm.s32 @p1 $0x1;
	p0 =	seq.s32 s7, s2  }
0x1e: {  	s7 =	smul.u32 @!p0 $0xF7A, s2;
	p2 =	seq.s32 @!p0 s5, $0x0  }
0x1f: {  	s9 =	smul.u32 $0xF7A, s1;
	s8 =	simm.s32 @!p0 $0x1BF5;
	p2 =	por !p2, p0  }
0x20: {  	[sflag:s8] =	ssyncset.s32 @!p0 $0xFFFFF086;
	s6 =	sadd.s32 @!p0 s3, s7;
	s7 =	simm.s32 @!p0 $0x108  }
0x21: {  	s3 =	sadd.s32 s3, s9;
	s6 =	sadd.s32 @!p0 $0x88, s6;
	s7 =	simm.s32 @p2 $0x1082  }
0x22: {  	[simem:s7], [sflag:s8] =	dma.local @!p0 [hbm:s6], $0xF7A  }
0x23: {  	s9 =	sor.u32 $0xD0000000, s2;
	s6 =	simm.s32 $0x108;
	_ =	swait.ge @!p0 [sflag:s8], $0x0  }
0x24: {  	s3 =	sadd.s32 $0x88, s3;
	s6 =	simm.s32 @!p1 $0x1082;
	[sflag:s4] =	ssyncset.s32 $0xFFFFF086  }
0x25: {  	[simem:s6], [sflag:s4] =	dma.local [hbm:s3], $0xF7A  }
0x26: {  	[smem:$0x3F8E] =	sst s1;
	(tag) =	ssettag s2;
	_ =	strace s9  }
0x27: {  	s1 =	sld [smem:$0x3F9E]  }
0x28: {  	s2 =	sld [smem:$0x3F9F]  }
0x29: {  	s4 =	sld [smem:$0x3FA1]  }
0x2a: {  	p0 =	seq.s32 s5, $0x0;
	s5 =	sld [smem:$0x3FA2]  }
0x2b: {  	s6 =	sld [smem:$0x3FA3]  }
0x2c: {  	s7 =	sld [smem:$0x3FA4]  }
0x2d: {  	s3 =	simm.s32 $0x108;
	s8 =	sld [smem:$0x3FA5]  }
0x2e: {  	s3 =	simm.s32 @!p0 $0x1082;
	s9 =	sld [smem:$0x3FA6]  }
0x2f: {  	lr =	sadd.s32 s0, s3;
	s0 =	sld [smem:$0x3F9D]  }
0x30: {  	s3 =	sld [smem:$0x3FA0]  }
0x31: {  	[smem:$0x3FA9] =	sst s10  }
0x32: {  	s10 =	sld [smem:$0x3FA7];
	_ =	sdelay $0x3  }
0x33: {  	p0 =	seq.s32 s10, $0x1;
	s10 =	sld [smem:$0x3FA9];
	_ =	sdelay $0x3  }
0x34: {  	[smem:$0x3FA9] =	sst s10  }
0x35: {  	s10 =	sld [smem:$0x3FA8];
	_ =	sdelay $0x3  }
0x36: {  	p1 =	seq.s32 s10, $0x1;
	s10 =	sld [smem:$0x3FA9];
	_ =	sdelay $0x3  }
0x37: {  	[smem:$0x3FA9] =	sst s10  }
0x38: {  	s10 =	sld [smem:$0x3FAA]  }
0x39: {  	_ = 	snop;
	(pc) =	sbr.ind lr, $3  }
0x3a: {  	_ = 	snop  }
0x3b: {  	_ = 	snop  }
0x3c: {  	p2 =	seq.s32 s10, $0x1;
	s10 =	sld [smem:$0x3FA9]  }
0x3d: {  	_ =	shalt  }
0x3e: {  	_ =	shalt  }
0x3f: {  	_ =	shalt  }
0x40: {  	_ =	shalt  }
0x41: {  	_ =	shalt  }
0x42: {  	_ =	shalt  }
0x43: {  	_ =	shalt  }
0x44: {  	_ =	shalt  }
0x45: {  	_ =	shalt  }
0x46: {  	_ =	shalt  }
0x47: {  	_ =	shalt  }
0x48: {  	_ =	shalt  }
0x49: {  	_ =	shalt  }
0x4a: {  	_ =	shalt  }
0x4b: {  	_ =	shalt  }
0x4c: {  	_ =	shalt  }
0x4d: {  	_ =	shalt  }
0x4e: {  	_ =	shalt  }
0x4f: {  	_ =	shalt  }
0x50: {  	_ =	shalt  }
0x51: {  	_ =	shalt  }
0x52: {  	_ =	shalt  }
0x53: {  	_ =	shalt  }
0x54: {  	_ =	shalt  }
0x55: {  	_ =	shalt  }
0x56: {  	_ =	shalt  }
0x57: {  	_ =	shalt  }
0x58: {  	_ =	shalt  }
0x59: {  	_ =	shalt  }
0x5a: {  	_ =	shalt  }
0x5b: {  	_ =	shalt  }
0x5c: {  	_ =	shalt  }
0x5d: {  	_ =	shalt  }
0x5e: {  	_ =	shalt  }
0x5f: {  	_ =	shalt  }
0x60: {  	_ =	shalt  }
0x61: {  	_ =	shalt  }
0x62: {  	_ =	shalt  }
0x63: {  	_ =	shalt  }
0x64: {  	_ =	shalt  }
0x65: {  	_ =	shalt  }
0x66: {  	_ =	shalt  }
0x67: {  	_ =	shalt  }
0x68: {  	_ =	shalt  }
0x69: {  	_ =	shalt  }
0x6a: {  	_ =	shalt  }
0x6b: {  	_ =	shalt  }
0x6c: {  	_ =	shalt  }
0x6d: {  	_ =	shalt  }
0x6e: {  	_ =	shalt  }
0x6f: {  	_ =	shalt  }
0x70: {  	_ =	shalt  }
0x71: {  	_ =	shalt  }
0x72: {  	_ =	shalt  }
0x73: {  	_ =	shalt  }
0x74: {  	_ =	shalt  }
0x75: {  	_ =	shalt  }
0x76: {  	_ =	shalt  }
0x77: {  	_ =	shalt  }
0x78: {  	_ =	shalt  }
0x79: {  	_ =	shalt  }
0x7a: {  	_ =	shalt  }
0x7b: {  	_ =	shalt  }
0x7c: {  	_ =	shalt  }
0x7d: {  	_ =	shalt  }
0x7e: {  	_ =	shalt  }
0x7f: {  	_ =	shalt  }
0x80: {  	_ =	shalt  }
0x81: {  	_ =	shalt  }
0x82: {  	_ =	shalt  }
0x83: {  	_ =	shalt  }
0x84: {  	_ =	shalt  }
0x85: {  	_ =	shalt  }
0x86: {  	_ =	shalt  }
0x87: {  	_ =	shalt  }
.Lfunc_end0:
.L_simem_size_0:
called_computation.1_lowered:
.L_overlay_start_0:
0x88: {  	s2 =	sld [smem:$0x3FD9]  }
0x89: {  	s3 =	sld [smem:$0x3FFE];
	_ =	sdelay $0x1  }
0x8a: {  	s1 =	srdreg.scid  }
0x8b: {  	s0 =	sand.u32 $0x1, s1  }
0x8c: {  	s16 =	sshll.u32 s0, $0xA;
	s2 =	sadd.s32 s3, s2  }
0x8d: {  	s2 =	sadd.s32 s2, s16  }
0x8e: {  	[smem:$0x3FB5] =	sst s2  }
0x8f: {  	_ = 	snop  }
0x90: {  	(tm) =	ssettm $0x1  }
0x91: {  	s17 =	sld [smem:$0x3FFB];
	_ =	sdelay $0x3  }
0x92: {  	_ =	strace s17  }
0x93: {  	s2 =	sld [smem:$0x3FFC];
	_ =	sdelay $0x3  }
0x94: {  	_ =	strace s2  }
0x95: {  	s2 =	sld [smem:$0x3FFD];
	_ =	sdelay $0x3  }
0x96: {  	_ =	strace s2  }
0x97: {  	_ =	strace $0x8FFFFFFF  }
0x98: {  	s18 =	sld [smem:$0x3FDB];
	_ =	sdelay $0x1  }
0x99: {  	s19 =	simm.s32 $_scs_section_size  }
0x9a: {  	s4 =	simm.s32 $_size__tile_overlayer_lowered;
	s5 =	simm.s32 $_tile_overlayer_lowered  }
0x9b: {  	s22 =	simm.s32 $0x1BFF;
	s21 =	sshll.u32 s5, $0x1;
	s2 =	sadd.s32 s19, s18  }
0x9c: {  	s6 =	simm.s32 $0x0;
	s20 =	sshll.u32 s4, $0x1;
	s4 =	sadd.s32 s21, s2  }
0x9d: {  	[timem:s6], [sflag:s22] =	dma.local [hbm:s4], s20  }
0x9e: {  	_ =	swait.ge [sflag:s22], s20  }
0x9f: {  	s3 =	ssub.s32 $0x0, s20;
	[sflag:s22] =	ssyncset.done $0x0  }
0xa0: {  	[sflag:s22] =	ssyncadd.s32 s3;
	_ =	sdelay $0x1  }
0xa1: {  	s23 =	simm.s32 $0x1B8B  }
0xa2: {  	_ =	swait.ge [sflag:s23], $0x1  }
0xa3: {  	[sflag:s23] =	ssyncset.done $0x0  }
0xa4: {  	s25 =	simm.s32 $0x1B8E;
	s24 =	sld [smem:$0x3FFE];
	[sflag:s23] =	ssyncadd.s32 $0xFFFFFFFF  }
0xa5: {  	s26 =	simm.s32 $execute0_lowered;
	[smem:$0x3FD2] =	sst s25  }
0xa6: {  	s4 =	sshll.u32 s26, $0x1;
	_ =	strace $0x80000049;
	[dreg:$0x1] =	wrdreg $0xFFFFFFFF  }
0xa7: {  	s28 =	simm.s32 $_size_execute0_lowered;
	s2 =	sadd.s32 s2, s4;
	[dreg:$0x0] =	wrdreg $0x0  }
0xa8: {  	s4 =	sshll.u32 s28, $0x1;
	[dreg:$0x2] =	wrdreg s2  }
0xa9: {  	[dreg:$0x3] =	wrdreg s4  }
0xaa: {  	[dreg:$0x4] =	wrdreg $0xC0  }
0xab: {  	_ =	task [dreg:s6], $0x5FFFF  }
0xac: {  	[dreg:$0x1] =	wrdreg $0xFFFFFFFF  }
0xad: {  	[dreg:$0x0] =	wrdreg $0x60  }
0xae: {  	[dreg:$0x2] =	wrdreg s24  }
0xaf: {  	[dreg:$0x3] =	wrdreg $0x82000  }
0xb0: {  	[dreg:$0x4] =	wrdreg $0x9  }
0xb1: {  	_ =	task.clear_ibuf [dreg:s6], $0x5FFFF;
	_ =	strace $0x90000049  }
0xb2: {  	s29 =	simm.s32 $0x9;
	_ =	strace $0x8000004B  }
0xb3: {  	_ =	swait.ge [sflag:s29], $0x1  }
0xb4: {  	[sflag:s29] =	ssyncadd.s32 $0xFFFFFFFF  }
0xb5: {  	_ =	strace $0x9000004B  }
0xb6: {  	_ =	sfence  }
0xb7: {  	s30 =	sld [smem:$0x0];
	_ =	sdelay $0x2  }
0xb8: {  	s31 =	sshll.u32 s1, $0xD;
	s1 =	sshrl.u32 s1, $0x2  }
0xb9: {  	s3 =	sand.u32 $0x4000, s31;
	s1 =	sadd.s32 s1, s30  }
0xba: {  	s0 =	sor.u32 s3, s0;
	s1 =	sshll.u32 s1, $0x11  }
0xbb: {  	s0 =	sor.u32 s1, s0  }
0xbc: {  	s0 =	sadd.s32 $0x8F2B, s0  }
0xbd: {  	[sflag:s0] =	ssyncadd.remote.s32 $0x1  }
0xbe: {  	_ =	sfence.sel $0xFFFF  }
0xbf: {  	[dreg:$0x0] =	wrdreg $0xFFFFFFFF;
	(pc) =	sbr.abs _section_cstart, $3  }
0xc0: {  	[dreg:$0x1] =	wrdreg $0xFFFFFFFF  }
0xc1: {  	_ =	task.clear_ibuf [dreg:s6], $0x2FFFF;
	_ =	strace $0x9FFFFFFF  }
0xc2: {  	(tm) =	ssettm $0x7FFFFFFF  }
0xc3: {  	_ =	shalt  }
tec
execute0_lowered:
.L_overlay_start_1:
0x0: {  	(tag) =	ssettag $0x1  }
0x1: {  	s0 =	rddreg [dreg:$0x0]  }
0x2: {  	s1 =	rddreg [dreg:$0x1];
	s2 =	simm.s32 $0x0  }
0x3: {  	s3 =	srdreg.scid;
	s7 =	stileid.u32;
	s19 =	simm.s32 $0x5  }
0x4: {  	s20 =	simm.s32 $0x80;
	s28 =	simm.s32 $0x1;
	s29 =	simm.s32 $0x4  }
0x5: {  	s30 =	simm.s32 $0x0;
	[smem:$0x7FF] =	sst s2;
	s5 =	sand.u32 $0x1, s3  }
0x6: {  	s3 =	sadd.s32 $0x23C00, s0;
	s18 =	sadd.s32 $0x19C00, s0;
	s10 =	smul.u32 $0x4E000, s7  }
0x7: {  	s17 =	sadd.s32 $0x5400, s0;
	s12 =	smul.u32 $0x2700, s7;
	s22 =	sshll.u32 s7, $0x6  }
0x8: {  	s23 =	sadd.s32 $0x138000, s1;
	s16 =	smul.u32 $0x2800, s7;
	p0 =	sne.s32 s7, $0x0  }
0x9: {  	_ =	strace $0x8000004A;
	s4 =	sshll.u32 s5, $0x4;
	s13 =	smul.u32 $0x27100, s5  }
0xa: {  	s6 =	ssub.s32 $0x2, s5;
	s15 =	smul.u32 $0x138800, s5;
	[dreg:$0x4] =	wrdreg s23  }
0xb: {  	s5 =	smul.u32 $0x28000, s5;
	s23 =	simm.s32 $0x4180;
	s4 =	sor.u32 s7, s4  }
0xc: {  	s9 =	sshrl.u32 s6, $0x1;
	s21 =	sshrl.u32 s10, $0x2;
	s8 =	smul.u32 $0x2800, s4  }
0xd: {  	s4 =	sadd.s32 $0xFE00, s0;
	s0 =	sadd.s32 $0x72000, s0;
	s14 =	ssub.s32 s6, s9  }
0xe: {  	s6 =	sadd.s32 s21, s1;
	s12 =	sadd.s32 s12, s13;
	s25 =	sshrl.u32 s15, $0x3  }
0xf: {  	s5 =	sadd.s32 s16, s5;
	s21 =	simm.s32 $0x100;
	[dreg:$0x3] =	wrdreg s6  }
0x10: {  	s6 =	sor.u32 $0x1C05, s22;
	s12 =	sadd.s32 s0, s12;
	s0 =	sadd.s32 s0, s25  }
0x11: {  	s26 =	sor.u32 $0x180, s5;
	s5 =	sor.u32 $0x100, s5;
	s14 =	smax.u32 s14, $0x1  }
0x12: {  	s22 =	simm.s32 $0x4100;
	s25 =	simm.s32 $0x4200;
	s24 =	sshrl.u32 s8, $0x3  }
0x13: {  	s13 =	sadd.s32 $0x27000, s0;
	s31 =	sshrl.u32 s26, $0x3;
	s5 =	sshrl.u32 s5, $0x3  }
0x14: {  	s26 =	simm.s32 $0x3;
	s8 =	sadd.s32 s18, s24;
	s11 =	sor.u32 $0x10, s24  }
0x15: {  	s9 =	sadd.s32 s17, s24;
	s15 =	sadd.s32 s31, s17;
	s16 =	sadd.s32 s31, s18  }
0x16: {  	s24 =	simm.s32 $0x2;
	[dreg:$0x5] =	wrdreg s8;
	s10 =	sadd.s32 s18, s11  }
0x17: {  	s11 =	sadd.s32 s17, s11;
	s17 =	sadd.s32 s5, s17;
	s18 =	sadd.s32 s5, s18  }
.LBB2_1:
0x18: {  	s0 =	rddreg [dreg:$0x3]  }
0x19: {  	s31 =	sshrl.u32 s0, $0x3  }
0x1a: {  	[spmem:s31], [sflag:s6] =	dma.local [hbm:s4], $0x2700  }
0x1b: {  	_ =	swait.ge [sflag:s19], $0x2700  }
0x1c: {  	[sflag:s19] =	ssyncset.done $0x0;
	s0 =	rddreg [dreg:$0x4]  }
0x1d: {  	s5 =	simm.s32 @!p0 $0x5;
	[sflag:s19] =	ssyncadd.s32 $0xFFFFD900;
	s0 =	sshrl.u32 @!p0 s0, $0x3  }
0x1e: {  	[spmem:s0], [sflag:s6] =	dma.local @!p0 [hbm:s4], $0x180  }
0x1f: {  	_ =	swait.ge @!p0 [sflag:s5], $0x180  }
0x20: {  	[sflag:s5] =	ssyncset.done @!p0 $0x0  }
0x21: {  	[sflag:s5] =	ssyncadd.s32 @!p0 $0xFFFFFE80  }
0x22: {  	[bflag:$0x0] =	sbarrier.arrive $0xFFFF  }
0x23: {  	s7 =	rddreg [dreg:$0x5]  }
0x24: {  	[tilespmem:s2], [sflag:$0x5] =	stream.linear.gather [hbm4b:s7+s2], $0x80, $0x38;
	[tilespmem:$0x1BAC0] =	vst v63  }
0x25: {  	_ =	swait.ge [sflag:s19], $0x80  }
0x26: {  	[sflag:s19] =	ssyncset.done $0x0  }
0x27: {  	[sflag:s19] =	ssyncadd.s32 $0xFFFFFF80  }
0x28: {  	[tilespmem:s20], [sflag:$0x5] =	stream.linear.gather [hbm4b:s9+s2], $0x80, $0x38;
	[tilespmem:$0x1BAC0] =	vst v63  }
0x29: {  	_ =	swait.ge [sflag:s19], $0x80  }
0x2a: {  	[sflag:s19] =	ssyncset.done $0x0  }
0x2b: {  	[sflag:s19] =	ssyncadd.s32 $0xFFFFFF80  }
0x2c: {  	[tilespmem:s21], [sflag:$0x3] =	stream.indirect.gather [hbm4b:s3+s20], $0x80, s2, s20, $0xb8;
	[tilespmem:$0x1BAC0] =	vst v63  }
0x2d: {  	_ = 	snop  }
0x2e: {  	[tilespmem:s22], [sflag:$0x2] =	stream.linear.gather [hbm4b:s10+s2], $0x80, $0x38;
	[tilespmem:$0x1BAC0] =	vst v63  }
0x2f: {  	_ = 	snop  }
0x30: {  	[tilespmem:s23], [sflag:$0x2] =	stream.linear.gather [hbm4b:s11+s2], $0x80, $0x38;
	[tilespmem:$0x1BAC0] =	vst v63  }
0x31: {  	_ =	swait.ge [sflag:s24], $0x80  }
0x32: {  	[sflag:s24] =	ssyncset.done $0x0  }
0x33: {  	[sflag:s24] =	ssyncadd.s32 $0xFFFFFF80  }
0x34: {  	_ =	swait.ge [sflag:s24], $0x80  }
0x35: {  	[sflag:s24] =	ssyncset.done $0x0  }
0x36: {  	[sflag:s24] =	ssyncadd.s32 $0xFFFFFF80  }
0x37: {  	[tilespmem:s25], [sflag:$0x4] =	stream.indirect.gather [hbm4b:s3+s20], $0x80, s22, s20, $0xb8;
	[tilespmem:$0x1BAC0] =	vst v63  }
0x38: {  	_ =	swait.ge [sflag:s26], $0x4000  }
0x39: {  	[sflag:s26] =	ssyncset.done $0x0  }
0x3a: {  	[sflag:s26] =	ssyncadd.s32 $0xFFFFC000  }
0x3b: {  	[spmem:s1] =	stream.indirect.scatter.add.f32 [tilespmem:s21], [sflag:$0x5], $0x80, s20, s20, $0xb8;
	[tilespmem:$0x1BAC0] =	vst v63  }
0x3c: {  	_ =	swait.ge [sflag:s19], $0x4000  }
0x3d: {  	[sflag:s19] =	ssyncset.done $0x0  }
0x3e: {  	s8 =	sadd.s32 $0x0, s18;
	[sflag:s19] =	ssyncadd.s32 $0xFFFFC000  }
0x3f: {  	[tilespmem:s2], [sflag:$0x1] =	stream.linear.gather [hbm4b:s8+s2], $0x80, $0x38;
	[tilespmem:$0x1BAC0] =	vst v63  }
0x40: {  	s7 =	sadd.s32 $0x0, s17  }
0x41: {  	[tilespmem:s20], [sflag:$0x1] =	stream.linear.gather [hbm4b:s7+s2], $0x80, $0x38;
	[tilespmem:$0x1BAC0] =	vst v63  }
0x42: {  	_ =	swait.ge [sflag:s28], $0x80  }
0x43: {  	[sflag:s28] =	ssyncset.done $0x0  }
0x44: {  	[sflag:s28] =	ssyncadd.s32 $0xFFFFFF80  }
0x45: {  	_ =	swait.ge [sflag:s28], $0x80  }
0x46: {  	[sflag:s28] =	ssyncset.done $0x0  }
0x47: {  	[sflag:s28] =	ssyncadd.s32 $0xFFFFFF80  }
0x48: {  	[tilespmem:s21], [sflag:$0x3] =	stream.indirect.gather [hbm4b:s3+s20], $0x80, s2, s20, $0xb8;
	[tilespmem:$0x1BAC0] =	vst v63  }
0x49: {  	_ =	swait.ge [sflag:s29], $0x4000  }
0x4a: {  	[sflag:s29] =	ssyncset.done $0x0  }
0x4b: {  	[sflag:s29] =	ssyncadd.s32 $0xFFFFC000  }
0x4c: {  	[spmem:s1] =	stream.indirect.scatter.add.f32 [tilespmem:s25], [sflag:$0x5], $0x80, s23, s20, $0xb8;
	[tilespmem:$0x1BAC0] =	vst v63  }
0x4d: {  	_ =	swait.ge [sflag:s19], $0x4000  }
0x4e: {  	s5 =	simm.s32 $0x20;
	[sflag:s19] =	ssyncset.done $0x0  }
0x4f: {  	s8 =	sadd.s32 $0x0, s16;
	s7 =	sadd.s32 $0x0, s15;
	[sflag:s19] =	ssyncadd.s32 $0xFFFFC000  }
0x50: {  	[tilespmem:s22], [sflag:$0x2] =	stream.linear.gather [hbm4b:s8+s2], $0x80, $0x38;
	[tilespmem:$0x1BAC0] =	vst v63  }
.LBB2_2:
0x51: {  	[tilespmem:s23], [sflag:$0x2] =	stream.linear.gather [hbm4b:s7+s2], $0x80, $0x38;
	[tilespmem:$0x1BAC0] =	vst v63  }
0x52: {  	s7 =	smov.u32 s5  }
0x53: {  	p1 =	sne.s32 s5, $0x4C0;
	s5 =	sadd.s32 $0x20, s5;
	_ =	swait.ge [sflag:s24], $0x80  }
0x54: {  	[sflag:s24] =	ssyncset.done $0x0  }
0x55: {  	[sflag:s24] =	ssyncadd.s32 $0xFFFFFF80  }
0x56: {  	_ =	swait.ge [sflag:s24], $0x80  }
0x57: {  	[sflag:s24] =	ssyncset.done $0x0  }
0x58: {  	[sflag:s24] =	ssyncadd.s32 $0xFFFFFF80  }
0x59: {  	[tilespmem:s25], [sflag:$0x4] =	stream.indirect.gather [hbm4b:s3+s20], $0x80, s22, s20, $0xb8;
	[tilespmem:$0x1BAC0] =	vst v63  }
0x5a: {  	_ =	swait.ge [sflag:s26], $0x4000  }
0x5b: {  	[sflag:s26] =	ssyncset.done $0x0  }
0x5c: {  	[sflag:s26] =	ssyncadd.s32 $0xFFFFC000  }
0x5d: {  	[spmem:s1] =	stream.indirect.scatter.add.f32 [tilespmem:s21], [sflag:$0x5], $0x80, s20, s20, $0xb8;
	[tilespmem:$0x1BAC0] =	vst v63  }
0x5e: {  	_ =	swait.ge [sflag:s19], $0x4000  }
0x5f: {  	[sflag:s19] =	ssyncset.done $0x0  }
0x60: {  	s8 =	sadd.s32 s7, s18;
	[sflag:s19] =	ssyncadd.s32 $0xFFFFC000  }
0x61: {  	[tilespmem:s2], [sflag:$0x1] =	stream.linear.gather [hbm4b:s8+s2], $0x80, $0x38;
	[tilespmem:$0x1BAC0] =	vst v63  }
0x62: {  	s8 =	sadd.s32 s7, s17  }
0x63: {  	[tilespmem:s20], [sflag:$0x1] =	stream.linear.gather [hbm4b:s8+s2], $0x80, $0x38;
	[tilespmem:$0x1BAC0] =	vst v63  }
0x64: {  	_ =	swait.ge [sflag:s28], $0x80  }
0x65: {  	[sflag:s28] =	ssyncset.done $0x0  }
0x66: {  	[sflag:s28] =	ssyncadd.s32 $0xFFFFFF80  }
0x67: {  	_ =	swait.ge [sflag:s28], $0x80  }
0x68: {  	[sflag:s28] =	ssyncset.done $0x0  }
0x69: {  	[sflag:s28] =	ssyncadd.s32 $0xFFFFFF80  }
0x6a: {  	[tilespmem:s21], [sflag:$0x3] =	stream.indirect.gather [hbm4b:s3+s20], $0x80, s2, s20, $0xb8;
	[tilespmem:$0x1BAC0] =	vst v63  }
0x6b: {  	_ =	swait.ge [sflag:s29], $0x4000  }
0x6c: {  	[sflag:s29] =	ssyncset.done $0x0  }
0x6d: {  	[sflag:s29] =	ssyncadd.s32 $0xFFFFC000  }
0x6e: {  	[spmem:s1] =	stream.indirect.scatter.add.f32 [tilespmem:s25], [sflag:$0x5], $0x80, s23, s20, $0xb8;
	[tilespmem:$0x1BAC0] =	vst v63  }
.Ltmp0:
0x6f: {  	_ =	swait.ge [sflag:s19], $0x4000;
	(pc) =	sbr.rel @p1 .LBB2_2-.Ltmp0, $4  }
0x70: {  	[sflag:s19] =	ssyncset.done $0x0  }
0x71: {  	s8 =	sadd.s32 s7, s16;
	[sflag:s19] =	ssyncadd.s32 $0xFFFFC000  }
0x72: {  	[tilespmem:s22], [sflag:$0x2] =	stream.linear.gather [hbm4b:s8+s2], $0x80, $0x38;
	[tilespmem:$0x1BAC0] =	vst v63  }
0x73: {  	s7 =	sadd.s32 s7, s15  }
0x74: {  	[tilespmem:s23], [sflag:$0x2] =	stream.linear.gather [hbm4b:s7+s2], $0x80, $0x38;
	[tilespmem:$0x1BAC0] =	vst v63  }
0x75: {  	_ =	swait.ge [sflag:s24], $0x80  }
0x76: {  	[sflag:s24] =	ssyncset.done $0x0  }
0x77: {  	[sflag:s24] =	ssyncadd.s32 $0xFFFFFF80  }
0x78: {  	_ =	swait.ge [sflag:s24], $0x80  }
0x79: {  	[sflag:s24] =	ssyncset.done $0x0  }
0x7a: {  	[sflag:s24] =	ssyncadd.s32 $0xFFFFFF80  }
0x7b: {  	[tilespmem:s25], [sflag:$0x4] =	stream.indirect.gather [hbm4b:s3+s20], $0x80, s22, s20, $0xb8;
	[tilespmem:$0x1BAC0] =	vst v63  }
0x7c: {  	_ =	swait.ge [sflag:s26], $0x4000  }
0x7d: {  	[sflag:s26] =	ssyncset.done $0x0  }
0x7e: {  	[sflag:s26] =	ssyncadd.s32 $0xFFFFC000  }
0x7f: {  	[spmem:s1] =	stream.indirect.scatter.add.f32 [tilespmem:s21], [sflag:$0x5], $0x80, s20, s20, $0xb8;
	[tilespmem:$0x1BAC0] =	vst v63  }
0x80: {  	_ =	swait.ge [sflag:s19], $0x4000  }
0x81: {  	[sflag:s19] =	ssyncset.done $0x0  }
0x82: {  	[sflag:s19] =	ssyncadd.s32 $0xFFFFC000  }
0x83: {  	_ =	swait.ge [sflag:s29], $0x4000  }
0x84: {  	[sflag:s29] =	ssyncset.done $0x0  }
0x85: {  	[sflag:s29] =	ssyncadd.s32 $0xFFFFC000  }
0x86: {  	[spmem:s1] =	stream.indirect.scatter.add.f32 [tilespmem:s25], [sflag:$0x5], $0x80, s23, s20, $0xb8;
	[tilespmem:$0x1BAC0] =	vst v63  }
0x87: {  	_ =	swait.ge [sflag:s19], $0x4000  }
0x88: {  	[sflag:s19] =	ssyncset.done $0x0  }
0x89: {  	[sflag:s19] =	ssyncadd.s32 $0xFFFFC000  }
0x8a: {  	[bflag:$0x0] =	sbarrier.arrive $0xFFFF  }
0x8b: {  	[hbm:s12], [sflag:s6] =	dma.local [spmem:s31], $0x2700  }
0x8c: {  	_ =	swait.ge [sflag:s19], $0x2700  }
0x8d: {  	s30 =	sadd.s32 $0x1, s30;
	[sflag:s19] =	ssyncset.done $0x0  }
0x8e: {  	p1 =	sne.s32 s30, s14;
	[sflag:s19] =	ssyncadd.s32 $0xFFFFD900  }
0x8f: {  	[hbm:s13], [sflag:s6] =	dma.local @!p0 [spmem:s0], $0x100  }
.Ltmp1:
0x90: {  	_ = 	snop;
	(pc) =	sbr.rel @p1 .LBB2_1-.Ltmp1, $4  }
0x91: {  	s0 =	simm.s32 @!p0 $0x5  }
0x92: {  	_ =	swait.ge @!p0 [sflag:s0], $0x100  }
0x93: {  	[sflag:s0] =	ssyncset.done @!p0 $0x0  }
0x94: {  	[sflag:s0] =	ssyncadd.s32 @!p0 $0xFFFFFF00  }
0x95: {  	_ =	sfence.sel $0x180000  }
0x96: {  	[bflag:$0x0] =	sbarrier.arrive $0xFFFF  }
0x97: {  	_ =	strace $0x9000004A  }
0x98: {  	[bflag:$0x2] =	sbarrier.arrive $0xFFFF  }
0x99: {  	s0 =	rddreg [dreg:$0x2]  }
0x9a: {  	s0 =	sadd.s32 @!p0 $0x100000, s0  }
0x9b: {  	[sflag:s0] =	ssyncadd.tile.s32 @!p0 $0x1;
	_ =	shalt  }
.Lfunc_end2:
_tile_overlayer_lowered:
.L_overlay_start_2:
0x9c: {  	(tag) =	ssettag $0x2  }
0x9d: {  	s0 =	rddreg [dreg:$0x0];
	s2 =	stileid.u32  }
0x9e: {  	s1 =	rddreg [dreg:$0x1];
	p0 =	sne.s32 s2, $0x0  }
0x9f: {  	s3 =	rddreg [dreg:$0x2];
	[bflag:$0x3] =	sbarrier.arrive $0xFFFF;
	s2 =	simm.s32 @!p0 $0x1C05  }
0xa0: {  	[timem:s3], [sflag:s2] =	dma.local @!p0 [hbm:s0], s1  }
0xa1: {  	s0 =	simm.s32 @!p0 $0x5  }
0xa2: {  	_ =	swait.ge @!p0 [sflag:s0], s1  }
0xa3: {  	s1 =	ssub.s32 @!p0 $0x0, s1;
	[sflag:s0] =	ssyncset.done @!p0 $0x0  }
0xa4: {  	[sflag:s0] =	ssyncadd.s32 @!p0 s1  }
0xa5: {  	[bflag:$0x3] =	sbarrier.arrive $0xFFFF  }
0xa6: {  	_ =	shalt  }

// kernel: kernel.20.cloned.1.call-start
scs
__scs_entry_jumppad:
0x0: {  	(pc) =	sbr.rel $0x88, $3  }
0x1: {  	(tag) =	ssettag $0x0;
	lr =	simm.s32 $0x1  }
0x2: {  	[smem:$0x3F8E] =	sst lr;
	_ =	strace $0xD0000000  }
0x3: {  	_ = 	snop  }
0x4: {  	_ = 	snop  }
0x5: {  	_ = 	snop  }
0x6: {  	_ = 	snop  }
0x7: {  	_ = 	snop  }
__scs_overlays_trampoline_lowered:
0x8: {  	[smem:$0x3F9D] =	sst s0  }
0x9: {  	[smem:$0x3F9E] =	sst s1  }
0xa: {  	[smem:$0x3F9F] =	sst s2  }
0xb: {  	[smem:$0x3FA0] =	sst s3  }
0xc: {  	[smem:$0x3FA1] =	sst s4  }
0xd: {  	[smem:$0x3FA2] =	sst s5  }
0xe: {  	[smem:$0x3FA3] =	sst s6  }
0xf: {  	[smem:$0x3FA4] =	sst s7  }
0x10: {  	[smem:$0x3FA5] =	sst s8  }
0x11: {  	[smem:$0x3FA6] =	sst s9;
	s0 =	simm.s32 @!p0 $0x0  }
0x12: {  	s1 =	sld [smem:$0x3F8C];
	s0 =	simm.s32 @p0 $0x1  }
0x13: {  	[smem:$0x3FA7] =	sst s0;
	s0 =	simm.s32 @!p1 $0x0  }
0x14: {  	s2 =	sld [smem:$0x3F8B];
	s0 =	simm.s32 @p1 $0x1  }
0x15: {  	[smem:$0x3FA8] =	sst s0;
	s0 =	simm.s32 @!p2 $0x0  }
0x16: {  	s3 =	sld [smem:$0x3FDB];
	s0 =	simm.s32 @p2 $0x1  }
0x17: {  	s4 =	simm.s32 $0x1BF5;
	[smem:$0x3FAA] =	sst s0  }
0x18: {  	s0 =	sld [smem:$0x3F8D];
	_ =	swait.ge [sflag:s4], $0x0  }
0x19: {  	s7 =	sld [smem:$0x3F8E]  }
0x1a: {  	s8 =	sadd.s32 $0xFFFFE003, lr  }
0x1b: {  	s9 =	sadd.s32 $0xFFFFFEF7, lr;
	s5 =	simm.s32 $0xFFFFFFFF;
	p2 =	slt.u32 s8, $0xFFFFF086  }
0x1c: {  	p1 =	slt.u32 s9, $0xF7A;
	s5 =	simm.s32 @!p2 $0x0  }
0x1d: {  	s5 =	simm.s32 @p1 $0x1;
	p0 =	seq.s32 s7, s2  }
0x1e: {  	s7 =	smul.u32 @!p0 $0xF7A, s2;
	p2 =	seq.s32 @!p0 s5, $0x0  }
0x1f: {  	s9 =	smul.u32 $0xF7A, s1;
	s8 =	simm.s32 @!p0 $0x1BF5;
	p2 =	por !p2, p0  }
0x20: {  	[sflag:s8] =	ssyncset.s32 @!p0 $0xFFFFF086;
	s6 =	sadd.s32 @!p0 s3, s7;
	s7 =	simm.s32 @!p0 $0x108  }
0x21: {  	s3 =	sadd.s32 s3, s9;
	s6 =	sadd.s32 @!p0 $0x88, s6;
	s7 =	simm.s32 @p2 $0x1082  }
0x22: {  	[simem:s7], [sflag:s8] =	dma.local @!p0 [hbm:s6], $0xF7A  }
0x23: {  	s9 =	sor.u32 $0xD0000000, s2;
	s6 =	simm.s32 $0x108;
	_ =	swait.ge @!p0 [sflag:s8], $0x0  }
0x24: {  	s3 =	sadd.s32 $0x88, s3;
	s6 =	simm.s32 @!p1 $0x1082;
	[sflag:s4] =	ssyncset.s32 $0xFFFFF086  }
0x25: {  	[simem:s6], [sflag:s4] =	dma.local [hbm:s3], $0xF7A  }
0x26: {  	[smem:$0x3F8E] =	sst s1;
	(tag) =	ssettag s2;
	_ =	strace s9  }
0x27: {  	s1 =	sld [smem:$0x3F9E]  }
0x28: {  	s2 =	sld [smem:$0x3F9F]  }
0x29: {  	s4 =	sld [smem:$0x3FA1]  }
0x2a: {  	p0 =	seq.s32 s5, $0x0;
	s5 =	sld [smem:$0x3FA2]  }
0x2b: {  	s6 =	sld [smem:$0x3FA3]  }
0x2c: {  	s7 =	sld [smem:$0x3FA4]  }
0x2d: {  	s3 =	simm.s32 $0x108;
	s8 =	sld [smem:$0x3FA5]  }
0x2e: {  	s3 =	simm.s32 @!p0 $0x1082;
	s9 =	sld [smem:$0x3FA6]  }
0x2f: {  	lr =	sadd.s32 s0, s3;
	s0 =	sld [smem:$0x3F9D]  }
0x30: {  	s3 =	sld [smem:$0x3FA0]  }
0x31: {  	[smem:$0x3FA9] =	sst s10  }
0x32: {  	s10 =	sld [smem:$0x3FA7];
	_ =	sdelay $0x3  }
0x33: {  	p0 =	seq.s32 s10, $0x1;
	s10 =	sld [smem:$0x3FA9];
	_ =	sdelay $0x3  }
0x34: {  	[smem:$0x3FA9] =	sst s10  }
0x35: {  	s10 =	sld [smem:$0x3FA8];
	_ =	sdelay $0x3  }
0x36: {  	p1 =	seq.s32 s10, $0x1;
	s10 =	sld [smem:$0x3FA9];
	_ =	sdelay $0x3  }
0x37: {  	[smem:$0x3FA9] =	sst s10  }
0x38: {  	s10 =	sld [smem:$0x3FAA]  }
0x39: {  	_ = 	snop;
	(pc) =	sbr.ind lr, $3  }
0x3a: {  	_ = 	snop  }
0x3b: {  	_ = 	snop  }
0x3c: {  	p2 =	seq.s32 s10, $0x1;
	s10 =	sld [smem:$0x3FA9]  }
0x3d: {  	_ =	shalt  }
0x3e: {  	_ =	shalt  }
0x3f: {  	_ =	shalt  }
0x40: {  	_ =	shalt  }
0x41: {  	_ =	shalt  }
0x42: {  	_ =	shalt  }
0x43: {  	_ =	shalt  }
0x44: {  	_ =	shalt  }
0x45: {  	_ =	shalt  }
0x46: {  	_ =	shalt  }
0x47: {  	_ =	shalt  }
0x48: {  	_ =	shalt  }
0x49: {  	_ =	shalt  }
0x4a: {  	_ =	shalt  }
0x4b: {  	_ =	shalt  }
0x4c: {  	_ =	shalt  }
0x4d: {  	_ =	shalt  }
0x4e: {  	_ =	shalt  }
0x4f: {  	_ =	shalt  }
0x50: {  	_ =	shalt  }
0x51: {  	_ =	shalt  }
0x52: {  	_ =	shalt  }
0x53: {  	_ =	shalt  }
0x54: {  	_ =	shalt  }
0x55: {  	_ =	shalt  }
0x56: {  	_ =	shalt  }
0x57: {  	_ =	shalt  }
0x58: {  	_ =	shalt  }
0x59: {  	_ =	shalt  }
0x5a: {  	_ =	shalt  }
0x5b: {  	_ =	shalt  }
0x5c: {  	_ =	shalt  }
0x5d: {  	_ =	shalt  }
0x5e: {  	_ =	shalt  }
0x5f: {  	_ =	shalt  }
0x60: {  	_ =	shalt  }
0x61: {  	_ =	shalt  }
0x62: {  	_ =	shalt  }
0x63: {  	_ =	shalt  }
0x64: {  	_ =	shalt  }
0x65: {  	_ =	shalt  }
0x66: {  	_ =	shalt  }
0x67: {  	_ =	shalt  }
0x68: {  	_ =	shalt  }
0x69: {  	_ =	shalt  }
0x6a: {  	_ =	shalt  }
0x6b: {  	_ =	shalt  }
0x6c: {  	_ =	shalt  }
0x6d: {  	_ =	shalt  }
0x6e: {  	_ =	shalt  }
0x6f: {  	_ =	shalt  }
0x70: {  	_ =	shalt  }
0x71: {  	_ =	shalt  }
0x72: {  	_ =	shalt  }
0x73: {  	_ =	shalt  }
0x74: {  	_ =	shalt  }
0x75: {  	_ =	shalt  }
0x76: {  	_ =	shalt  }
0x77: {  	_ =	shalt  }
0x78: {  	_ =	shalt  }
0x79: {  	_ =	shalt  }
0x7a: {  	_ =	shalt  }
0x7b: {  	_ =	shalt  }
0x7c: {  	_ =	shalt  }
0x7d: {  	_ =	shalt  }
0x7e: {  	_ =	shalt  }
0x7f: {  	_ =	shalt  }
0x80: {  	_ =	shalt  }
0x81: {  	_ =	shalt  }
0x82: {  	_ =	shalt  }
0x83: {  	_ =	shalt  }
0x84: {  	_ =	shalt  }
0x85: {  	_ =	shalt  }
0x86: {  	_ =	shalt  }
0x87: {  	_ =	shalt  }
.Lfunc_end0:
.L_simem_size_0:
called_computation.2_lowered:
.L_overlay_start_0:
0x88: {  	s2 =	sld [smem:$0x3FD9]  }
0x89: {  	s3 =	sld [smem:$0x3FFE];
	_ =	sdelay $0x1  }
0x8a: {  	s1 =	srdreg.scid  }
0x8b: {  	s0 =	sand.u32 $0x1, s1  }
0x8c: {  	s16 =	sshll.u32 s0, $0xA;
	s2 =	sadd.s32 s3, s2  }
0x8d: {  	s2 =	sadd.s32 s2, s16  }
0x8e: {  	[smem:$0x3FB5] =	sst s2  }
0x8f: {  	_ = 	snop  }
0x90: {  	(tm) =	ssettm $0x1  }
0x91: {  	s17 =	sld [smem:$0x3FFB];
	_ =	sdelay $0x3  }
0x92: {  	_ =	strace s17  }
0x93: {  	s2 =	sld [smem:$0x3FFC];
	_ =	sdelay $0x3  }
0x94: {  	_ =	strace s2  }
0x95: {  	s2 =	sld [smem:$0x3FFD];
	_ =	sdelay $0x3  }
0x96: {  	_ =	strace s2  }
0x97: {  	_ =	strace $0x8FFFFFFF  }
0x98: {  	s18 =	sld [smem:$0x3FDB];
	_ =	sdelay $0x1  }
0x99: {  	s19 =	simm.s32 $_scs_section_size  }
0x9a: {  	s4 =	simm.s32 $_size__tile_overlayer_lowered;
	s5 =	simm.s32 $_tile_overlayer_lowered  }
0x9b: {  	s22 =	simm.s32 $0x1BFF;
	s21 =	sshll.u32 s5, $0x1;
	s2 =	sadd.s32 s19, s18  }
0x9c: {  	s6 =	simm.s32 $0x0;
	s20 =	sshll.u32 s4, $0x1;
	s4 =	sadd.s32 s21, s2  }
0x9d: {  	[timem:s6], [sflag:s22] =	dma.local [hbm:s4], s20  }
0x9e: {  	_ =	swait.ge [sflag:s22], s20  }
0x9f: {  	s3 =	ssub.s32 $0x0, s20;
	[sflag:s22] =	ssyncset.done $0x0  }
0xa0: {  	[sflag:s22] =	ssyncadd.s32 s3;
	_ =	sdelay $0x1  }
0xa1: {  	s23 =	simm.s32 $0x1B8B  }
0xa2: {  	_ =	swait.ge [sflag:s23], $0x1  }
0xa3: {  	[sflag:s23] =	ssyncset.done $0x0  }
0xa4: {  	s25 =	simm.s32 $0x1B8E;
	s24 =	sld [smem:$0x3FFE];
	[sflag:s23] =	ssyncadd.s32 $0xFFFFFFFF  }
0xa5: {  	s26 =	simm.s32 $execute0_lowered;
	[smem:$0x3FD2] =	sst s25  }
0xa6: {  	s4 =	sshll.u32 s26, $0x1;
	_ =	strace $0x8000004C;
	[dreg:$0x1] =	wrdreg $0xFFFFFFFF  }
0xa7: {  	s28 =	simm.s32 $_size_execute0_lowered;
	s2 =	sadd.s32 s2, s4;
	[dreg:$0x0] =	wrdreg $0x0  }
0xa8: {  	s4 =	sshll.u32 s28, $0x1;
	[dreg:$0x2] =	wrdreg s2  }
0xa9: {  	[dreg:$0x3] =	wrdreg s4  }
0xaa: {  	[dreg:$0x4] =	wrdreg $0xC0  }
0xab: {  	_ =	task [dreg:s6], $0x5FFFF  }
0xac: {  	[dreg:$0x1] =	wrdreg $0xFFFFFFFF  }
0xad: {  	[dreg:$0x0] =	wrdreg $0x60  }
0xae: {  	[dreg:$0x2] =	wrdreg s24  }
0xaf: {  	[dreg:$0x3] =	wrdreg $0x82000  }
0xb0: {  	[dreg:$0x4] =	wrdreg $0x9  }
0xb1: {  	_ =	task.clear_ibuf [dreg:s6], $0x5FFFF;
	_ =	strace $0x9000004C  }
0xb2: {  	s29 =	simm.s32 $0x9;
	_ =	strace $0x8000004E  }
0xb3: {  	_ =	swait.ge [sflag:s29], $0x1  }
0xb4: {  	[sflag:s29] =	ssyncadd.s32 $0xFFFFFFFF  }
0xb5: {  	_ =	strace $0x9000004E  }
0xb6: {  	_ =	sfence  }
0xb7: {  	s30 =	sld [smem:$0x0];
	_ =	sdelay $0x2  }
0xb8: {  	s31 =	sshll.u32 s1, $0xD;
	s1 =	sshrl.u32 s1, $0x2  }
0xb9: {  	s3 =	sand.u32 $0x4000, s31;
	s1 =	sadd.s32 s1, s30  }
0xba: {  	s0 =	sor.u32 s3, s0;
	s1 =	sshll.u32 s1, $0x11  }
0xbb: {  	s0 =	sor.u32 s1, s0  }
0xbc: {  	s0 =	sadd.s32 $0x8F2B, s0  }
0xbd: {  	[sflag:s0] =	ssyncadd.remote.s32 $0x1  }
0xbe: {  	_ =	sfence.sel $0xFFFF  }
0xbf: {  	[dreg:$0x0] =	wrdreg $0xFFFFFFFF;
	(pc) =	sbr.abs _section_cstart, $3  }
0xc0: {  	[dreg:$0x1] =	wrdreg $0xFFFFFFFF  }
0xc1: {  	_ =	task.clear_ibuf [dreg:s6], $0x2FFFF;
	_ =	strace $0x9FFFFFFF  }
0xc2: {  	(tm) =	ssettm $0x7FFFFFFF  }
0xc3: {  	_ =	shalt  }
tec
execute0_lowered:
.L_overlay_start_1:
0x0: {  	(tag) =	ssettag $0x1  }
0x1: {  	s0 =	rddreg [dreg:$0x0]  }
0x2: {  	s1 =	rddreg [dreg:$0x1];
	s2 =	simm.s32 $0x0  }
0x3: {  	s3 =	srdreg.scid;
	s7 =	stileid.u32;
	s19 =	simm.s32 $0x5  }
0x4: {  	s20 =	simm.s32 $0x80;
	s28 =	simm.s32 $0x1;
	s29 =	simm.s32 $0x4  }
0x5: {  	s30 =	simm.s32 $0x0;
	[smem:$0x7FF] =	sst s2;
	s5 =	sand.u32 $0x1, s3  }
0x6: {  	s3 =	sadd.s32 $0x99200, s0;
	s18 =	sadd.s32 $0x19C00, s0;
	s10 =	smul.u32 $0x4E000, s7  }
0x7: {  	s17 =	sadd.s32 $0x5400, s0;
	s12 =	smul.u32 $0x2700, s7;
	s22 =	sshll.u32 s7, $0x6  }
0x8: {  	s23 =	sadd.s32 $0x138000, s1;
	s16 =	smul.u32 $0x2800, s7;
	p0 =	sne.s32 s7, $0x0  }
0x9: {  	_ =	strace $0x8000004D;
	s4 =	sshll.u32 s5, $0x4;
	s13 =	smul.u32 $0x27100, s5  }
0xa: {  	s6 =	ssub.s32 $0x2, s5;
	s15 =	smul.u32 $0x271000, s5;
	[dreg:$0x4] =	wrdreg s23  }
0xb: {  	s5 =	smul.u32 $0x28000, s5;
	s23 =	simm.s32 $0x4180;
	s4 =	sor.u32 s7, s4  }
0xc: {  	s9 =	sshrl.u32 s6, $0x1;
	s21 =	sshrl.u32 s10, $0x2;
	s8 =	smul.u32 $0x2800, s4  }
0xd: {  	s4 =	sadd.s32 $0x12600, s0;
	s0 =	sadd.s32 $0xC0400, s0;
	s14 =	ssub.s32 s6, s9  }
0xe: {  	s6 =	sadd.s32 s21, s1;
	s12 =	sadd.s32 s12, s13;
	s25 =	sshrl.u32 s15, $0x4  }
0xf: {  	s5 =	sadd.s32 s16, s5;
	s21 =	simm.s32 $0x100;
	[dreg:$0x3] =	wrdreg s6  }
0x10: {  	s6 =	sor.u32 $0x1C05, s22;
	s12 =	sadd.s32 s0, s12;
	s0 =	sadd.s32 s0, s25  }
0x11: {  	s26 =	sor.u32 $0x180, s5;
	s5 =	sor.u32 $0x100, s5;
	s14 =	smax.u32 s14, $0x1  }
0x12: {  	s22 =	simm.s32 $0x4100;
	s25 =	simm.s32 $0x4200;
	s24 =	sshrl.u32 s8, $0x3  }
0x13: {  	s13 =	sadd.s32 $0x27000, s0;
	s31 =	sshrl.u32 s26, $0x3;
	s5 =	sshrl.u32 s5, $0x3  }
0x14: {  	s26 =	simm.s32 $0x3;
	s8 =	sadd.s32 s18, s24;
	s11 =	sor.u32 $0x10, s24  }
0x15: {  	s9 =	sadd.s32 s17, s24;
	s15 =	sadd.s32 s31, s17;
	s16 =	sadd.s32 s31, s18  }
0x16: {  	s24 =	simm.s32 $0x2;
	[dreg:$0x5] =	wrdreg s8;
	s10 =	sadd.s32 s18, s11  }
0x17: {  	s11 =	sadd.s32 s17, s11;
	s17 =	sadd.s32 s5, s17;
	s18 =	sadd.s32 s5, s18  }
.LBB2_1:
0x18: {  	s0 =	rddreg [dreg:$0x3]  }
0x19: {  	s31 =	sshrl.u32 s0, $0x3  }
0x1a: {  	[spmem:s31], [sflag:s6] =	dma.local [hbm:s4], $0x2700  }
0x1b: {  	_ =	swait.ge [sflag:s19], $0x2700  }
0x1c: {  	[sflag:s19] =	ssyncset.done $0x0;
	s0 =	rddreg [dreg:$0x4]  }
0x1d: {  	s5 =	simm.s32 @!p0 $0x5;
	[sflag:s19] =	ssyncadd.s32 $0xFFFFD900;
	s0 =	sshrl.u32 @!p0 s0, $0x3  }
0x1e: {  	[spmem:s0], [sflag:s6] =	dma.local @!p0 [hbm:s4], $0x180  }
0x1f: {  	_ =	swait.ge @!p0 [sflag:s5], $0x180  }
0x20: {  	[sflag:s5] =	ssyncset.done @!p0 $0x0  }
0x21: {  	[sflag:s5] =	ssyncadd.s32 @!p0 $0xFFFFFE80  }
0x22: {  	[bflag:$0x0] =	sbarrier.arrive $0xFFFF  }
0x23: {  	s7 =	rddreg [dreg:$0x5]  }
0x24: {  	[tilespmem:s2], [sflag:$0x5] =	stream.linear.gather [hbm4b:s7+s2], $0x80, $0x38;
	[tilespmem:$0x1BAC0] =	vst v63  }
0x25: {  	_ =	swait.ge [sflag:s19], $0x80  }
0x26: {  	[sflag:s19] =	ssyncset.done $0x0  }
0x27: {  	[sflag:s19] =	ssyncadd.s32 $0xFFFFFF80  }
0x28: {  	[tilespmem:s20], [sflag:$0x5] =	stream.linear.gather [hbm4b:s9+s2], $0x80, $0x38;
	[tilespmem:$0x1BAC0] =	vst v63  }
0x29: {  	_ =	swait.ge [sflag:s19], $0x80  }
0x2a: {  	[sflag:s19] =	ssyncset.done $0x0  }
0x2b: {  	[sflag:s19] =	ssyncadd.s32 $0xFFFFFF80  }
0x2c: {  	[tilespmem:s21], [sflag:$0x3] =	stream.indirect.gather [hbm4b:s3+s20], $0x80, s2, s20, $0xb8;
	[tilespmem:$0x1BAC0] =	vst v63  }
0x2d: {  	_ = 	snop  }
0x2e: {  	[tilespmem:s22], [sflag:$0x2] =	stream.linear.gather [hbm4b:s10+s2], $0x80, $0x38;
	[tilespmem:$0x1BAC0] =	vst v63  }
0x2f: {  	_ = 	snop  }
0x30: {  	[tilespmem:s23], [sflag:$0x2] =	stream.linear.gather [hbm4b:s11+s2], $0x80, $0x38;
	[tilespmem:$0x1BAC0] =	vst v63  }
0x31: {  	_ =	swait.ge [sflag:s24], $0x80  }
0x32: {  	[sflag:s24] =	ssyncset.done $0x0  }
0x33: {  	[sflag:s24] =	ssyncadd.s32 $0xFFFFFF80  }
0x34: {  	_ =	swait.ge [sflag:s24], $0x80  }
0x35: {  	[sflag:s24] =	ssyncset.done $0x0  }
0x36: {  	[sflag:s24] =	ssyncadd.s32 $0xFFFFFF80  }
0x37: {  	[tilespmem:s25], [sflag:$0x4] =	stream.indirect.gather [hbm4b:s3+s20], $0x80, s22, s20, $0xb8;
	[tilespmem:$0x1BAC0] =	vst v63  }
0x38: {  	_ =	swait.ge [sflag:s26], $0x4000  }
0x39: {  	[sflag:s26] =	ssyncset.done $0x0  }
0x3a: {  	[sflag:s26] =	ssyncadd.s32 $0xFFFFC000  }
0x3b: {  	[spmem:s1] =	stream.indirect.scatter.add.bf16 [tilespmem:s21], [sflag:$0x5], $0x80, s20, s20, $0xb8;
	[tilespmem:$0x1BAC0] =	vst v63  }
0x3c: {  	_ =	swait.ge [sflag:s19], $0x4000  }
0x3d: {  	[sflag:s19] =	ssyncset.done $0x0  }
0x3e: {  	s8 =	sadd.s32 $0x0, s18;
	[sflag:s19] =	ssyncadd.s32 $0xFFFFC000  }
0x3f: {  	[tilespmem:s2], [sflag:$0x1] =	stream.linear.gather [hbm4b:s8+s2], $0x80, $0x38;
	[tilespmem:$0x1BAC0] =	vst v63  }
0x40: {  	s7 =	sadd.s32 $0x0, s17  }
0x41: {  	[tilespmem:s20], [sflag:$0x1] =	stream.linear.gather [hbm4b:s7+s2], $0x80, $0x38;
	[tilespmem:$0x1BAC0] =	vst v63  }
0x42: {  	_ =	swait.ge [sflag:s28], $0x80  }
0x43: {  	[sflag:s28] =	ssyncset.done $0x0  }
0x44: {  	[sflag:s28] =	ssyncadd.s32 $0xFFFFFF80  }
0x45: {  	_ =	swait.ge [sflag:s28], $0x80  }
0x46: {  	[sflag:s28] =	ssyncset.done $0x0  }
0x47: {  	[sflag:s28] =	ssyncadd.s32 $0xFFFFFF80  }
0x48: {  	[tilespmem:s21], [sflag:$0x3] =	stream.indirect.gather [hbm4b:s3+s20], $0x80, s2, s20, $0xb8;
	[tilespmem:$0x1BAC0] =	vst v63  }
0x49: {  	_ =	swait.ge [sflag:s29], $0x4000  }
0x4a: {  	[sflag:s29] =	ssyncset.done $0x0  }
0x4b: {  	[sflag:s29] =	ssyncadd.s32 $0xFFFFC000  }
0x4c: {  	[spmem:s1] =	stream.indirect.scatter.add.bf16 [tilespmem:s25], [sflag:$0x5], $0x80, s23, s20, $0xb8;
	[tilespmem:$0x1BAC0] =	vst v63  }
0x4d: {  	_ =	swait.ge [sflag:s19], $0x4000  }
0x4e: {  	s5 =	simm.s32 $0x20;
	[sflag:s19] =	ssyncset.done $0x0  }
0x4f: {  	s8 =	sadd.s32 $0x0, s16;
	s7 =	sadd.s32 $0x0, s15;
	[sflag:s19] =	ssyncadd.s32 $0xFFFFC000  }
0x50: {  	[tilespmem:s22], [sflag:$0x2] =	stream.linear.gather [hbm4b:s8+s2], $0x80, $0x38;
	[tilespmem:$0x1BAC0] =	vst v63  }
.LBB2_2:
0x51: {  	[tilespmem:s23], [sflag:$0x2] =	stream.linear.gather [hbm4b:s7+s2], $0x80, $0x38;
	[tilespmem:$0x1BAC0] =	vst v63  }
0x52: {  	s7 =	smov.u32 s5  }
0x53: {  	p1 =	sne.s32 s5, $0x4C0;
	s5 =	sadd.s32 $0x20, s5;
	_ =	swait.ge [sflag:s24], $0x80  }
0x54: {  	[sflag:s24] =	ssyncset.done $0x0  }
0x55: {  	[sflag:s24] =	ssyncadd.s32 $0xFFFFFF80  }
0x56: {  	_ =	swait.ge [sflag:s24], $0x80  }
0x57: {  	[sflag:s24] =	ssyncset.done $0x0  }
0x58: {  	[sflag:s24] =	ssyncadd.s32 $0xFFFFFF80  }
0x59: {  	[tilespmem:s25], [sflag:$0x4] =	stream.indirect.gather [hbm4b:s3+s20], $0x80, s22, s20, $0xb8;
	[tilespmem:$0x1BAC0] =	vst v63  }
0x5a: {  	_ =	swait.ge [sflag:s26], $0x4000  }
0x5b: {  	[sflag:s26] =	ssyncset.done $0x0  }
0x5c: {  	[sflag:s26] =	ssyncadd.s32 $0xFFFFC000  }
0x5d: {  	[spmem:s1] =	stream.indirect.scatter.add.bf16 [tilespmem:s21], [sflag:$0x5], $0x80, s20, s20, $0xb8;
	[tilespmem:$0x1BAC0] =	vst v63  }
0x5e: {  	_ =	swait.ge [sflag:s19], $0x4000  }
0x5f: {  	[sflag:s19] =	ssyncset.done $0x0  }
0x60: {  	s8 =	sadd.s32 s7, s18;
	[sflag:s19] =	ssyncadd.s32 $0xFFFFC000  }
0x61: {  	[tilespmem:s2], [sflag:$0x1] =	stream.linear.gather [hbm4b:s8+s2], $0x80, $0x38;
	[tilespmem:$0x1BAC0] =	vst v63  }
0x62: {  	s8 =	sadd.s32 s7, s17  }
0x63: {  	[tilespmem:s20], [sflag:$0x1] =	stream.linear.gather [hbm4b:s8+s2], $0x80, $0x38;
	[tilespmem:$0x1BAC0] =	vst v63  }
0x64: {  	_ =	swait.ge [sflag:s28], $0x80  }
0x65: {  	[sflag:s28] =	ssyncset.done $0x0  }
0x66: {  	[sflag:s28] =	ssyncadd.s32 $0xFFFFFF80  }
0x67: {  	_ =	swait.ge [sflag:s28], $0x80  }
0x68: {  	[sflag:s28] =	ssyncset.done $0x0  }
0x69: {  	[sflag:s28] =	ssyncadd.s32 $0xFFFFFF80  }
0x6a: {  	[tilespmem:s21], [sflag:$0x3] =	stream.indirect.gather [hbm4b:s3+s20], $0x80, s2, s20, $0xb8;
	[tilespmem:$0x1BAC0] =	vst v63  }
0x6b: {  	_ =	swait.ge [sflag:s29], $0x4000  }
0x6c: {  	[sflag:s29] =	ssyncset.done $0x0  }
0x6d: {  	[sflag:s29] =	ssyncadd.s32 $0xFFFFC000  }
0x6e: {  	[spmem:s1] =	stream.indirect.scatter.add.bf16 [tilespmem:s25], [sflag:$0x5], $0x80, s23, s20, $0xb8;
	[tilespmem:$0x1BAC0] =	vst v63  }
.Ltmp0:
0x6f: {  	_ =	swait.ge [sflag:s19], $0x4000;
	(pc) =	sbr.rel @p1 .LBB2_2-.Ltmp0, $4  }
0x70: {  	[sflag:s19] =	ssyncset.done $0x0  }
0x71: {  	s8 =	sadd.s32 s7, s16;
	[sflag:s19] =	ssyncadd.s32 $0xFFFFC000  }
0x72: {  	[tilespmem:s22], [sflag:$0x2] =	stream.linear.gather [hbm4b:s8+s2], $0x80, $0x38;
	[tilespmem:$0x1BAC0] =	vst v63  }
0x73: {  	s7 =	sadd.s32 s7, s15  }
0x74: {  	[tilespmem:s23], [sflag:$0x2] =	stream.linear.gather [hbm4b:s7+s2], $0x80, $0x38;
	[tilespmem:$0x1BAC0] =	vst v63  }
0x75: {  	_ =	swait.ge [sflag:s24], $0x80  }
0x76: {  	[sflag:s24] =	ssyncset.done $0x0  }
0x77: {  	[sflag:s24] =	ssyncadd.s32 $0xFFFFFF80  }
0x78: {  	_ =	swait.ge [sflag:s24], $0x80  }
0x79: {  	[sflag:s24] =	ssyncset.done $0x0  }
0x7a: {  	[sflag:s24] =	ssyncadd.s32 $0xFFFFFF80  }
0x7b: {  	[tilespmem:s25], [sflag:$0x4] =	stream.indirect.gather [hbm4b:s3+s20], $0x80, s22, s20, $0xb8;
	[tilespmem:$0x1BAC0] =	vst v63  }
0x7c: {  	_ =	swait.ge [sflag:s26], $0x4000  }
0x7d: {  	[sflag:s26] =	ssyncset.done $0x0  }
0x7e: {  	[sflag:s26] =	ssyncadd.s32 $0xFFFFC000  }
0x7f: {  	[spmem:s1] =	stream.indirect.scatter.add.bf16 [tilespmem:s21], [sflag:$0x5], $0x80, s20, s20, $0xb8;
	[tilespmem:$0x1BAC0] =	vst v63  }
0x80: {  	_ =	swait.ge [sflag:s19], $0x4000  }
0x81: {  	[sflag:s19] =	ssyncset.done $0x0  }
0x82: {  	[sflag:s19] =	ssyncadd.s32 $0xFFFFC000  }
0x83: {  	_ =	swait.ge [sflag:s29], $0x4000  }
0x84: {  	[sflag:s29] =	ssyncset.done $0x0  }
0x85: {  	[sflag:s29] =	ssyncadd.s32 $0xFFFFC000  }
0x86: {  	[spmem:s1] =	stream.indirect.scatter.add.bf16 [tilespmem:s25], [sflag:$0x5], $0x80, s23, s20, $0xb8;
	[tilespmem:$0x1BAC0] =	vst v63  }
0x87: {  	_ =	swait.ge [sflag:s19], $0x4000  }
0x88: {  	[sflag:s19] =	ssyncset.done $0x0  }
0x89: {  	[sflag:s19] =	ssyncadd.s32 $0xFFFFC000  }
0x8a: {  	[bflag:$0x0] =	sbarrier.arrive $0xFFFF  }
0x8b: {  	[hbm:s12], [sflag:s6] =	dma.local [spmem:s31], $0x2700  }
0x8c: {  	_ =	swait.ge [sflag:s19], $0x2700  }
0x8d: {  	s30 =	sadd.s32 $0x1, s30;
	[sflag:s19] =	ssyncset.done $0x0  }
0x8e: {  	p1 =	sne.s32 s30, s14;
	[sflag:s19] =	ssyncadd.s32 $0xFFFFD900  }
0x8f: {  	[hbm:s13], [sflag:s6] =	dma.local @!p0 [spmem:s0], $0x100  }
.Ltmp1:
0x90: {  	_ = 	snop;
	(pc) =	sbr.rel @p1 .LBB2_1-.Ltmp1, $4  }
0x91: {  	s0 =	simm.s32 @!p0 $0x5  }
0x92: {  	_ =	swait.ge @!p0 [sflag:s0], $0x100  }
0x93: {  	[sflag:s0] =	ssyncset.done @!p0 $0x0  }
0x94: {  	[sflag:s0] =	ssyncadd.s32 @!p0 $0xFFFFFF00  }
0x95: {  	_ =	sfence.sel $0x180000  }
0x96: {  	[bflag:$0x0] =	sbarrier.arrive $0xFFFF  }
0x97: {  	_ =	strace $0x9000004D  }
0x98: {  	[bflag:$0x2] =	sbarrier.arrive $0xFFFF  }
0x99: {  	s0 =	rddreg [dreg:$0x2]  }
0x9a: {  	s0 =	sadd.s32 @!p0 $0x100000, s0  }
0x9b: {  	[sflag:s0] =	ssyncadd.tile.s32 @!p0 $0x1;
	_ =	shalt  }
.Lfunc_end2:
_tile_overlayer_lowered:
.L_overlay_start_2:
0x9c: {  	(tag) =	ssettag $0x2  }
0x9d: {  	s0 =	rddreg [dreg:$0x0];
	s2 =	stileid.u32  }
0x9e: {  	s1 =	rddreg [dreg:$0x1];
	p0 =	sne.s32 s2, $0x0  }
0x9f: {  	s3 =	rddreg [dreg:$0x2];
	[bflag:$0x3] =	sbarrier.arrive $0xFFFF;
	s2 =	simm.s32 @!p0 $0x1C05  }
0xa0: {  	[timem:s3], [sflag:s2] =	dma.local @!p0 [hbm:s0], s1  }
0xa1: {  	s0 =	simm.s32 @!p0 $0x5  }
0xa2: {  	_ =	swait.ge @!p0 [sflag:s0], s1  }
0xa3: {  	s1 =	ssub.s32 @!p0 $0x0, s1;
	[sflag:s0] =	ssyncset.done @!p0 $0x0  }
0xa4: {  	[sflag:s0] =	ssyncadd.s32 @!p0 s1  }
0xa5: {  	[bflag:$0x3] =	sbarrier.arrive $0xFFFF  }
0xa6: {  	_ =	shalt  }

// kernel: kernel.23.cloned.1.call-start
scs
__scs_entry_jumppad:
0x0: {  	(pc) =	sbr.rel $0x88, $3  }
0x1: {  	(tag) =	ssettag $0x0;
	lr =	simm.s32 $0x1  }
0x2: {  	[smem:$0x3F8E] =	sst lr;
	_ =	strace $0xD0000000  }
0x3: {  	_ = 	snop  }
0x4: {  	_ = 	snop  }
0x5: {  	_ = 	snop  }
0x6: {  	_ = 	snop  }
0x7: {  	_ = 	snop  }
__scs_overlays_trampoline_lowered:
0x8: {  	[smem:$0x3F9D] =	sst s0  }
0x9: {  	[smem:$0x3F9E] =	sst s1  }
0xa: {  	[smem:$0x3F9F] =	sst s2  }
0xb: {  	[smem:$0x3FA0] =	sst s3  }
0xc: {  	[smem:$0x3FA1] =	sst s4  }
0xd: {  	[smem:$0x3FA2] =	sst s5  }
0xe: {  	[smem:$0x3FA3] =	sst s6  }
0xf: {  	[smem:$0x3FA4] =	sst s7  }
0x10: {  	[smem:$0x3FA5] =	sst s8  }
0x11: {  	[smem:$0x3FA6] =	sst s9;
	s0 =	simm.s32 @!p0 $0x0  }
0x12: {  	s1 =	sld [smem:$0x3F8C];
	s0 =	simm.s32 @p0 $0x1  }
0x13: {  	[smem:$0x3FA7] =	sst s0;
	s0 =	simm.s32 @!p1 $0x0  }
0x14: {  	s2 =	sld [smem:$0x3F8B];
	s0 =	simm.s32 @p1 $0x1  }
0x15: {  	[smem:$0x3FA8] =	sst s0;
	s0 =	simm.s32 @!p2 $0x0  }
0x16: {  	s3 =	sld [smem:$0x3FDB];
	s0 =	simm.s32 @p2 $0x1  }
0x17: {  	s4 =	simm.s32 $0x1BF5;
	[smem:$0x3FAA] =	sst s0  }
0x18: {  	s0 =	sld [smem:$0x3F8D];
	_ =	swait.ge [sflag:s4], $0x0  }
0x19: {  	s7 =	sld [smem:$0x3F8E]  }
0x1a: {  	s8 =	sadd.s32 $0xFFFFE003, lr  }
0x1b: {  	s9 =	sadd.s32 $0xFFFFFEF7, lr;
	s5 =	simm.s32 $0xFFFFFFFF;
	p2 =	slt.u32 s8, $0xFFFFF086  }
0x1c: {  	p1 =	slt.u32 s9, $0xF7A;
	s5 =	simm.s32 @!p2 $0x0  }
0x1d: {  	s5 =	simm.s32 @p1 $0x1;
	p0 =	seq.s32 s7, s2  }
0x1e: {  	s7 =	smul.u32 @!p0 $0xF7A, s2;
	p2 =	seq.s32 @!p0 s5, $0x0  }
0x1f: {  	s9 =	smul.u32 $0xF7A, s1;
	s8 =	simm.s32 @!p0 $0x1BF5;
	p2 =	por !p2, p0  }
0x20: {  	[sflag:s8] =	ssyncset.s32 @!p0 $0xFFFFF086;
	s6 =	sadd.s32 @!p0 s3, s7;
	s7 =	simm.s32 @!p0 $0x108  }
0x21: {  	s3 =	sadd.s32 s3, s9;
	s6 =	sadd.s32 @!p0 $0x88, s6;
	s7 =	simm.s32 @p2 $0x1082  }
0x22: {  	[simem:s7], [sflag:s8] =	dma.local @!p0 [hbm:s6], $0xF7A  }
0x23: {  	s9 =	sor.u32 $0xD0000000, s2;
	s6 =	simm.s32 $0x108;
	_ =	swait.ge @!p0 [sflag:s8], $0x0  }
0x24: {  	s3 =	sadd.s32 $0x88, s3;
	s6 =	simm.s32 @!p1 $0x1082;
	[sflag:s4] =	ssyncset.s32 $0xFFFFF086  }
0x25: {  	[simem:s6], [sflag:s4] =	dma.local [hbm:s3], $0xF7A  }
0x26: {  	[smem:$0x3F8E] =	sst s1;
	(tag) =	ssettag s2;
	_ =	strace s9  }
0x27: {  	s1 =	sld [smem:$0x3F9E]  }
0x28: {  	s2 =	sld [smem:$0x3F9F]  }
0x29: {  	s4 =	sld [smem:$0x3FA1]  }
0x2a: {  	p0 =	seq.s32 s5, $0x0;
	s5 =	sld [smem:$0x3FA2]  }
0x2b: {  	s6 =	sld [smem:$0x3FA3]  }
0x2c: {  	s7 =	sld [smem:$0x3FA4]  }
0x2d: {  	s3 =	simm.s32 $0x108;
	s8 =	sld [smem:$0x3FA5]  }
0x2e: {  	s3 =	simm.s32 @!p0 $0x1082;
	s9 =	sld [smem:$0x3FA6]  }
0x2f: {  	lr =	sadd.s32 s0, s3;
	s0 =	sld [smem:$0x3F9D]  }
0x30: {  	s3 =	sld [smem:$0x3FA0]  }
0x31: {  	[smem:$0x3FA9] =	sst s10  }
0x32: {  	s10 =	sld [smem:$0x3FA7];
	_ =	sdelay $0x3  }
0x33: {  	p0 =	seq.s32 s10, $0x1;
	s10 =	sld [smem:$0x3FA9];
	_ =	sdelay $0x3  }
0x34: {  	[smem:$0x3FA9] =	sst s10  }
0x35: {  	s10 =	sld [smem:$0x3FA8];
	_ =	sdelay $0x3  }
0x36: {  	p1 =	seq.s32 s10, $0x1;
	s10 =	sld [smem:$0x3FA9];
	_ =	sdelay $0x3  }
0x37: {  	[smem:$0x3FA9] =	sst s10  }
0x38: {  	s10 =	sld [smem:$0x3FAA]  }
0x39: {  	_ = 	snop;
	(pc) =	sbr.ind lr, $3  }
0x3a: {  	_ = 	snop  }
0x3b: {  	_ = 	snop  }
0x3c: {  	p2 =	seq.s32 s10, $0x1;
	s10 =	sld [smem:$0x3FA9]  }
0x3d: {  	_ =	shalt  }
0x3e: {  	_ =	shalt  }
0x3f: {  	_ =	shalt  }
0x40: {  	_ =	shalt  }
0x41: {  	_ =	shalt  }
0x42: {  	_ =	shalt  }
0x43: {  	_ =	shalt  }
0x44: {  	_ =	shalt  }
0x45: {  	_ =	shalt  }
0x46: {  	_ =	shalt  }
0x47: {  	_ =	shalt  }
0x48: {  	_ =	shalt  }
0x49: {  	_ =	shalt  }
0x4a: {  	_ =	shalt  }
0x4b: {  	_ =	shalt  }
0x4c: {  	_ =	shalt  }
0x4d: {  	_ =	shalt  }
0x4e: {  	_ =	shalt  }
0x4f: {  	_ =	shalt  }
0x50: {  	_ =	shalt  }
0x51: {  	_ =	shalt  }
0x52: {  	_ =	shalt  }
0x53: {  	_ =	shalt  }
0x54: {  	_ =	shalt  }
0x55: {  	_ =	shalt  }
0x56: {  	_ =	shalt  }
0x57: {  	_ =	shalt  }
0x58: {  	_ =	shalt  }
0x59: {  	_ =	shalt  }
0x5a: {  	_ =	shalt  }
0x5b: {  	_ =	shalt  }
0x5c: {  	_ =	shalt  }
0x5d: {  	_ =	shalt  }
0x5e: {  	_ =	shalt  }
0x5f: {  	_ =	shalt  }
0x60: {  	_ =	shalt  }
0x61: {  	_ =	shalt  }
0x62: {  	_ =	shalt  }
0x63: {  	_ =	shalt  }
0x64: {  	_ =	shalt  }
0x65: {  	_ =	shalt  }
0x66: {  	_ =	shalt  }
0x67: {  	_ =	shalt  }
0x68: {  	_ =	shalt  }
0x69: {  	_ =	shalt  }
0x6a: {  	_ =	shalt  }
0x6b: {  	_ =	shalt  }
0x6c: {  	_ =	shalt  }
0x6d: {  	_ =	shalt  }
0x6e: {  	_ =	shalt  }
0x6f: {  	_ =	shalt  }
0x70: {  	_ =	shalt  }
0x71: {  	_ =	shalt  }
0x72: {  	_ =	shalt  }
0x73: {  	_ =	shalt  }
0x74: {  	_ =	shalt  }
0x75: {  	_ =	shalt  }
0x76: {  	_ =	shalt  }
0x77: {  	_ =	shalt  }
0x78: {  	_ =	shalt  }
0x79: {  	_ =	shalt  }
0x7a: {  	_ =	shalt  }
0x7b: {  	_ =	shalt  }
0x7c: {  	_ =	shalt  }
0x7d: {  	_ =	shalt  }
0x7e: {  	_ =	shalt  }
0x7f: {  	_ =	shalt  }
0x80: {  	_ =	shalt  }
0x81: {  	_ =	shalt  }
0x82: {  	_ =	shalt  }
0x83: {  	_ =	shalt  }
0x84: {  	_ =	shalt  }
0x85: {  	_ =	shalt  }
0x86: {  	_ =	shalt  }
0x87: {  	_ =	shalt  }
.Lfunc_end0:
.L_simem_size_0:
called_computation.3_lowered:
.L_overlay_start_0:
0x88: {  	s2 =	sld [smem:$0x3FD9]  }
0x89: {  	s3 =	sld [smem:$0x3FFE];
	_ =	sdelay $0x1  }
0x8a: {  	s1 =	srdreg.scid  }
0x8b: {  	s0 =	sand.u32 $0x1, s1  }
0x8c: {  	s17 =	sshll.u32 s0, $0xA;
	s2 =	sadd.s32 s3, s2  }
0x8d: {  	s2 =	sadd.s32 s2, s17  }
0x8e: {  	[smem:$0x3FB5] =	sst s2  }
0x8f: {  	_ = 	snop  }
0x90: {  	s2 =	sld [smem:$0x3FD0];
	(tm) =	ssettm $0x1  }
0x91: {  	s18 =	sld [smem:$0x3FFB];
	_ =	sdelay $0x3  }
0x92: {  	_ =	strace s18  }
0x93: {  	s3 =	sld [smem:$0x3FFC];
	_ =	sdelay $0x3  }
0x94: {  	_ =	strace s3  }
0x95: {  	s3 =	sld [smem:$0x3FFD];
	_ =	sdelay $0x3  }
0x96: {  	_ =	strace s3  }
0x97: {  	_ =	strace $0x8FFFFFFF  }
0x98: {  	s19 =	sld [smem:$0x3FDB];
	_ =	sdelay $0x1  }
0x99: {  	s4 =	simm.s32 $_scs_section_size  }
0x9a: {  	s5 =	simm.s32 $_size__tile_overlayer_lowered;
	s6 =	simm.s32 $_tile_overlayer_lowered  }
0x9b: {  	s22 =	simm.s32 $0x1BFF;
	s21 =	sshll.u32 s6, $0x1;
	s3 =	sadd.s32 s4, s19  }
0x9c: {  	s7 =	simm.s32 $0x0;
	s20 =	sshll.u32 s5, $0x1;
	s5 =	sadd.s32 s21, s3  }
0x9d: {  	[timem:s7], [sflag:s22] =	dma.local [hbm:s5], s20  }
0x9e: {  	_ =	swait.ge [sflag:s22], s20  }
0x9f: {  	s4 =	ssub.s32 $0x0, s20;
	[sflag:s22] =	ssyncset.done $0x0  }
0xa0: {  	[sflag:s22] =	ssyncadd.s32 s4;
	_ =	sdelay $0x1  }
0xa1: {  	s23 =	simm.s32 $0x1B8B  }
0xa2: {  	_ =	swait.ge [sflag:s23], $0x1  }
0xa3: {  	[sflag:s23] =	ssyncset.done $0x0  }
0xa4: {  	s25 =	simm.s32 $0x1B8E;
	s24 =	sld [smem:$0x3FFE];
	[sflag:s23] =	ssyncadd.s32 $0xFFFFFFFF  }
0xa5: {  	s26 =	simm.s32 $execute0_lowered;
	[smem:$0x3FD2] =	sst s25  }
0xa6: {  	s5 =	sshll.u32 s26, $0x1;
	_ =	strace $0x8000004F;
	[dreg:$0x1] =	wrdreg $0xFFFFFFFF  }
0xa7: {  	s28 =	simm.s32 $_size_execute0_lowered;
	s3 =	sadd.s32 s3, s5;
	[dreg:$0x0] =	wrdreg $0x0  }
0xa8: {  	s5 =	sshll.u32 s28, $0x1;
	[dreg:$0x2] =	wrdreg s3  }
0xa9: {  	[dreg:$0x3] =	wrdreg s5  }
0xaa: {  	[dreg:$0x4] =	wrdreg $0xC0  }
0xab: {  	_ =	task [dreg:s7], $0x5FFFF  }
0xac: {  	[dreg:$0x1] =	wrdreg $0xFFFFFFFF  }
0xad: {  	[dreg:$0x0] =	wrdreg $0x60  }
0xae: {  	[dreg:$0x2] =	wrdreg s24  }
0xaf: {  	[dreg:$0x3] =	wrdreg s2  }
0xb0: {  	[dreg:$0x4] =	wrdreg $0x64100  }
0xb1: {  	[dreg:$0x5] =	wrdreg $0x9  }
0xb2: {  	_ =	task.clear_ibuf [dreg:s7], $0x6FFFF;
	_ =	strace $0x9000004F  }
0xb3: {  	s29 =	simm.s32 $0x9;
	_ =	strace $0x80000051  }
0xb4: {  	_ =	swait.ge [sflag:s29], $0x1  }
0xb5: {  	[sflag:s29] =	ssyncadd.s32 $0xFFFFFFFF  }
0xb6: {  	_ =	strace $0x90000051  }
0xb7: {  	_ =	sfence  }
0xb8: {  	s30 =	sld [smem:$0x0];
	_ =	sdelay $0x2  }
0xb9: {  	s31 =	sshll.u32 s1, $0xD;
	s1 =	sshrl.u32 s1, $0x2  }
0xba: {  	s3 =	sand.u32 $0x4000, s31;
	s1 =	sadd.s32 s1, s30  }
0xbb: {  	s0 =	sor.u32 s3, s0;
	s1 =	sshll.u32 s1, $0x11  }
0xbc: {  	s0 =	sor.u32 s1, s0  }
0xbd: {  	s0 =	sadd.s32 $0x8F2B, s0  }
0xbe: {  	[sflag:s0] =	ssyncadd.remote.s32 $0x1  }
0xbf: {  	_ =	sfence.sel $0xFFFF  }
0xc0: {  	[dreg:$0x0] =	wrdreg $0xFFFFFFFF;
	(pc) =	sbr.abs _section_cstart, $3  }
0xc1: {  	[dreg:$0x1] =	wrdreg $0xFFFFFFFF  }
0xc2: {  	_ =	task.clear_ibuf [dreg:s7], $0x2FFFF;
	_ =	strace $0x9FFFFFFF  }
0xc3: {  	(tm) =	ssettm $0x7FFFFFFF  }
tec
execute0_lowered:
.L_overlay_start_1:
0x0: {  	(tag) =	ssettag $0x1  }
0x1: {  	s10 =	rddreg [dreg:$0x0]  }
0x2: {  	s1 =	rddreg [dreg:$0x1]  }
0x3: {  	s2 =	rddreg [dreg:$0x2];
	s3 =	simm.s32 $0x0;
	s9 =	srdreg.scid  }
0x4: {  	s15 =	stileid.u32;
	s20 =	simm.s32 $0x400;
	s21 =	simm.s32 $0x2400  }
0x5: {  	s22 =	simm.s32 $0x4400;
	s23 =	simm.s32 $0x0;
	[smem:$0x7FF] =	sst s3  }
0x6: {  	s4 =	sadd.s32 $0x72000, s10;
	s5 =	sadd.s32 $0x77000, s10;
	s6 =	sadd.s32 $0x19C00, s10  }
0x7: {  	s7 =	sadd.s32 $0x5400, s10;
	s8 =	sadd.s32 $0xF800, s10;
	s11 =	sand.u32 $0x1, s9  }
0x8: {  	s9 =	sadd.s32 $0x26DE00, s10;
	s13 =	smul.u32 $0x4E0, s15;
	s14 =	sadd.s32 $0x7C000, s10  }
0x9: {  	s16 =	smul.u32 $0x9C00, s15;
	s18 =	sshll.u32 s15, $0x6;
	p0 =	sne.s32 s15, $0x0  }
0xa: {  	_ =	strace $0x80000050;
	s12 =	ssub.s32 $0x2, s11;
	s30 =	smul.u32 $0x4E20, s11  }
0xb: {  	s29 =	sshll.u32 s11, $0x4;
	s11 =	smul.u32 $0x27100, s11;
	s10 =	sor.u32 $0x1C01, s18  }
0xc: {  	s18 =	sadd.s32 $0x27000, s2;
	s28 =	sshrl.u32 s12, $0x1;
	s16 =	sshrl.u32 s16, $0x2  }
0xd: {  	s19 =	sor.u32 s15, s29;
	s17 =	ssub.s32 s12, s28;
	s16 =	sadd.s32 s16, s2  }
0xe: {  	s12 =	sadd.s32 s13, s30;
	s31 =	sshrl.u32 s11, $0x3;
	s11 =	smul.u32 $0x2800, s19  }
0xf: {  	s19 =	simm.s32 $0x200;
	s12 =	sadd.s32 s14, s12;
	s13 =	sadd.s32 s14, s31  }
0x10: {  	s14 =	smax.u32 s17, $0x1;
	s15 =	sshrl.u32 s16, $0x3;
	s16 =	simm.s32 $0x1  }
0x11: {  	s17 =	sshrl.u32 @!p0 s18, $0x3;
	s18 =	simm.s32 $0x6400;
	s13 =	sadd.s32 $0x4E00, s13  }
.LBB2_1:
0x12: {  	[spmem:s15], [sflag:s10] =	dma.local [hbm:s8], $0x4E0  }
0x13: {  	_ =	swait.ge [sflag:s16], $0x4E0  }
0x14: {  	[sflag:s16] =	ssyncset.done $0x0  }
0x15: {  	s24 =	simm.s32 @!p0 $0x1;
	[sflag:s16] =	ssyncadd.s32 $0xFFFFFB20  }
0x16: {  	[spmem:s17], [sflag:s10] =	dma.local @!p0 [hbm:s8], $0x30  }
0x17: {  	_ =	swait.ge @!p0 [sflag:s24], $0x30  }
0x18: {  	[sflag:s24] =	ssyncset.done @!p0 $0x0  }
0x19: {  	[sflag:s24] =	ssyncadd.s32 @!p0 $0xFFFFFFD0  }
0x1a: {  	[tilespmem:s18], [sflag:$0x1] =	stream.linear.gather [hbm4b:s1+s3], $0x10, $0x38;
	[tilespmem:$0x8B28] =	vst v63  }
0x1b: {  	_ =	swait.ge [sflag:s16], $0x10  }
0x1c: {  	[sflag:s16] =	ssyncset.done $0x0  }
0x1d: {  	[sflag:s16] =	ssyncadd.s32 $0xFFFFFFF0  }
0x1e: {  	s24 =	simm.s32 $0x0;
	[bflag:$0x0] =	sbarrier.arrive $0xFFFF  }
.LBB2_2:
0x1f: {  	s25 =	sshll.u32 s24, $0x9  }
0x20: {  	s25 =	sadd.s32 s11, s25  }
0x21: {  	s26 =	sshrl.u32 s25, $0x3  }
0x22: {  	s29 =	simm.s32 $0x0;
	s28 =	sadd.s32 s6, s26  }
0x23: {  	[tilespmem:s29], [sflag:$0x1] =	stream.linear.gather [hbm4b:s28+s29], $0x200, $0x38;
	[tilespmem:$0x8B28] =	vst v63  }
0x24: {  	_ =	swait.ge [sflag:s16], $0x200  }
0x25: {  	[sflag:s16] =	ssyncset.done $0x0  }
0x26: {  	s26 =	sadd.s32 s7, s26;
	[sflag:s16] =	ssyncadd.s32 $0xFFFFFE00  }
0x27: {  	[tilespmem:s19], [sflag:$0x1] =	stream.linear.gather [hbm4b:s26+s29], $0x200, $0x38;
	[tilespmem:$0x8B28] =	vst v63  }
0x28: {  	_ =	swait.ge [sflag:s16], $0x200  }
0x29: {  	[sflag:s16] =	ssyncset.done $0x0  }
0x2a: {  	[sflag:s16] =	ssyncadd.s32 $0xFFFFFE00  }
0x2b: {  	[tilespmem:s20], [sflag:$0x1] =	stream.indirect.gather [hbm4b:s4+s19], $0x10, s29, s19, $0xb8;
	[tilespmem:$0x8B28] =	vst v63  }
0x2c: {  	_ =	swait.ge [sflag:s16], $0x2000  }
0x2d: {  	[sflag:s16] =	ssyncset.done $0x0  }
0x2e: {  	[sflag:s16] =	ssyncadd.s32 $0xFFFFE000  }
0x2f: {  	[tilespmem:s21], [sflag:$0x1] =	stream.indirect.gather [hbm4b:s5+s19], $0x10, s19, s19, $0xb8;
	[tilespmem:$0x8B28] =	vst v63  }
0x30: {  	_ =	swait.ge [sflag:s16], $0x2000  }
0x31: {  	[sflag:s16] =	ssyncset.done $0x0  }
0x32: {  	s26 =	simm.s32 $0x0;
	[sflag:s16] =	ssyncadd.s32 $0xFFFFE000  }
0x33: {  	v1 =	vld [tilespmem:s26+$0x410]  }
0x34: {  	v2 =	vld [tilespmem:s26+$0x2410]  }
0x35: {  	v3 =	vld [tilespmem:s26+$0x400]  }
0x36: {  	s28 =	simm.s32 $0x20;
	v4 =	vld [tilespmem:s26+$0x2400]  }
0x37: {  	v5 =	vld [tilespmem:s28+$0x410]  }
0x38: {  	v6 =	vld [tilespmem:s28+$0x2410]  }
0x39: {  	v7 =	vld [tilespmem:s28+$0x400]  }
0x3a: {  	v8 =	vld [tilespmem:s28+$0x2400]  }
0x3b: {  	v0 =	vld [tilespmem:$0x6400];
	v1 =	vadd.f32 v2, v1;
	_ =	sdelay $0x1  }
0x3c: {  	s29 =	simm.s32 $0x40;
	v2 =	vadd.f32 v4, v3;
	v3 =	vmul.f32 $2.000000030e-01, v1  }
0x3d: {  	v4 =	vld [tilespmem:s29+$0x410];
	v5 =	vadd.f32 v6, v5  }
0x3e: {  	v6 =	vld [tilespmem:s29+$0x2410];
	v9 =	vmul.f32 $2.000000030e-01, v2;
	v1 =	vmax.f32 v1, v3  }
0x3f: {  	v7 =	vadd.f32 v8, v7;
	v8 =	vmul.f32 $2.000000030e-01, v5;
	v1 =	vsub.f32 v1, v0  }
0x40: {  	v2 =	vmax.f32 v2, v9  }
0x41: {  	v5 =	vmax.f32 v5, v8;
	v2 =	vsub.f32 v2, v0;
	v1 =	vmul.f32 $1.442695020e+00, v1  }
0x42: {  	v10 =	vld [tilespmem:s29+$0x2400];
	v9 =	vmul.f32 $2.000000030e-01, v7;
	v5 =	vsub.f32 v5, v0  }
0x43: {  	v3 =	vld [tilespmem:s29+$0x400];
	v8 =	vadd.f32 v6, v4;
	v6 =	vmul.f32 $1.442695020e+00, v2;
	(erf) = vpow2.f32 v1;
	_ =	sdelay $0x1  }
0x44: {  	s30 =	simm.s32 $0x60;
	v4 =	vmax.f32 v7, v9;
	v9 =	vmul.f32 $1.442695020e+00, v5;
	(erf) = vpow2.f32 v6  }
0x45: {  	v2 =	vld [tilespmem:s30+$0x2410]  }
0x46: {  	v7 =	vsub.f32 v4, v0;
	v1 =	vld [tilespmem:s30+$0x410];
	(erf) = vpow2.f32 v9  }
0x47: {  	v5 =	vld [tilespmem:s30+$0x2400];
	v4 =	vadd.f32 v10, v3;
	v10 =	vmul.f32 $2.000000030e-01, v8  }
0x48: {  	v3 =	vld [tilespmem:s30+$0x400];
	v6 =	vmul.f32 $1.442695020e+00, v7  }
0x49: {  	s31 =	simm.s32 $0x200;
	v7 =	vmul.f32 $2.000000030e-01, v4;
	v8 =	vmax.f32 v8, v10  }
.LBB2_3:
0x4a: {  	s0 =	sshra.s32 s31, $0x2;
	v8 =	vsub.f32 v8, v0;
	(erf) = vpow2.f32 v6;
	p1 =	sne.s32 s31, $0x7F80  }
.Ltmp0:
0x4b: {  	s31 =	sadd.s32 $0x80, s31;
	v9 =	vadd.f32 v2, v1;
	v1 =	vld [tilespmem:s0+$0x410];
	v4 =	vmax.f32 v4, v7;
	v6 =	vpop (erf);
	(pc) =	sbr.rel @p1 .LBB2_3-.Ltmp0, $4  }
0x4c: {  	v2 =	vld [tilespmem:s0+$0x2410];
	v7 =	vsub.f32 v4, v0;
	v8 =	vmul.f32 $1.442695020e+00, v8;
	[tilespmem:s26+$0x4410] =	vst v6  }
0x4d: {  	v4 =	vadd.f32 v5, v3;
	v3 =	vld [tilespmem:s0+$0x400];
	v10 =	vmul.f32 $2.000000030e-01, v9;
	v11 =	vpop (erf)  }
0x4e: {  	v5 =	vld [tilespmem:s0+$0x2400];
	v6 =	vmul.f32 $1.442695020e+00, v7;
	(erf) = vpow2.f32 v8;
	[tilespmem:s26+$0x4400] =	vst v11;
	s26 =	smov.u32 s28;
	s28 =	smov.u32 s29;
	s29 =	smov.u32 s30  }
0x4f: {  	s30 =	smov.u32 s0;
	v7 =	vmul.f32 $2.000000030e-01, v4;
	v8 =	vmax.f32 v9, v10  }
0x50: {  	_ =	sdelay $0x1  }
0x51: {  	v1 =	vadd.f32 v2, v1  }
0x52: {  	v50 =	vadd.f32 v5, v3  }
0x53: {  	v51 =	vmul.f32 $2.000000030e-01, v1  }
0x54: {  	v52 =	vsub.f32 v8, v0;
	v4 =	vmax.f32 v4, v7;
	v53 =	vmul.f32 $2.000000030e-01, v50  }
0x55: {  	v4 =	vsub.f32 v4, v0;
	v1 =	vmax.f32 v1, v51  }
0x56: {  	v54 =	vmul.f32 $1.442695020e+00, v52;
	v1 =	vsub.f32 v1, v0;
	v2 =	vmax.f32 v50, v53  }
0x57: {  	(erf) = vpow2.f32 v6;
	v4 =	vmul.f32 $1.442695020e+00, v4;
	v55 =	vsub.f32 v2, v0  }
0x58: {  	(erf) = vpow2.f32 v54;
	v1 =	vmul.f32 $1.442695020e+00, v1  }
0x59: {  	(erf) = vpow2.f32 v4;
	v0 =	vmul.f32 $1.442695020e+00, v55  }
0x5a: {  	(erf) = vpow2.f32 v1  }
0x5b: {  	(erf) = vpow2.f32 v0;
	_ =	sdelay $0x1  }
0x5c: {  	v56 =	vpop (erf)  }
0x5d: {  	[tilespmem:s26+$0x4410] =	vst v56;
	v57 =	vpop (erf)  }
0x5e: {  	[tilespmem:s26+$0x4400] =	vst v57;
	v58 =	vpop (erf)  }
0x5f: {  	[tilespmem:s28+$0x4410] =	vst v58;
	v59 =	vpop (erf)  }
0x60: {  	[tilespmem:s28+$0x4400] =	vst v59;
	v60 =	vpop (erf)  }
0x61: {  	[tilespmem:s29+$0x4410] =	vst v60;
	v61 =	vpop (erf)  }
0x62: {  	[tilespmem:s29+$0x4400] =	vst v61;
	v62 =	vpop (erf)  }
0x63: {  	s0 =	sshll.u32 s25, $0x1;
	[tilespmem:s30+$0x4410] =	vst v62;
	v63 =	vpop (erf)  }
0x64: {  	s0 =	sadd.s32 s9, s0;
	[tilespmem:s30+$0x4400] =	vst v63  }
0x65: {  	[hbm4b:s0+s3] =	stream.linear.scatter [tilespmem:s22], [sflag:$0x1], $0x2000, $0x38;
	[tilespmem:$0x8B28] =	vst v63  }
0x66: {  	s24 =	sadd.s32 $0x1, s24;
	_ =	swait.ge [sflag:s16], $0x2000  }
0x67: {  	p1 =	sne.s32 s24, $0x14;
	[sflag:s16] =	ssyncset.done $0x0  }
.Ltmp1:
0x68: {  	[sflag:s16] =	ssyncadd.s32 $0xFFFFE000;
	(pc) =	sbr.rel @p1 .LBB2_2-.Ltmp1, $4  }
0x69: {  	[spmem:s2] =	stream.indirect.scatter.add.f32 [tilespmem:s22], [sflag:$0x1], $0x10, s19, s19, $0xb8;
	[tilespmem:$0x8B28] =	vst v63  }
0x6a: {  	_ =	swait.ge [sflag:s16], $0x2000  }
0x6b: {  	[sflag:s16] =	ssyncset.done $0x0  }
0x6c: {  	[sflag:s16] =	ssyncadd.s32 $0xFFFFE000  }
0x6d: {  	[bflag:$0x0] =	sbarrier.arrive $0xFFFF  }
0x6e: {  	[hbm:s12], [sflag:s10] =	dma.local [spmem:s15], $0x4E0  }
0x6f: {  	s23 =	sadd.s32 $0x1, s23;
	_ =	swait.ge [sflag:s16], $0x4E0  }
0x70: {  	p1 =	sne.s32 s23, s14;
	[sflag:s16] =	ssyncset.done $0x0  }
.Ltmp2:
0x71: {  	s0 =	simm.s32 @!p0 $0x1;
	[sflag:s16] =	ssyncadd.s32 $0xFFFFFB20;
	(pc) =	sbr.rel @p1 .LBB2_1-.Ltmp2, $4  }
0x72: {  	[hbm:s13], [sflag:s10] =	dma.local @!p0 [spmem:s17], $0x20  }
0x73: {  	_ =	swait.ge @!p0 [sflag:s0], $0x20  }
0x74: {  	[sflag:s0] =	ssyncset.done @!p0 $0x0  }
0x75: {  	[sflag:s0] =	ssyncadd.s32 @!p0 $0xFFFFFFE0  }
0x76: {  	_ =	sfence.sel $0x180000  }
0x77: {  	[bflag:$0x0] =	sbarrier.arrive $0xFFFF  }
0x78: {  	_ =	strace $0x90000050  }
0x79: {  	[bflag:$0x2] =	sbarrier.arrive $0xFFFF  }
0x7a: {  	s0 =	rddreg [dreg:$0x3]  }
0x7b: {  	s0 =	sadd.s32 @!p0 $0x100000, s0  }
0x7c: {  	[sflag:s0] =	ssyncadd.tile.s32 @!p0 $0x1;
	_ =	shalt  }
.Lfunc_end2:
_tile_overlayer_lowered:
.L_overlay_start_2:
0x7d: {  	(tag) =	ssettag $0x2  }
0x7e: {  	s0 =	rddreg [dreg:$0x0];
	s2 =	stileid.u32  }
0x7f: {  	s1 =	rddreg [dreg:$0x1];
	p0 =	sne.s32 s2, $0x0  }
0x80: {  	s3 =	rddreg [dreg:$0x2];
	[bflag:$0x3] =	sbarrier.arrive $0xFFFF;
	s2 =	simm.s32 @!p0 $0x1C01  }
0x81: {  	[timem:s3], [sflag:s2] =	dma.local @!p0 [hbm:s0], s1  }
0x82: {  	s0 =	simm.s32 @!p0 $0x1  }
0x83: {  	_ =	swait.ge @!p0 [sflag:s0], s1  }
0x84: {  	s1 =	ssub.s32 @!p0 $0x0, s1;
	[sflag:s0] =	ssyncset.done @!p0 $0x0  }
0x85: {  	[sflag:s0] =	ssyncadd.s32 @!p0 s1  }
0x86: {  	[bflag:$0x3] =	sbarrier.arrive $0xFFFF  }
0x87: {  	_ =	shalt  }

// kernel: kernel.26.cloned.1.call-start
scs
__scs_entry_jumppad:
0x0: {  	(pc) =	sbr.rel $0x88, $3  }
0x1: {  	(tag) =	ssettag $0x0;
	lr =	simm.s32 $0x1  }
0x2: {  	[smem:$0x3F8E] =	sst lr;
	_ =	strace $0xD0000000  }
0x3: {  	_ = 	snop  }
0x4: {  	_ = 	snop  }
0x5: {  	_ = 	snop  }
0x6: {  	_ = 	snop  }
0x7: {  	_ = 	snop  }
__scs_overlays_trampoline_lowered:
0x8: {  	[smem:$0x3F9D] =	sst s0  }
0x9: {  	[smem:$0x3F9E] =	sst s1  }
0xa: {  	[smem:$0x3F9F] =	sst s2  }
0xb: {  	[smem:$0x3FA0] =	sst s3  }
0xc: {  	[smem:$0x3FA1] =	sst s4  }
0xd: {  	[smem:$0x3FA2] =	sst s5  }
0xe: {  	[smem:$0x3FA3] =	sst s6  }
0xf: {  	[smem:$0x3FA4] =	sst s7  }
0x10: {  	[smem:$0x3FA5] =	sst s8  }
0x11: {  	[smem:$0x3FA6] =	sst s9;
	s0 =	simm.s32 @!p0 $0x0  }
0x12: {  	s1 =	sld [smem:$0x3F8C];
	s0 =	simm.s32 @p0 $0x1  }
0x13: {  	[smem:$0x3FA7] =	sst s0;
	s0 =	simm.s32 @!p1 $0x0  }
0x14: {  	s2 =	sld [smem:$0x3F8B];
	s0 =	simm.s32 @p1 $0x1  }
0x15: {  	[smem:$0x3FA8] =	sst s0;
	s0 =	simm.s32 @!p2 $0x0  }
0x16: {  	s3 =	sld [smem:$0x3FDB];
	s0 =	simm.s32 @p2 $0x1  }
0x17: {  	s4 =	simm.s32 $0x1BF5;
	[smem:$0x3FAA] =	sst s0  }
0x18: {  	s0 =	sld [smem:$0x3F8D];
	_ =	swait.ge [sflag:s4], $0x0  }
0x19: {  	s7 =	sld [smem:$0x3F8E]  }
0x1a: {  	s8 =	sadd.s32 $0xFFFFE003, lr  }
0x1b: {  	s9 =	sadd.s32 $0xFFFFFEF7, lr;
	s5 =	simm.s32 $0xFFFFFFFF;
	p2 =	slt.u32 s8, $0xFFFFF086  }
0x1c: {  	p1 =	slt.u32 s9, $0xF7A;
	s5 =	simm.s32 @!p2 $0x0  }
0x1d: {  	s5 =	simm.s32 @p1 $0x1;
	p0 =	seq.s32 s7, s2  }
0x1e: {  	s7 =	smul.u32 @!p0 $0xF7A, s2;
	p2 =	seq.s32 @!p0 s5, $0x0  }
0x1f: {  	s9 =	smul.u32 $0xF7A, s1;
	s8 =	simm.s32 @!p0 $0x1BF5;
	p2 =	por !p2, p0  }
0x20: {  	[sflag:s8] =	ssyncset.s32 @!p0 $0xFFFFF086;
	s6 =	sadd.s32 @!p0 s3, s7;
	s7 =	simm.s32 @!p0 $0x108  }
0x21: {  	s3 =	sadd.s32 s3, s9;
	s6 =	sadd.s32 @!p0 $0x88, s6;
	s7 =	simm.s32 @p2 $0x1082  }
0x22: {  	[simem:s7], [sflag:s8] =	dma.local @!p0 [hbm:s6], $0xF7A  }
0x23: {  	s9 =	sor.u32 $0xD0000000, s2;
	s6 =	simm.s32 $0x108;
	_ =	swait.ge @!p0 [sflag:s8], $0x0  }
0x24: {  	s3 =	sadd.s32 $0x88, s3;
	s6 =	simm.s32 @!p1 $0x1082;
	[sflag:s4] =	ssyncset.s32 $0xFFFFF086  }
0x25: {  	[simem:s6], [sflag:s4] =	dma.local [hbm:s3], $0xF7A  }
0x26: {  	[smem:$0x3F8E] =	sst s1;
	(tag) =	ssettag s2;
	_ =	strace s9  }
0x27: {  	s1 =	sld [smem:$0x3F9E]  }
0x28: {  	s2 =	sld [smem:$0x3F9F]  }
0x29: {  	s4 =	sld [smem:$0x3FA1]  }
0x2a: {  	p0 =	seq.s32 s5, $0x0;
	s5 =	sld [smem:$0x3FA2]  }
0x2b: {  	s6 =	sld [smem:$0x3FA3]  }
0x2c: {  	s7 =	sld [smem:$0x3FA4]  }
0x2d: {  	s3 =	simm.s32 $0x108;
	s8 =	sld [smem:$0x3FA5]  }
0x2e: {  	s3 =	simm.s32 @!p0 $0x1082;
	s9 =	sld [smem:$0x3FA6]  }
0x2f: {  	lr =	sadd.s32 s0, s3;
	s0 =	sld [smem:$0x3F9D]  }
0x30: {  	s3 =	sld [smem:$0x3FA0]  }
0x31: {  	[smem:$0x3FA9] =	sst s10  }
0x32: {  	s10 =	sld [smem:$0x3FA7];
	_ =	sdelay $0x3  }
0x33: {  	p0 =	seq.s32 s10, $0x1;
	s10 =	sld [smem:$0x3FA9];
	_ =	sdelay $0x3  }
0x34: {  	[smem:$0x3FA9] =	sst s10  }
0x35: {  	s10 =	sld [smem:$0x3FA8];
	_ =	sdelay $0x3  }
0x36: {  	p1 =	seq.s32 s10, $0x1;
	s10 =	sld [smem:$0x3FA9];
	_ =	sdelay $0x3  }
0x37: {  	[smem:$0x3FA9] =	sst s10  }
0x38: {  	s10 =	sld [smem:$0x3FAA]  }
0x39: {  	_ = 	snop;
	(pc) =	sbr.ind lr, $3  }
0x3a: {  	_ = 	snop  }
0x3b: {  	_ = 	snop  }
0x3c: {  	p2 =	seq.s32 s10, $0x1;
	s10 =	sld [smem:$0x3FA9]  }
0x3d: {  	_ =	shalt  }
0x3e: {  	_ =	shalt  }
0x3f: {  	_ =	shalt  }
0x40: {  	_ =	shalt  }
0x41: {  	_ =	shalt  }
0x42: {  	_ =	shalt  }
0x43: {  	_ =	shalt  }
0x44: {  	_ =	shalt  }
0x45: {  	_ =	shalt  }
0x46: {  	_ =	shalt  }
0x47: {  	_ =	shalt  }
0x48: {  	_ =	shalt  }
0x49: {  	_ =	shalt  }
0x4a: {  	_ =	shalt  }
0x4b: {  	_ =	shalt  }
0x4c: {  	_ =	shalt  }
0x4d: {  	_ =	shalt  }
0x4e: {  	_ =	shalt  }
0x4f: {  	_ =	shalt  }
0x50: {  	_ =	shalt  }
0x51: {  	_ =	shalt  }
0x52: {  	_ =	shalt  }
0x53: {  	_ =	shalt  }
0x54: {  	_ =	shalt  }
0x55: {  	_ =	shalt  }
0x56: {  	_ =	shalt  }
0x57: {  	_ =	shalt  }
0x58: {  	_ =	shalt  }
0x59: {  	_ =	shalt  }
0x5a: {  	_ =	shalt  }
0x5b: {  	_ =	shalt  }
0x5c: {  	_ =	shalt  }
0x5d: {  	_ =	shalt  }
0x5e: {  	_ =	shalt  }
0x5f: {  	_ =	shalt  }
0x60: {  	_ =	shalt  }
0x61: {  	_ =	shalt  }
0x62: {  	_ =	shalt  }
0x63: {  	_ =	shalt  }
0x64: {  	_ =	shalt  }
0x65: {  	_ =	shalt  }
0x66: {  	_ =	shalt  }
0x67: {  	_ =	shalt  }
0x68: {  	_ =	shalt  }
0x69: {  	_ =	shalt  }
0x6a: {  	_ =	shalt  }
0x6b: {  	_ =	shalt  }
0x6c: {  	_ =	shalt  }
0x6d: {  	_ =	shalt  }
0x6e: {  	_ =	shalt  }
0x6f: {  	_ =	shalt  }
0x70: {  	_ =	shalt  }
0x71: {  	_ =	shalt  }
0x72: {  	_ =	shalt  }
0x73: {  	_ =	shalt  }
0x74: {  	_ =	shalt  }
0x75: {  	_ =	shalt  }
0x76: {  	_ =	shalt  }
0x77: {  	_ =	shalt  }
0x78: {  	_ =	shalt  }
0x79: {  	_ =	shalt  }
0x7a: {  	_ =	shalt  }
0x7b: {  	_ =	shalt  }
0x7c: {  	_ =	shalt  }
0x7d: {  	_ =	shalt  }
0x7e: {  	_ =	shalt  }
0x7f: {  	_ =	shalt  }
0x80: {  	_ =	shalt  }
0x81: {  	_ =	shalt  }
0x82: {  	_ =	shalt  }
0x83: {  	_ =	shalt  }
0x84: {  	_ =	shalt  }
0x85: {  	_ =	shalt  }
0x86: {  	_ =	shalt  }
0x87: {  	_ =	shalt  }
.Lfunc_end0:
.L_simem_size_0:
called_computation.4_lowered:
.L_overlay_start_0:
0x88: {  	s2 =	sld [smem:$0x3FD9]  }
0x89: {  	s3 =	sld [smem:$0x3FFE];
	_ =	sdelay $0x1  }
0x8a: {  	s1 =	srdreg.scid  }
0x8b: {  	s0 =	sand.u32 $0x1, s1  }
0x8c: {  	s16 =	sshll.u32 s0, $0xA;
	s2 =	sadd.s32 s3, s2  }
0x8d: {  	s2 =	sadd.s32 s2, s16  }
0x8e: {  	[smem:$0x3FB5] =	sst s2  }
0x8f: {  	_ = 	snop  }
0x90: {  	(tm) =	ssettm $0x1  }
0x91: {  	s17 =	sld [smem:$0x3FFB];
	_ =	sdelay $0x3  }
0x92: {  	_ =	strace s17  }
0x93: {  	s2 =	sld [smem:$0x3FFC];
	_ =	sdelay $0x3  }
0x94: {  	_ =	strace s2  }
0x95: {  	s2 =	sld [smem:$0x3FFD];
	_ =	sdelay $0x3  }
0x96: {  	_ =	strace s2  }
0x97: {  	_ =	strace $0x8FFFFFFF  }
0x98: {  	s18 =	sld [smem:$0x3FDB];
	_ =	sdelay $0x1  }
0x99: {  	s19 =	simm.s32 $_scs_section_size  }
0x9a: {  	s4 =	simm.s32 $_size__tile_overlayer_lowered;
	s5 =	simm.s32 $_tile_overlayer_lowered  }
0x9b: {  	s22 =	simm.s32 $0x1BFF;
	s21 =	sshll.u32 s5, $0x1;
	s2 =	sadd.s32 s19, s18  }
0x9c: {  	s6 =	simm.s32 $0x0;
	s20 =	sshll.u32 s4, $0x1;
	s4 =	sadd.s32 s21, s2  }
0x9d: {  	[timem:s6], [sflag:s22] =	dma.local [hbm:s4], s20  }
0x9e: {  	_ =	swait.ge [sflag:s22], s20  }
0x9f: {  	s3 =	ssub.s32 $0x0, s20;
	[sflag:s22] =	ssyncset.done $0x0  }
0xa0: {  	[sflag:s22] =	ssyncadd.s32 s3;
	_ =	sdelay $0x1  }
0xa1: {  	s23 =	simm.s32 $0x1B8B  }
0xa2: {  	_ =	swait.ge [sflag:s23], $0x1  }
0xa3: {  	[sflag:s23] =	ssyncset.done $0x0  }
0xa4: {  	s25 =	simm.s32 $0x1B8E;
	s24 =	sld [smem:$0x3FFE];
	[sflag:s23] =	ssyncadd.s32 $0xFFFFFFFF  }
0xa5: {  	s26 =	simm.s32 $execute0_lowered;
	[smem:$0x3FD2] =	sst s25  }
0xa6: {  	s4 =	sshll.u32 s26, $0x1;
	_ =	strace $0x80000052;
	[dreg:$0x1] =	wrdreg $0xFFFFFFFF  }
0xa7: {  	s28 =	simm.s32 $_size_execute0_lowered;
	s2 =	sadd.s32 s2, s4;
	[dreg:$0x0] =	wrdreg $0x0  }
0xa8: {  	s4 =	sshll.u32 s28, $0x1;
	[dreg:$0x2] =	wrdreg s2  }
0xa9: {  	[dreg:$0x3] =	wrdreg s4  }
0xaa: {  	[dreg:$0x4] =	wrdreg $0xC0  }
0xab: {  	_ =	task [dreg:s6], $0x5FFFF  }
0xac: {  	[dreg:$0x1] =	wrdreg $0xFFFFFFFF  }
0xad: {  	[dreg:$0x0] =	wrdreg $0x60  }
0xae: {  	[dreg:$0x2] =	wrdreg s24  }
0xaf: {  	[dreg:$0x3] =	wrdreg $0x98800  }
0xb0: {  	[dreg:$0x4] =	wrdreg $0x9  }
0xb1: {  	_ =	task.clear_ibuf [dreg:s6], $0x5FFFF;
	_ =	strace $0x90000052  }
0xb2: {  	s29 =	simm.s32 $0x9;
	_ =	strace $0x80000054  }
0xb3: {  	_ =	swait.ge [sflag:s29], $0x1  }
0xb4: {  	[sflag:s29] =	ssyncadd.s32 $0xFFFFFFFF  }
0xb5: {  	_ =	strace $0x90000054  }
0xb6: {  	_ =	sfence  }
0xb7: {  	s30 =	sld [smem:$0x0];
	_ =	sdelay $0x2  }
0xb8: {  	s31 =	sshll.u32 s1, $0xD;
	s1 =	sshrl.u32 s1, $0x2  }
0xb9: {  	s3 =	sand.u32 $0x4000, s31;
	s1 =	sadd.s32 s1, s30  }
0xba: {  	s0 =	sor.u32 s3, s0;
	s1 =	sshll.u32 s1, $0x11  }
0xbb: {  	s0 =	sor.u32 s1, s0  }
0xbc: {  	s0 =	sadd.s32 $0x8F2B, s0  }
0xbd: {  	[sflag:s0] =	ssyncadd.remote.s32 $0x1  }
0xbe: {  	_ =	sfence.sel $0xFFFF  }
0xbf: {  	[dreg:$0x0] =	wrdreg $0xFFFFFFFF;
	(pc) =	sbr.abs _section_cstart, $3  }
0xc0: {  	[dreg:$0x1] =	wrdreg $0xFFFFFFFF  }
0xc1: {  	_ =	task.clear_ibuf [dreg:s6], $0x2FFFF;
	_ =	strace $0x9FFFFFFF  }
0xc2: {  	(tm) =	ssettm $0x7FFFFFFF  }
0xc3: {  	_ =	shalt  }
tec
execute0_lowered:
.L_overlay_start_1:
0x0: {  	(tag) =	ssettag $0x1  }
0x1: {  	s0 =	rddreg [dreg:$0x0]  }
0x2: {  	s1 =	rddreg [dreg:$0x1];
	s2 =	simm.s32 $0x0  }
0x3: {  	s8 =	srdreg.scid;
	s29 =	simm.s32 $0x4440;
	s30 =	simm.s32 $0x4460  }
0x4: {  	s31 =	simm.s32 $0x2;
	s28 =	simm.s32 $0x3;
	s3 =	sadd.s32 $0x30DE00, s0  }
0x5: {  	[smem:$0x7FF] =	sst s2;
	s4 =	sadd.s32 $0x26DE00, s0;
	s5 =	sadd.s32 $0x23C00, s0  }
0x6: {  	s6 =	sadd.s32 $0x19C00, s0;
	s7 =	sadd.s32 $0x5400, s0;
	s9 =	sadd.s32 $0x12600, s0  }
0x7: {  	s8 =	sand.u32 $0x1, s8;
	_ =	strace $0x80000053;
	[dreg:$0x3] =	wrdreg s9  }
0x8: {  	s20 =	sadd.s32 $0x138000, s1;
	s9 =	stileid.u32;
	s23 =	smul.u32 $0x27100, s8  }
0x9: {  	s10 =	ssub.s32 $0x2, s8;
	s12 =	sshll.u32 s8, $0x4;
	s8 =	smul.u32 $0x271000, s8  }
0xa: {  	s0 =	sadd.s32 $0x28C00, s0;
	[dreg:$0x5] =	wrdreg s20;
	s13 =	smul.u32 $0x4E000, s9  }
0xb: {  	s11 =	sshrl.u32 s10, $0x1;
	s12 =	sor.u32 s9, s12;
	s15 =	smul.u32 $0x2700, s9  }
0xc: {  	s19 =	sshll.u32 s9, $0x6;
	p0 =	sne.s32 s9, $0x0;
	s14 =	smul.u32 $0x2800, s12  }
0xd: {  	s9 =	simm.s32 $0x8880;
	s11 =	ssub.s32 s10, s11;
	s12 =	smul.u32 $0x5000, s12  }
0xe: {  	s8 =	sshrl.u32 s8, $0x4;
	s18 =	sshrl.u32 s13, $0x2;
	s25 =	sadd.s32 s15, s23  }
0xf: {  	s26 =	smax.u32 s11, $0x1;
	s23 =	simm.s32 $0x5;
	s11 =	simm.s32 $0x4  }
0x10: {  	s10 =	sadd.s32 s18, s1;
	s21 =	sshrl.u32 s14, $0x3;
	s12 =	sadd.s32 s4, s12  }
0x11: {  	s17 =	sor.u32 $0x20, s14;
	s18 =	sor.u32 $0x40, s14;
	[dreg:$0xd] =	wrdreg s26  }
0x12: {  	s26 =	simm.s32 $0x8680;
	[dreg:$0x4] =	wrdreg s10;
	s10 =	sor.u32 $0x1C05, s19  }
0x13: {  	s16 =	sadd.s32 s6, s21;
	s22 =	sadd.s32 s7, s21;
	[dreg:$0x8] =	wrdreg s12  }
0x14: {  	s24 =	sor.u32 $0x4, s21;
	s19 =	sor.u32 $0x60, s14;
	[dreg:$0x6] =	wrdreg s16  }
.Ltmp0:
0x15: {  	[dreg:$0x7] =	wrdreg s22;
	s13 =	sadd.s32 s6, s24;
	(pc) =	sbr.rel .LBB2_1-.Ltmp0, $4  }
0x16: {  	s12 =	sadd.s32 s7, s24;
	s24 =	simm.s32 $0x20;
	[dreg:$0x9] =	wrdreg s13  }
0x17: {  	[dreg:$0xa] =	wrdreg s12;
	s12 =	sadd.s32 s0, s25;
	s0 =	sadd.s32 s0, s8  }
0x18: {  	s25 =	simm.s32 $0x8480;
	[dreg:$0xb] =	wrdreg s12;
	s0 =	sadd.s32 $0x27000, s0  }
0x19: {  	s12 =	simm.s32 $0x0;
	[dreg:$0xc] =	wrdreg s0;
	s0 =	simm.s32 $0x4480  }
.LBB2_8:
0x1a: {  	[bflag:$0x0] =	sbarrier.arrive $0xFFFF  }
0x1b: {  	s8 =	rddreg [dreg:$0xb]  }
0x1c: {  	s13 =	rddreg [dreg:$0xe]  }
0x1d: {  	[hbm:s8], [sflag:s10] =	dma.local [spmem:s13], $0x2700  }
0x1e: {  	_ =	swait.ge [sflag:s23], $0x2700  }
0x1f: {  	[sflag:s23] =	ssyncset.done $0x0  }
0x20: {  	s8 =	rddreg [dreg:$0xc];
	[sflag:s23] =	ssyncadd.s32 $0xFFFFD900  }
0x21: {  	[hbm:s8], [sflag:s10] =	dma.local @!p0 [spmem:s14], $0x100  }
0x22: {  	s8 =	simm.s32 @!p0 $0x5  }
0x23: {  	_ =	swait.ge @!p0 [sflag:s8], $0x100  }
0x24: {  	s12 =	sadd.s32 $0x1, s12;
	s22 =	rddreg [dreg:$0xd]  }
0x25: {  	p1 =	sne.s32 s12, s22  }
.Ltmp1:
0x26: {  	_ = 	snop;
	(pc) =	sbr.rel @!p1 .LBB2_9-.Ltmp1, $3  }
0x27: {  	_ =	sdelay $0x1  }
0x28: {  	[sflag:s8] =	ssyncset.done @!p0 $0x0  }
0x29: {  	[sflag:s8] =	ssyncadd.s32 @!p0 $0xFFFFFF00  }
.LBB2_1:
0x2a: {  	s8 =	rddreg [dreg:$0x4]  }
0x2b: {  	s13 =	sshrl.u32 s8, $0x3;
	s8 =	rddreg [dreg:$0x3]  }
0x2c: {  	[dreg:$0xe] =	wrdreg s13  }
0x2d: {  	[spmem:s13], [sflag:s10] =	dma.local [hbm:s8], $0x2700  }
0x2e: {  	_ =	swait.ge [sflag:s23], $0x2700  }
0x2f: {  	[sflag:s23] =	ssyncset.done $0x0;
	s13 =	rddreg [dreg:$0x5]  }
0x30: {  	[sflag:s23] =	ssyncadd.s32 $0xFFFFD900;
	s14 =	sshrl.u32 @!p0 s13, $0x3  }
0x31: {  	[spmem:s14], [sflag:s10] =	dma.local @!p0 [hbm:s8], $0x180  }
0x32: {  	s8 =	simm.s32 @!p0 $0x5  }
0x33: {  	_ =	swait.ge @!p0 [sflag:s8], $0x180  }
0x34: {  	[sflag:s8] =	ssyncset.done @!p0 $0x0  }
0x35: {  	[sflag:s8] =	ssyncadd.s32 @!p0 $0xFFFFFE80  }
0x36: {  	[bflag:$0x0] =	sbarrier.arrive $0xFFFF  }
0x37: {  	s21 =	rddreg [dreg:$0x6]  }
0x38: {  	[tilespmem:s2], [sflag:$0x5] =	stream.linear.gather [hbm4b:s21+s2], $0x20, $0x38;
	[tilespmem:$0x1D140] =	vst v63  }
0x39: {  	_ =	swait.ge [sflag:s23], $0x20  }
0x3a: {  	[sflag:s23] =	ssyncset.done $0x0  }
0x3b: {  	s22 =	rddreg [dreg:$0x7];
	[sflag:s23] =	ssyncadd.s32 $0xFFFFFFE0  }
0x3c: {  	[tilespmem:s24], [sflag:$0x5] =	stream.linear.gather [hbm4b:s22+s2], $0x20, $0x38;
	[tilespmem:$0x1D140] =	vst v63  }
0x3d: {  	_ =	swait.ge [sflag:s23], $0x20  }
0x3e: {  	[sflag:s23] =	ssyncset.done $0x0  }
0x3f: {  	s13 =	simm.s32 $0x40;
	[sflag:s23] =	ssyncadd.s32 $0xFFFFFFE0  }
0x40: {  	[tilespmem:s13], [sflag:$0x3] =	stream.indirect.gather [hbm4b:s3+s24], $0x200, s2, s24, $0xb8;
	[tilespmem:$0x1D140] =	vst v63  }
0x41: {  	s16 =	simm.s32 $0x4040;
	s15 =	rddreg [dreg:$0x8]  }
0x42: {  	[tilespmem:s16], [sflag:$0x3] =	stream.linear.gather [hbm4b:s15+s2], $0x200, $0x38;
	[tilespmem:$0x1D140] =	vst v63  }
0x43: {  	s20 =	simm.s32 $0x4240  }
0x44: {  	[tilespmem:s20], [sflag:$0x3] =	stream.indirect.gather [hbm4b:s5+s24], $0x10, s24, s24, $0xb8;
	[tilespmem:$0x1D140] =	vst v63  }
0x45: {  	s21 =	rddreg [dreg:$0x9]  }
0x46: {  	[tilespmem:s29], [sflag:$0x2] =	stream.linear.gather [hbm4b:s21+s2], $0x20, $0x38;
	[tilespmem:$0x1D140] =	vst v63  }
0x47: {  	s22 =	rddreg [dreg:$0xa];
	s15 =	simm.s32 $0x0  }
0x48: {  	[tilespmem:s30], [sflag:$0x2] =	stream.linear.gather [hbm4b:s22+s2], $0x20, $0x38;
	[tilespmem:$0x1D140] =	vst v63  }
.LBB2_2:
0x49: {  	_ =	swait.ge [sflag:s31], $0x20  }
0x4a: {  	[sflag:s31] =	ssyncset.done $0x0  }
0x4b: {  	s16 =	sshll.u32 s15, $0x6;
	[sflag:s31] =	ssyncadd.s32 $0xFFFFFFE0  }
0x4c: {  	s8 =	sadd.s32 s16, s17;
	_ =	swait.ge [sflag:s31], $0x20  }
0x4d: {  	s8 =	sshll.u32 s8, $0x1;
	[sflag:s31] =	ssyncset.done $0x0  }
0x4e: {  	s8 =	sand.u32 $0x1FFFFFC0, s8;
	[sflag:s31] =	ssyncadd.s32 $0xFFFFFFE0  }
0x4f: {  	[tilespmem:s0], [sflag:$0x4] =	stream.indirect.gather [hbm4b:s3+s24], $0x200, s29, s24, $0xb8;
	[tilespmem:$0x1D140] =	vst v63  }
0x50: {  	s20 =	simm.s32 $0x0;
	s8 =	sadd.s32 s4, s8  }
0x51: {  	[tilespmem:s25], [sflag:$0x4] =	stream.linear.gather [hbm4b:s8+s20], $0x200, $0x38;
	[tilespmem:$0x1D140] =	vst v63  }
0x52: {  	_ = 	snop  }
0x53: {  	[tilespmem:s26], [sflag:$0x4] =	stream.indirect.gather [hbm4b:s5+s24], $0x10, s30, s24, $0xb8;
	[tilespmem:$0x1D140] =	vst v63  }
0x54: {  	_ =	swait.ge [sflag:s28], $0x4000  }
0x55: {  	[sflag:s28] =	ssyncset.done $0x0  }
0x56: {  	[sflag:s28] =	ssyncadd.s32 $0xFFFFC000  }
0x57: {  	_ =	swait.ge [sflag:s28], $0x200  }
0x58: {  	[sflag:s28] =	ssyncset.done $0x0  }
0x59: {  	[sflag:s28] =	ssyncadd.s32 $0xFFFFFE00  }
0x5a: {  	_ =	swait.ge [sflag:s28], $0x200  }
0x5b: {  	s21 =	simm.s32 $0x8900;
	[sflag:s28] =	ssyncset.done $0x0  }
0x5c: {  	s22 =	simm.s32 $0x4050;
	s8 =	simm.s32 $0x4250;
	[sflag:s28] =	ssyncadd.s32 $0xFFFFFE00  }
.LBB2_3:
0x5d: {  	v0 =	vld [tilespmem:s22+$0xFFFFFFF0]  }
0x5e: {  	v1 =	vld [tilespmem:s8+$0xFFFFFFF0]  }
0x5f: {  	v2 =	vld [tilespmem:s22+$0x0]  }
0x60: {  	v3 =	vld [tilespmem:s8+$0x0];
	_ =	sdelay $0x2  }
0x61: {  	s13 =	sshra.s32 s20, $0x2  }
0x62: {  	v5 =	vld.msk [tilespmem:s13+$0x40], $0xff;
	v4 =	vmul.f32 v1, v0  }
0x63: {  	v7 =	vld.msk [tilespmem:s13+$0xC0], $0xff;
	v6 =	vmul.f32 v3, v2  }
0x64: {  	v8 =	vld.msk [tilespmem:s13+$0x240], $0xff;
	v0 =	vbroadcast v4, $0x0;
	v1 =	vbroadcast v4, $0x1  }
0x65: {  	v9 =	vld.msk [tilespmem:s13+$0x2C0], $0xff;
	v2 =	vbroadcast v6, $0x0;
	v3 =	vbroadcast v6, $0x1  }
0x66: {  	v10 =	vld.msk [tilespmem:s13+$0x140], $0xff;
	v11 =	vbroadcast v4, $0x2;
	v12 =	vbroadcast v4, $0x3  }
0x67: {  	v13 =	vld.msk [tilespmem:s13+$0x340], $0xff;
	v14 =	vbroadcast v6, $0x2;
	v0 =	vpack.c.f32.bf16 v0, v0;
	v1 =	vpack.c.f32.bf16 v1, v1  }
0x68: {  	v16 =	vld.msk [tilespmem:s13+$0x1C0], $0xff;
	v15 =	vbroadcast v6, $0x3;
	v2 =	vpack.c.f32.bf16 v2, v2;
	v3 =	vpack.c.f32.bf16 v3, v3  }
0x69: {  	v17 =	vld.msk [tilespmem:s13+$0x3C0], $0xff;
	v4 =	vpack.c.f32.bf16 v11, v11;
	v36 =	vmul.bf16 v5, v0;
	v7 =	vmul.bf16 v7, v1  }
0x6a: {  	v5 =	vpack.c.f32.bf16 v14, v14;
	v8 =	vmul.bf16 v8, v2;
	v9 =	vmul.bf16 v9, v3  }
0x6b: {  	v6 =	vpack.c.f32.bf16 v12, v12;
	v10 =	vmul.bf16 v10, v4;
	v11 =	vadd.bf16 v7, v36  }
0x6c: {  	v7 =	vpack.c.f32.bf16 v15, v15;
	v8 =	vadd.bf16 v9, v8;
	v37 =	vmul.bf16 v13, v5  }
0x6d: {  	v38 =	vmul.bf16 v16, v6;
	v10 =	vadd.bf16 v10, v11  }
0x6e: {  	v8 =	vadd.bf16 v37, v8;
	v39 =	vmul.bf16 v17, v7  }
0x6f: {  	v10 =	vadd.bf16 v38, v10  }
0x70: {  	v8 =	vadd.bf16 v39, v8  }
0x71: {  	[tilespmem:s21+$0xFFFFFF80] =	vst.msk $0xff, v10  }
0x72: {  	[tilespmem:s21+$0x0] =	vst.msk $0xff, v8  }
0x73: {  	v8 =	vld.msk [tilespmem:s13+$0x48], $0xff  }
0x74: {  	v40 =	vld.msk [tilespmem:s13+$0xC8], $0xff  }
0x75: {  	v10 =	vld.msk [tilespmem:s13+$0x248], $0xff  }
0x76: {  	v41 =	vld.msk [tilespmem:s13+$0x2C8], $0xff  }
0x77: {  	v42 =	vld.msk [tilespmem:s13+$0x148], $0xff  }
0x78: {  	v43 =	vld.msk [tilespmem:s13+$0x348], $0xff  }
0x79: {  	v44 =	vld.msk [tilespmem:s13+$0x1C8], $0xff  }
0x7a: {  	v45 =	vld.msk [tilespmem:s13+$0x3C8], $0xff;
	v8 =	vmul.bf16 v8, v0;
	v9 =	vmul.bf16 v40, v1  }
0x7b: {  	v10 =	vmul.bf16 v10, v2;
	v11 =	vmul.bf16 v41, v3  }
0x7c: {  	v46 =	vmul.bf16 v42, v4;
	v8 =	vadd.bf16 v9, v8  }
0x7d: {  	v47 =	vmul.bf16 v43, v5;
	v10 =	vadd.bf16 v11, v10  }
0x7e: {  	v48 =	vmul.bf16 v44, v6;
	v8 =	vadd.bf16 v46, v8  }
0x7f: {  	v49 =	vmul.bf16 v45, v7;
	v10 =	vadd.bf16 v47, v10  }
0x80: {  	v8 =	vadd.bf16 v48, v8  }
0x81: {  	v50 =	vadd.bf16 v49, v10  }
0x82: {  	[tilespmem:s21+$0xFFFFFF88] =	vst.msk $0xff, v8  }
0x83: {  	[tilespmem:s21+$0x8] =	vst.msk $0xff, v50  }
0x84: {  	v8 =	vld.msk [tilespmem:s13+$0x50], $0xff  }
0x85: {  	v9 =	vld.msk [tilespmem:s13+$0xD0], $0xff  }
0x86: {  	v51 =	vld.msk [tilespmem:s13+$0x250], $0xff  }
0x87: {  	v52 =	vld.msk [tilespmem:s13+$0x2D0], $0xff  }
0x88: {  	v53 =	vld.msk [tilespmem:s13+$0x150], $0xff  }
0x89: {  	v54 =	vld.msk [tilespmem:s13+$0x350], $0xff  }
0x8a: {  	v55 =	vld.msk [tilespmem:s13+$0x1D0], $0xff  }
0x8b: {  	v56 =	vld.msk [tilespmem:s13+$0x3D0], $0xff;
	v8 =	vmul.bf16 v8, v0;
	v9 =	vmul.bf16 v9, v1  }
0x8c: {  	v10 =	vmul.bf16 v51, v2;
	v11 =	vmul.bf16 v52, v3  }
0x8d: {  	v57 =	vmul.bf16 v53, v4;
	v8 =	vadd.bf16 v9, v8  }
0x8e: {  	v58 =	vmul.bf16 v54, v5;
	v10 =	vadd.bf16 v11, v10  }
0x8f: {  	v59 =	vmul.bf16 v55, v6;
	v8 =	vadd.bf16 v57, v8  }
0x90: {  	v60 =	vmul.bf16 v56, v7;
	v10 =	vadd.bf16 v58, v10  }
0x91: {  	v8 =	vadd.bf16 v59, v8  }
0x92: {  	v61 =	vadd.bf16 v60, v10  }
0x93: {  	[tilespmem:s21+$0xFFFFFF90] =	vst.msk $0xff, v8  }
0x94: {  	[tilespmem:s21+$0x10] =	vst.msk $0xff, v61  }
0x95: {  	v8 =	vld.msk [tilespmem:s13+$0x58], $0xff  }
0x96: {  	v9 =	vld.msk [tilespmem:s13+$0xD8], $0xff  }
0x97: {  	v62 =	vld.msk [tilespmem:s13+$0x258], $0xff  }
0x98: {  	v63 =	vld.msk [tilespmem:s13+$0x2D8], $0xff  }
0x99: {  	v18 =	vld.msk [tilespmem:s13+$0x158], $0xff  }
0x9a: {  	v19 =	vld.msk [tilespmem:s13+$0x358], $0xff  }
0x9b: {  	v20 =	vld.msk [tilespmem:s13+$0x1D8], $0xff  }
0x9c: {  	v21 =	vld.msk [tilespmem:s13+$0x3D8], $0xff;
	v8 =	vmul.bf16 v8, v0;
	v9 =	vmul.bf16 v9, v1  }
0x9d: {  	v10 =	vmul.bf16 v62, v2;
	v11 =	vmul.bf16 v63, v3  }
0x9e: {  	v22 =	vmul.bf16 v18, v4;
	v8 =	vadd.bf16 v9, v8  }
0x9f: {  	v23 =	vmul.bf16 v19, v5;
	v10 =	vadd.bf16 v11, v10  }
0xa0: {  	v24 =	vmul.bf16 v20, v6;
	v8 =	vadd.bf16 v22, v8  }
0xa1: {  	v25 =	vmul.bf16 v21, v7;
	v10 =	vadd.bf16 v23, v10  }
0xa2: {  	v8 =	vadd.bf16 v24, v8  }
0xa3: {  	v26 =	vadd.bf16 v25, v10  }
0xa4: {  	[tilespmem:s21+$0xFFFFFF98] =	vst.msk $0xff, v8  }
0xa5: {  	[tilespmem:s21+$0x18] =	vst.msk $0xff, v26  }
0xa6: {  	v8 =	vld.msk [tilespmem:s13+$0x60], $0xff  }
0xa7: {  	v9 =	vld.msk [tilespmem:s13+$0xE0], $0xff  }
0xa8: {  	v27 =	vld.msk [tilespmem:s13+$0x260], $0xff  }
0xa9: {  	v28 =	vld.msk [tilespmem:s13+$0x2E0], $0xff  }
0xaa: {  	v29 =	vld.msk [tilespmem:s13+$0x160], $0xff  }
0xab: {  	v30 =	vld.msk [tilespmem:s13+$0x360], $0xff  }
0xac: {  	v31 =	vld.msk [tilespmem:s13+$0x1E0], $0xff  }
0xad: {  	v32 =	vld.msk [tilespmem:s13+$0x3E0], $0xff;
	v8 =	vmul.bf16 v8, v0;
	v9 =	vmul.bf16 v9, v1  }
0xae: {  	v10 =	vmul.bf16 v27, v2;
	v11 =	vmul.bf16 v28, v3  }
0xaf: {  	v33 =	vmul.bf16 v29, v4;
	v8 =	vadd.bf16 v9, v8  }
0xb0: {  	v34 =	vmul.bf16 v30, v5;
	v10 =	vadd.bf16 v11, v10  }
0xb1: {  	v35 =	vmul.bf16 v31, v6;
	v8 =	vadd.bf16 v33, v8  }
0xb2: {  	v36 =	vmul.bf16 v32, v7;
	v10 =	vadd.bf16 v34, v10  }
0xb3: {  	v8 =	vadd.bf16 v35, v8  }
0xb4: {  	v37 =	vadd.bf16 v36, v10  }
0xb5: {  	[tilespmem:s21+$0xFFFFFFA0] =	vst.msk $0xff, v8  }
0xb6: {  	[tilespmem:s21+$0x20] =	vst.msk $0xff, v37  }
0xb7: {  	v8 =	vld.msk [tilespmem:s13+$0x68], $0xff  }
0xb8: {  	v9 =	vld.msk [tilespmem:s13+$0xE8], $0xff  }
0xb9: {  	v38 =	vld.msk [tilespmem:s13+$0x268], $0xff  }
0xba: {  	v39 =	vld.msk [tilespmem:s13+$0x2E8], $0xff  }
0xbb: {  	v40 =	vld.msk [tilespmem:s13+$0x168], $0xff  }
0xbc: {  	v41 =	vld.msk [tilespmem:s13+$0x368], $0xff  }
0xbd: {  	v42 =	vld.msk [tilespmem:s13+$0x1E8], $0xff  }
0xbe: {  	v43 =	vld.msk [tilespmem:s13+$0x3E8], $0xff;
	v8 =	vmul.bf16 v8, v0;
	v9 =	vmul.bf16 v9, v1  }
0xbf: {  	v10 =	vmul.bf16 v38, v2;
	v11 =	vmul.bf16 v39, v3  }
0xc0: {  	v44 =	vmul.bf16 v40, v4;
	v8 =	vadd.bf16 v9, v8  }
0xc1: {  	v45 =	vmul.bf16 v41, v5;
	v10 =	vadd.bf16 v11, v10  }
0xc2: {  	v46 =	vmul.bf16 v42, v6;
	v8 =	vadd.bf16 v44, v8  }
0xc3: {  	v47 =	vmul.bf16 v43, v7;
	v10 =	vadd.bf16 v45, v10  }
0xc4: {  	v8 =	vadd.bf16 v46, v8  }
0xc5: {  	v48 =	vadd.bf16 v47, v10  }
0xc6: {  	[tilespmem:s21+$0xFFFFFFA8] =	vst.msk $0xff, v8  }
0xc7: {  	[tilespmem:s21+$0x28] =	vst.msk $0xff, v48  }
0xc8: {  	v8 =	vld.msk [tilespmem:s13+$0x70], $0xff  }
0xc9: {  	v9 =	vld.msk [tilespmem:s13+$0xF0], $0xff  }
0xca: {  	v49 =	vld.msk [tilespmem:s13+$0x270], $0xff  }
0xcb: {  	v50 =	vld.msk [tilespmem:s13+$0x2F0], $0xff  }
0xcc: {  	v51 =	vld.msk [tilespmem:s13+$0x170], $0xff  }
0xcd: {  	v52 =	vld.msk [tilespmem:s13+$0x370], $0xff  }
0xce: {  	v53 =	vld.msk [tilespmem:s13+$0x1F0], $0xff  }
0xcf: {  	v54 =	vld.msk [tilespmem:s13+$0x3F0], $0xff;
	v8 =	vmul.bf16 v8, v0;
	v9 =	vmul.bf16 v9, v1  }
0xd0: {  	v10 =	vmul.bf16 v49, v2;
	v11 =	vmul.bf16 v50, v3  }
0xd1: {  	v55 =	vmul.bf16 v51, v4;
	v8 =	vadd.bf16 v9, v8  }
0xd2: {  	v56 =	vmul.bf16 v52, v5;
	v10 =	vadd.bf16 v11, v10  }
0xd3: {  	v57 =	vmul.bf16 v53, v6;
	v8 =	vadd.bf16 v55, v8  }
0xd4: {  	v58 =	vmul.bf16 v54, v7;
	v10 =	vadd.bf16 v56, v10  }
0xd5: {  	v8 =	vadd.bf16 v57, v8  }
0xd6: {  	v59 =	vadd.bf16 v58, v10  }
0xd7: {  	[tilespmem:s21+$0xFFFFFFB0] =	vst.msk $0xff, v8  }
0xd8: {  	[tilespmem:s21+$0x30] =	vst.msk $0xff, v59  }
0xd9: {  	v8 =	vld.msk [tilespmem:s13+$0x78], $0xff  }
0xda: {  	v9 =	vld.msk [tilespmem:s13+$0xF8], $0xff  }
0xdb: {  	v60 =	vld.msk [tilespmem:s13+$0x278], $0xff  }
0xdc: {  	v61 =	vld.msk [tilespmem:s13+$0x2F8], $0xff  }
0xdd: {  	v62 =	vld.msk [tilespmem:s13+$0x178], $0xff  }
0xde: {  	v63 =	vld.msk [tilespmem:s13+$0x378], $0xff  }
0xdf: {  	v18 =	vld.msk [tilespmem:s13+$0x1F8], $0xff  }
0xe0: {  	v19 =	vld.msk [tilespmem:s13+$0x3F8], $0xff;
	v8 =	vmul.bf16 v8, v0;
	v9 =	vmul.bf16 v9, v1  }
0xe1: {  	v10 =	vmul.bf16 v60, v2;
	v11 =	vmul.bf16 v61, v3  }
0xe2: {  	v20 =	vmul.bf16 v62, v4;
	v8 =	vadd.bf16 v9, v8  }
0xe3: {  	v21 =	vmul.bf16 v63, v5;
	v10 =	vadd.bf16 v11, v10  }
0xe4: {  	v22 =	vmul.bf16 v18, v6;
	v8 =	vadd.bf16 v20, v8  }
0xe5: {  	v23 =	vmul.bf16 v19, v7;
	v10 =	vadd.bf16 v21, v10  }
0xe6: {  	v8 =	vadd.bf16 v22, v8  }
0xe7: {  	v24 =	vadd.bf16 v23, v10  }
0xe8: {  	[tilespmem:s21+$0xFFFFFFB8] =	vst.msk $0xff, v8  }
0xe9: {  	[tilespmem:s21+$0x38] =	vst.msk $0xff, v24  }
0xea: {  	v8 =	vld.msk [tilespmem:s13+$0x80], $0xff  }
0xeb: {  	v9 =	vld.msk [tilespmem:s13+$0x100], $0xff  }
0xec: {  	v25 =	vld.msk [tilespmem:s13+$0x280], $0xff  }
0xed: {  	v26 =	vld.msk [tilespmem:s13+$0x300], $0xff  }
0xee: {  	v27 =	vld.msk [tilespmem:s13+$0x180], $0xff  }
0xef: {  	v28 =	vld.msk [tilespmem:s13+$0x380], $0xff  }
0xf0: {  	v29 =	vld.msk [tilespmem:s13+$0x200], $0xff  }
0xf1: {  	v30 =	vld.msk [tilespmem:s13+$0x400], $0xff;
	v8 =	vmul.bf16 v8, v0;
	v9 =	vmul.bf16 v9, v1  }
0xf2: {  	v10 =	vmul.bf16 v25, v2;
	v11 =	vmul.bf16 v26, v3  }
0xf3: {  	v31 =	vmul.bf16 v27, v4;
	v8 =	vadd.bf16 v9, v8  }
0xf4: {  	v32 =	vmul.bf16 v28, v5;
	v10 =	vadd.bf16 v11, v10  }
0xf5: {  	v33 =	vmul.bf16 v29, v6;
	v8 =	vadd.bf16 v31, v8  }
0xf6: {  	v34 =	vmul.bf16 v30, v7;
	v10 =	vadd.bf16 v32, v10  }
0xf7: {  	v8 =	vadd.bf16 v33, v8  }
0xf8: {  	v35 =	vadd.bf16 v34, v10  }
0xf9: {  	[tilespmem:s21+$0xFFFFFFC0] =	vst.msk $0xff, v8  }
0xfa: {  	[tilespmem:s21+$0x40] =	vst.msk $0xff, v35  }
0xfb: {  	v8 =	vld.msk [tilespmem:s13+$0x88], $0xff  }
0xfc: {  	v9 =	vld.msk [tilespmem:s13+$0x108], $0xff  }
0xfd: {  	v36 =	vld.msk [tilespmem:s13+$0x288], $0xff  }
0xfe: {  	v37 =	vld.msk [tilespmem:s13+$0x308], $0xff  }
0xff: {  	v38 =	vld.msk [tilespmem:s13+$0x188], $0xff  }
0x100: {  	v39 =	vld.msk [tilespmem:s13+$0x388], $0xff  }
0x101: {  	v40 =	vld.msk [tilespmem:s13+$0x208], $0xff  }
0x102: {  	v41 =	vld.msk [tilespmem:s13+$0x408], $0xff;
	v8 =	vmul.bf16 v8, v0;
	v9 =	vmul.bf16 v9, v1  }
0x103: {  	v10 =	vmul.bf16 v36, v2;
	v11 =	vmul.bf16 v37, v3  }
0x104: {  	v42 =	vmul.bf16 v38, v4;
	v8 =	vadd.bf16 v9, v8  }
0x105: {  	v43 =	vmul.bf16 v39, v5;
	v10 =	vadd.bf16 v11, v10  }
0x106: {  	v44 =	vmul.bf16 v40, v6;
	v8 =	vadd.bf16 v42, v8  }
0x107: {  	v45 =	vmul.bf16 v41, v7;
	v10 =	vadd.bf16 v43, v10  }
0x108: {  	v8 =	vadd.bf16 v44, v8  }
0x109: {  	v46 =	vadd.bf16 v45, v10  }
0x10a: {  	[tilespmem:s21+$0xFFFFFFC8] =	vst.msk $0xff, v8  }
0x10b: {  	[tilespmem:s21+$0x48] =	vst.msk $0xff, v46  }
0x10c: {  	v8 =	vld.msk [tilespmem:s13+$0x90], $0xff  }
0x10d: {  	v9 =	vld.msk [tilespmem:s13+$0x110], $0xff  }
0x10e: {  	v47 =	vld.msk [tilespmem:s13+$0x290], $0xff  }
0x10f: {  	v48 =	vld.msk [tilespmem:s13+$0x310], $0xff  }
0x110: {  	v49 =	vld.msk [tilespmem:s13+$0x190], $0xff  }
0x111: {  	v50 =	vld.msk [tilespmem:s13+$0x390], $0xff  }
0x112: {  	v51 =	vld.msk [tilespmem:s13+$0x210], $0xff  }
0x113: {  	v52 =	vld.msk [tilespmem:s13+$0x410], $0xff;
	v8 =	vmul.bf16 v8, v0;
	v9 =	vmul.bf16 v9, v1  }
0x114: {  	v10 =	vmul.bf16 v47, v2;
	v11 =	vmul.bf16 v48, v3  }
0x115: {  	v53 =	vmul.bf16 v49, v4;
	v8 =	vadd.bf16 v9, v8  }
0x116: {  	v54 =	vmul.bf16 v50, v5;
	v10 =	vadd.bf16 v11, v10  }
0x117: {  	v55 =	vmul.bf16 v51, v6;
	v8 =	vadd.bf16 v53, v8  }
0x118: {  	v56 =	vmul.bf16 v52, v7;
	v10 =	vadd.bf16 v54, v10  }
0x119: {  	v8 =	vadd.bf16 v55, v8  }
0x11a: {  	v57 =	vadd.bf16 v56, v10  }
0x11b: {  	[tilespmem:s21+$0xFFFFFFD0] =	vst.msk $0xff, v8  }
0x11c: {  	[tilespmem:s21+$0x50] =	vst.msk $0xff, v57  }
0x11d: {  	v8 =	vld.msk [tilespmem:s13+$0x98], $0xff  }
0x11e: {  	v9 =	vld.msk [tilespmem:s13+$0x118], $0xff  }
0x11f: {  	v58 =	vld.msk [tilespmem:s13+$0x298], $0xff  }
0x120: {  	v59 =	vld.msk [tilespmem:s13+$0x318], $0xff  }
0x121: {  	v60 =	vld.msk [tilespmem:s13+$0x198], $0xff  }
0x122: {  	v61 =	vld.msk [tilespmem:s13+$0x398], $0xff  }
0x123: {  	v62 =	vld.msk [tilespmem:s13+$0x218], $0xff  }
0x124: {  	v63 =	vld.msk [tilespmem:s13+$0x418], $0xff;
	v8 =	vmul.bf16 v8, v0;
	v9 =	vmul.bf16 v9, v1  }
0x125: {  	v10 =	vmul.bf16 v58, v2;
	v11 =	vmul.bf16 v59, v3  }
0x126: {  	v12 =	vmul.bf16 v60, v4;
	v8 =	vadd.bf16 v9, v8  }
0x127: {  	v16 =	vmul.bf16 v61, v5;
	v10 =	vadd.bf16 v11, v10  }
0x128: {  	v17 =	vmul.bf16 v62, v6;
	v8 =	vadd.bf16 v12, v8  }
0x129: {  	v18 =	vmul.bf16 v63, v7;
	v10 =	vadd.bf16 v16, v10  }
0x12a: {  	v8 =	vadd.bf16 v17, v8  }
0x12b: {  	v19 =	vadd.bf16 v18, v10  }
0x12c: {  	[tilespmem:s21+$0xFFFFFFD8] =	vst.msk $0xff, v8  }
0x12d: {  	[tilespmem:s21+$0x58] =	vst.msk $0xff, v19  }
0x12e: {  	v8 =	vld.msk [tilespmem:s13+$0xA0], $0xff  }
0x12f: {  	v9 =	vld.msk [tilespmem:s13+$0x120], $0xff  }
0x130: {  	v20 =	vld.msk [tilespmem:s13+$0x2A0], $0xff  }
0x131: {  	v21 =	vld.msk [tilespmem:s13+$0x320], $0xff  }
0x132: {  	v22 =	vld.msk [tilespmem:s13+$0x1A0], $0xff  }
0x133: {  	v23 =	vld.msk [tilespmem:s13+$0x3A0], $0xff  }
0x134: {  	v24 =	vld.msk [tilespmem:s13+$0x220], $0xff  }
0x135: {  	v25 =	vld.msk [tilespmem:s13+$0x420], $0xff;
	v8 =	vmul.bf16 v8, v0;
	v9 =	vmul.bf16 v9, v1  }
0x136: {  	v10 =	vmul.bf16 v20, v2;
	v11 =	vmul.bf16 v21, v3  }
0x137: {  	v26 =	vmul.bf16 v22, v4;
	v8 =	vadd.bf16 v9, v8  }
0x138: {  	v27 =	vmul.bf16 v23, v5;
	v10 =	vadd.bf16 v11, v10  }
0x139: {  	v28 =	vmul.bf16 v24, v6;
	v8 =	vadd.bf16 v26, v8  }
0x13a: {  	v29 =	vmul.bf16 v25, v7;
	v10 =	vadd.bf16 v27, v10  }
0x13b: {  	v8 =	vadd.bf16 v28, v8  }
0x13c: {  	v30 =	vadd.bf16 v29, v10  }
0x13d: {  	[tilespmem:s21+$0xFFFFFFE0] =	vst.msk $0xff, v8  }
0x13e: {  	[tilespmem:s21+$0x60] =	vst.msk $0xff, v30  }
0x13f: {  	v8 =	vld.msk [tilespmem:s13+$0xA8], $0xff  }
0x140: {  	v9 =	vld.msk [tilespmem:s13+$0x128], $0xff  }
0x141: {  	v31 =	vld.msk [tilespmem:s13+$0x2A8], $0xff  }
0x142: {  	v32 =	vld.msk [tilespmem:s13+$0x328], $0xff  }
0x143: {  	v33 =	vld.msk [tilespmem:s13+$0x1A8], $0xff  }
0x144: {  	v34 =	vld.msk [tilespmem:s13+$0x3A8], $0xff  }
0x145: {  	v35 =	vld.msk [tilespmem:s13+$0x228], $0xff  }
0x146: {  	v36 =	vld.msk [tilespmem:s13+$0x428], $0xff;
	v8 =	vmul.bf16 v8, v0;
	v9 =	vmul.bf16 v9, v1  }
0x147: {  	v10 =	vmul.bf16 v31, v2;
	v11 =	vmul.bf16 v32, v3  }
0x148: {  	v37 =	vmul.bf16 v33, v4;
	v8 =	vadd.bf16 v9, v8  }
0x149: {  	v38 =	vmul.bf16 v34, v5;
	v10 =	vadd.bf16 v11, v10  }
0x14a: {  	v39 =	vmul.bf16 v35, v6;
	v8 =	vadd.bf16 v37, v8  }
0x14b: {  	v40 =	vmul.bf16 v36, v7;
	v10 =	vadd.bf16 v38, v10  }
0x14c: {  	v8 =	vadd.bf16 v39, v8  }
0x14d: {  	v41 =	vadd.bf16 v40, v10  }
0x14e: {  	[tilespmem:s21+$0xFFFFFFE8] =	vst.msk $0xff, v8  }
0x14f: {  	[tilespmem:s21+$0x68] =	vst.msk $0xff, v41  }
0x150: {  	v8 =	vld.msk [tilespmem:s13+$0xB0], $0xff  }
0x151: {  	v9 =	vld.msk [tilespmem:s13+$0x130], $0xff  }
0x152: {  	v42 =	vld.msk [tilespmem:s13+$0x2B0], $0xff  }
0x153: {  	v43 =	vld.msk [tilespmem:s13+$0x330], $0xff  }
0x154: {  	v44 =	vld.msk [tilespmem:s13+$0x1B0], $0xff  }
0x155: {  	v45 =	vld.msk [tilespmem:s13+$0x3B0], $0xff  }
0x156: {  	v46 =	vld.msk [tilespmem:s13+$0x230], $0xff  }
0x157: {  	v47 =	vld.msk [tilespmem:s13+$0x430], $0xff;
	v8 =	vmul.bf16 v8, v0;
	v9 =	vmul.bf16 v9, v1  }
0x158: {  	v10 =	vmul.bf16 v42, v2;
	v11 =	vmul.bf16 v43, v3  }
0x159: {  	v48 =	vmul.bf16 v44, v4;
	v8 =	vadd.bf16 v9, v8  }
0x15a: {  	v49 =	vmul.bf16 v45, v5;
	v10 =	vadd.bf16 v11, v10  }
0x15b: {  	v50 =	vmul.bf16 v46, v6;
	v8 =	vadd.bf16 v48, v8  }
0x15c: {  	v51 =	vmul.bf16 v47, v7;
	v10 =	vadd.bf16 v49, v10  }
0x15d: {  	v8 =	vadd.bf16 v50, v8  }
0x15e: {  	v52 =	vadd.bf16 v51, v10  }
0x15f: {  	[tilespmem:s21+$0xFFFFFFF0] =	vst.msk $0xff, v8  }
0x160: {  	[tilespmem:s21+$0x70] =	vst.msk $0xff, v52  }
0x161: {  	v8 =	vld.msk [tilespmem:s13+$0xB8], $0xff  }
0x162: {  	v9 =	vld.msk [tilespmem:s13+$0x138], $0xff  }
0x163: {  	v53 =	vld.msk [tilespmem:s13+$0x2B8], $0xff  }
0x164: {  	v54 =	vld.msk [tilespmem:s13+$0x338], $0xff  }
0x165: {  	v55 =	vld.msk [tilespmem:s13+$0x1B8], $0xff  }
0x166: {  	v56 =	vld.msk [tilespmem:s13+$0x3B8], $0xff  }
0x167: {  	v57 =	vld.msk [tilespmem:s13+$0x238], $0xff  }
0x168: {  	v58 =	vld.msk [tilespmem:s13+$0x438], $0xff;
	v0 =	vmul.bf16 v8, v0;
	v1 =	vmul.bf16 v9, v1  }
0x169: {  	v2 =	vmul.bf16 v53, v2;
	v3 =	vmul.bf16 v54, v3  }
0x16a: {  	v59 =	vmul.bf16 v55, v4;
	v0 =	vadd.bf16 v1, v0  }
0x16b: {  	v60 =	vmul.bf16 v56, v5;
	v2 =	vadd.bf16 v3, v2  }
0x16c: {  	p1 =	sne.s32 s20, $0xF000;
	v61 =	vmul.bf16 v57, v6;
	v0 =	vadd.bf16 v59, v0  }
.Ltmp2:
0x16d: {  	v62 =	vmul.bf16 v58, v7;
	v2 =	vadd.bf16 v60, v2;
	(pc) =	sbr.rel @p1 .LBB2_3-.Ltmp2, $4  }
0x16e: {  	v0 =	vadd.bf16 v61, v0  }
0x16f: {  	v63 =	vadd.bf16 v62, v2  }
0x170: {  	s22 =	sadd.s32 $0x20, s22;
	[tilespmem:s21+$0xFFFFFFF8] =	vst.msk $0xff, v0  }
0x171: {  	s8 =	sadd.s32 $0x20, s8;
	s20 =	sadd.s32 $0x1000, s20;
	[tilespmem:s21+$0x78] =	vst.msk $0xff, v63;
	s21 =	sadd.s32 $0x100, s21  }
0x172: {  	[spmem:s1] =	stream.indirect.scatter.add.bf16 [tilespmem:s9], [sflag:$0x5], $0x80, s24, s24, $0xb8;
	[tilespmem:$0x1D140] =	vst v63  }
0x173: {  	p1 =	seq.s32 s15, $0x9F  }
0x174: {  	_ =	swait.ge [sflag:s23], $0x1000;
	s8 =	sadd.s32 @!p1 s16, s18  }
0x175: {  	[sflag:s23] =	ssyncset.done $0x0;
	s13 =	sshrl.u32 @!p1 s8, $0x3  }
0x176: {  	s21 =	simm.s32 @!p1 $0x0;
	[sflag:s23] =	ssyncadd.s32 $0xFFFFF000;
	s20 =	sadd.s32 @!p1 s6, s13  }
0x177: {  	[tilespmem:s21], [sflag:$0x1] =	stream.linear.gather @!p1 [hbm4b:s20+s21], $0x20, $0x38;
	[tilespmem:$0x1D140] =	vst v63  }
0x178: {  	s13 =	sadd.s32 @!p1 s7, s13;
	s20 =	simm.s32 @!p1 $0x20  }
0x179: {  	[tilespmem:s20], [sflag:$0x1] =	stream.linear.gather @!p1 [hbm4b:s13+s21], $0x20, $0x38;
	[tilespmem:$0x1D140] =	vst v63  }
0x17a: {  	s13 =	simm.s32 @!p1 $0x1  }
0x17b: {  	_ =	swait.ge @!p1 [sflag:s13], $0x20  }
0x17c: {  	[sflag:s13] =	ssyncset.done @!p1 $0x0  }
0x17d: {  	[sflag:s13] =	ssyncadd.s32 @!p1 $0xFFFFFFE0  }
0x17e: {  	_ =	swait.ge @!p1 [sflag:s13], $0x20  }
0x17f: {  	s8 =	sshll.u32 @!p1 s8, $0x1;
	[sflag:s13] =	ssyncset.done @!p1 $0x0  }
0x180: {  	s8 =	sand.u32 @!p1 $0x1FFFFF80, s8;
	[sflag:s13] =	ssyncadd.s32 @!p1 $0xFFFFFFE0;
	s13 =	simm.s32 @!p1 $0x40  }
0x181: {  	[tilespmem:s13], [sflag:$0x3] =	stream.indirect.gather @!p1 [hbm4b:s3+s20], $0x200, s21, s20, $0xb8;
	[tilespmem:$0x1D140] =	vst v63  }
0x182: {  	s8 =	sadd.s32 @!p1 s4, s8;
	s13 =	simm.s32 @!p1 $0x4040  }
0x183: {  	[tilespmem:s13], [sflag:$0x3] =	stream.linear.gather @!p1 [hbm4b:s8+s21], $0x200, $0x38;
	[tilespmem:$0x1D140] =	vst v63  }
0x184: {  	s8 =	simm.s32 @!p1 $0x4240  }
0x185: {  	[tilespmem:s8], [sflag:$0x3] =	stream.indirect.gather @!p1 [hbm4b:s5+s20], $0x10, s20, s20, $0xb8;
	[tilespmem:$0x1D140] =	vst v63  }
0x186: {  	_ =	swait.ge [sflag:s11], $0x4000  }
0x187: {  	[sflag:s11] =	ssyncset.done $0x0  }
0x188: {  	[sflag:s11] =	ssyncadd.s32 $0xFFFFC000  }
0x189: {  	_ =	swait.ge [sflag:s11], $0x200  }
0x18a: {  	[sflag:s11] =	ssyncset.done $0x0  }
0x18b: {  	[sflag:s11] =	ssyncadd.s32 $0xFFFFFE00  }
0x18c: {  	_ =	swait.ge [sflag:s11], $0x200  }
0x18d: {  	s22 =	simm.s32 $0x8490;
	s21 =	simm.s32 $0x8900;
	[sflag:s11] =	ssyncset.done $0x0  }
0x18e: {  	s20 =	simm.s32 $0x0;
	s8 =	simm.s32 $0x8690;
	[sflag:s11] =	ssyncadd.s32 $0xFFFFFE00  }
.LBB2_5:
0x18f: {  	v0 =	vld [tilespmem:s22+$0xFFFFFFF0]  }
0x190: {  	v1 =	vld [tilespmem:s8+$0xFFFFFFF0]  }
0x191: {  	v2 =	vld [tilespmem:s22+$0x0]  }
0x192: {  	v3 =	vld [tilespmem:s8+$0x0];
	_ =	sdelay $0x2  }
0x193: {  	s13 =	sshra.s32 s20, $0x2  }
0x194: {  	v5 =	vld.msk [tilespmem:s13+$0x4480], $0xff;
	v4 =	vmul.f32 v1, v0  }
0x195: {  	v7 =	vld.msk [tilespmem:s13+$0x4500], $0xff;
	v6 =	vmul.f32 v3, v2  }
0x196: {  	v8 =	vld.msk [tilespmem:s13+$0x4680], $0xff;
	v0 =	vbroadcast v4, $0x0;
	v1 =	vbroadcast v4, $0x1  }
0x197: {  	v9 =	vld.msk [tilespmem:s13+$0x4700], $0xff;
	v2 =	vbroadcast v6, $0x0;
	v3 =	vbroadcast v6, $0x1  }
0x198: {  	v10 =	vld.msk [tilespmem:s13+$0x4580], $0xff;
	v11 =	vbroadcast v4, $0x2;
	v12 =	vbroadcast v4, $0x3  }
0x199: {  	v13 =	vld.msk [tilespmem:s13+$0x4780], $0xff;
	v14 =	vbroadcast v6, $0x2;
	v0 =	vpack.c.f32.bf16 v0, v0;
	v1 =	vpack.c.f32.bf16 v1, v1  }
0x19a: {  	v16 =	vld.msk [tilespmem:s13+$0x4600], $0xff;
	v15 =	vbroadcast v6, $0x3;
	v2 =	vpack.c.f32.bf16 v2, v2;
	v3 =	vpack.c.f32.bf16 v3, v3  }
0x19b: {  	v17 =	vld.msk [tilespmem:s13+$0x4800], $0xff;
	v4 =	vpack.c.f32.bf16 v11, v11;
	v36 =	vmul.bf16 v5, v0;
	v7 =	vmul.bf16 v7, v1  }
0x19c: {  	v5 =	vpack.c.f32.bf16 v14, v14;
	v8 =	vmul.bf16 v8, v2;
	v9 =	vmul.bf16 v9, v3  }
0x19d: {  	v6 =	vpack.c.f32.bf16 v12, v12;
	v10 =	vmul.bf16 v10, v4;
	v11 =	vadd.bf16 v7, v36  }
0x19e: {  	v7 =	vpack.c.f32.bf16 v15, v15;
	v8 =	vadd.bf16 v9, v8;
	v37 =	vmul.bf16 v13, v5  }
0x19f: {  	v38 =	vmul.bf16 v16, v6;
	v10 =	vadd.bf16 v10, v11  }
0x1a0: {  	v8 =	vadd.bf16 v37, v8;
	v39 =	vmul.bf16 v17, v7  }
0x1a1: {  	v10 =	vadd.bf16 v38, v10  }
0x1a2: {  	v8 =	vadd.bf16 v39, v8  }
0x1a3: {  	[tilespmem:s21+$0xFFFFFF80] =	vst.msk $0xff, v10  }
0x1a4: {  	[tilespmem:s21+$0x0] =	vst.msk $0xff, v8  }
0x1a5: {  	v8 =	vld.msk [tilespmem:s13+$0x4488], $0xff  }
0x1a6: {  	v40 =	vld.msk [tilespmem:s13+$0x4508], $0xff  }
0x1a7: {  	v10 =	vld.msk [tilespmem:s13+$0x4688], $0xff  }
0x1a8: {  	v41 =	vld.msk [tilespmem:s13+$0x4708], $0xff  }
0x1a9: {  	v42 =	vld.msk [tilespmem:s13+$0x4588], $0xff  }
0x1aa: {  	v43 =	vld.msk [tilespmem:s13+$0x4788], $0xff  }
0x1ab: {  	v44 =	vld.msk [tilespmem:s13+$0x4608], $0xff  }
0x1ac: {  	v45 =	vld.msk [tilespmem:s13+$0x4808], $0xff;
	v8 =	vmul.bf16 v8, v0;
	v9 =	vmul.bf16 v40, v1  }
0x1ad: {  	v10 =	vmul.bf16 v10, v2;
	v11 =	vmul.bf16 v41, v3  }
0x1ae: {  	v46 =	vmul.bf16 v42, v4;
	v8 =	vadd.bf16 v9, v8  }
0x1af: {  	v47 =	vmul.bf16 v43, v5;
	v10 =	vadd.bf16 v11, v10  }
0x1b0: {  	v48 =	vmul.bf16 v44, v6;
	v8 =	vadd.bf16 v46, v8  }
0x1b1: {  	v49 =	vmul.bf16 v45, v7;
	v10 =	vadd.bf16 v47, v10  }
0x1b2: {  	v8 =	vadd.bf16 v48, v8  }
0x1b3: {  	v50 =	vadd.bf16 v49, v10  }
0x1b4: {  	[tilespmem:s21+$0xFFFFFF88] =	vst.msk $0xff, v8  }
0x1b5: {  	[tilespmem:s21+$0x8] =	vst.msk $0xff, v50  }
0x1b6: {  	v8 =	vld.msk [tilespmem:s13+$0x4490], $0xff  }
0x1b7: {  	v9 =	vld.msk [tilespmem:s13+$0x4510], $0xff  }
0x1b8: {  	v51 =	vld.msk [tilespmem:s13+$0x4690], $0xff  }
0x1b9: {  	v52 =	vld.msk [tilespmem:s13+$0x4710], $0xff  }
0x1ba: {  	v53 =	vld.msk [tilespmem:s13+$0x4590], $0xff  }
0x1bb: {  	v54 =	vld.msk [tilespmem:s13+$0x4790], $0xff  }
0x1bc: {  	v55 =	vld.msk [tilespmem:s13+$0x4610], $0xff  }
0x1bd: {  	v56 =	vld.msk [tilespmem:s13+$0x4810], $0xff;
	v8 =	vmul.bf16 v8, v0;
	v9 =	vmul.bf16 v9, v1  }
0x1be: {  	v10 =	vmul.bf16 v51, v2;
	v11 =	vmul.bf16 v52, v3  }
0x1bf: {  	v57 =	vmul.bf16 v53, v4;
	v8 =	vadd.bf16 v9, v8  }
0x1c0: {  	v58 =	vmul.bf16 v54, v5;
	v10 =	vadd.bf16 v11, v10  }
0x1c1: {  	v59 =	vmul.bf16 v55, v6;
	v8 =	vadd.bf16 v57, v8  }
0x1c2: {  	v60 =	vmul.bf16 v56, v7;
	v10 =	vadd.bf16 v58, v10  }
0x1c3: {  	v8 =	vadd.bf16 v59, v8  }
0x1c4: {  	v61 =	vadd.bf16 v60, v10  }
0x1c5: {  	[tilespmem:s21+$0xFFFFFF90] =	vst.msk $0xff, v8  }
0x1c6: {  	[tilespmem:s21+$0x10] =	vst.msk $0xff, v61  }
0x1c7: {  	v8 =	vld.msk [tilespmem:s13+$0x4498], $0xff  }
0x1c8: {  	v9 =	vld.msk [tilespmem:s13+$0x4518], $0xff  }
0x1c9: {  	v62 =	vld.msk [tilespmem:s13+$0x4698], $0xff  }
0x1ca: {  	v63 =	vld.msk [tilespmem:s13+$0x4718], $0xff  }
0x1cb: {  	v18 =	vld.msk [tilespmem:s13+$0x4598], $0xff  }
0x1cc: {  	v19 =	vld.msk [tilespmem:s13+$0x4798], $0xff  }
0x1cd: {  	v20 =	vld.msk [tilespmem:s13+$0x4618], $0xff  }
0x1ce: {  	v21 =	vld.msk [tilespmem:s13+$0x4818], $0xff;
	v8 =	vmul.bf16 v8, v0;
	v9 =	vmul.bf16 v9, v1  }
0x1cf: {  	v10 =	vmul.bf16 v62, v2;
	v11 =	vmul.bf16 v63, v3  }
0x1d0: {  	v22 =	vmul.bf16 v18, v4;
	v8 =	vadd.bf16 v9, v8  }
0x1d1: {  	v23 =	vmul.bf16 v19, v5;
	v10 =	vadd.bf16 v11, v10  }
0x1d2: {  	v24 =	vmul.bf16 v20, v6;
	v8 =	vadd.bf16 v22, v8  }
0x1d3: {  	v25 =	vmul.bf16 v21, v7;
	v10 =	vadd.bf16 v23, v10  }
0x1d4: {  	v8 =	vadd.bf16 v24, v8  }
0x1d5: {  	v26 =	vadd.bf16 v25, v10  }
0x1d6: {  	[tilespmem:s21+$0xFFFFFF98] =	vst.msk $0xff, v8  }
0x1d7: {  	[tilespmem:s21+$0x18] =	vst.msk $0xff, v26  }
0x1d8: {  	v8 =	vld.msk [tilespmem:s13+$0x44A0], $0xff  }
0x1d9: {  	v9 =	vld.msk [tilespmem:s13+$0x4520], $0xff  }
0x1da: {  	v27 =	vld.msk [tilespmem:s13+$0x46A0], $0xff  }
0x1db: {  	v28 =	vld.msk [tilespmem:s13+$0x4720], $0xff  }
0x1dc: {  	v29 =	vld.msk [tilespmem:s13+$0x45A0], $0xff  }
0x1dd: {  	v30 =	vld.msk [tilespmem:s13+$0x47A0], $0xff  }
0x1de: {  	v31 =	vld.msk [tilespmem:s13+$0x4620], $0xff  }
0x1df: {  	v32 =	vld.msk [tilespmem:s13+$0x4820], $0xff;
	v8 =	vmul.bf16 v8, v0;
	v9 =	vmul.bf16 v9, v1  }
0x1e0: {  	v10 =	vmul.bf16 v27, v2;
	v11 =	vmul.bf16 v28, v3  }
0x1e1: {  	v33 =	vmul.bf16 v29, v4;
	v8 =	vadd.bf16 v9, v8  }
0x1e2: {  	v34 =	vmul.bf16 v30, v5;
	v10 =	vadd.bf16 v11, v10  }
0x1e3: {  	v35 =	vmul.bf16 v31, v6;
	v8 =	vadd.bf16 v33, v8  }
0x1e4: {  	v36 =	vmul.bf16 v32, v7;
	v10 =	vadd.bf16 v34, v10  }
0x1e5: {  	v8 =	vadd.bf16 v35, v8  }
0x1e6: {  	v37 =	vadd.bf16 v36, v10  }
0x1e7: {  	[tilespmem:s21+$0xFFFFFFA0] =	vst.msk $0xff, v8  }
0x1e8: {  	[tilespmem:s21+$0x20] =	vst.msk $0xff, v37  }
0x1e9: {  	v8 =	vld.msk [tilespmem:s13+$0x44A8], $0xff  }
0x1ea: {  	v9 =	vld.msk [tilespmem:s13+$0x4528], $0xff  }
0x1eb: {  	v38 =	vld.msk [tilespmem:s13+$0x46A8], $0xff  }
0x1ec: {  	v39 =	vld.msk [tilespmem:s13+$0x4728], $0xff  }
0x1ed: {  	v40 =	vld.msk [tilespmem:s13+$0x45A8], $0xff  }
0x1ee: {  	v41 =	vld.msk [tilespmem:s13+$0x47A8], $0xff  }
0x1ef: {  	v42 =	vld.msk [tilespmem:s13+$0x4628], $0xff  }
0x1f0: {  	v43 =	vld.msk [tilespmem:s13+$0x4828], $0xff;
	v8 =	vmul.bf16 v8, v0;
	v9 =	vmul.bf16 v9, v1  }
0x1f1: {  	v10 =	vmul.bf16 v38, v2;
	v11 =	vmul.bf16 v39, v3  }
0x1f2: {  	v44 =	vmul.bf16 v40, v4;
	v8 =	vadd.bf16 v9, v8  }
0x1f3: {  	v45 =	vmul.bf16 v41, v5;
	v10 =	vadd.bf16 v11, v10  }
0x1f4: {  	v46 =	vmul.bf16 v42, v6;
	v8 =	vadd.bf16 v44, v8  }
0x1f5: {  	v47 =	vmul.bf16 v43, v7;
	v10 =	vadd.bf16 v45, v10  }
0x1f6: {  	v8 =	vadd.bf16 v46, v8  }
0x1f7: {  	v48 =	vadd.bf16 v47, v10  }
0x1f8: {  	[tilespmem:s21+$0xFFFFFFA8] =	vst.msk $0xff, v8  }
0x1f9: {  	[tilespmem:s21+$0x28] =	vst.msk $0xff, v48  }
0x1fa: {  	v8 =	vld.msk [tilespmem:s13+$0x44B0], $0xff  }
0x1fb: {  	v9 =	vld.msk [tilespmem:s13+$0x4530], $0xff  }
0x1fc: {  	v49 =	vld.msk [tilespmem:s13+$0x46B0], $0xff  }
0x1fd: {  	v50 =	vld.msk [tilespmem:s13+$0x4730], $0xff  }
0x1fe: {  	v51 =	vld.msk [tilespmem:s13+$0x45B0], $0xff  }
0x1ff: {  	v52 =	vld.msk [tilespmem:s13+$0x47B0], $0xff  }
0x200: {  	v53 =	vld.msk [tilespmem:s13+$0x4630], $0xff  }
0x201: {  	v54 =	vld.msk [tilespmem:s13+$0x4830], $0xff;
	v8 =	vmul.bf16 v8, v0;
	v9 =	vmul.bf16 v9, v1  }
0x202: {  	v10 =	vmul.bf16 v49, v2;
	v11 =	vmul.bf16 v50, v3  }
0x203: {  	v55 =	vmul.bf16 v51, v4;
	v8 =	vadd.bf16 v9, v8  }
0x204: {  	v56 =	vmul.bf16 v52, v5;
	v10 =	vadd.bf16 v11, v10  }
0x205: {  	v57 =	vmul.bf16 v53, v6;
	v8 =	vadd.bf16 v55, v8  }
0x206: {  	v58 =	vmul.bf16 v54, v7;
	v10 =	vadd.bf16 v56, v10  }
0x207: {  	v8 =	vadd.bf16 v57, v8  }
0x208: {  	v59 =	vadd.bf16 v58, v10  }
0x209: {  	[tilespmem:s21+$0xFFFFFFB0] =	vst.msk $0xff, v8  }
0x20a: {  	[tilespmem:s21+$0x30] =	vst.msk $0xff, v59  }
0x20b: {  	v8 =	vld.msk [tilespmem:s13+$0x44B8], $0xff  }
0x20c: {  	v9 =	vld.msk [tilespmem:s13+$0x4538], $0xff  }
0x20d: {  	v60 =	vld.msk [tilespmem:s13+$0x46B8], $0xff  }
0x20e: {  	v61 =	vld.msk [tilespmem:s13+$0x4738], $0xff  }
0x20f: {  	v62 =	vld.msk [tilespmem:s13+$0x45B8], $0xff  }
0x210: {  	v63 =	vld.msk [tilespmem:s13+$0x47B8], $0xff  }
0x211: {  	v18 =	vld.msk [tilespmem:s13+$0x4638], $0xff  }
0x212: {  	v19 =	vld.msk [tilespmem:s13+$0x4838], $0xff;
	v8 =	vmul.bf16 v8, v0;
	v9 =	vmul.bf16 v9, v1  }
0x213: {  	v10 =	vmul.bf16 v60, v2;
	v11 =	vmul.bf16 v61, v3  }
0x214: {  	v20 =	vmul.bf16 v62, v4;
	v8 =	vadd.bf16 v9, v8  }
0x215: {  	v21 =	vmul.bf16 v63, v5;
	v10 =	vadd.bf16 v11, v10  }
0x216: {  	v22 =	vmul.bf16 v18, v6;
	v8 =	vadd.bf16 v20, v8  }
0x217: {  	v23 =	vmul.bf16 v19, v7;
	v10 =	vadd.bf16 v21, v10  }
0x218: {  	v8 =	vadd.bf16 v22, v8  }
0x219: {  	v24 =	vadd.bf16 v23, v10  }
0x21a: {  	[tilespmem:s21+$0xFFFFFFB8] =	vst.msk $0xff, v8  }
0x21b: {  	[tilespmem:s21+$0x38] =	vst.msk $0xff, v24  }
0x21c: {  	v8 =	vld.msk [tilespmem:s13+$0x44C0], $0xff  }
0x21d: {  	v9 =	vld.msk [tilespmem:s13+$0x4540], $0xff  }
0x21e: {  	v25 =	vld.msk [tilespmem:s13+$0x46C0], $0xff  }
0x21f: {  	v26 =	vld.msk [tilespmem:s13+$0x4740], $0xff  }
0x220: {  	v27 =	vld.msk [tilespmem:s13+$0x45C0], $0xff  }
0x221: {  	v28 =	vld.msk [tilespmem:s13+$0x47C0], $0xff  }
0x222: {  	v29 =	vld.msk [tilespmem:s13+$0x4640], $0xff  }
0x223: {  	v30 =	vld.msk [tilespmem:s13+$0x4840], $0xff;
	v8 =	vmul.bf16 v8, v0;
	v9 =	vmul.bf16 v9, v1  }
0x224: {  	v10 =	vmul.bf16 v25, v2;
	v11 =	vmul.bf16 v26, v3  }
0x225: {  	v31 =	vmul.bf16 v27, v4;
	v8 =	vadd.bf16 v9, v8  }
0x226: {  	v32 =	vmul.bf16 v28, v5;
	v10 =	vadd.bf16 v11, v10  }
0x227: {  	v33 =	vmul.bf16 v29, v6;
	v8 =	vadd.bf16 v31, v8  }
0x228: {  	v34 =	vmul.bf16 v30, v7;
	v10 =	vadd.bf16 v32, v10  }
0x229: {  	v8 =	vadd.bf16 v33, v8  }
0x22a: {  	v35 =	vadd.bf16 v34, v10  }
0x22b: {  	[tilespmem:s21+$0xFFFFFFC0] =	vst.msk $0xff, v8  }
0x22c: {  	[tilespmem:s21+$0x40] =	vst.msk $0xff, v35  }
0x22d: {  	v8 =	vld.msk [tilespmem:s13+$0x44C8], $0xff  }
0x22e: {  	v9 =	vld.msk [tilespmem:s13+$0x4548], $0xff  }
0x22f: {  	v36 =	vld.msk [tilespmem:s13+$0x46C8], $0xff  }
0x230: {  	v37 =	vld.msk [tilespmem:s13+$0x4748], $0xff  }
0x231: {  	v38 =	vld.msk [tilespmem:s13+$0x45C8], $0xff  }
0x232: {  	v39 =	vld.msk [tilespmem:s13+$0x47C8], $0xff  }
0x233: {  	v40 =	vld.msk [tilespmem:s13+$0x4648], $0xff  }
0x234: {  	v41 =	vld.msk [tilespmem:s13+$0x4848], $0xff;
	v8 =	vmul.bf16 v8, v0;
	v9 =	vmul.bf16 v9, v1  }
0x235: {  	v10 =	vmul.bf16 v36, v2;
	v11 =	vmul.bf16 v37, v3  }
0x236: {  	v42 =	vmul.bf16 v38, v4;
	v8 =	vadd.bf16 v9, v8  }
0x237: {  	v43 =	vmul.bf16 v39, v5;
	v10 =	vadd.bf16 v11, v10  }
0x238: {  	v44 =	vmul.bf16 v40, v6;
	v8 =	vadd.bf16 v42, v8  }
0x239: {  	v45 =	vmul.bf16 v41, v7;
	v10 =	vadd.bf16 v43, v10  }
0x23a: {  	v8 =	vadd.bf16 v44, v8  }
0x23b: {  	v46 =	vadd.bf16 v45, v10  }
0x23c: {  	[tilespmem:s21+$0xFFFFFFC8] =	vst.msk $0xff, v8  }
0x23d: {  	[tilespmem:s21+$0x48] =	vst.msk $0xff, v46  }
0x23e: {  	v8 =	vld.msk [tilespmem:s13+$0x44D0], $0xff  }
0x23f: {  	v9 =	vld.msk [tilespmem:s13+$0x4550], $0xff  }
0x240: {  	v47 =	vld.msk [tilespmem:s13+$0x46D0], $0xff  }
0x241: {  	v48 =	vld.msk [tilespmem:s13+$0x4750], $0xff  }
0x242: {  	v49 =	vld.msk [tilespmem:s13+$0x45D0], $0xff  }
0x243: {  	v50 =	vld.msk [tilespmem:s13+$0x47D0], $0xff  }
0x244: {  	v51 =	vld.msk [tilespmem:s13+$0x4650], $0xff  }
0x245: {  	v52 =	vld.msk [tilespmem:s13+$0x4850], $0xff;
	v8 =	vmul.bf16 v8, v0;
	v9 =	vmul.bf16 v9, v1  }
0x246: {  	v10 =	vmul.bf16 v47, v2;
	v11 =	vmul.bf16 v48, v3  }
0x247: {  	v53 =	vmul.bf16 v49, v4;
	v8 =	vadd.bf16 v9, v8  }
0x248: {  	v54 =	vmul.bf16 v50, v5;
	v10 =	vadd.bf16 v11, v10  }
0x249: {  	v55 =	vmul.bf16 v51, v6;
	v8 =	vadd.bf16 v53, v8  }
0x24a: {  	v56 =	vmul.bf16 v52, v7;
	v10 =	vadd.bf16 v54, v10  }
0x24b: {  	v8 =	vadd.bf16 v55, v8  }
0x24c: {  	v57 =	vadd.bf16 v56, v10  }
0x24d: {  	[tilespmem:s21+$0xFFFFFFD0] =	vst.msk $0xff, v8  }
0x24e: {  	[tilespmem:s21+$0x50] =	vst.msk $0xff, v57  }
0x24f: {  	v8 =	vld.msk [tilespmem:s13+$0x44D8], $0xff  }
0x250: {  	v9 =	vld.msk [tilespmem:s13+$0x4558], $0xff  }
0x251: {  	v58 =	vld.msk [tilespmem:s13+$0x46D8], $0xff  }
0x252: {  	v59 =	vld.msk [tilespmem:s13+$0x4758], $0xff  }
0x253: {  	v60 =	vld.msk [tilespmem:s13+$0x45D8], $0xff  }
0x254: {  	v61 =	vld.msk [tilespmem:s13+$0x47D8], $0xff  }
0x255: {  	v62 =	vld.msk [tilespmem:s13+$0x4658], $0xff  }
0x256: {  	v63 =	vld.msk [tilespmem:s13+$0x4858], $0xff;
	v8 =	vmul.bf16 v8, v0;
	v9 =	vmul.bf16 v9, v1  }
0x257: {  	v10 =	vmul.bf16 v58, v2;
	v11 =	vmul.bf16 v59, v3  }
0x258: {  	v12 =	vmul.bf16 v60, v4;
	v8 =	vadd.bf16 v9, v8  }
0x259: {  	v16 =	vmul.bf16 v61, v5;
	v10 =	vadd.bf16 v11, v10  }
0x25a: {  	v17 =	vmul.bf16 v62, v6;
	v8 =	vadd.bf16 v12, v8  }
0x25b: {  	v18 =	vmul.bf16 v63, v7;
	v10 =	vadd.bf16 v16, v10  }
0x25c: {  	v8 =	vadd.bf16 v17, v8  }
0x25d: {  	v19 =	vadd.bf16 v18, v10  }
0x25e: {  	[tilespmem:s21+$0xFFFFFFD8] =	vst.msk $0xff, v8  }
0x25f: {  	[tilespmem:s21+$0x58] =	vst.msk $0xff, v19  }
0x260: {  	v8 =	vld.msk [tilespmem:s13+$0x44E0], $0xff  }
0x261: {  	v9 =	vld.msk [tilespmem:s13+$0x4560], $0xff  }
0x262: {  	v20 =	vld.msk [tilespmem:s13+$0x46E0], $0xff  }
0x263: {  	v21 =	vld.msk [tilespmem:s13+$0x4760], $0xff  }
0x264: {  	v22 =	vld.msk [tilespmem:s13+$0x45E0], $0xff  }
0x265: {  	v23 =	vld.msk [tilespmem:s13+$0x47E0], $0xff  }
0x266: {  	v24 =	vld.msk [tilespmem:s13+$0x4660], $0xff  }
0x267: {  	v25 =	vld.msk [tilespmem:s13+$0x4860], $0xff;
	v8 =	vmul.bf16 v8, v0;
	v9 =	vmul.bf16 v9, v1  }
0x268: {  	v10 =	vmul.bf16 v20, v2;
	v11 =	vmul.bf16 v21, v3  }
0x269: {  	v26 =	vmul.bf16 v22, v4;
	v8 =	vadd.bf16 v9, v8  }
0x26a: {  	v27 =	vmul.bf16 v23, v5;
	v10 =	vadd.bf16 v11, v10  }
0x26b: {  	v28 =	vmul.bf16 v24, v6;
	v8 =	vadd.bf16 v26, v8  }
0x26c: {  	v29 =	vmul.bf16 v25, v7;
	v10 =	vadd.bf16 v27, v10  }
0x26d: {  	v8 =	vadd.bf16 v28, v8  }
0x26e: {  	v30 =	vadd.bf16 v29, v10  }
0x26f: {  	[tilespmem:s21+$0xFFFFFFE0] =	vst.msk $0xff, v8  }
0x270: {  	[tilespmem:s21+$0x60] =	vst.msk $0xff, v30  }
0x271: {  	v8 =	vld.msk [tilespmem:s13+$0x44E8], $0xff  }
0x272: {  	v9 =	vld.msk [tilespmem:s13+$0x4568], $0xff  }
0x273: {  	v31 =	vld.msk [tilespmem:s13+$0x46E8], $0xff  }
0x274: {  	v32 =	vld.msk [tilespmem:s13+$0x4768], $0xff  }
0x275: {  	v33 =	vld.msk [tilespmem:s13+$0x45E8], $0xff  }
0x276: {  	v34 =	vld.msk [tilespmem:s13+$0x47E8], $0xff  }
0x277: {  	v35 =	vld.msk [tilespmem:s13+$0x4668], $0xff  }
0x278: {  	v36 =	vld.msk [tilespmem:s13+$0x4868], $0xff;
	v8 =	vmul.bf16 v8, v0;
	v9 =	vmul.bf16 v9, v1  }
0x279: {  	v10 =	vmul.bf16 v31, v2;
	v11 =	vmul.bf16 v32, v3  }
0x27a: {  	v37 =	vmul.bf16 v33, v4;
	v8 =	vadd.bf16 v9, v8  }
0x27b: {  	v38 =	vmul.bf16 v34, v5;
	v10 =	vadd.bf16 v11, v10  }
0x27c: {  	v39 =	vmul.bf16 v35, v6;
	v8 =	vadd.bf16 v37, v8  }
0x27d: {  	v40 =	vmul.bf16 v36, v7;
	v10 =	vadd.bf16 v38, v10  }
0x27e: {  	v8 =	vadd.bf16 v39, v8  }
0x27f: {  	v41 =	vadd.bf16 v40, v10  }
0x280: {  	[tilespmem:s21+$0xFFFFFFE8] =	vst.msk $0xff, v8  }
0x281: {  	[tilespmem:s21+$0x68] =	vst.msk $0xff, v41  }
0x282: {  	v8 =	vld.msk [tilespmem:s13+$0x44F0], $0xff  }
0x283: {  	v9 =	vld.msk [tilespmem:s13+$0x4570], $0xff  }
0x284: {  	v42 =	vld.msk [tilespmem:s13+$0x46F0], $0xff  }
0x285: {  	v43 =	vld.msk [tilespmem:s13+$0x4770], $0xff  }
0x286: {  	v44 =	vld.msk [tilespmem:s13+$0x45F0], $0xff  }
0x287: {  	v45 =	vld.msk [tilespmem:s13+$0x47F0], $0xff  }
0x288: {  	v46 =	vld.msk [tilespmem:s13+$0x4670], $0xff  }
0x289: {  	v47 =	vld.msk [tilespmem:s13+$0x4870], $0xff;
	v8 =	vmul.bf16 v8, v0;
	v9 =	vmul.bf16 v9, v1  }
0x28a: {  	v10 =	vmul.bf16 v42, v2;
	v11 =	vmul.bf16 v43, v3  }
0x28b: {  	v48 =	vmul.bf16 v44, v4;
	v8 =	vadd.bf16 v9, v8  }
0x28c: {  	v49 =	vmul.bf16 v45, v5;
	v10 =	vadd.bf16 v11, v10  }
0x28d: {  	v50 =	vmul.bf16 v46, v6;
	v8 =	vadd.bf16 v48, v8  }
0x28e: {  	v51 =	vmul.bf16 v47, v7;
	v10 =	vadd.bf16 v49, v10  }
0x28f: {  	v8 =	vadd.bf16 v50, v8  }
0x290: {  	v52 =	vadd.bf16 v51, v10  }
0x291: {  	[tilespmem:s21+$0xFFFFFFF0] =	vst.msk $0xff, v8  }
0x292: {  	[tilespmem:s21+$0x70] =	vst.msk $0xff, v52  }
0x293: {  	v8 =	vld.msk [tilespmem:s13+$0x44F8], $0xff  }
0x294: {  	v9 =	vld.msk [tilespmem:s13+$0x4578], $0xff  }
0x295: {  	v53 =	vld.msk [tilespmem:s13+$0x46F8], $0xff  }
0x296: {  	v54 =	vld.msk [tilespmem:s13+$0x4778], $0xff  }
0x297: {  	v55 =	vld.msk [tilespmem:s13+$0x45F8], $0xff  }
0x298: {  	v56 =	vld.msk [tilespmem:s13+$0x47F8], $0xff  }
0x299: {  	v57 =	vld.msk [tilespmem:s13+$0x4678], $0xff  }
0x29a: {  	v58 =	vld.msk [tilespmem:s13+$0x4878], $0xff;
	v0 =	vmul.bf16 v8, v0;
	v1 =	vmul.bf16 v9, v1  }
0x29b: {  	v2 =	vmul.bf16 v53, v2;
	v3 =	vmul.bf16 v54, v3  }
0x29c: {  	v59 =	vmul.bf16 v55, v4;
	v0 =	vadd.bf16 v1, v0  }
0x29d: {  	v60 =	vmul.bf16 v56, v5;
	v2 =	vadd.bf16 v3, v2  }
0x29e: {  	p2 =	sne.s32 s20, $0xF000;
	v61 =	vmul.bf16 v57, v6;
	v0 =	vadd.bf16 v59, v0  }
.Ltmp3:
0x29f: {  	v62 =	vmul.bf16 v58, v7;
	v2 =	vadd.bf16 v60, v2;
	(pc) =	sbr.rel @p2 .LBB2_5-.Ltmp3, $4  }
0x2a0: {  	v0 =	vadd.bf16 v61, v0  }
0x2a1: {  	v63 =	vadd.bf16 v62, v2  }
0x2a2: {  	s22 =	sadd.s32 $0x20, s22;
	[tilespmem:s21+$0xFFFFFFF8] =	vst.msk $0xff, v0  }
0x2a3: {  	s8 =	sadd.s32 $0x20, s8;
	s20 =	sadd.s32 $0x1000, s20;
	[tilespmem:s21+$0x78] =	vst.msk $0xff, v63;
	s21 =	sadd.s32 $0x100, s21  }
.Ltmp4:
0x2a4: {  	(pc) =	sbr.rel @p1 .LBB2_8-.Ltmp4, $4  }
0x2a5: {  	[spmem:s1] =	stream.indirect.scatter.add.bf16 [tilespmem:s9], [sflag:$0x5], $0x80, s30, s24, $0xb8;
	[tilespmem:$0x1D140] =	vst v63  }
0x2a6: {  	_ =	swait.ge [sflag:s23], $0x1000  }
0x2a7: {  	[sflag:s23] =	ssyncset.done $0x0  }
0x2a8: {  	[sflag:s23] =	ssyncadd.s32 $0xFFFFF000  }
0x2a9: {  	s8 =	sadd.s32 s16, s19  }
.Ltmp5:
0x2aa: {  	s8 =	sshrl.u32 s8, $0x3;
	(pc) =	sbr.rel .LBB2_2-.Ltmp5, $4  }
0x2ab: {  	s13 =	sadd.s32 s6, s8  }
0x2ac: {  	[tilespmem:s29], [sflag:$0x2] =	stream.linear.gather [hbm4b:s13+s2], $0x20, $0x38;
	[tilespmem:$0x1D140] =	vst v63  }
0x2ad: {  	s15 =	sadd.s32 $0x1, s15;
	s8 =	sadd.s32 s7, s8  }
0x2ae: {  	[tilespmem:s30], [sflag:$0x2] =	stream.linear.gather [hbm4b:s8+s2], $0x20, $0x38;
	[tilespmem:$0x1D140] =	vst v63  }
.LBB2_9:
0x2af: {  	_ =	sfence.sel $0x180000  }
0x2b0: {  	[bflag:$0x0] =	sbarrier.arrive $0xFFFF  }
0x2b1: {  	_ =	strace $0x90000053  }
0x2b2: {  	[bflag:$0x2] =	sbarrier.arrive $0xFFFF  }
0x2b3: {  	s0 =	rddreg [dreg:$0x2]  }
0x2b4: {  	s0 =	sadd.s32 @!p0 $0x100000, s0  }
0x2b5: {  	[sflag:s0] =	ssyncadd.tile.s32 @!p0 $0x1;
	_ =	shalt  }
.Lfunc_end2:
_tile_overlayer_lowered:
.L_overlay_start_2:
0x2b6: {  	(tag) =	ssettag $0x2  }
0x2b7: {  	s0 =	rddreg [dreg:$0x0];
	s2 =	stileid.u32  }
0x2b8: {  	s1 =	rddreg [dreg:$0x1];
	p0 =	sne.s32 s2, $0x0  }
0x2b9: {  	s3 =	rddreg [dreg:$0x2];
	[bflag:$0x3] =	sbarrier.arrive $0xFFFF;
	s2 =	simm.s32 @!p0 $0x1C05  }
0x2ba: {  	[timem:s3], [sflag:s2] =	dma.local @!p0 [hbm:s0], s1  }
0x2bb: {  	s0 =	simm.s32 @!p0 $0x5  }
0x2bc: {  	_ =	swait.ge @!p0 [sflag:s0], s1  }
0x2bd: {  	s1 =	ssub.s32 @!p0 $0x0, s1;
	[sflag:s0] =	ssyncset.done @!p0 $0x0  }
0x2be: {  	[sflag:s0] =	ssyncadd.s32 @!p0 s1  }
0x2bf: {  	[bflag:$0x3] =	sbarrier.arrive $0xFFFF  }
0x2c0: {  	_ =	shalt  }

</sc_bundles>
